<compile_context>
chip_gen: v7x
topology: tpu7x:2x2x1
jax: 0.10.2.dev20260603
libtpu: 0.0.44.dev20260713+nightly
codegen_flags: <defaults>
</compile_context>

<pallas_src>
import jax
import jax.numpy as jnp
from jax import lax
from jax.experimental import pallas as pl
from jax.experimental.pallas import tpu as pltpu, tpu_sc as plsc

N = 10000
NPAD = 10240
E = 320000
D = 128

NC = 2
NS = 16
K = 125
NCHUNK = 80
NG = 2
GCH = NCHUNK // NG
EPAD = NC * NS * NCHUNK * K
ROWS_PER_TILE = NPAD // NS
CNT_W = 16


def _fill_vmem(ref, nrows, ncols, val):
  v = jnp.full((16,), val, jnp.float32)
  def body(i, _):
    for jj in range(ncols // 16):
      ref[i, pl.ds(jj * 16, 16)] = v
    return 0
  lax.fori_loop(0, nrows, body, 0)


def _sc_agg_body(y_hbm, src_hbm, dst_hbm, z_hbm,
                 acc, src_idx, dst_idx, rows, sem0, sem1):
  c = lax.axis_index("c")
  s = lax.axis_index("s")
  base = s * ROWS_PER_TILE

  _fill_vmem(rows.at[0], K, D, 0.0)
  for t in range(ROWS_PER_TILE // K):
    pltpu.sync_copy(rows.at[0], acc.at[pl.ds(base + t * K, K), :])
  if ROWS_PER_TILE % K:
    pltpu.sync_copy(rows.at[0, pl.ds(0, ROWS_PER_TILE % K)],
                    acc.at[pl.ds(base + (ROWS_PER_TILE // K) * K,
                                 ROWS_PER_TILE % K), :])
  plsc.subcore_barrier()

  pltpu.sync_copy(src_hbm.at[c, s], src_idx)

  def group(g, _):
    pltpu.sync_copy(dst_hbm.at[c, s, g], dst_idx)
    cb = g * GCH
    pltpu.async_copy(y_hbm.at[src_idx.at[cb]], rows.at[0], sem0)

    def body(j, _):
      e = cb + 2 * j
      o = e + 1
      pltpu.async_copy(y_hbm.at[src_idx.at[o]], rows.at[1], sem1)
      pltpu.make_async_copy(y_hbm.at[src_idx.at[e]], rows.at[0], sem0).wait()
      pltpu.sync_copy(rows.at[0], acc.at[dst_idx.at[2 * j]], add=True)

      @pl.when(2 * j + 2 < GCH)
      def _():
        pltpu.async_copy(y_hbm.at[src_idx.at[o + 1]], rows.at[0], sem0)

      pltpu.make_async_copy(y_hbm.at[src_idx.at[o]], rows.at[1], sem1).wait()
      pltpu.sync_copy(rows.at[1], acc.at[dst_idx.at[2 * j + 1]], add=True)
      return 0

    lax.fori_loop(0, GCH // 2, body, 0)
    return 0

  lax.fori_loop(0, NG, group, 0)
  plsc.subcore_barrier()

  pltpu.sync_copy(acc.at[pl.ds(base, ROWS_PER_TILE), :],
                  z_hbm.at[c, pl.ds(base, ROWS_PER_TILE), :])


def _sc_cnt_body(dst_hbm, cnt_hbm, cntacc, dst_idx, ones, sem0):
  del sem0
  c = lax.axis_index("c")
  s = lax.axis_index("s")
  base = s * ROWS_PER_TILE

  _fill_vmem(ones, K, D, 0.0)
  for t in range(ROWS_PER_TILE // K):
    pltpu.sync_copy(ones, cntacc.at[pl.ds(base + t * K, K), :])
  if ROWS_PER_TILE % K:
    pltpu.sync_copy(ones.at[pl.ds(0, ROWS_PER_TILE % K)],
                    cntacc.at[pl.ds(base + (ROWS_PER_TILE // K) * K,
                                    ROWS_PER_TILE % K), :])
  _fill_vmem(ones, K, D, 1.0)
  plsc.subcore_barrier()

  def group(g, _):
    pltpu.sync_copy(dst_hbm.at[c, s, g], dst_idx)

    def body(i, _):
      pltpu.sync_copy(ones, cntacc.at[dst_idx.at[i]], add=True)
      return 0

    lax.fori_loop(0, GCH, body, 0)
    return 0

  lax.fori_loop(0, NG, group, 0)
  plsc.subcore_barrier()

  pltpu.sync_copy(cntacc.at[pl.ds(base, ROWS_PER_TILE), :],
                  cnt_hbm.at[c, pl.ds(base, ROWS_PER_TILE), :])


_sc_mesh = plsc.VectorSubcoreMesh(core_axis_name="c", subcore_axis_name="s",
                                  num_cores=NC, num_subcores=NS)

_sc_agg = pl.kernel(
    _sc_agg_body,
    out_type=jax.ShapeDtypeStruct((NC, NPAD, D), jnp.float32),
    mesh=_sc_mesh,
    scratch_types=[
        pltpu.VMEM_SHARED((NPAD, D), jnp.float32),
        pltpu.VMEM((NCHUNK, K), jnp.int32),
        pltpu.VMEM((GCH, K), jnp.int32),
        pltpu.VMEM((2, K, D), jnp.float32),
        pltpu.SemaphoreType.DMA,
        pltpu.SemaphoreType.DMA,
    ],
)

_sc_cnt = pl.kernel(
    _sc_cnt_body,
    out_type=jax.ShapeDtypeStruct((NC, NPAD, D), jnp.float32),
    mesh=_sc_mesh,
    scratch_types=[
        pltpu.VMEM_SHARED((NPAD, D), jnp.float32),
        pltpu.VMEM((GCH, K), jnp.int32),
        pltpu.VMEM((K, D), jnp.float32),
        pltpu.SemaphoreType.DMA,
    ],
)



_BT = 1000


def _tc_in_body(x_ref, wl_ref, wr_ref, b_ref, yl_ref, yr_ref):
  x = x_ref[...]
  yl_ref[...] = jnp.dot(x, wl_ref[...], preferred_element_type=jnp.float32)
  yr_ref[...] = (jnp.dot(x, wr_ref[...], preferred_element_type=jnp.float32)
                 + b_ref[...])


def _combine(z_ref, cnt_ref, yr_ref, a_ref):
  zblk = z_ref[...]
  cblk = cnt_ref[...]
  cnt = cblk[0, :, 0:1] + cblk[1, :, 0:1]
  agg = (zblk[0] + zblk[1]) / jnp.maximum(cnt, 1.0)
  h = agg + yr_ref[...]
  return jnp.where(h >= 0.0, h, a_ref[...] * h)


def _tc_mid_body(z_ref, cnt_ref, yr_ref, a_ref, wl_ref, wr_ref, b_ref,
                 yl_out, yr_out):
  h = _combine(z_ref, cnt_ref, yr_ref, a_ref)
  yl_out[...] = jnp.dot(h, wl_ref[...], preferred_element_type=jnp.float32)
  yr_out[...] = (jnp.dot(h, wr_ref[...], preferred_element_type=jnp.float32)
                 + b_ref[...])


def _tc_out_body(z_ref, cnt_ref, yr_ref, a_ref, h_out):
  h_out[...] = _combine(z_ref, cnt_ref, yr_ref, a_ref)


_row_spec = pl.BlockSpec((_BT, D), lambda i: (i, 0))
_w_spec = pl.BlockSpec((D, D), lambda i: (0, 0))
_v_spec = pl.BlockSpec((1, D), lambda i: (0, 0))
_z_spec = pl.BlockSpec((NC, _BT, D), lambda i: (0, i, 0))
_c_spec = pl.BlockSpec((NC, _BT, CNT_W), lambda i: (0, i, 0))

_tc_in = pl.pallas_call(
    _tc_in_body,
    grid=(N // _BT,),
    in_specs=[_row_spec, _w_spec, _w_spec, _v_spec],
    out_specs=[_row_spec, _row_spec],
    out_shape=[jax.ShapeDtypeStruct((N, D), jnp.float32)] * 2,
)

_tc_mid = pl.pallas_call(
    _tc_mid_body,
    grid=(N // _BT,),
    in_specs=[_z_spec, _c_spec, _row_spec, _v_spec, _w_spec, _w_spec, _v_spec],
    out_specs=[_row_spec, _row_spec],
    out_shape=[jax.ShapeDtypeStruct((N, D), jnp.float32)] * 2,
)

_tc_out = pl.pallas_call(
    _tc_out_body,
    grid=(N // _BT,),
    in_specs=[_z_spec, _c_spec, _row_spec, _v_spec],
    out_specs=_row_spec,
    out_shape=jax.ShapeDtypeStruct((N, D), jnp.float32),
)


def kernel(x, edge_index, W1_l, W1_r, b1, a1, W2_l, W2_r, b2, a2,
           W3_l, W3_r, b3, a3):
  src = edge_index[0].astype(jnp.int32).reshape(NC, NS, NCHUNK, K)
  dst = edge_index[1].astype(jnp.int32).reshape(NC, NS, NG, GCH, K)
  b1r = b1.reshape(1, D)
  b2r = b2.reshape(1, D)
  b3r = b3.reshape(1, D)
  a1r = a1.reshape(1, D)
  a2r = a2.reshape(1, D)
  a3r = a3.reshape(1, D)

  cnt = _sc_cnt(dst)[:, :, :CNT_W]
  y1l, y1r = _tc_in(x, W1_l, W1_r, b1r)
  z1 = _sc_agg(y1l, src, dst)
  y2l, y2r = _tc_mid(z1, cnt, y1r, a1r, W2_l, W2_r, b2r)
  z2 = _sc_agg(y2l, src, dst)
  y3l, y3r = _tc_mid(z2, cnt, y2r, a2r, W3_l, W3_r, b3r)
  z3 = _sc_agg(y3l, src, dst)
  return _tc_out(z3, cnt, y3r, a3r)

# --- scband reference (transcript-rebuilt; emitter-appended) ---
"""Pipeline reference for scband-encoder-54202487275779 (READ-ONLY COPY).

The authoritative reference and input builder live on the scoring server;
editing this copy changes nothing except your own understanding.
"""

import jax, jax.numpy as jnp
import numpy as np

N = 10000
E = 320000
D = 128
H = 128


def setup_inputs(seed: int = 0) -> dict:
    key = jax.random.key(seed)
    ks = jax.random.split(key, 16)
    x = jax.random.normal(ks[0], (N, D), dtype=jnp.float32)
    edge_index = jax.random.randint(ks[1], (2, E), 0, N, dtype=jnp.int64)
    s = 1.0 / np.sqrt(D)
    sh = 1.0 / np.sqrt(H)
    params = {
        'W1_l': jax.random.uniform(ks[2], (D, H), jnp.float32, -s, s),
        'W1_r': jax.random.uniform(ks[3], (D, H), jnp.float32, -s, s),
        'b1': jnp.zeros((H,), jnp.float32),
        'a1': jnp.full((H,), 0.25, jnp.float32),
        'W2_l': jax.random.uniform(ks[4], (H, H), jnp.float32, -sh, sh),
        'W2_r': jax.random.uniform(ks[5], (H, H), jnp.float32, -sh, sh),
        'b2': jnp.zeros((H,), jnp.float32),
        'a2': jnp.full((H,), 0.25, jnp.float32),
        'W3_l': jax.random.uniform(ks[6], (H, H), jnp.float32, -sh, sh),
        'W3_r': jax.random.uniform(ks[7], (H, H), jnp.float32, -sh, sh),
        'b3': jnp.zeros((H,), jnp.float32),
        'a3': jnp.full((H,), 0.25, jnp.float32),
    }
    out = {'x': x, 'edge_index': edge_index}
    out.update(params)
    return out


def _sage_conv(x, edge_index, W_l, W_r, b):
    src = edge_index[0]
    dst = edge_index[1]
    msg = jnp.take(x, src, axis=0)
    agg = jax.ops.segment_sum(msg, dst, num_segments=x.shape[0])
    cnt = jax.ops.segment_sum(jnp.ones((edge_index.shape[1],), jnp.float32), dst, num_segments=x.shape[0])
    agg = agg / jnp.clip(cnt, 1.0, None)[:, None]
    return agg @ W_l + x @ W_r + b


def _prelu(x, a):
    return jnp.where(x >= 0, x, a * x)


def reference(x, edge_index, W1_l, W1_r, b1, a1, W2_l, W2_r, b2, a2, W3_l, W3_r, b3, a3):
    h = _sage_conv(x, edge_index, W1_l, W1_r, b1)
    h = _prelu(h, a1)
    h = _sage_conv(h, edge_index, W2_l, W2_r, b2)
    h = _prelu(h, a2)
    h = _sage_conv(h, edge_index, W3_l, W3_r, b3)
    h = _prelu(h, a3)
    return h

if __name__ == "__main__":
    import jax
    _d = setup_inputs()
    print(jax.jit(kernel)(*tuple(_d.values())))

</pallas_src>

<mosaic_0001>
#map = affine_map<(d0, d1) -> (0, 0, 0, 0, 0)>
#map1 = affine_map<(d0, d1) -> (0, 0, 0)>
module attributes {stable_mosaic.version = 14 : i64} {
  func.func @_sc_cnt_body(%arg0: i32, %arg1: i32, %arg2: memref<2x16x2x40x125xi32, #tpu.memory_space<hbm>>, %arg3: memref<2x10240x128xf32, #tpu.memory_space<hbm>>, %arg4: memref<10240x128xf32, #tpu.memory_space<vmem_shared>>, %arg5: memref<40x125xi32, #tpu.memory_space<vmem>>, %arg6: memref<125x128xf32, #tpu.memory_space<vmem>>, %arg7: memref<!tpu.dma_semaphore, #tpu.memory_space<semaphore_mem>>) attributes {dimension_semantics = [#tpu.dimension_semantics<core_parallel>, #tpu.dimension_semantics<subcore_parallel>], iteration_bounds = array<i64: 2, 16>, scalar_prefetch = 0 : i64, scratch_operands = 4 : i64, tpu.core_type = #tpu.core_type<sc_vector_subcore>, window_params = [{transform_indices = #map}, {transform_indices = #map1}]} {
    %mul3A = arith.constant 640 : i32
    %mul3A_0 = arith.muli %arg1, %mul3A : i32
    %broadcast_in_dim3A = arith.constant 0.000000e+00 : f32
    %broadcast_in_dim3A_1 = vector.broadcast %broadcast_in_dim3A : f32 to vector<16xf32>
    %scan3A = arith.constant 0 : i32
    %scan3A_2 = arith.constant 0 : i32
    %scan3A_3 = arith.constant 125 : i32
    %scan3A_4 = arith.addi %scan3A_2, %scan3A_3 : i32
    %scan3A_5 = arith.constant 1 : i32
    %scan3A_6 = scf.for %scan3A_36 = %scan3A_2 to %scan3A_4 step %scan3A_5 iter_args(%scan3A_37 = %scan3A) -> (i32)  : i32 {
      %swap3A = arith.index_cast %scan3A_36 : i32 to index
      %swap3A_38 = arith.constant 0 : index
      %swap3A_39 = tpu.vector_load %arg6[%swap3A, %swap3A_38] {strides = array<i32>} : memref<125x128xf32, #tpu.memory_space<vmem>>, vector<1x16xf32>,
      %swap3A_40 = vector.shape_cast %swap3A_39 : vector<1x16xf32> to vector<16xf32>
      %swap3A_41 = vector.shape_cast %broadcast_in_dim3A_1 : vector<16xf32> to vector<1x16xf32>
      tpu.vector_store %arg6[%swap3A, %swap3A_38], %swap3A_41 {strides = array<i32>} : memref<125x128xf32, #tpu.memory_space<vmem>>, vector<1x16xf32>,
      %swap3A_42 = arith.index_cast %scan3A_36 : i32 to index
      %swap3A_43 = arith.constant 16 : index
      %swap3A_44 = tpu.vector_load %arg6[%swap3A_42, %swap3A_43] {strides = array<i32>} : memref<125x128xf32, #tpu.memory_space<vmem>>, vector<1x16xf32>,
      %swap3A_45 = vector.shape_cast %swap3A_44 : vector<1x16xf32> to vector<16xf32>
      %swap3A_46 = vector.shape_cast %broadcast_in_dim3A_1 : vector<16xf32> to vector<1x16xf32>
      tpu.vector_store %arg6[%swap3A_42, %swap3A_43], %swap3A_46 {strides = array<i32>} : memref<125x128xf32, #tpu.memory_space<vmem>>, vector<1x16xf32>,
      %swap3A_47 = arith.index_cast %scan3A_36 : i32 to index
      %swap3A_48 = arith.constant 32 : index
      %swap3A_49 = tpu.vector_load %arg6[%swap3A_47, %swap3A_48] {strides = array<i32>} : memref<125x128xf32, #tpu.memory_space<vmem>>, vector<1x16xf32>,
      %swap3A_50 = vector.shape_cast %swap3A_49 : vector<1x16xf32> to vector<16xf32>
      %swap3A_51 = vector.shape_cast %broadcast_in_dim3A_1 : vector<16xf32> to vector<1x16xf32>
      tpu.vector_store %arg6[%swap3A_47, %swap3A_48], %swap3A_51 {strides = array<i32>} : memref<125x128xf32, #tpu.memory_space<vmem>>, vector<1x16xf32>,
      %swap3A_52 = arith.index_cast %scan3A_36 : i32 to index
      %swap3A_53 = arith.constant 48 : index
      %swap3A_54 = tpu.vector_load %arg6[%swap3A_52, %swap3A_53] {strides = array<i32>} : memref<125x128xf32, #tpu.memory_space<vmem>>, vector<1x16xf32>,
      %swap3A_55 = vector.shape_cast %swap3A_54 : vector<1x16xf32> to vector<16xf32>
      %swap3A_56 = vector.shape_cast %broadcast_in_dim3A_1 : vector<16xf32> to vector<1x16xf32>
      tpu.vector_store %arg6[%swap3A_52, %swap3A_53], %swap3A_56 {strides = array<i32>} : memref<125x128xf32, #tpu.memory_space<vmem>>, vector<1x16xf32>,
      %swap3A_57 = arith.index_cast %scan3A_36 : i32 to index
      %swap3A_58 = arith.constant 64 : index
      %swap3A_59 = tpu.vector_load %arg6[%swap3A_57, %swap3A_58] {strides = array<i32>} : memref<125x128xf32, #tpu.memory_space<vmem>>, vector<1x16xf32>,
      %swap3A_60 = vector.shape_cast %swap3A_59 : vector<1x16xf32> to vector<16xf32>
      %swap3A_61 = vector.shape_cast %broadcast_in_dim3A_1 : vector<16xf32> to vector<1x16xf32>
      tpu.vector_store %arg6[%swap3A_57, %swap3A_58], %swap3A_61 {strides = array<i32>} : memref<125x128xf32, #tpu.memory_space<vmem>>, vector<1x16xf32>,
      %swap3A_62 = arith.index_cast %scan3A_36 : i32 to index
      %swap3A_63 = arith.constant 80 : index
      %swap3A_64 = tpu.vector_load %arg6[%swap3A_62, %swap3A_63] {strides = array<i32>} : memref<125x128xf32, #tpu.memory_space<vmem>>, vector<1x16xf32>,
      %swap3A_65 = vector.shape_cast %swap3A_64 : vector<1x16xf32> to vector<16xf32>
      %swap3A_66 = vector.shape_cast %broadcast_in_dim3A_1 : vector<16xf32> to vector<1x16xf32>
      tpu.vector_store %arg6[%swap3A_62, %swap3A_63], %swap3A_66 {strides = array<i32>} : memref<125x128xf32, #tpu.memory_space<vmem>>, vector<1x16xf32>,
      %swap3A_67 = arith.index_cast %scan3A_36 : i32 to index
      %swap3A_68 = arith.constant 96 : index
      %swap3A_69 = tpu.vector_load %arg6[%swap3A_67, %swap3A_68] {strides = array<i32>} : memref<125x128xf32, #tpu.memory_space<vmem>>, vector<1x16xf32>,
      %swap3A_70 = vector.shape_cast %swap3A_69 : vector<1x16xf32> to vector<16xf32>
      %swap3A_71 = vector.shape_cast %broadcast_in_dim3A_1 : vector<16xf32> to vector<1x16xf32>
      tpu.vector_store %arg6[%swap3A_67, %swap3A_68], %swap3A_71 {strides = array<i32>} : memref<125x128xf32, #tpu.memory_space<vmem>>, vector<1x16xf32>,
      %swap3A_72 = arith.index_cast %scan3A_36 : i32 to index
      %swap3A_73 = arith.constant 112 : index
      %swap3A_74 = tpu.vector_load %arg6[%swap3A_72, %swap3A_73] {strides = array<i32>} : memref<125x128xf32, #tpu.memory_space<vmem>>, vector<1x16xf32>,
      %swap3A_75 = vector.shape_cast %swap3A_74 : vector<1x16xf32> to vector<16xf32>
      %swap3A_76 = vector.shape_cast %broadcast_in_dim3A_1 : vector<16xf32> to vector<1x16xf32>
      tpu.vector_store %arg6[%swap3A_72, %swap3A_73], %swap3A_76 {strides = array<i32>} : memref<125x128xf32, #tpu.memory_space<vmem>>, vector<1x16xf32>,
      %scan3A_77 = arith.constant 0 : i32
      scf.yield %scan3A_77 : i32
    }
    %scan3A_7 = arith.constant 125 : i32
    %add3A = arith.constant 0 : i32
    %add3A_8 = arith.addi %mul3A_0, %add3A : i32
    "tpu.region"() ({
      %run_scoped3A = tpu.sem_alloc : memref<!tpu.dma_semaphore, #tpu.memory_space<semaphore_mem>>
      %dma_start3A = arith.constant 0 : i32
      %dma_start3A_36 = tpu.memref_slice %arg4[%add3A_8, %dma_start3A] : memref<10240x128xf32, #tpu.memory_space<vmem_shared>> -> memref<125x128xf32, #tpu.memory_space<vmem_shared>>
      %dma_start3A_37 = arith.constant 0 : i32
      %dma_start3A_38 = tpu.memref_slice %arg4[%add3A_8, %dma_start3A_37] : memref<10240x128xf32, #tpu.memory_space<vmem_shared>> -> memref<125x128xf32, #tpu.memory_space<vmem_shared>>
      tpu.enqueue_dma source(%arg6 : memref<125x128xf32, #tpu.memory_space<vmem>>) target(%dma_start3A_38 : memref<125x128xf32, #tpu.memory_space<vmem_shared>>) target_semaphore(%run_scoped3A : memref<!tpu.dma_semaphore, #tpu.memory_space<semaphore_mem>>)
      %dma_wait3A = arith.constant 0 : i32
      %dma_wait3A_39 = tpu.memref_slice %arg4[%add3A_8, %dma_wait3A] : memref<10240x128xf32, #tpu.memory_space<vmem_shared>> -> memref<125x128xf32, #tpu.memory_space<vmem_shared>>
      %dma_wait3A_40 = arith.constant 0 : i32
      %dma_wait3A_41 = tpu.memref_slice %arg4[%add3A_8, %dma_wait3A_40] : memref<10240x128xf32, #tpu.memory_space<vmem_shared>> -> memref<125x128xf32, #tpu.memory_space<vmem_shared>>
      tpu.wait_dma2 semaphore(%run_scoped3A : memref<!tpu.dma_semaphore, #tpu.memory_space<semaphore_mem>>) src(%arg6 : memref<125x128xf32, #tpu.memory_space<vmem>>) dst(%dma_wait3A_41 : memref<125x128xf32, #tpu.memory_space<vmem_shared>>)
      tpu.yield
    }) : () -> ()
    %add3A_9 = arith.constant 125 : i32
    %add3A_10 = arith.addi %mul3A_0, %add3A_9 : i32
    "tpu.region"() ({
      %run_scoped3A = tpu.sem_alloc : memref<!tpu.dma_semaphore, #tpu.memory_space<semaphore_mem>>
      %dma_start3A = arith.constant 0 : i32
      %dma_start3A_36 = tpu.memref_slice %arg4[%add3A_10, %dma_start3A] : memref<10240x128xf32, #tpu.memory_space<vmem_shared>> -> memref<125x128xf32, #tpu.memory_space<vmem_shared>>
      %dma_start3A_37 = arith.constant 0 : i32
      %dma_start3A_38 = tpu.memref_slice %arg4[%add3A_10, %dma_start3A_37] : memref<10240x128xf32, #tpu.memory_space<vmem_shared>> -> memref<125x128xf32, #tpu.memory_space<vmem_shared>>
      tpu.enqueue_dma source(%arg6 : memref<125x128xf32, #tpu.memory_space<vmem>>) target(%dma_start3A_38 : memref<125x128xf32, #tpu.memory_space<vmem_shared>>) target_semaphore(%run_scoped3A : memref<!tpu.dma_semaphore, #tpu.memory_space<semaphore_mem>>)
      %dma_wait3A = arith.constant 0 : i32
      %dma_wait3A_39 = tpu.memref_slice %arg4[%add3A_10, %dma_wait3A] : memref<10240x128xf32, #tpu.memory_space<vmem_shared>> -> memref<125x128xf32, #tpu.memory_space<vmem_shared>>
      %dma_wait3A_40 = arith.constant 0 : i32
      %dma_wait3A_41 = tpu.memref_slice %arg4[%add3A_10, %dma_wait3A_40] : memref<10240x128xf32, #tpu.memory_space<vmem_shared>> -> memref<125x128xf32, #tpu.memory_space<vmem_shared>>
      tpu.wait_dma2 semaphore(%run_scoped3A : memref<!tpu.dma_semaphore, #tpu.memory_space<semaphore_mem>>) src(%arg6 : memref<125x128xf32, #tpu.memory_space<vmem>>) dst(%dma_wait3A_41 : memref<125x128xf32, #tpu.memory_space<vmem_shared>>)
      tpu.yield
    }) : () -> ()
    %add3A_11 = arith.constant 250 : i32
    %add3A_12 = arith.addi %mul3A_0, %add3A_11 : i32
    "tpu.region"() ({
      %run_scoped3A = tpu.sem_alloc : memref<!tpu.dma_semaphore, #tpu.memory_space<semaphore_mem>>
      %dma_start3A = arith.constant 0 : i32
      %dma_start3A_36 = tpu.memref_slice %arg4[%add3A_12, %dma_start3A] : memref<10240x128xf32, #tpu.memory_space<vmem_shared>> -> memref<125x128xf32, #tpu.memory_space<vmem_shared>>
      %dma_start3A_37 = arith.constant 0 : i32
      %dma_start3A_38 = tpu.memref_slice %arg4[%add3A_12, %dma_start3A_37] : memref<10240x128xf32, #tpu.memory_space<vmem_shared>> -> memref<125x128xf32, #tpu.memory_space<vmem_shared>>
      tpu.enqueue_dma source(%arg6 : memref<125x128xf32, #tpu.memory_space<vmem>>) target(%dma_start3A_38 : memref<125x128xf32, #tpu.memory_space<vmem_shared>>) target_semaphore(%run_scoped3A : memref<!tpu.dma_semaphore, #tpu.memory_space<semaphore_mem>>)
      %dma_wait3A = arith.constant 0 : i32
      %dma_wait3A_39 = tpu.memref_slice %arg4[%add3A_12, %dma_wait3A] : memref<10240x128xf32, #tpu.memory_space<vmem_shared>> -> memref<125x128xf32, #tpu.memory_space<vmem_shared>>
      %dma_wait3A_40 = arith.constant 0 : i32
      %dma_wait3A_41 = tpu.memref_slice %arg4[%add3A_12, %dma_wait3A_40] : memref<10240x128xf32, #tpu.memory_space<vmem_shared>> -> memref<125x128xf32, #tpu.memory_space<vmem_shared>>
      tpu.wait_dma2 semaphore(%run_scoped3A : memref<!tpu.dma_semaphore, #tpu.memory_space<semaphore_mem>>) src(%arg6 : memref<125x128xf32, #tpu.memory_space<vmem>>) dst(%dma_wait3A_41 : memref<125x128xf32, #tpu.memory_space<vmem_shared>>)
      tpu.yield
    }) : () -> ()
    %add3A_13 = arith.constant 375 : i32
    %add3A_14 = arith.addi %mul3A_0, %add3A_13 : i32
    "tpu.region"() ({
      %run_scoped3A = tpu.sem_alloc : memref<!tpu.dma_semaphore, #tpu.memory_space<semaphore_mem>>
      %dma_start3A = arith.constant 0 : i32
      %dma_start3A_36 = tpu.memref_slice %arg4[%add3A_14, %dma_start3A] : memref<10240x128xf32, #tpu.memory_space<vmem_shared>> -> memref<125x128xf32, #tpu.memory_space<vmem_shared>>
      %dma_start3A_37 = arith.constant 0 : i32
      %dma_start3A_38 = tpu.memref_slice %arg4[%add3A_14, %dma_start3A_37] : memref<10240x128xf32, #tpu.memory_space<vmem_shared>> -> memref<125x128xf32, #tpu.memory_space<vmem_shared>>
      tpu.enqueue_dma source(%arg6 : memref<125x128xf32, #tpu.memory_space<vmem>>) target(%dma_start3A_38 : memref<125x128xf32, #tpu.memory_space<vmem_shared>>) target_semaphore(%run_scoped3A : memref<!tpu.dma_semaphore, #tpu.memory_space<semaphore_mem>>)
      %dma_wait3A = arith.constant 0 : i32
      %dma_wait3A_39 = tpu.memref_slice %arg4[%add3A_14, %dma_wait3A] : memref<10240x128xf32, #tpu.memory_space<vmem_shared>> -> memref<125x128xf32, #tpu.memory_space<vmem_shared>>
      %dma_wait3A_40 = arith.constant 0 : i32
      %dma_wait3A_41 = tpu.memref_slice %arg4[%add3A_14, %dma_wait3A_40] : memref<10240x128xf32, #tpu.memory_space<vmem_shared>> -> memref<125x128xf32, #tpu.memory_space<vmem_shared>>
      tpu.wait_dma2 semaphore(%run_scoped3A : memref<!tpu.dma_semaphore, #tpu.memory_space<semaphore_mem>>) src(%arg6 : memref<125x128xf32, #tpu.memory_space<vmem>>) dst(%dma_wait3A_41 : memref<125x128xf32, #tpu.memory_space<vmem_shared>>)
      tpu.yield
    }) : () -> ()
    %add3A_15 = arith.constant 500 : i32
    %add3A_16 = arith.addi %mul3A_0, %add3A_15 : i32
    "tpu.region"() ({
      %run_scoped3A = tpu.sem_alloc : memref<!tpu.dma_semaphore, #tpu.memory_space<semaphore_mem>>
      %dma_start3A = arith.constant 0 : i32
      %dma_start3A_36 = tpu.memref_slice %arg4[%add3A_16, %dma_start3A] : memref<10240x128xf32, #tpu.memory_space<vmem_shared>> -> memref<125x128xf32, #tpu.memory_space<vmem_shared>>
      %dma_start3A_37 = arith.constant 0 : i32
      %dma_start3A_38 = tpu.memref_slice %arg4[%add3A_16, %dma_start3A_37] : memref<10240x128xf32, #tpu.memory_space<vmem_shared>> -> memref<125x128xf32, #tpu.memory_space<vmem_shared>>
      tpu.enqueue_dma source(%arg6 : memref<125x128xf32, #tpu.memory_space<vmem>>) target(%dma_start3A_38 : memref<125x128xf32, #tpu.memory_space<vmem_shared>>) target_semaphore(%run_scoped3A : memref<!tpu.dma_semaphore, #tpu.memory_space<semaphore_mem>>)
      %dma_wait3A = arith.constant 0 : i32
      %dma_wait3A_39 = tpu.memref_slice %arg4[%add3A_16, %dma_wait3A] : memref<10240x128xf32, #tpu.memory_space<vmem_shared>> -> memref<125x128xf32, #tpu.memory_space<vmem_shared>>
      %dma_wait3A_40 = arith.constant 0 : i32
      %dma_wait3A_41 = tpu.memref_slice %arg4[%add3A_16, %dma_wait3A_40] : memref<10240x128xf32, #tpu.memory_space<vmem_shared>> -> memref<125x128xf32, #tpu.memory_space<vmem_shared>>
      tpu.wait_dma2 semaphore(%run_scoped3A : memref<!tpu.dma_semaphore, #tpu.memory_space<semaphore_mem>>) src(%arg6 : memref<125x128xf32, #tpu.memory_space<vmem>>) dst(%dma_wait3A_41 : memref<125x128xf32, #tpu.memory_space<vmem_shared>>)
      tpu.yield
    }) : () -> ()
    %add3A_17 = arith.constant 625 : i32
    %add3A_18 = arith.addi %mul3A_0, %add3A_17 : i32
    "tpu.region"() ({
      %run_scoped3A = tpu.sem_alloc : memref<!tpu.dma_semaphore, #tpu.memory_space<semaphore_mem>>
      %dma_start3A = arith.constant 0 : i32
      %dma_start3A_36 = arith.constant 0 : i32
      %dma_start3A_37 = tpu.memref_slice %arg6[%dma_start3A, %dma_start3A_36] : memref<125x128xf32, #tpu.memory_space<vmem>> -> memref<15x128xf32, #tpu.memory_space<vmem>>
      %dma_start3A_38 = arith.constant 0 : i32
      %dma_start3A_39 = tpu.memref_slice %arg4[%add3A_18, %dma_start3A_38] : memref<10240x128xf32, #tpu.memory_space<vmem_shared>> -> memref<15x128xf32, #tpu.memory_space<vmem_shared>>
      %dma_start3A_40 = arith.constant 0 : i32
      %dma_start3A_41 = tpu.memref_slice %arg4[%add3A_18, %dma_start3A_40] : memref<10240x128xf32, #tpu.memory_space<vmem_shared>> -> memref<15x128xf32, #tpu.memory_space<vmem_shared>>
      %dma_start3A_42 = arith.constant 0 : i32
      %dma_start3A_43 = arith.constant 0 : i32
      %dma_start3A_44 = tpu.memref_slice %arg6[%dma_start3A_42, %dma_start3A_43] : memref<125x128xf32, #tpu.memory_space<vmem>> -> memref<15x128xf32, #tpu.memory_space<vmem>>
      tpu.enqueue_dma source(%dma_start3A_44 : memref<15x128xf32, #tpu.memory_space<vmem>>) target(%dma_start3A_41 : memref<15x128xf32, #tpu.memory_space<vmem_shared>>) target_semaphore(%run_scoped3A : memref<!tpu.dma_semaphore, #tpu.memory_space<semaphore_mem>>)
      %dma_wait3A = arith.constant 0 : i32
      %dma_wait3A_45 = arith.constant 0 : i32
      %dma_wait3A_46 = tpu.memref_slice %arg6[%dma_wait3A, %dma_wait3A_45] : memref<125x128xf32, #tpu.memory_space<vmem>> -> memref<15x128xf32, #tpu.memory_space<vmem>>
      %dma_wait3A_47 = arith.constant 0 : i32
      %dma_wait3A_48 = tpu.memref_slice %arg4[%add3A_18, %dma_wait3A_47] : memref<10240x128xf32, #tpu.memory_space<vmem_shared>> -> memref<15x128xf32, #tpu.memory_space<vmem_shared>>
      %dma_wait3A_49 = arith.constant 0 : i32
      %dma_wait3A_50 = tpu.memref_slice %arg4[%add3A_18, %dma_wait3A_49] : memref<10240x128xf32, #tpu.memory_space<vmem_shared>> -> memref<15x128xf32, #tpu.memory_space<vmem_shared>>
      %dma_wait3A_51 = arith.constant 0 : i32
      %dma_wait3A_52 = arith.constant 0 : i32
      %dma_wait3A_53 = tpu.memref_slice %arg6[%dma_wait3A_51, %dma_wait3A_52] : memref<125x128xf32, #tpu.memory_space<vmem>> -> memref<15x128xf32, #tpu.memory_space<vmem>>
      tpu.wait_dma2 semaphore(%run_scoped3A : memref<!tpu.dma_semaphore, #tpu.memory_space<semaphore_mem>>) src(%dma_wait3A_53 : memref<15x128xf32, #tpu.memory_space<vmem>>) dst(%dma_wait3A_50 : memref<15x128xf32, #tpu.memory_space<vmem_shared>>)
      tpu.yield
    }) : () -> ()
    %broadcast_in_dim3A_19 = arith.constant 1.000000e+00 : f32
    %broadcast_in_dim3A_20 = vector.broadcast %broadcast_in_dim3A_19 : f32 to vector<16xf32>
    %scan3A_21 = arith.constant 0 : i32
    %scan3A_22 = arith.constant 0 : i32
    %scan3A_23 = arith.constant 125 : i32
    %scan3A_24 = arith.addi %scan3A_22, %scan3A_23 : i32
    %scan3A_25 = arith.constant 1 : i32
    %scan3A_26 = scf.for %scan3A_36 = %scan3A_22 to %scan3A_24 step %scan3A_25 iter_args(%scan3A_37 = %scan3A_21) -> (i32)  : i32 {
      %swap3A = arith.index_cast %scan3A_36 : i32 to index
      %swap3A_38 = arith.constant 0 : index
      %swap3A_39 = tpu.vector_load %arg6[%swap3A, %swap3A_38] {strides = array<i32>} : memref<125x128xf32, #tpu.memory_space<vmem>>, vector<1x16xf32>,
      %swap3A_40 = vector.shape_cast %swap3A_39 : vector<1x16xf32> to vector<16xf32>
      %swap3A_41 = vector.shape_cast %broadcast_in_dim3A_20 : vector<16xf32> to vector<1x16xf32>
      tpu.vector_store %arg6[%swap3A, %swap3A_38], %swap3A_41 {strides = array<i32>} : memref<125x128xf32, #tpu.memory_space<vmem>>, vector<1x16xf32>,
      %swap3A_42 = arith.index_cast %scan3A_36 : i32 to index
      %swap3A_43 = arith.constant 16 : index
      %swap3A_44 = tpu.vector_load %arg6[%swap3A_42, %swap3A_43] {strides = array<i32>} : memref<125x128xf32, #tpu.memory_space<vmem>>, vector<1x16xf32>,
      %swap3A_45 = vector.shape_cast %swap3A_44 : vector<1x16xf32> to vector<16xf32>
      %swap3A_46 = vector.shape_cast %broadcast_in_dim3A_20 : vector<16xf32> to vector<1x16xf32>
      tpu.vector_store %arg6[%swap3A_42, %swap3A_43], %swap3A_46 {strides = array<i32>} : memref<125x128xf32, #tpu.memory_space<vmem>>, vector<1x16xf32>,
      %swap3A_47 = arith.index_cast %scan3A_36 : i32 to index
      %swap3A_48 = arith.constant 32 : index
      %swap3A_49 = tpu.vector_load %arg6[%swap3A_47, %swap3A_48] {strides = array<i32>} : memref<125x128xf32, #tpu.memory_space<vmem>>, vector<1x16xf32>,
      %swap3A_50 = vector.shape_cast %swap3A_49 : vector<1x16xf32> to vector<16xf32>
      %swap3A_51 = vector.shape_cast %broadcast_in_dim3A_20 : vector<16xf32> to vector<1x16xf32>
      tpu.vector_store %arg6[%swap3A_47, %swap3A_48], %swap3A_51 {strides = array<i32>} : memref<125x128xf32, #tpu.memory_space<vmem>>, vector<1x16xf32>,
      %swap3A_52 = arith.index_cast %scan3A_36 : i32 to index
      %swap3A_53 = arith.constant 48 : index
      %swap3A_54 = tpu.vector_load %arg6[%swap3A_52, %swap3A_53] {strides = array<i32>} : memref<125x128xf32, #tpu.memory_space<vmem>>, vector<1x16xf32>,
      %swap3A_55 = vector.shape_cast %swap3A_54 : vector<1x16xf32> to vector<16xf32>
      %swap3A_56 = vector.shape_cast %broadcast_in_dim3A_20 : vector<16xf32> to vector<1x16xf32>
      tpu.vector_store %arg6[%swap3A_52, %swap3A_53], %swap3A_56 {strides = array<i32>} : memref<125x128xf32, #tpu.memory_space<vmem>>, vector<1x16xf32>,
      %swap3A_57 = arith.index_cast %scan3A_36 : i32 to index
      %swap3A_58 = arith.constant 64 : index
      %swap3A_59 = tpu.vector_load %arg6[%swap3A_57, %swap3A_58] {strides = array<i32>} : memref<125x128xf32, #tpu.memory_space<vmem>>, vector<1x16xf32>,
      %swap3A_60 = vector.shape_cast %swap3A_59 : vector<1x16xf32> to vector<16xf32>
      %swap3A_61 = vector.shape_cast %broadcast_in_dim3A_20 : vector<16xf32> to vector<1x16xf32>
      tpu.vector_store %arg6[%swap3A_57, %swap3A_58], %swap3A_61 {strides = array<i32>} : memref<125x128xf32, #tpu.memory_space<vmem>>, vector<1x16xf32>,
      %swap3A_62 = arith.index_cast %scan3A_36 : i32 to index
      %swap3A_63 = arith.constant 80 : index
      %swap3A_64 = tpu.vector_load %arg6[%swap3A_62, %swap3A_63] {strides = array<i32>} : memref<125x128xf32, #tpu.memory_space<vmem>>, vector<1x16xf32>,
      %swap3A_65 = vector.shape_cast %swap3A_64 : vector<1x16xf32> to vector<16xf32>
      %swap3A_66 = vector.shape_cast %broadcast_in_dim3A_20 : vector<16xf32> to vector<1x16xf32>
      tpu.vector_store %arg6[%swap3A_62, %swap3A_63], %swap3A_66 {strides = array<i32>} : memref<125x128xf32, #tpu.memory_space<vmem>>, vector<1x16xf32>,
      %swap3A_67 = arith.index_cast %scan3A_36 : i32 to index
      %swap3A_68 = arith.constant 96 : index
      %swap3A_69 = tpu.vector_load %arg6[%swap3A_67, %swap3A_68] {strides = array<i32>} : memref<125x128xf32, #tpu.memory_space<vmem>>, vector<1x16xf32>,
      %swap3A_70 = vector.shape_cast %swap3A_69 : vector<1x16xf32> to vector<16xf32>
      %swap3A_71 = vector.shape_cast %broadcast_in_dim3A_20 : vector<16xf32> to vector<1x16xf32>
      tpu.vector_store %arg6[%swap3A_67, %swap3A_68], %swap3A_71 {strides = array<i32>} : memref<125x128xf32, #tpu.memory_space<vmem>>, vector<1x16xf32>,
      %swap3A_72 = arith.index_cast %scan3A_36 : i32 to index
      %swap3A_73 = arith.constant 112 : index
      %swap3A_74 = tpu.vector_load %arg6[%swap3A_72, %swap3A_73] {strides = array<i32>} : memref<125x128xf32, #tpu.memory_space<vmem>>, vector<1x16xf32>,
      %swap3A_75 = vector.shape_cast %swap3A_74 : vector<1x16xf32> to vector<16xf32>
      %swap3A_76 = vector.shape_cast %broadcast_in_dim3A_20 : vector<16xf32> to vector<1x16xf32>
      tpu.vector_store %arg6[%swap3A_72, %swap3A_73], %swap3A_76 {strides = array<i32>} : memref<125x128xf32, #tpu.memory_space<vmem>>, vector<1x16xf32>,
      %scan3A_77 = arith.constant 0 : i32
      scf.yield %scan3A_77 : i32
    }
    %scan3A_27 = arith.constant 125 : i32
    %barrier3A = arith.constant 0 : index
    tpu.barrier barrier_id(%barrier3A)
    %scan3A_28 = arith.constant 0 : i32
    %scan3A_29 = arith.constant 0 : i32
    %scan3A_30 = arith.constant 2 : i32
    %scan3A_31 = arith.addi %scan3A_29, %scan3A_30 : i32
    %scan3A_32 = arith.constant 1 : i32
    %scan3A_33 = scf.for %scan3A_36 = %scan3A_29 to %scan3A_31 step %scan3A_32 iter_args(%scan3A_37 = %scan3A_28) -> (i32)  : i32 {
      "tpu.region"() ({
        %run_scoped3A = tpu.sem_alloc : memref<!tpu.dma_semaphore, #tpu.memory_space<semaphore_mem>>
        %dma_start3A = arith.constant 0 : i32
        %dma_start3A_46 = arith.constant 0 : i32
        %dma_start3A_47 = tpu.memref_slice %arg2[%arg0, %arg1, %scan3A_36, %dma_start3A, %dma_start3A_46] : memref<2x16x2x40x125xi32, #tpu.memory_space<hbm>> -> memref<1x1x1x40x125xi32, #tpu.memory_space<hbm>>
        %dma_start3A_48 = tpu.memref_squeeze %dma_start3A_47 : memref<1x1x1x40x125xi32, #tpu.memory_space<hbm>> -> memref<40x125xi32, #tpu.memory_space<hbm>>
        %dma_start3A_49 = arith.constant 0 : i32
        %dma_start3A_50 = arith.constant 0 : i32
        %dma_start3A_51 = tpu.memref_slice %arg2[%arg0, %arg1, %scan3A_36, %dma_start3A_49, %dma_start3A_50] : memref<2x16x2x40x125xi32, #tpu.memory_space<hbm>> -> memref<1x1x1x40x125xi32, #tpu.memory_space<hbm>>
        %dma_start3A_52 = tpu.memref_squeeze %dma_start3A_51 : memref<1x1x1x40x125xi32, #tpu.memory_space<hbm>> -> memref<40x125xi32, #tpu.memory_space<hbm>>
        tpu.enqueue_dma source(%dma_start3A_52 : memref<40x125xi32, #tpu.memory_space<hbm>>) target(%arg5 : memref<40x125xi32, #tpu.memory_space<vmem>>) target_semaphore(%run_scoped3A : memref<!tpu.dma_semaphore, #tpu.memory_space<semaphore_mem>>)
        %dma_wait3A = arith.constant 0 : i32
        %dma_wait3A_53 = arith.constant 0 : i32
        %dma_wait3A_54 = tpu.memref_slice %arg2[%arg0, %arg1, %scan3A_36, %dma_wait3A, %dma_wait3A_53] : memref<2x16x2x40x125xi32, #tpu.memory_space<hbm>> -> memref<1x1x1x40x125xi32, #tpu.memory_space<hbm>>
        %dma_wait3A_55 = tpu.memref_squeeze %dma_wait3A_54 : memref<1x1x1x40x125xi32, #tpu.memory_space<hbm>> -> memref<40x125xi32, #tpu.memory_space<hbm>>
        %dma_wait3A_56 = arith.constant 0 : i32
        %dma_wait3A_57 = arith.constant 0 : i32
        %dma_wait3A_58 = tpu.memref_slice %arg2[%arg0, %arg1, %scan3A_36, %dma_wait3A_56, %dma_wait3A_57] : memref<2x16x2x40x125xi32, #tpu.memory_space<hbm>> -> memref<1x1x1x40x125xi32, #tpu.memory_space<hbm>>
        %dma_wait3A_59 = tpu.memref_squeeze %dma_wait3A_58 : memref<1x1x1x40x125xi32, #tpu.memory_space<hbm>> -> memref<40x125xi32, #tpu.memory_space<hbm>>
        tpu.wait_dma2 semaphore(%run_scoped3A : memref<!tpu.dma_semaphore, #tpu.memory_space<semaphore_mem>>) src(%dma_wait3A_59 : memref<40x125xi32, #tpu.memory_space<hbm>>) dst(%arg5 : memref<40x125xi32, #tpu.memory_space<vmem>>)
        tpu.yield
      }) : () -> ()
      %scan3A_38 = arith.constant 0 : i32
      %scan3A_39 = arith.constant 0 : i32
      %scan3A_40 = arith.constant 40 : i32
      %scan3A_41 = arith.addi %scan3A_39, %scan3A_40 : i32
      %scan3A_42 = arith.constant 1 : i32
      %scan3A_43 = scf.for %scan3A_46 = %scan3A_39 to %scan3A_41 step %scan3A_42 iter_args(%scan3A_47 = %scan3A_38) -> (i32)  : i32 {
        "tpu.region"() ({
          %run_scoped3A = tpu.sem_alloc : memref<!tpu.dma_semaphore, #tpu.memory_space<semaphore_mem>>
          %dma_start3A = arith.constant 0 : i32
          %dma_start3A_49 = tpu.memref_slice %arg5[%scan3A_46, %dma_start3A] : memref<40x125xi32, #tpu.memory_space<vmem>> -> memref<1x125xi32, #tpu.memory_space<vmem>>
          %dma_start3A_50 = tpu.memref_squeeze %dma_start3A_49 : memref<1x125xi32, #tpu.memory_space<vmem>> -> memref<125xi32, #tpu.memory_space<vmem>>
          %dma_start3A_51 = arith.constant 0 : i32
          %dma_start3A_52 = arith.constant 0 : i32
          %dma_start3A_53 = tpu.memref_slice %arg4[%dma_start3A_51, %dma_start3A_52] : memref<10240x128xf32, #tpu.memory_space<vmem_shared>> -> memref<10240x128xf32, #tpu.memory_space<vmem_shared>>
          tpu.enqueue_indirect_dma source(%arg6 : memref<125x128xf32, #tpu.memory_space<vmem>>) target(%dma_start3A_53 : memref<10240x128xf32, #tpu.memory_space<vmem_shared>>) offsets(%dma_start3A_50 : memref<125xi32, #tpu.memory_space<vmem>>) semaphore(%run_scoped3A : memref<!tpu.dma_semaphore, #tpu.memory_space<semaphore_mem>>) {add = true}
          %dma_wait3A = arith.constant 0 : i32
          %dma_wait3A_54 = tpu.memref_slice %arg5[%scan3A_46, %dma_wait3A] : memref<40x125xi32, #tpu.memory_space<vmem>> -> memref<1x125xi32, #tpu.memory_space<vmem>>
          %dma_wait3A_55 = tpu.memref_squeeze %dma_wait3A_54 : memref<1x125xi32, #tpu.memory_space<vmem>> -> memref<125xi32, #tpu.memory_space<vmem>>
          %dma_wait3A_56 = arith.constant 0 : i32
          %dma_wait3A_57 = arith.constant 0 : i32
          %dma_wait3A_58 = tpu.memref_slice %arg4[%dma_wait3A_56, %dma_wait3A_57] : memref<10240x128xf32, #tpu.memory_space<vmem_shared>> -> memref<10240x128xf32, #tpu.memory_space<vmem_shared>>
          tpu.wait_indirect_dma semaphore(%run_scoped3A : memref<!tpu.dma_semaphore, #tpu.memory_space<semaphore_mem>>) src(%arg6 : memref<125x128xf32, #tpu.memory_space<vmem>>) dst(%dma_wait3A_58 : memref<10240x128xf32, #tpu.memory_space<vmem_shared>>)
          tpu.yield
        }) : () -> ()
        %scan3A_48 = arith.constant 0 : i32
        scf.yield %scan3A_48 : i32
      }
      %scan3A_44 = arith.constant 40 : i32
      %scan3A_45 = arith.constant 0 : i32
      scf.yield %scan3A_45 : i32
    }
    %scan3A_34 = arith.constant 2 : i32
    %barrier3A_35 = arith.constant 0 : index
    tpu.barrier barrier_id(%barrier3A_35)
    "tpu.region"() ({
      %run_scoped3A = tpu.sem_alloc : memref<!tpu.dma_semaphore, #tpu.memory_space<semaphore_mem>>
      %dma_start3A = arith.constant 0 : i32
      %dma_start3A_36 = tpu.memref_slice %arg3[%arg0, %mul3A_0, %dma_start3A] : memref<2x10240x128xf32, #tpu.memory_space<hbm>> -> memref<1x640x128xf32, #tpu.memory_space<hbm>>
      %dma_start3A_37 = tpu.memref_squeeze %dma_start3A_36 : memref<1x640x128xf32, #tpu.memory_space<hbm>> -> memref<640x128xf32, #tpu.memory_space<hbm>>
      %dma_start3A_38 = arith.constant 0 : i32
      %dma_start3A_39 = tpu.memref_slice %arg4[%mul3A_0, %dma_start3A_38] : memref<10240x128xf32, #tpu.memory_space<vmem_shared>> -> memref<640x128xf32, #tpu.memory_space<vmem_shared>>
      tpu.enqueue_dma source(%dma_start3A_39 : memref<640x128xf32, #tpu.memory_space<vmem_shared>>) target(%dma_start3A_37 : memref<640x128xf32, #tpu.memory_space<hbm>>) target_semaphore(%run_scoped3A : memref<!tpu.dma_semaphore, #tpu.memory_space<semaphore_mem>>)
      %dma_wait3A = arith.constant 0 : i32
      %dma_wait3A_40 = tpu.memref_slice %arg3[%arg0, %mul3A_0, %dma_wait3A] : memref<2x10240x128xf32, #tpu.memory_space<hbm>> -> memref<1x640x128xf32, #tpu.memory_space<hbm>>
      %dma_wait3A_41 = tpu.memref_squeeze %dma_wait3A_40 : memref<1x640x128xf32, #tpu.memory_space<hbm>> -> memref<640x128xf32, #tpu.memory_space<hbm>>
      %dma_wait3A_42 = arith.constant 0 : i32
      %dma_wait3A_43 = tpu.memref_slice %arg4[%mul3A_0, %dma_wait3A_42] : memref<10240x128xf32, #tpu.memory_space<vmem_shared>> -> memref<640x128xf32, #tpu.memory_space<vmem_shared>>
      tpu.wait_dma2 semaphore(%run_scoped3A : memref<!tpu.dma_semaphore, #tpu.memory_space<semaphore_mem>>) src(%dma_wait3A_43 : memref<640x128xf32, #tpu.memory_space<vmem_shared>>) dst(%dma_wait3A_41 : memref<640x128xf32, #tpu.memory_space<hbm>>)
      tpu.yield
    }) : () -> ()
    return
  }
}

#map = affine_map<(d0, d1) -> (0, 0)>
#map1 = affine_map<(d0, d1) -> (0, 0, 0, 0)>
#map2 = affine_map<(d0, d1) -> (0, 0, 0, 0, 0)>
#map3 = affine_map<(d0, d1) -> (0, 0, 0)>
module attributes {stable_mosaic.version = 14 : i64} {
  func.func @_sc_agg_body(%arg0: i32, %arg1: i32, %arg2: memref<10000x128xf32, #tpu.memory_space<hbm>>, %arg3: memref<2x16x80x125xi32, #tpu.memory_space<hbm>>, %arg4: memref<2x16x2x40x125xi32, #tpu.memory_space<hbm>>, %arg5: memref<2x10240x128xf32, #tpu.memory_space<hbm>>, %arg6: memref<10240x128xf32, #tpu.memory_space<vmem_shared>>, %arg7: memref<80x125xi32, #tpu.memory_space<vmem>>, %arg8: memref<40x125xi32, #tpu.memory_space<vmem>>, %arg9: memref<2x125x128xf32, #tpu.memory_space<vmem>>, %arg10: memref<!tpu.dma_semaphore, #tpu.memory_space<semaphore_mem>>, %arg11: memref<!tpu.dma_semaphore, #tpu.memory_space<semaphore_mem>>) attributes {dimension_semantics = [#tpu.dimension_semantics<core_parallel>, #tpu.dimension_semantics<subcore_parallel>], iteration_bounds = array<i64: 2, 16>, scalar_prefetch = 0 : i64, scratch_operands = 6 : i64, tpu.core_type = #tpu.core_type<sc_vector_subcore>, window_params = [{transform_indices = #map}, {transform_indices = #map1}, {transform_indices = #map2}, {transform_indices = #map3}]} {
    %mul3A = arith.constant 640 : i32
    %mul3A_0 = arith.muli %arg1, %mul3A : i32
    %broadcast_in_dim3A = arith.constant 0.000000e+00 : f32
    %broadcast_in_dim3A_1 = vector.broadcast %broadcast_in_dim3A : f32 to vector<16xf32>
    %scan3A = arith.constant 0 : i32
    %scan3A_2 = arith.constant 0 : i32
    %scan3A_3 = arith.constant 0 : i32
    %scan3A_4 = arith.constant 125 : i32
    %scan3A_5 = arith.addi %scan3A_3, %scan3A_4 : i32
    %scan3A_6 = arith.constant 1 : i32
    %scan3A_7 = scf.for %scan3A_33 = %scan3A_3 to %scan3A_5 step %scan3A_6 iter_args(%scan3A_34 = %scan3A_2) -> (i32)  : i32 {
      %swap3A = arith.constant 0 : i32
      %swap3A_35 = arith.constant 0 : i32
      %swap3A_36 = tpu.memref_slice %arg9[%scan3A, %swap3A, %swap3A_35] : memref<2x125x128xf32, #tpu.memory_space<vmem>> -> memref<1x125x128xf32, #tpu.memory_space<vmem>>
      %swap3A_37 = tpu.memref_squeeze %swap3A_36 : memref<1x125x128xf32, #tpu.memory_space<vmem>> -> memref<125x128xf32, #tpu.memory_space<vmem>>
      %swap3A_38 = arith.index_cast %scan3A_33 : i32 to index
      %swap3A_39 = arith.constant 0 : index
      %swap3A_40 = tpu.vector_load %swap3A_37[%swap3A_38, %swap3A_39] {strides = array<i32>} : memref<125x128xf32, #tpu.memory_space<vmem>>, vector<1x16xf32>,
      %swap3A_41 = vector.shape_cast %swap3A_40 : vector<1x16xf32> to vector<16xf32>
      %swap3A_42 = vector.shape_cast %broadcast_in_dim3A_1 : vector<16xf32> to vector<1x16xf32>
      tpu.vector_store %swap3A_37[%swap3A_38, %swap3A_39], %swap3A_42 {strides = array<i32>} : memref<125x128xf32, #tpu.memory_space<vmem>>, vector<1x16xf32>,
      %swap3A_43 = arith.constant 0 : i32
      %swap3A_44 = arith.constant 0 : i32
      %swap3A_45 = tpu.memref_slice %arg9[%scan3A, %swap3A_43, %swap3A_44] : memref<2x125x128xf32, #tpu.memory_space<vmem>> -> memref<1x125x128xf32, #tpu.memory_space<vmem>>
      %swap3A_46 = tpu.memref_squeeze %swap3A_45 : memref<1x125x128xf32, #tpu.memory_space<vmem>> -> memref<125x128xf32, #tpu.memory_space<vmem>>
      %swap3A_47 = arith.index_cast %scan3A_33 : i32 to index
      %swap3A_48 = arith.constant 16 : index
      %swap3A_49 = tpu.vector_load %swap3A_46[%swap3A_47, %swap3A_48] {strides = array<i32>} : memref<125x128xf32, #tpu.memory_space<vmem>>, vector<1x16xf32>,
      %swap3A_50 = vector.shape_cast %swap3A_49 : vector<1x16xf32> to vector<16xf32>
      %swap3A_51 = vector.shape_cast %broadcast_in_dim3A_1 : vector<16xf32> to vector<1x16xf32>
      tpu.vector_store %swap3A_46[%swap3A_47, %swap3A_48], %swap3A_51 {strides = array<i32>} : memref<125x128xf32, #tpu.memory_space<vmem>>, vector<1x16xf32>,
      %swap3A_52 = arith.constant 0 : i32
      %swap3A_53 = arith.constant 0 : i32
      %swap3A_54 = tpu.memref_slice %arg9[%scan3A, %swap3A_52, %swap3A_53] : memref<2x125x128xf32, #tpu.memory_space<vmem>> -> memref<1x125x128xf32, #tpu.memory_space<vmem>>
      %swap3A_55 = tpu.memref_squeeze %swap3A_54 : memref<1x125x128xf32, #tpu.memory_space<vmem>> -> memref<125x128xf32, #tpu.memory_space<vmem>>
      %swap3A_56 = arith.index_cast %scan3A_33 : i32 to index
      %swap3A_57 = arith.constant 32 : index
      %swap3A_58 = tpu.vector_load %swap3A_55[%swap3A_56, %swap3A_57] {strides = array<i32>} : memref<125x128xf32, #tpu.memory_space<vmem>>, vector<1x16xf32>,
      %swap3A_59 = vector.shape_cast %swap3A_58 : vector<1x16xf32> to vector<16xf32>
      %swap3A_60 = vector.shape_cast %broadcast_in_dim3A_1 : vector<16xf32> to vector<1x16xf32>
      tpu.vector_store %swap3A_55[%swap3A_56, %swap3A_57], %swap3A_60 {strides = array<i32>} : memref<125x128xf32, #tpu.memory_space<vmem>>, vector<1x16xf32>,
      %swap3A_61 = arith.constant 0 : i32
      %swap3A_62 = arith.constant 0 : i32
      %swap3A_63 = tpu.memref_slice %arg9[%scan3A, %swap3A_61, %swap3A_62] : memref<2x125x128xf32, #tpu.memory_space<vmem>> -> memref<1x125x128xf32, #tpu.memory_space<vmem>>
      %swap3A_64 = tpu.memref_squeeze %swap3A_63 : memref<1x125x128xf32, #tpu.memory_space<vmem>> -> memref<125x128xf32, #tpu.memory_space<vmem>>
      %swap3A_65 = arith.index_cast %scan3A_33 : i32 to index
      %swap3A_66 = arith.constant 48 : index
      %swap3A_67 = tpu.vector_load %swap3A_64[%swap3A_65, %swap3A_66] {strides = array<i32>} : memref<125x128xf32, #tpu.memory_space<vmem>>, vector<1x16xf32>,
      %swap3A_68 = vector.shape_cast %swap3A_67 : vector<1x16xf32> to vector<16xf32>
      %swap3A_69 = vector.shape_cast %broadcast_in_dim3A_1 : vector<16xf32> to vector<1x16xf32>
      tpu.vector_store %swap3A_64[%swap3A_65, %swap3A_66], %swap3A_69 {strides = array<i32>} : memref<125x128xf32, #tpu.memory_space<vmem>>, vector<1x16xf32>,
      %swap3A_70 = arith.constant 0 : i32
      %swap3A_71 = arith.constant 0 : i32
      %swap3A_72 = tpu.memref_slice %arg9[%scan3A, %swap3A_70, %swap3A_71] : memref<2x125x128xf32, #tpu.memory_space<vmem>> -> memref<1x125x128xf32, #tpu.memory_space<vmem>>
      %swap3A_73 = tpu.memref_squeeze %swap3A_72 : memref<1x125x128xf32, #tpu.memory_space<vmem>> -> memref<125x128xf32, #tpu.memory_space<vmem>>
      %swap3A_74 = arith.index_cast %scan3A_33 : i32 to index
      %swap3A_75 = arith.constant 64 : index
      %swap3A_76 = tpu.vector_load %swap3A_73[%swap3A_74, %swap3A_75] {strides = array<i32>} : memref<125x128xf32, #tpu.memory_space<vmem>>, vector<1x16xf32>,
      %swap3A_77 = vector.shape_cast %swap3A_76 : vector<1x16xf32> to vector<16xf32>
      %swap3A_78 = vector.shape_cast %broadcast_in_dim3A_1 : vector<16xf32> to vector<1x16xf32>
      tpu.vector_store %swap3A_73[%swap3A_74, %swap3A_75], %swap3A_78 {strides = array<i32>} : memref<125x128xf32, #tpu.memory_space<vmem>>, vector<1x16xf32>,
      %swap3A_79 = arith.constant 0 : i32
      %swap3A_80 = arith.constant 0 : i32
      %swap3A_81 = tpu.memref_slice %arg9[%scan3A, %swap3A_79, %swap3A_80] : memref<2x125x128xf32, #tpu.memory_space<vmem>> -> memref<1x125x128xf32, #tpu.memory_space<vmem>>
      %swap3A_82 = tpu.memref_squeeze %swap3A_81 : memref<1x125x128xf32, #tpu.memory_space<vmem>> -> memref<125x128xf32, #tpu.memory_space<vmem>>
      %swap3A_83 = arith.index_cast %scan3A_33 : i32 to index
      %swap3A_84 = arith.constant 80 : index
      %swap3A_85 = tpu.vector_load %swap3A_82[%swap3A_83, %swap3A_84] {strides = array<i32>} : memref<125x128xf32, #tpu.memory_space<vmem>>, vector<1x16xf32>,
      %swap3A_86 = vector.shape_cast %swap3A_85 : vector<1x16xf32> to vector<16xf32>
      %swap3A_87 = vector.shape_cast %broadcast_in_dim3A_1 : vector<16xf32> to vector<1x16xf32>
      tpu.vector_store %swap3A_82[%swap3A_83, %swap3A_84], %swap3A_87 {strides = array<i32>} : memref<125x128xf32, #tpu.memory_space<vmem>>, vector<1x16xf32>,
      %swap3A_88 = arith.constant 0 : i32
      %swap3A_89 = arith.constant 0 : i32
      %swap3A_90 = tpu.memref_slice %arg9[%scan3A, %swap3A_88, %swap3A_89] : memref<2x125x128xf32, #tpu.memory_space<vmem>> -> memref<1x125x128xf32, #tpu.memory_space<vmem>>
      %swap3A_91 = tpu.memref_squeeze %swap3A_90 : memref<1x125x128xf32, #tpu.memory_space<vmem>> -> memref<125x128xf32, #tpu.memory_space<vmem>>
      %swap3A_92 = arith.index_cast %scan3A_33 : i32 to index
      %swap3A_93 = arith.constant 96 : index
      %swap3A_94 = tpu.vector_load %swap3A_91[%swap3A_92, %swap3A_93] {strides = array<i32>} : memref<125x128xf32, #tpu.memory_space<vmem>>, vector<1x16xf32>,
      %swap3A_95 = vector.shape_cast %swap3A_94 : vector<1x16xf32> to vector<16xf32>
      %swap3A_96 = vector.shape_cast %broadcast_in_dim3A_1 : vector<16xf32> to vector<1x16xf32>
      tpu.vector_store %swap3A_91[%swap3A_92, %swap3A_93], %swap3A_96 {strides = array<i32>} : memref<125x128xf32, #tpu.memory_space<vmem>>, vector<1x16xf32>,
      %swap3A_97 = arith.constant 0 : i32
      %swap3A_98 = arith.constant 0 : i32
      %swap3A_99 = tpu.memref_slice %arg9[%scan3A, %swap3A_97, %swap3A_98] : memref<2x125x128xf32, #tpu.memory_space<vmem>> -> memref<1x125x128xf32, #tpu.memory_space<vmem>>
      %swap3A_100 = tpu.memref_squeeze %swap3A_99 : memref<1x125x128xf32, #tpu.memory_space<vmem>> -> memref<125x128xf32, #tpu.memory_space<vmem>>
      %swap3A_101 = arith.index_cast %scan3A_33 : i32 to index
      %swap3A_102 = arith.constant 112 : index
      %swap3A_103 = tpu.vector_load %swap3A_100[%swap3A_101, %swap3A_102] {strides = array<i32>} : memref<125x128xf32, #tpu.memory_space<vmem>>, vector<1x16xf32>,
      %swap3A_104 = vector.shape_cast %swap3A_103 : vector<1x16xf32> to vector<16xf32>
      %swap3A_105 = vector.shape_cast %broadcast_in_dim3A_1 : vector<16xf32> to vector<1x16xf32>
      tpu.vector_store %swap3A_100[%swap3A_101, %swap3A_102], %swap3A_105 {strides = array<i32>} : memref<125x128xf32, #tpu.memory_space<vmem>>, vector<1x16xf32>,
      %scan3A_106 = arith.constant 0 : i32
      scf.yield %scan3A_106 : i32
    }
    %scan3A_8 = arith.constant 125 : i32
    %add3A = arith.constant 0 : i32
    %add3A_9 = arith.addi %mul3A_0, %add3A : i32
    %run_scoped3A = arith.constant 0 : i32
    "tpu.region"() ({
      %run_scoped3A_33 = tpu.sem_alloc : memref<!tpu.dma_semaphore, #tpu.memory_space<semaphore_mem>>
      %dma_start3A = arith.constant 0 : i32
      %dma_start3A_34 = arith.constant 0 : i32
      %dma_start3A_35 = tpu.memref_slice %arg9[%run_scoped3A, %dma_start3A, %dma_start3A_34] : memref<2x125x128xf32, #tpu.memory_space<vmem>> -> memref<1x125x128xf32, #tpu.memory_space<vmem>>
      %dma_start3A_36 = tpu.memref_squeeze %dma_start3A_35 : memref<1x125x128xf32, #tpu.memory_space<vmem>> -> memref<125x128xf32, #tpu.memory_space<vmem>>
      %dma_start3A_37 = arith.constant 0 : i32
      %dma_start3A_38 = tpu.memref_slice %arg6[%add3A_9, %dma_start3A_37] : memref<10240x128xf32, #tpu.memory_space<vmem_shared>> -> memref<125x128xf32, #tpu.memory_space<vmem_shared>>
      %dma_start3A_39 = arith.constant 0 : i32
      %dma_start3A_40 = tpu.memref_slice %arg6[%add3A_9, %dma_start3A_39] : memref<10240x128xf32, #tpu.memory_space<vmem_shared>> -> memref<125x128xf32, #tpu.memory_space<vmem_shared>>
      %dma_start3A_41 = arith.constant 0 : i32
      %dma_start3A_42 = arith.constant 0 : i32
      %dma_start3A_43 = tpu.memref_slice %arg9[%run_scoped3A, %dma_start3A_41, %dma_start3A_42] : memref<2x125x128xf32, #tpu.memory_space<vmem>> -> memref<1x125x128xf32, #tpu.memory_space<vmem>>
      %dma_start3A_44 = tpu.memref_squeeze %dma_start3A_43 : memref<1x125x128xf32, #tpu.memory_space<vmem>> -> memref<125x128xf32, #tpu.memory_space<vmem>>
      tpu.enqueue_dma source(%dma_start3A_44 : memref<125x128xf32, #tpu.memory_space<vmem>>) target(%dma_start3A_40 : memref<125x128xf32, #tpu.memory_space<vmem_shared>>) target_semaphore(%run_scoped3A_33 : memref<!tpu.dma_semaphore, #tpu.memory_space<semaphore_mem>>)
      %dma_wait3A = arith.constant 0 : i32
      %dma_wait3A_45 = arith.constant 0 : i32
      %dma_wait3A_46 = tpu.memref_slice %arg9[%run_scoped3A, %dma_wait3A, %dma_wait3A_45] : memref<2x125x128xf32, #tpu.memory_space<vmem>> -> memref<1x125x128xf32, #tpu.memory_space<vmem>>
      %dma_wait3A_47 = tpu.memref_squeeze %dma_wait3A_46 : memref<1x125x128xf32, #tpu.memory_space<vmem>> -> memref<125x128xf32, #tpu.memory_space<vmem>>
      %dma_wait3A_48 = arith.constant 0 : i32
      %dma_wait3A_49 = tpu.memref_slice %arg6[%add3A_9, %dma_wait3A_48] : memref<10240x128xf32, #tpu.memory_space<vmem_shared>> -> memref<125x128xf32, #tpu.memory_space<vmem_shared>>
      %dma_wait3A_50 = arith.constant 0 : i32
      %dma_wait3A_51 = tpu.memref_slice %arg6[%add3A_9, %dma_wait3A_50] : memref<10240x128xf32, #tpu.memory_space<vmem_shared>> -> memref<125x128xf32, #tpu.memory_space<vmem_shared>>
      %dma_wait3A_52 = arith.constant 0 : i32
      %dma_wait3A_53 = arith.constant 0 : i32
      %dma_wait3A_54 = tpu.memref_slice %arg9[%run_scoped3A, %dma_wait3A_52, %dma_wait3A_53] : memref<2x125x128xf32, #tpu.memory_space<vmem>> -> memref<1x125x128xf32, #tpu.memory_space<vmem>>
      %dma_wait3A_55 = tpu.memref_squeeze %dma_wait3A_54 : memref<1x125x128xf32, #tpu.memory_space<vmem>> -> memref<125x128xf32, #tpu.memory_space<vmem>>
      tpu.wait_dma2 semaphore(%run_scoped3A_33 : memref<!tpu.dma_semaphore, #tpu.memory_space<semaphore_mem>>) src(%dma_wait3A_55 : memref<125x128xf32, #tpu.memory_space<vmem>>) dst(%dma_wait3A_51 : memref<125x128xf32, #tpu.memory_space<vmem_shared>>)
      tpu.yield
    }) : () -> ()
    %add3A_10 = arith.constant 125 : i32
    %add3A_11 = arith.addi %mul3A_0, %add3A_10 : i32
    %run_scoped3A_12 = arith.constant 0 : i32
    "tpu.region"() ({
      %run_scoped3A_33 = tpu.sem_alloc : memref<!tpu.dma_semaphore, #tpu.memory_space<semaphore_mem>>
      %dma_start3A = arith.constant 0 : i32
      %dma_start3A_34 = arith.constant 0 : i32
      %dma_start3A_35 = tpu.memref_slice %arg9[%run_scoped3A_12, %dma_start3A, %dma_start3A_34] : memref<2x125x128xf32, #tpu.memory_space<vmem>> -> memref<1x125x128xf32, #tpu.memory_space<vmem>>
      %dma_start3A_36 = tpu.memref_squeeze %dma_start3A_35 : memref<1x125x128xf32, #tpu.memory_space<vmem>> -> memref<125x128xf32, #tpu.memory_space<vmem>>
      %dma_start3A_37 = arith.constant 0 : i32
      %dma_start3A_38 = tpu.memref_slice %arg6[%add3A_11, %dma_start3A_37] : memref<10240x128xf32, #tpu.memory_space<vmem_shared>> -> memref<125x128xf32, #tpu.memory_space<vmem_shared>>
      %dma_start3A_39 = arith.constant 0 : i32
      %dma_start3A_40 = tpu.memref_slice %arg6[%add3A_11, %dma_start3A_39] : memref<10240x128xf32, #tpu.memory_space<vmem_shared>> -> memref<125x128xf32, #tpu.memory_space<vmem_shared>>
      %dma_start3A_41 = arith.constant 0 : i32
      %dma_start3A_42 = arith.constant 0 : i32
      %dma_start3A_43 = tpu.memref_slice %arg9[%run_scoped3A_12, %dma_start3A_41, %dma_start3A_42] : memref<2x125x128xf32, #tpu.memory_space<vmem>> -> memref<1x125x128xf32, #tpu.memory_space<vmem>>
      %dma_start3A_44 = tpu.memref_squeeze %dma_start3A_43 : memref<1x125x128xf32, #tpu.memory_space<vmem>> -> memref<125x128xf32, #tpu.memory_space<vmem>>
      tpu.enqueue_dma source(%dma_start3A_44 : memref<125x128xf32, #tpu.memory_space<vmem>>) target(%dma_start3A_40 : memref<125x128xf32, #tpu.memory_space<vmem_shared>>) target_semaphore(%run_scoped3A_33 : memref<!tpu.dma_semaphore, #tpu.memory_space<semaphore_mem>>)
      %dma_wait3A = arith.constant 0 : i32
      %dma_wait3A_45 = arith.constant 0 : i32
      %dma_wait3A_46 = tpu.memref_slice %arg9[%run_scoped3A_12, %dma_wait3A, %dma_wait3A_45] : memref<2x125x128xf32, #tpu.memory_space<vmem>> -> memref<1x125x128xf32, #tpu.memory_space<vmem>>
      %dma_wait3A_47 = tpu.memref_squeeze %dma_wait3A_46 : memref<1x125x128xf32, #tpu.memory_space<vmem>> -> memref<125x128xf32, #tpu.memory_space<vmem>>
      %dma_wait3A_48 = arith.constant 0 : i32
      %dma_wait3A_49 = tpu.memref_slice %arg6[%add3A_11, %dma_wait3A_48] : memref<10240x128xf32, #tpu.memory_space<vmem_shared>> -> memref<125x128xf32, #tpu.memory_space<vmem_shared>>
      %dma_wait3A_50 = arith.constant 0 : i32
      %dma_wait3A_51 = tpu.memref_slice %arg6[%add3A_11, %dma_wait3A_50] : memref<10240x128xf32, #tpu.memory_space<vmem_shared>> -> memref<125x128xf32, #tpu.memory_space<vmem_shared>>
      %dma_wait3A_52 = arith.constant 0 : i32
      %dma_wait3A_53 = arith.constant 0 : i32
      %dma_wait3A_54 = tpu.memref_slice %arg9[%run_scoped3A_12, %dma_wait3A_52, %dma_wait3A_53] : memref<2x125x128xf32, #tpu.memory_space<vmem>> -> memref<1x125x128xf32, #tpu.memory_space<vmem>>
      %dma_wait3A_55 = tpu.memref_squeeze %dma_wait3A_54 : memref<1x125x128xf32, #tpu.memory_space<vmem>> -> memref<125x128xf32, #tpu.memory_space<vmem>>
      tpu.wait_dma2 semaphore(%run_scoped3A_33 : memref<!tpu.dma_semaphore, #tpu.memory_space<semaphore_mem>>) src(%dma_wait3A_55 : memref<125x128xf32, #tpu.memory_space<vmem>>) dst(%dma_wait3A_51 : memref<125x128xf32, #tpu.memory_space<vmem_shared>>)
      tpu.yield
    }) : () -> ()
    %add3A_13 = arith.constant 250 : i32
    %add3A_14 = arith.addi %mul3A_0, %add3A_13 : i32
    %run_scoped3A_15 = arith.constant 0 : i32
    "tpu.region"() ({
      %run_scoped3A_33 = tpu.sem_alloc : memref<!tpu.dma_semaphore, #tpu.memory_space<semaphore_mem>>
      %dma_start3A = arith.constant 0 : i32
      %dma_start3A_34 = arith.constant 0 : i32
      %dma_start3A_35 = tpu.memref_slice %arg9[%run_scoped3A_15, %dma_start3A, %dma_start3A_34] : memref<2x125x128xf32, #tpu.memory_space<vmem>> -> memref<1x125x128xf32, #tpu.memory_space<vmem>>
      %dma_start3A_36 = tpu.memref_squeeze %dma_start3A_35 : memref<1x125x128xf32, #tpu.memory_space<vmem>> -> memref<125x128xf32, #tpu.memory_space<vmem>>
      %dma_start3A_37 = arith.constant 0 : i32
      %dma_start3A_38 = tpu.memref_slice %arg6[%add3A_14, %dma_start3A_37] : memref<10240x128xf32, #tpu.memory_space<vmem_shared>> -> memref<125x128xf32, #tpu.memory_space<vmem_shared>>
      %dma_start3A_39 = arith.constant 0 : i32
      %dma_start3A_40 = tpu.memref_slice %arg6[%add3A_14, %dma_start3A_39] : memref<10240x128xf32, #tpu.memory_space<vmem_shared>> -> memref<125x128xf32, #tpu.memory_space<vmem_shared>>
      %dma_start3A_41 = arith.constant 0 : i32
      %dma_start3A_42 = arith.constant 0 : i32
      %dma_start3A_43 = tpu.memref_slice %arg9[%run_scoped3A_15, %dma_start3A_41, %dma_start3A_42] : memref<2x125x128xf32, #tpu.memory_space<vmem>> -> memref<1x125x128xf32, #tpu.memory_space<vmem>>
      %dma_start3A_44 = tpu.memref_squeeze %dma_start3A_43 : memref<1x125x128xf32, #tpu.memory_space<vmem>> -> memref<125x128xf32, #tpu.memory_space<vmem>>
      tpu.enqueue_dma source(%dma_start3A_44 : memref<125x128xf32, #tpu.memory_space<vmem>>) target(%dma_start3A_40 : memref<125x128xf32, #tpu.memory_space<vmem_shared>>) target_semaphore(%run_scoped3A_33 : memref<!tpu.dma_semaphore, #tpu.memory_space<semaphore_mem>>)
      %dma_wait3A = arith.constant 0 : i32
      %dma_wait3A_45 = arith.constant 0 : i32
      %dma_wait3A_46 = tpu.memref_slice %arg9[%run_scoped3A_15, %dma_wait3A, %dma_wait3A_45] : memref<2x125x128xf32, #tpu.memory_space<vmem>> -> memref<1x125x128xf32, #tpu.memory_space<vmem>>
      %dma_wait3A_47 = tpu.memref_squeeze %dma_wait3A_46 : memref<1x125x128xf32, #tpu.memory_space<vmem>> -> memref<125x128xf32, #tpu.memory_space<vmem>>
      %dma_wait3A_48 = arith.constant 0 : i32
      %dma_wait3A_49 = tpu.memref_slice %arg6[%add3A_14, %dma_wait3A_48] : memref<10240x128xf32, #tpu.memory_space<vmem_shared>> -> memref<125x128xf32, #tpu.memory_space<vmem_shared>>
      %dma_wait3A_50 = arith.constant 0 : i32
      %dma_wait3A_51 = tpu.memref_slice %arg6[%add3A_14, %dma_wait3A_50] : memref<10240x128xf32, #tpu.memory_space<vmem_shared>> -> memref<125x128xf32, #tpu.memory_space<vmem_shared>>
      %dma_wait3A_52 = arith.constant 0 : i32
      %dma_wait3A_53 = arith.constant 0 : i32
      %dma_wait3A_54 = tpu.memref_slice %arg9[%run_scoped3A_15, %dma_wait3A_52, %dma_wait3A_53] : memref<2x125x128xf32, #tpu.memory_space<vmem>> -> memref<1x125x128xf32, #tpu.memory_space<vmem>>
      %dma_wait3A_55 = tpu.memref_squeeze %dma_wait3A_54 : memref<1x125x128xf32, #tpu.memory_space<vmem>> -> memref<125x128xf32, #tpu.memory_space<vmem>>
      tpu.wait_dma2 semaphore(%run_scoped3A_33 : memref<!tpu.dma_semaphore, #tpu.memory_space<semaphore_mem>>) src(%dma_wait3A_55 : memref<125x128xf32, #tpu.memory_space<vmem>>) dst(%dma_wait3A_51 : memref<125x128xf32, #tpu.memory_space<vmem_shared>>)
      tpu.yield
    }) : () -> ()
    %add3A_16 = arith.constant 375 : i32
    %add3A_17 = arith.addi %mul3A_0, %add3A_16 : i32
    %run_scoped3A_18 = arith.constant 0 : i32
    "tpu.region"() ({
      %run_scoped3A_33 = tpu.sem_alloc : memref<!tpu.dma_semaphore, #tpu.memory_space<semaphore_mem>>
      %dma_start3A = arith.constant 0 : i32
      %dma_start3A_34 = arith.constant 0 : i32
      %dma_start3A_35 = tpu.memref_slice %arg9[%run_scoped3A_18, %dma_start3A, %dma_start3A_34] : memref<2x125x128xf32, #tpu.memory_space<vmem>> -> memref<1x125x128xf32, #tpu.memory_space<vmem>>
      %dma_start3A_36 = tpu.memref_squeeze %dma_start3A_35 : memref<1x125x128xf32, #tpu.memory_space<vmem>> -> memref<125x128xf32, #tpu.memory_space<vmem>>
      %dma_start3A_37 = arith.constant 0 : i32
      %dma_start3A_38 = tpu.memref_slice %arg6[%add3A_17, %dma_start3A_37] : memref<10240x128xf32, #tpu.memory_space<vmem_shared>> -> memref<125x128xf32, #tpu.memory_space<vmem_shared>>
      %dma_start3A_39 = arith.constant 0 : i32
      %dma_start3A_40 = tpu.memref_slice %arg6[%add3A_17, %dma_start3A_39] : memref<10240x128xf32, #tpu.memory_space<vmem_shared>> -> memref<125x128xf32, #tpu.memory_space<vmem_shared>>
      %dma_start3A_41 = arith.constant 0 : i32
      %dma_start3A_42 = arith.constant 0 : i32
      %dma_start3A_43 = tpu.memref_slice %arg9[%run_scoped3A_18, %dma_start3A_41, %dma_start3A_42] : memref<2x125x128xf32, #tpu.memory_space<vmem>> -> memref<1x125x128xf32, #tpu.memory_space<vmem>>
      %dma_start3A_44 = tpu.memref_squeeze %dma_start3A_43 : memref<1x125x128xf32, #tpu.memory_space<vmem>> -> memref<125x128xf32, #tpu.memory_space<vmem>>
      tpu.enqueue_dma source(%dma_start3A_44 : memref<125x128xf32, #tpu.memory_space<vmem>>) target(%dma_start3A_40 : memref<125x128xf32, #tpu.memory_space<vmem_shared>>) target_semaphore(%run_scoped3A_33 : memref<!tpu.dma_semaphore, #tpu.memory_space<semaphore_mem>>)
      %dma_wait3A = arith.constant 0 : i32
      %dma_wait3A_45 = arith.constant 0 : i32
      %dma_wait3A_46 = tpu.memref_slice %arg9[%run_scoped3A_18, %dma_wait3A, %dma_wait3A_45] : memref<2x125x128xf32, #tpu.memory_space<vmem>> -> memref<1x125x128xf32, #tpu.memory_space<vmem>>
      %dma_wait3A_47 = tpu.memref_squeeze %dma_wait3A_46 : memref<1x125x128xf32, #tpu.memory_space<vmem>> -> memref<125x128xf32, #tpu.memory_space<vmem>>
      %dma_wait3A_48 = arith.constant 0 : i32
      %dma_wait3A_49 = tpu.memref_slice %arg6[%add3A_17, %dma_wait3A_48] : memref<10240x128xf32, #tpu.memory_space<vmem_shared>> -> memref<125x128xf32, #tpu.memory_space<vmem_shared>>
      %dma_wait3A_50 = arith.constant 0 : i32
      %dma_wait3A_51 = tpu.memref_slice %arg6[%add3A_17, %dma_wait3A_50] : memref<10240x128xf32, #tpu.memory_space<vmem_shared>> -> memref<125x128xf32, #tpu.memory_space<vmem_shared>>
      %dma_wait3A_52 = arith.constant 0 : i32
      %dma_wait3A_53 = arith.constant 0 : i32
      %dma_wait3A_54 = tpu.memref_slice %arg9[%run_scoped3A_18, %dma_wait3A_52, %dma_wait3A_53] : memref<2x125x128xf32, #tpu.memory_space<vmem>> -> memref<1x125x128xf32, #tpu.memory_space<vmem>>
      %dma_wait3A_55 = tpu.memref_squeeze %dma_wait3A_54 : memref<1x125x128xf32, #tpu.memory_space<vmem>> -> memref<125x128xf32, #tpu.memory_space<vmem>>
      tpu.wait_dma2 semaphore(%run_scoped3A_33 : memref<!tpu.dma_semaphore, #tpu.memory_space<semaphore_mem>>) src(%dma_wait3A_55 : memref<125x128xf32, #tpu.memory_space<vmem>>) dst(%dma_wait3A_51 : memref<125x128xf32, #tpu.memory_space<vmem_shared>>)
      tpu.yield
    }) : () -> ()
    %add3A_19 = arith.constant 500 : i32
    %add3A_20 = arith.addi %mul3A_0, %add3A_19 : i32
    %run_scoped3A_21 = arith.constant 0 : i32
    "tpu.region"() ({
      %run_scoped3A_33 = tpu.sem_alloc : memref<!tpu.dma_semaphore, #tpu.memory_space<semaphore_mem>>
      %dma_start3A = arith.constant 0 : i32
      %dma_start3A_34 = arith.constant 0 : i32
      %dma_start3A_35 = tpu.memref_slice %arg9[%run_scoped3A_21, %dma_start3A, %dma_start3A_34] : memref<2x125x128xf32, #tpu.memory_space<vmem>> -> memref<1x125x128xf32, #tpu.memory_space<vmem>>
      %dma_start3A_36 = tpu.memref_squeeze %dma_start3A_35 : memref<1x125x128xf32, #tpu.memory_space<vmem>> -> memref<125x128xf32, #tpu.memory_space<vmem>>
      %dma_start3A_37 = arith.constant 0 : i32
      %dma_start3A_38 = tpu.memref_slice %arg6[%add3A_20, %dma_start3A_37] : memref<10240x128xf32, #tpu.memory_space<vmem_shared>> -> memref<125x128xf32, #tpu.memory_space<vmem_shared>>
      %dma_start3A_39 = arith.constant 0 : i32
      %dma_start3A_40 = tpu.memref_slice %arg6[%add3A_20, %dma_start3A_39] : memref<10240x128xf32, #tpu.memory_space<vmem_shared>> -> memref<125x128xf32, #tpu.memory_space<vmem_shared>>
      %dma_start3A_41 = arith.constant 0 : i32
      %dma_start3A_42 = arith.constant 0 : i32
      %dma_start3A_43 = tpu.memref_slice %arg9[%run_scoped3A_21, %dma_start3A_41, %dma_start3A_42] : memref<2x125x128xf32, #tpu.memory_space<vmem>> -> memref<1x125x128xf32, #tpu.memory_space<vmem>>
      %dma_start3A_44 = tpu.memref_squeeze %dma_start3A_43 : memref<1x125x128xf32, #tpu.memory_space<vmem>> -> memref<125x128xf32, #tpu.memory_space<vmem>>
      tpu.enqueue_dma source(%dma_start3A_44 : memref<125x128xf32, #tpu.memory_space<vmem>>) target(%dma_start3A_40 : memref<125x128xf32, #tpu.memory_space<vmem_shared>>) target_semaphore(%run_scoped3A_33 : memref<!tpu.dma_semaphore, #tpu.memory_space<semaphore_mem>>)
      %dma_wait3A = arith.constant 0 : i32
      %dma_wait3A_45 = arith.constant 0 : i32
      %dma_wait3A_46 = tpu.memref_slice %arg9[%run_scoped3A_21, %dma_wait3A, %dma_wait3A_45] : memref<2x125x128xf32, #tpu.memory_space<vmem>> -> memref<1x125x128xf32, #tpu.memory_space<vmem>>
      %dma_wait3A_47 = tpu.memref_squeeze %dma_wait3A_46 : memref<1x125x128xf32, #tpu.memory_space<vmem>> -> memref<125x128xf32, #tpu.memory_space<vmem>>
      %dma_wait3A_48 = arith.constant 0 : i32
      %dma_wait3A_49 = tpu.memref_slice %arg6[%add3A_20, %dma_wait3A_48] : memref<10240x128xf32, #tpu.memory_space<vmem_shared>> -> memref<125x128xf32, #tpu.memory_space<vmem_shared>>
      %dma_wait3A_50 = arith.constant 0 : i32
      %dma_wait3A_51 = tpu.memref_slice %arg6[%add3A_20, %dma_wait3A_50] : memref<10240x128xf32, #tpu.memory_space<vmem_shared>> -> memref<125x128xf32, #tpu.memory_space<vmem_shared>>
      %dma_wait3A_52 = arith.constant 0 : i32
      %dma_wait3A_53 = arith.constant 0 : i32
      %dma_wait3A_54 = tpu.memref_slice %arg9[%run_scoped3A_21, %dma_wait3A_52, %dma_wait3A_53] : memref<2x125x128xf32, #tpu.memory_space<vmem>> -> memref<1x125x128xf32, #tpu.memory_space<vmem>>
      %dma_wait3A_55 = tpu.memref_squeeze %dma_wait3A_54 : memref<1x125x128xf32, #tpu.memory_space<vmem>> -> memref<125x128xf32, #tpu.memory_space<vmem>>
      tpu.wait_dma2 semaphore(%run_scoped3A_33 : memref<!tpu.dma_semaphore, #tpu.memory_space<semaphore_mem>>) src(%dma_wait3A_55 : memref<125x128xf32, #tpu.memory_space<vmem>>) dst(%dma_wait3A_51 : memref<125x128xf32, #tpu.memory_space<vmem_shared>>)
      tpu.yield
    }) : () -> ()
    %add3A_22 = arith.constant 625 : i32
    %add3A_23 = arith.addi %mul3A_0, %add3A_22 : i32
    %run_scoped3A_24 = arith.constant 0 : i32
    "tpu.region"() ({
      %run_scoped3A_33 = tpu.sem_alloc : memref<!tpu.dma_semaphore, #tpu.memory_space<semaphore_mem>>
      %dma_start3A = arith.constant 0 : i32
      %dma_start3A_34 = arith.constant 0 : i32
      %dma_start3A_35 = tpu.memref_slice %arg9[%run_scoped3A_24, %dma_start3A, %dma_start3A_34] : memref<2x125x128xf32, #tpu.memory_space<vmem>> -> memref<1x15x128xf32, #tpu.memory_space<vmem>>
      %dma_start3A_36 = tpu.memref_squeeze %dma_start3A_35 : memref<1x15x128xf32, #tpu.memory_space<vmem>> -> memref<15x128xf32, #tpu.memory_space<vmem>>
      %dma_start3A_37 = arith.constant 0 : i32
      %dma_start3A_38 = tpu.memref_slice %arg6[%add3A_23, %dma_start3A_37] : memref<10240x128xf32, #tpu.memory_space<vmem_shared>> -> memref<15x128xf32, #tpu.memory_space<vmem_shared>>
      %dma_start3A_39 = arith.constant 0 : i32
      %dma_start3A_40 = tpu.memref_slice %arg6[%add3A_23, %dma_start3A_39] : memref<10240x128xf32, #tpu.memory_space<vmem_shared>> -> memref<15x128xf32, #tpu.memory_space<vmem_shared>>
      %dma_start3A_41 = arith.constant 0 : i32
      %dma_start3A_42 = arith.constant 0 : i32
      %dma_start3A_43 = tpu.memref_slice %arg9[%run_scoped3A_24, %dma_start3A_41, %dma_start3A_42] : memref<2x125x128xf32, #tpu.memory_space<vmem>> -> memref<1x15x128xf32, #tpu.memory_space<vmem>>
      %dma_start3A_44 = tpu.memref_squeeze %dma_start3A_43 : memref<1x15x128xf32, #tpu.memory_space<vmem>> -> memref<15x128xf32, #tpu.memory_space<vmem>>
      tpu.enqueue_dma source(%dma_start3A_44 : memref<15x128xf32, #tpu.memory_space<vmem>>) target(%dma_start3A_40 : memref<15x128xf32, #tpu.memory_space<vmem_shared>>) target_semaphore(%run_scoped3A_33 : memref<!tpu.dma_semaphore, #tpu.memory_space<semaphore_mem>>)
      %dma_wait3A = arith.constant 0 : i32
      %dma_wait3A_45 = arith.constant 0 : i32
      %dma_wait3A_46 = tpu.memref_slice %arg9[%run_scoped3A_24, %dma_wait3A, %dma_wait3A_45] : memref<2x125x128xf32, #tpu.memory_space<vmem>> -> memref<1x15x128xf32, #tpu.memory_space<vmem>>
      %dma_wait3A_47 = tpu.memref_squeeze %dma_wait3A_46 : memref<1x15x128xf32, #tpu.memory_space<vmem>> -> memref<15x128xf32, #tpu.memory_space<vmem>>
      %dma_wait3A_48 = arith.constant 0 : i32
      %dma_wait3A_49 = tpu.memref_slice %arg6[%add3A_23, %dma_wait3A_48] : memref<10240x128xf32, #tpu.memory_space<vmem_shared>> -> memref<15x128xf32, #tpu.memory_space<vmem_shared>>
      %dma_wait3A_50 = arith.constant 0 : i32
      %dma_wait3A_51 = tpu.memref_slice %arg6[%add3A_23, %dma_wait3A_50] : memref<10240x128xf32, #tpu.memory_space<vmem_shared>> -> memref<15x128xf32, #tpu.memory_space<vmem_shared>>
      %dma_wait3A_52 = arith.constant 0 : i32
      %dma_wait3A_53 = arith.constant 0 : i32
      %dma_wait3A_54 = tpu.memref_slice %arg9[%run_scoped3A_24, %dma_wait3A_52, %dma_wait3A_53] : memref<2x125x128xf32, #tpu.memory_space<vmem>> -> memref<1x15x128xf32, #tpu.memory_space<vmem>>
      %dma_wait3A_55 = tpu.memref_squeeze %dma_wait3A_54 : memref<1x15x128xf32, #tpu.memory_space<vmem>> -> memref<15x128xf32, #tpu.memory_space<vmem>>
      tpu.wait_dma2 semaphore(%run_scoped3A_33 : memref<!tpu.dma_semaphore, #tpu.memory_space<semaphore_mem>>) src(%dma_wait3A_55 : memref<15x128xf32, #tpu.memory_space<vmem>>) dst(%dma_wait3A_51 : memref<15x128xf32, #tpu.memory_space<vmem_shared>>)
      tpu.yield
    }) : () -> ()
    %barrier3A = arith.constant 0 : index
    tpu.barrier barrier_id(%barrier3A)
    "tpu.region"() ({
      %run_scoped3A_33 = tpu.sem_alloc : memref<!tpu.dma_semaphore, #tpu.memory_space<semaphore_mem>>
      %dma_start3A = arith.constant 0 : i32
      %dma_start3A_34 = arith.constant 0 : i32
      %dma_start3A_35 = tpu.memref_slice %arg3[%arg0, %arg1, %dma_start3A, %dma_start3A_34] : memref<2x16x80x125xi32, #tpu.memory_space<hbm>> -> memref<1x1x80x125xi32, #tpu.memory_space<hbm>>
      %dma_start3A_36 = tpu.memref_squeeze %dma_start3A_35 : memref<1x1x80x125xi32, #tpu.memory_space<hbm>> -> memref<80x125xi32, #tpu.memory_space<hbm>>
      %dma_start3A_37 = arith.constant 0 : i32
      %dma_start3A_38 = arith.constant 0 : i32
      %dma_start3A_39 = tpu.memref_slice %arg3[%arg0, %arg1, %dma_start3A_37, %dma_start3A_38] : memref<2x16x80x125xi32, #tpu.memory_space<hbm>> -> memref<1x1x80x125xi32, #tpu.memory_space<hbm>>
      %dma_start3A_40 = tpu.memref_squeeze %dma_start3A_39 : memref<1x1x80x125xi32, #tpu.memory_space<hbm>> -> memref<80x125xi32, #tpu.memory_space<hbm>>
      tpu.enqueue_dma source(%dma_start3A_40 : memref<80x125xi32, #tpu.memory_space<hbm>>) target(%arg7 : memref<80x125xi32, #tpu.memory_space<vmem>>) target_semaphore(%run_scoped3A_33 : memref<!tpu.dma_semaphore, #tpu.memory_space<semaphore_mem>>)
      %dma_wait3A = arith.constant 0 : i32
      %dma_wait3A_41 = arith.constant 0 : i32
      %dma_wait3A_42 = tpu.memref_slice %arg3[%arg0, %arg1, %dma_wait3A, %dma_wait3A_41] : memref<2x16x80x125xi32, #tpu.memory_space<hbm>> -> memref<1x1x80x125xi32, #tpu.memory_space<hbm>>
      %dma_wait3A_43 = tpu.memref_squeeze %dma_wait3A_42 : memref<1x1x80x125xi32, #tpu.memory_space<hbm>> -> memref<80x125xi32, #tpu.memory_space<hbm>>
      %dma_wait3A_44 = arith.constant 0 : i32
      %dma_wait3A_45 = arith.constant 0 : i32
      %dma_wait3A_46 = tpu.memref_slice %arg3[%arg0, %arg1, %dma_wait3A_44, %dma_wait3A_45] : memref<2x16x80x125xi32, #tpu.memory_space<hbm>> -> memref<1x1x80x125xi32, #tpu.memory_space<hbm>>
      %dma_wait3A_47 = tpu.memref_squeeze %dma_wait3A_46 : memref<1x1x80x125xi32, #tpu.memory_space<hbm>> -> memref<80x125xi32, #tpu.memory_space<hbm>>
      tpu.wait_dma2 semaphore(%run_scoped3A_33 : memref<!tpu.dma_semaphore, #tpu.memory_space<semaphore_mem>>) src(%dma_wait3A_47 : memref<80x125xi32, #tpu.memory_space<hbm>>) dst(%arg7 : memref<80x125xi32, #tpu.memory_space<vmem>>)
      tpu.yield
    }) : () -> ()
    %scan3A_25 = arith.constant 0 : i32
    %scan3A_26 = arith.constant 0 : i32
    %scan3A_27 = arith.constant 2 : i32
    %scan3A_28 = arith.addi %scan3A_26, %scan3A_27 : i32
    %scan3A_29 = arith.constant 1 : i32
    %scan3A_30 = scf.for %scan3A_33 = %scan3A_26 to %scan3A_28 step %scan3A_29 iter_args(%scan3A_34 = %scan3A_25) -> (i32)  : i32 {
      "tpu.region"() ({
        %run_scoped3A_55 = tpu.sem_alloc : memref<!tpu.dma_semaphore, #tpu.memory_space<semaphore_mem>>
        %dma_start3A_56 = arith.constant 0 : i32
        %dma_start3A_57 = arith.constant 0 : i32
        %dma_start3A_58 = tpu.memref_slice %arg4[%arg0, %arg1, %scan3A_33, %dma_start3A_56, %dma_start3A_57] : memref<2x16x2x40x125xi32, #tpu.memory_space<hbm>> -> memref<1x1x1x40x125xi32, #tpu.memory_space<hbm>>
        %dma_start3A_59 = tpu.memref_squeeze %dma_start3A_58 : memref<1x1x1x40x125xi32, #tpu.memory_space<hbm>> -> memref<40x125xi32, #tpu.memory_space<hbm>>
        %dma_start3A_60 = arith.constant 0 : i32
        %dma_start3A_61 = arith.constant 0 : i32
        %dma_start3A_62 = tpu.memref_slice %arg4[%arg0, %arg1, %scan3A_33, %dma_start3A_60, %dma_start3A_61] : memref<2x16x2x40x125xi32, #tpu.memory_space<hbm>> -> memref<1x1x1x40x125xi32, #tpu.memory_space<hbm>>
        %dma_start3A_63 = tpu.memref_squeeze %dma_start3A_62 : memref<1x1x1x40x125xi32, #tpu.memory_space<hbm>> -> memref<40x125xi32, #tpu.memory_space<hbm>>
        tpu.enqueue_dma source(%dma_start3A_63 : memref<40x125xi32, #tpu.memory_space<hbm>>) target(%arg8 : memref<40x125xi32, #tpu.memory_space<vmem>>) target_semaphore(%run_scoped3A_55 : memref<!tpu.dma_semaphore, #tpu.memory_space<semaphore_mem>>)
        %dma_wait3A = arith.constant 0 : i32
        %dma_wait3A_64 = arith.constant 0 : i32
        %dma_wait3A_65 = tpu.memref_slice %arg4[%arg0, %arg1, %scan3A_33, %dma_wait3A, %dma_wait3A_64] : memref<2x16x2x40x125xi32, #tpu.memory_space<hbm>> -> memref<1x1x1x40x125xi32, #tpu.memory_space<hbm>>
        %dma_wait3A_66 = tpu.memref_squeeze %dma_wait3A_65 : memref<1x1x1x40x125xi32, #tpu.memory_space<hbm>> -> memref<40x125xi32, #tpu.memory_space<hbm>>
        %dma_wait3A_67 = arith.constant 0 : i32
        %dma_wait3A_68 = arith.constant 0 : i32
        %dma_wait3A_69 = tpu.memref_slice %arg4[%arg0, %arg1, %scan3A_33, %dma_wait3A_67, %dma_wait3A_68] : memref<2x16x2x40x125xi32, #tpu.memory_space<hbm>> -> memref<1x1x1x40x125xi32, #tpu.memory_space<hbm>>
        %dma_wait3A_70 = tpu.memref_squeeze %dma_wait3A_69 : memref<1x1x1x40x125xi32, #tpu.memory_space<hbm>> -> memref<40x125xi32, #tpu.memory_space<hbm>>
        tpu.wait_dma2 semaphore(%run_scoped3A_55 : memref<!tpu.dma_semaphore, #tpu.memory_space<semaphore_mem>>) src(%dma_wait3A_70 : memref<40x125xi32, #tpu.memory_space<hbm>>) dst(%arg8 : memref<40x125xi32, #tpu.memory_space<vmem>>)
        tpu.yield
      }) : () -> ()
      %mul3A_35 = arith.constant 40 : i32
      %mul3A_36 = arith.muli %scan3A_33, %mul3A_35 : i32
      %dma_start3A = arith.constant 0 : i32
      %dma_start3A_37 = arith.constant 0 : i32
      %dma_start3A_38 = arith.constant 0 : i32
      %dma_start3A_39 = tpu.memref_slice %arg9[%dma_start3A, %dma_start3A_37, %dma_start3A_38] : memref<2x125x128xf32, #tpu.memory_space<vmem>> -> memref<1x125x128xf32, #tpu.memory_space<vmem>>
      %dma_start3A_40 = tpu.memref_squeeze %dma_start3A_39 : memref<1x125x128xf32, #tpu.memory_space<vmem>> -> memref<125x128xf32, #tpu.memory_space<vmem>>
      %dma_start3A_41 = arith.constant 0 : i32
      %dma_start3A_42 = tpu.memref_slice %arg7[%mul3A_36, %dma_start3A_41] : memref<80x125xi32, #tpu.memory_space<vmem>> -> memref<1x125xi32, #tpu.memory_space<vmem>>
      %dma_start3A_43 = tpu.memref_squeeze %dma_start3A_42 : memref<1x125xi32, #tpu.memory_space<vmem>> -> memref<125xi32, #tpu.memory_space<vmem>>
      %dma_start3A_44 = arith.constant 0 : i32
      %dma_start3A_45 = arith.constant 0 : i32
      %dma_start3A_46 = tpu.memref_slice %arg2[%dma_start3A_44, %dma_start3A_45] : memref<10000x128xf32, #tpu.memory_space<hbm>> -> memref<10000x128xf32, #tpu.memory_space<hbm>>
      tpu.enqueue_indirect_dma source(%dma_start3A_46 : memref<10000x128xf32, #tpu.memory_space<hbm>>) target(%dma_start3A_40 : memref<125x128xf32, #tpu.memory_space<vmem>>) offsets(%dma_start3A_43 : memref<125xi32, #tpu.memory_space<vmem>>) semaphore(%arg10 : memref<!tpu.dma_semaphore, #tpu.memory_space<semaphore_mem>>)
      %scan3A_47 = arith.constant 0 : i32
      %scan3A_48 = arith.constant 0 : i32
      %scan3A_49 = arith.constant 20 : i32
      %scan3A_50 = arith.addi %scan3A_48, %scan3A_49 : i32
      %scan3A_51 = arith.constant 1 : i32
      %scan3A_52 = scf.for %scan3A_55 = %scan3A_48 to %scan3A_50 step %scan3A_51 iter_args(%scan3A_56 = %scan3A_47) -> (i32)  : i32 {
        %mul3A_57 = arith.constant 2 : i32
        %mul3A_58 = arith.muli %mul3A_57, %scan3A_55 : i32
        %add3A_59 = arith.addi %mul3A_36, %mul3A_58 : i32
        %add3A_60 = arith.constant 1 : i32
        %add3A_61 = arith.addi %add3A_59, %add3A_60 : i32
        %dma_start3A_62 = arith.constant 1 : i32
        %dma_start3A_63 = arith.constant 0 : i32
        %dma_start3A_64 = arith.constant 0 : i32
        %dma_start3A_65 = tpu.memref_slice %arg9[%dma_start3A_62, %dma_start3A_63, %dma_start3A_64] : memref<2x125x128xf32, #tpu.memory_space<vmem>> -> memref<1x125x128xf32, #tpu.memory_space<vmem>>
        %dma_start3A_66 = tpu.memref_squeeze %dma_start3A_65 : memref<1x125x128xf32, #tpu.memory_space<vmem>> -> memref<125x128xf32, #tpu.memory_space<vmem>>
        %dma_start3A_67 = arith.constant 0 : i32
        %dma_start3A_68 = tpu.memref_slice %arg7[%add3A_61, %dma_start3A_67] : memref<80x125xi32, #tpu.memory_space<vmem>> -> memref<1x125xi32, #tpu.memory_space<vmem>>
        %dma_start3A_69 = tpu.memref_squeeze %dma_start3A_68 : memref<1x125xi32, #tpu.memory_space<vmem>> -> memref<125xi32, #tpu.memory_space<vmem>>
        %dma_start3A_70 = arith.constant 0 : i32
        %dma_start3A_71 = arith.constant 0 : i32
        %dma_start3A_72 = tpu.memref_slice %arg2[%dma_start3A_70, %dma_start3A_71] : memref<10000x128xf32, #tpu.memory_space<hbm>> -> memref<10000x128xf32, #tpu.memory_space<hbm>>
        tpu.enqueue_indirect_dma source(%dma_start3A_72 : memref<10000x128xf32, #tpu.memory_space<hbm>>) target(%dma_start3A_66 : memref<125x128xf32, #tpu.memory_space<vmem>>) offsets(%dma_start3A_69 : memref<125xi32, #tpu.memory_space<vmem>>) semaphore(%arg11 : memref<!tpu.dma_semaphore, #tpu.memory_space<semaphore_mem>>)
        %dma_wait3A = arith.constant 0 : i32
        %dma_wait3A_73 = arith.constant 0 : i32
        %dma_wait3A_74 = arith.constant 0 : i32
        %dma_wait3A_75 = tpu.memref_slice %arg9[%dma_wait3A, %dma_wait3A_73, %dma_wait3A_74] : memref<2x125x128xf32, #tpu.memory_space<vmem>> -> memref<1x125x128xf32, #tpu.memory_space<vmem>>
        %dma_wait3A_76 = tpu.memref_squeeze %dma_wait3A_75 : memref<1x125x128xf32, #tpu.memory_space<vmem>> -> memref<125x128xf32, #tpu.memory_space<vmem>>
        %dma_wait3A_77 = arith.constant 0 : i32
        %dma_wait3A_78 = tpu.memref_slice %arg7[%add3A_59, %dma_wait3A_77] : memref<80x125xi32, #tpu.memory_space<vmem>> -> memref<1x125xi32, #tpu.memory_space<vmem>>
        %dma_wait3A_79 = tpu.memref_squeeze %dma_wait3A_78 : memref<1x125xi32, #tpu.memory_space<vmem>> -> memref<125xi32, #tpu.memory_space<vmem>>
        %dma_wait3A_80 = arith.constant 0 : i32
        %dma_wait3A_81 = arith.constant 0 : i32
        %dma_wait3A_82 = tpu.memref_slice %arg2[%dma_wait3A_80, %dma_wait3A_81] : memref<10000x128xf32, #tpu.memory_space<hbm>> -> memref<10000x128xf32, #tpu.memory_space<hbm>>
        tpu.wait_indirect_dma semaphore(%arg10 : memref<!tpu.dma_semaphore, #tpu.memory_space<semaphore_mem>>) src(%dma_wait3A_82 : memref<10000x128xf32, #tpu.memory_space<hbm>>) dst(%dma_wait3A_76 : memref<125x128xf32, #tpu.memory_space<vmem>>)
        %mul3A_83 = arith.constant 2 : i32
        %mul3A_84 = arith.muli %mul3A_83, %scan3A_55 : i32
        %run_scoped3A_85 = arith.constant 0 : i32
        "tpu.region"() ({
          %run_scoped3A_109 = tpu.sem_alloc : memref<!tpu.dma_semaphore, #tpu.memory_space<semaphore_mem>>
          %dma_start3A_110 = arith.constant 0 : i32
          %dma_start3A_111 = arith.constant 0 : i32
          %dma_start3A_112 = tpu.memref_slice %arg9[%run_scoped3A_85, %dma_start3A_110, %dma_start3A_111] : memref<2x125x128xf32, #tpu.memory_space<vmem>> -> memref<1x125x128xf32, #tpu.memory_space<vmem>>
          %dma_start3A_113 = tpu.memref_squeeze %dma_start3A_112 : memref<1x125x128xf32, #tpu.memory_space<vmem>> -> memref<125x128xf32, #tpu.memory_space<vmem>>
          %dma_start3A_114 = arith.constant 0 : i32
          %dma_start3A_115 = tpu.memref_slice %arg8[%mul3A_84, %dma_start3A_114] : memref<40x125xi32, #tpu.memory_space<vmem>> -> memref<1x125xi32, #tpu.memory_space<vmem>>
          %dma_start3A_116 = tpu.memref_squeeze %dma_start3A_115 : memref<1x125xi32, #tpu.memory_space<vmem>> -> memref<125xi32, #tpu.memory_space<vmem>>
          %dma_start3A_117 = arith.constant 0 : i32
          %dma_start3A_118 = arith.constant 0 : i32
          %dma_start3A_119 = tpu.memref_slice %arg6[%dma_start3A_117, %dma_start3A_118] : memref<10240x128xf32, #tpu.memory_space<vmem_shared>> -> memref<10240x128xf32, #tpu.memory_space<vmem_shared>>
          tpu.enqueue_indirect_dma source(%dma_start3A_113 : memref<125x128xf32, #tpu.memory_space<vmem>>) target(%dma_start3A_119 : memref<10240x128xf32, #tpu.memory_space<vmem_shared>>) offsets(%dma_start3A_116 : memref<125xi32, #tpu.memory_space<vmem>>) semaphore(%run_scoped3A_109 : memref<!tpu.dma_semaphore, #tpu.memory_space<semaphore_mem>>) {add = true}
          %dma_wait3A_120 = arith.constant 0 : i32
          %dma_wait3A_121 = arith.constant 0 : i32
          %dma_wait3A_122 = tpu.memref_slice %arg9[%run_scoped3A_85, %dma_wait3A_120, %dma_wait3A_121] : memref<2x125x128xf32, #tpu.memory_space<vmem>> -> memref<1x125x128xf32, #tpu.memory_space<vmem>>
          %dma_wait3A_123 = tpu.memref_squeeze %dma_wait3A_122 : memref<1x125x128xf32, #tpu.memory_space<vmem>> -> memref<125x128xf32, #tpu.memory_space<vmem>>
          %dma_wait3A_124 = arith.constant 0 : i32
          %dma_wait3A_125 = tpu.memref_slice %arg8[%mul3A_84, %dma_wait3A_124] : memref<40x125xi32, #tpu.memory_space<vmem>> -> memref<1x125xi32, #tpu.memory_space<vmem>>
          %dma_wait3A_126 = tpu.memref_squeeze %dma_wait3A_125 : memref<1x125xi32, #tpu.memory_space<vmem>> -> memref<125xi32, #tpu.memory_space<vmem>>
          %dma_wait3A_127 = arith.constant 0 : i32
          %dma_wait3A_128 = arith.constant 0 : i32
          %dma_wait3A_129 = tpu.memref_slice %arg6[%dma_wait3A_127, %dma_wait3A_128] : memref<10240x128xf32, #tpu.memory_space<vmem_shared>> -> memref<10240x128xf32, #tpu.memory_space<vmem_shared>>
          tpu.wait_indirect_dma semaphore(%run_scoped3A_109 : memref<!tpu.dma_semaphore, #tpu.memory_space<semaphore_mem>>) src(%dma_wait3A_123 : memref<125x128xf32, #tpu.memory_space<vmem>>) dst(%dma_wait3A_129 : memref<10240x128xf32, #tpu.memory_space<vmem_shared>>)
          tpu.yield
        }) : () -> ()
        %mul3A_86 = arith.constant 2 : i32
        %mul3A_87 = arith.muli %mul3A_86, %scan3A_55 : i32
        %add3A_88 = arith.constant 2 : i32
        %add3A_89 = arith.addi %mul3A_87, %add3A_88 : i32
        %lt3A = arith.constant 40 : i32
        %lt3A_90 = arith.cmpi slt, %add3A_89, %lt3A : i32
        %convert_element_type3A = arith.extui %lt3A_90 : i1 to i32
        %cond3A = arith.constant 0 : i32
        %cond3A_91 = arith.cmpi ne, %convert_element_type3A, %cond3A : i32
        scf.if %cond3A_91 {
          %add3A_109 = arith.constant 1 : i32
          %add3A_110 = arith.addi %add3A_61, %add3A_109 : i32
          %dma_start3A_111 = arith.constant 0 : i32
          %dma_start3A_112 = arith.constant 0 : i32
          %dma_start3A_113 = arith.constant 0 : i32
          %dma_start3A_114 = tpu.memref_slice %arg9[%dma_start3A_111, %dma_start3A_112, %dma_start3A_113] : memref<2x125x128xf32, #tpu.memory_space<vmem>> -> memref<1x125x128xf32, #tpu.memory_space<vmem>>
          %dma_start3A_115 = tpu.memref_squeeze %dma_start3A_114 : memref<1x125x128xf32, #tpu.memory_space<vmem>> -> memref<125x128xf32, #tpu.memory_space<vmem>>
          %dma_start3A_116 = arith.constant 0 : i32
          %dma_start3A_117 = tpu.memref_slice %arg7[%add3A_110, %dma_start3A_116] : memref<80x125xi32, #tpu.memory_space<vmem>> -> memref<1x125xi32, #tpu.memory_space<vmem>>
          %dma_start3A_118 = tpu.memref_squeeze %dma_start3A_117 : memref<1x125xi32, #tpu.memory_space<vmem>> -> memref<125xi32, #tpu.memory_space<vmem>>
          %dma_start3A_119 = arith.constant 0 : i32
          %dma_start3A_120 = arith.constant 0 : i32
          %dma_start3A_121 = tpu.memref_slice %arg2[%dma_start3A_119, %dma_start3A_120] : memref<10000x128xf32, #tpu.memory_space<hbm>> -> memref<10000x128xf32, #tpu.memory_space<hbm>>
          tpu.enqueue_indirect_dma source(%dma_start3A_121 : memref<10000x128xf32, #tpu.memory_space<hbm>>) target(%dma_start3A_115 : memref<125x128xf32, #tpu.memory_space<vmem>>) offsets(%dma_start3A_118 : memref<125xi32, #tpu.memory_space<vmem>>) semaphore(%arg10 : memref<!tpu.dma_semaphore, #tpu.memory_space<semaphore_mem>>)
        } else {
        }
        %dma_wait3A_92 = arith.constant 1 : i32
        %dma_wait3A_93 = arith.constant 0 : i32
        %dma_wait3A_94 = arith.constant 0 : i32
        %dma_wait3A_95 = tpu.memref_slice %arg9[%dma_wait3A_92, %dma_wait3A_93, %dma_wait3A_94] : memref<2x125x128xf32, #tpu.memory_space<vmem>> -> memref<1x125x128xf32, #tpu.memory_space<vmem>>
        %dma_wait3A_96 = tpu.memref_squeeze %dma_wait3A_95 : memref<1x125x128xf32, #tpu.memory_space<vmem>> -> memref<125x128xf32, #tpu.memory_space<vmem>>
        %dma_wait3A_97 = arith.constant 0 : i32
        %dma_wait3A_98 = tpu.memref_slice %arg7[%add3A_61, %dma_wait3A_97] : memref<80x125xi32, #tpu.memory_space<vmem>> -> memref<1x125xi32, #tpu.memory_space<vmem>>
        %dma_wait3A_99 = tpu.memref_squeeze %dma_wait3A_98 : memref<1x125xi32, #tpu.memory_space<vmem>> -> memref<125xi32, #tpu.memory_space<vmem>>
        %dma_wait3A_100 = arith.constant 0 : i32
        %dma_wait3A_101 = arith.constant 0 : i32
        %dma_wait3A_102 = tpu.memref_slice %arg2[%dma_wait3A_100, %dma_wait3A_101] : memref<10000x128xf32, #tpu.memory_space<hbm>> -> memref<10000x128xf32, #tpu.memory_space<hbm>>
        tpu.wait_indirect_dma semaphore(%arg11 : memref<!tpu.dma_semaphore, #tpu.memory_space<semaphore_mem>>) src(%dma_wait3A_102 : memref<10000x128xf32, #tpu.memory_space<hbm>>) dst(%dma_wait3A_96 : memref<125x128xf32, #tpu.memory_space<vmem>>)
        %mul3A_103 = arith.constant 2 : i32
        %mul3A_104 = arith.muli %mul3A_103, %scan3A_55 : i32
        %add3A_105 = arith.constant 1 : i32
        %add3A_106 = arith.addi %mul3A_104, %add3A_105 : i32
        %run_scoped3A_107 = arith.constant 1 : i32
        "tpu.region"() ({
          %run_scoped3A_109 = tpu.sem_alloc : memref<!tpu.dma_semaphore, #tpu.memory_space<semaphore_mem>>
          %dma_start3A_110 = arith.constant 0 : i32
          %dma_start3A_111 = arith.constant 0 : i32
          %dma_start3A_112 = tpu.memref_slice %arg9[%run_scoped3A_107, %dma_start3A_110, %dma_start3A_111] : memref<2x125x128xf32, #tpu.memory_space<vmem>> -> memref<1x125x128xf32, #tpu.memory_space<vmem>>
          %dma_start3A_113 = tpu.memref_squeeze %dma_start3A_112 : memref<1x125x128xf32, #tpu.memory_space<vmem>> -> memref<125x128xf32, #tpu.memory_space<vmem>>
          %dma_start3A_114 = arith.constant 0 : i32
          %dma_start3A_115 = tpu.memref_slice %arg8[%add3A_106, %dma_start3A_114] : memref<40x125xi32, #tpu.memory_space<vmem>> -> memref<1x125xi32, #tpu.memory_space<vmem>>
          %dma_start3A_116 = tpu.memref_squeeze %dma_start3A_115 : memref<1x125xi32, #tpu.memory_space<vmem>> -> memref<125xi32, #tpu.memory_space<vmem>>
          %dma_start3A_117 = arith.constant 0 : i32
          %dma_start3A_118 = arith.constant 0 : i32
          %dma_start3A_119 = tpu.memref_slice %arg6[%dma_start3A_117, %dma_start3A_118] : memref<10240x128xf32, #tpu.memory_space<vmem_shared>> -> memref<10240x128xf32, #tpu.memory_space<vmem_shared>>
          tpu.enqueue_indirect_dma source(%dma_start3A_113 : memref<125x128xf32, #tpu.memory_space<vmem>>) target(%dma_start3A_119 : memref<10240x128xf32, #tpu.memory_space<vmem_shared>>) offsets(%dma_start3A_116 : memref<125xi32, #tpu.memory_space<vmem>>) semaphore(%run_scoped3A_109 : memref<!tpu.dma_semaphore, #tpu.memory_space<semaphore_mem>>) {add = true}
          %dma_wait3A_120 = arith.constant 0 : i32
          %dma_wait3A_121 = arith.constant 0 : i32
          %dma_wait3A_122 = tpu.memref_slice %arg9[%run_scoped3A_107, %dma_wait3A_120, %dma_wait3A_121] : memref<2x125x128xf32, #tpu.memory_space<vmem>> -> memref<1x125x128xf32, #tpu.memory_space<vmem>>
          %dma_wait3A_123 = tpu.memref_squeeze %dma_wait3A_122 : memref<1x125x128xf32, #tpu.memory_space<vmem>> -> memref<125x128xf32, #tpu.memory_space<vmem>>
          %dma_wait3A_124 = arith.constant 0 : i32
          %dma_wait3A_125 = tpu.memref_slice %arg8[%add3A_106, %dma_wait3A_124] : memref<40x125xi32, #tpu.memory_space<vmem>> -> memref<1x125xi32, #tpu.memory_space<vmem>>
          %dma_wait3A_126 = tpu.memref_squeeze %dma_wait3A_125 : memref<1x125xi32, #tpu.memory_space<vmem>> -> memref<125xi32, #tpu.memory_space<vmem>>
          %dma_wait3A_127 = arith.constant 0 : i32
          %dma_wait3A_128 = arith.constant 0 : i32
          %dma_wait3A_129 = tpu.memref_slice %arg6[%dma_wait3A_127, %dma_wait3A_128] : memref<10240x128xf32, #tpu.memory_space<vmem_shared>> -> memref<10240x128xf32, #tpu.memory_space<vmem_shared>>
          tpu.wait_indirect_dma semaphore(%run_scoped3A_109 : memref<!tpu.dma_semaphore, #tpu.memory_space<semaphore_mem>>) src(%dma_wait3A_123 : memref<125x128xf32, #tpu.memory_space<vmem>>) dst(%dma_wait3A_129 : memref<10240x128xf32, #tpu.memory_space<vmem_shared>>)
          tpu.yield
        }) : () -> ()
        %scan3A_108 = arith.constant 0 : i32
        scf.yield %scan3A_108 : i32
      }
      %scan3A_53 = arith.constant 20 : i32
      %scan3A_54 = arith.constant 0 : i32
      scf.yield %scan3A_54 : i32
    }
    %scan3A_31 = arith.constant 2 : i32
    %barrier3A_32 = arith.constant 0 : index
    tpu.barrier barrier_id(%barrier3A_32)
    "tpu.region"() ({
      %run_scoped3A_33 = tpu.sem_alloc : memref<!tpu.dma_semaphore, #tpu.memory_space<semaphore_mem>>
      %dma_start3A = arith.constant 0 : i32
      %dma_start3A_34 = tpu.memref_slice %arg5[%arg0, %mul3A_0, %dma_start3A] : memref<2x10240x128xf32, #tpu.memory_space<hbm>> -> memref<1x640x128xf32, #tpu.memory_space<hbm>>
      %dma_start3A_35 = tpu.memref_squeeze %dma_start3A_34 : memref<1x640x128xf32, #tpu.memory_space<hbm>> -> memref<640x128xf32, #tpu.memory_space<hbm>>
      %dma_start3A_36 = arith.constant 0 : i32
      %dma_start3A_37 = tpu.memref_slice %arg6[%mul3A_0, %dma_start3A_36] : memref<10240x128xf32, #tpu.memory_space<vmem_shared>> -> memref<640x128xf32, #tpu.memory_space<vmem_shared>>
      tpu.enqueue_dma source(%dma_start3A_37 : memref<640x128xf32, #tpu.memory_space<vmem_shared>>) target(%dma_start3A_35 : memref<640x128xf32, #tpu.memory_space<hbm>>) target_semaphore(%run_scoped3A_33 : memref<!tpu.dma_semaphore, #tpu.memory_space<semaphore_mem>>)
      %dma_wait3A = arith.constant 0 : i32
      %dma_wait3A_38 = tpu.memref_slice %arg5[%arg0, %mul3A_0, %dma_wait3A] : memref<2x10240x128xf32, #tpu.memory_space<hbm>> -> memref<1x640x128xf32, #tpu.memory_space<hbm>>
      %dma_wait3A_39 = tpu.memref_squeeze %dma_wait3A_38 : memref<1x640x128xf32, #tpu.memory_space<hbm>> -> memref<640x128xf32, #tpu.memory_space<hbm>>
      %dma_wait3A_40 = arith.constant 0 : i32
      %dma_wait3A_41 = tpu.memref_slice %arg6[%mul3A_0, %dma_wait3A_40] : memref<10240x128xf32, #tpu.memory_space<vmem_shared>> -> memref<640x128xf32, #tpu.memory_space<vmem_shared>>
      tpu.wait_dma2 semaphore(%run_scoped3A_33 : memref<!tpu.dma_semaphore, #tpu.memory_space<semaphore_mem>>) src(%dma_wait3A_41 : memref<640x128xf32, #tpu.memory_space<vmem_shared>>) dst(%dma_wait3A_39 : memref<640x128xf32, #tpu.memory_space<hbm>>)
      tpu.yield
    }) : () -> ()
    return
  }
}

#map = affine_map<(d0, d1) -> (0, 0)>
#map1 = affine_map<(d0, d1) -> (0, 0, 0, 0)>
#map2 = affine_map<(d0, d1) -> (0, 0, 0, 0, 0)>
#map3 = affine_map<(d0, d1) -> (0, 0, 0)>
module attributes {stable_mosaic.version = 14 : i64} {
  func.func @_sc_agg_body(%arg0: i32, %arg1: i32, %arg2: memref<10000x128xf32, #tpu.memory_space<hbm>>, %arg3: memref<2x16x80x125xi32, #tpu.memory_space<hbm>>, %arg4: memref<2x16x2x40x125xi32, #tpu.memory_space<hbm>>, %arg5: memref<2x10240x128xf32, #tpu.memory_space<hbm>>, %arg6: memref<10240x128xf32, #tpu.memory_space<vmem_shared>>, %arg7: memref<80x125xi32, #tpu.memory_space<vmem>>, %arg8: memref<40x125xi32, #tpu.memory_space<vmem>>, %arg9: memref<2x125x128xf32, #tpu.memory_space<vmem>>, %arg10: memref<!tpu.dma_semaphore, #tpu.memory_space<semaphore_mem>>, %arg11: memref<!tpu.dma_semaphore, #tpu.memory_space<semaphore_mem>>) attributes {dimension_semantics = [#tpu.dimension_semantics<core_parallel>, #tpu.dimension_semantics<subcore_parallel>], iteration_bounds = array<i64: 2, 16>, scalar_prefetch = 0 : i64, scratch_operands = 6 : i64, tpu.core_type = #tpu.core_type<sc_vector_subcore>, window_params = [{transform_indices = #map}, {transform_indices = #map1}, {transform_indices = #map2}, {transform_indices = #map3}]} {
    %mul3A = arith.constant 640 : i32
    %mul3A_0 = arith.muli %arg1, %mul3A : i32
    %broadcast_in_dim3A = arith.constant 0.000000e+00 : f32
    %broadcast_in_dim3A_1 = vector.broadcast %broadcast_in_dim3A : f32 to vector<16xf32>
    %scan3A = arith.constant 0 : i32
    %scan3A_2 = arith.constant 0 : i32
    %scan3A_3 = arith.constant 0 : i32
    %scan3A_4 = arith.constant 125 : i32
    %scan3A_5 = arith.addi %scan3A_3, %scan3A_4 : i32
    %scan3A_6 = arith.constant 1 : i32
    %scan3A_7 = scf.for %scan3A_33 = %scan3A_3 to %scan3A_5 step %scan3A_6 iter_args(%scan3A_34 = %scan3A_2) -> (i32)  : i32 {
      %swap3A = arith.constant 0 : i32
      %swap3A_35 = arith.constant 0 : i32
      %swap3A_36 = tpu.memref_slice %arg9[%scan3A, %swap3A, %swap3A_35] : memref<2x125x128xf32, #tpu.memory_space<vmem>> -> memref<1x125x128xf32, #tpu.memory_space<vmem>>
      %swap3A_37 = tpu.memref_squeeze %swap3A_36 : memref<1x125x128xf32, #tpu.memory_space<vmem>> -> memref<125x128xf32, #tpu.memory_space<vmem>>
      %swap3A_38 = arith.index_cast %scan3A_33 : i32 to index
      %swap3A_39 = arith.constant 0 : index
      %swap3A_40 = tpu.vector_load %swap3A_37[%swap3A_38, %swap3A_39] {strides = array<i32>} : memref<125x128xf32, #tpu.memory_space<vmem>>, vector<1x16xf32>,
      %swap3A_41 = vector.shape_cast %swap3A_40 : vector<1x16xf32> to vector<16xf32>
      %swap3A_42 = vector.shape_cast %broadcast_in_dim3A_1 : vector<16xf32> to vector<1x16xf32>
      tpu.vector_store %swap3A_37[%swap3A_38, %swap3A_39], %swap3A_42 {strides = array<i32>} : memref<125x128xf32, #tpu.memory_space<vmem>>, vector<1x16xf32>,
      %swap3A_43 = arith.constant 0 : i32
      %swap3A_44 = arith.constant 0 : i32
      %swap3A_45 = tpu.memref_slice %arg9[%scan3A, %swap3A_43, %swap3A_44] : memref<2x125x128xf32, #tpu.memory_space<vmem>> -> memref<1x125x128xf32, #tpu.memory_space<vmem>>
      %swap3A_46 = tpu.memref_squeeze %swap3A_45 : memref<1x125x128xf32, #tpu.memory_space<vmem>> -> memref<125x128xf32, #tpu.memory_space<vmem>>
      %swap3A_47 = arith.index_cast %scan3A_33 : i32 to index
      %swap3A_48 = arith.constant 16 : index
      %swap3A_49 = tpu.vector_load %swap3A_46[%swap3A_47, %swap3A_48] {strides = array<i32>} : memref<125x128xf32, #tpu.memory_space<vmem>>, vector<1x16xf32>,
      %swap3A_50 = vector.shape_cast %swap3A_49 : vector<1x16xf32> to vector<16xf32>
      %swap3A_51 = vector.shape_cast %broadcast_in_dim3A_1 : vector<16xf32> to vector<1x16xf32>
      tpu.vector_store %swap3A_46[%swap3A_47, %swap3A_48], %swap3A_51 {strides = array<i32>} : memref<125x128xf32, #tpu.memory_space<vmem>>, vector<1x16xf32>,
      %swap3A_52 = arith.constant 0 : i32
      %swap3A_53 = arith.constant 0 : i32
      %swap3A_54 = tpu.memref_slice %arg9[%scan3A, %swap3A_52, %swap3A_53] : memref<2x125x128xf32, #tpu.memory_space<vmem>> -> memref<1x125x128xf32, #tpu.memory_space<vmem>>
      %swap3A_55 = tpu.memref_squeeze %swap3A_54 : memref<1x125x128xf32, #tpu.memory_space<vmem>> -> memref<125x128xf32, #tpu.memory_space<vmem>>
      %swap3A_56 = arith.index_cast %scan3A_33 : i32 to index
      %swap3A_57 = arith.constant 32 : index
      %swap3A_58 = tpu.vector_load %swap3A_55[%swap3A_56, %swap3A_57] {strides = array<i32>} : memref<125x128xf32, #tpu.memory_space<vmem>>, vector<1x16xf32>,
      %swap3A_59 = vector.shape_cast %swap3A_58 : vector<1x16xf32> to vector<16xf32>
      %swap3A_60 = vector.shape_cast %broadcast_in_dim3A_1 : vector<16xf32> to vector<1x16xf32>
      tpu.vector_store %swap3A_55[%swap3A_56, %swap3A_57], %swap3A_60 {strides = array<i32>} : memref<125x128xf32, #tpu.memory_space<vmem>>, vector<1x16xf32>,
      %swap3A_61 = arith.constant 0 : i32
      %swap3A_62 = arith.constant 0 : i32
      %swap3A_63 = tpu.memref_slice %arg9[%scan3A, %swap3A_61, %swap3A_62] : memref<2x125x128xf32, #tpu.memory_space<vmem>> -> memref<1x125x128xf32, #tpu.memory_space<vmem>>
      %swap3A_64 = tpu.memref_squeeze %swap3A_63 : memref<1x125x128xf32, #tpu.memory_space<vmem>> -> memref<125x128xf32, #tpu.memory_space<vmem>>
      %swap3A_65 = arith.index_cast %scan3A_33 : i32 to index
      %swap3A_66 = arith.constant 48 : index
      %swap3A_67 = tpu.vector_load %swap3A_64[%swap3A_65, %swap3A_66] {strides = array<i32>} : memref<125x128xf32, #tpu.memory_space<vmem>>, vector<1x16xf32>,
      %swap3A_68 = vector.shape_cast %swap3A_67 : vector<1x16xf32> to vector<16xf32>
      %swap3A_69 = vector.shape_cast %broadcast_in_dim3A_1 : vector<16xf32> to vector<1x16xf32>
      tpu.vector_store %swap3A_64[%swap3A_65, %swap3A_66], %swap3A_69 {strides = array<i32>} : memref<125x128xf32, #tpu.memory_space<vmem>>, vector<1x16xf32>,
      %swap3A_70 = arith.constant 0 : i32
      %swap3A_71 = arith.constant 0 : i32
      %swap3A_72 = tpu.memref_slice %arg9[%scan3A, %swap3A_70, %swap3A_71] : memref<2x125x128xf32, #tpu.memory_space<vmem>> -> memref<1x125x128xf32, #tpu.memory_space<vmem>>
      %swap3A_73 = tpu.memref_squeeze %swap3A_72 : memref<1x125x128xf32, #tpu.memory_space<vmem>> -> memref<125x128xf32, #tpu.memory_space<vmem>>
      %swap3A_74 = arith.index_cast %scan3A_33 : i32 to index
      %swap3A_75 = arith.constant 64 : index
      %swap3A_76 = tpu.vector_load %swap3A_73[%swap3A_74, %swap3A_75] {strides = array<i32>} : memref<125x128xf32, #tpu.memory_space<vmem>>, vector<1x16xf32>,
      %swap3A_77 = vector.shape_cast %swap3A_76 : vector<1x16xf32> to vector<16xf32>
      %swap3A_78 = vector.shape_cast %broadcast_in_dim3A_1 : vector<16xf32> to vector<1x16xf32>
      tpu.vector_store %swap3A_73[%swap3A_74, %swap3A_75], %swap3A_78 {strides = array<i32>} : memref<125x128xf32, #tpu.memory_space<vmem>>, vector<1x16xf32>,
      %swap3A_79 = arith.constant 0 : i32
      %swap3A_80 = arith.constant 0 : i32
      %swap3A_81 = tpu.memref_slice %arg9[%scan3A, %swap3A_79, %swap3A_80] : memref<2x125x128xf32, #tpu.memory_space<vmem>> -> memref<1x125x128xf32, #tpu.memory_space<vmem>>
      %swap3A_82 = tpu.memref_squeeze %swap3A_81 : memref<1x125x128xf32, #tpu.memory_space<vmem>> -> memref<125x128xf32, #tpu.memory_space<vmem>>
      %swap3A_83 = arith.index_cast %scan3A_33 : i32 to index
      %swap3A_84 = arith.constant 80 : index
      %swap3A_85 = tpu.vector_load %swap3A_82[%swap3A_83, %swap3A_84] {strides = array<i32>} : memref<125x128xf32, #tpu.memory_space<vmem>>, vector<1x16xf32>,
      %swap3A_86 = vector.shape_cast %swap3A_85 : vector<1x16xf32> to vector<16xf32>
      %swap3A_87 = vector.shape_cast %broadcast_in_dim3A_1 : vector<16xf32> to vector<1x16xf32>
      tpu.vector_store %swap3A_82[%swap3A_83, %swap3A_84], %swap3A_87 {strides = array<i32>} : memref<125x128xf32, #tpu.memory_space<vmem>>, vector<1x16xf32>,
      %swap3A_88 = arith.constant 0 : i32
      %swap3A_89 = arith.constant 0 : i32
      %swap3A_90 = tpu.memref_slice %arg9[%scan3A, %swap3A_88, %swap3A_89] : memref<2x125x128xf32, #tpu.memory_space<vmem>> -> memref<1x125x128xf32, #tpu.memory_space<vmem>>
      %swap3A_91 = tpu.memref_squeeze %swap3A_90 : memref<1x125x128xf32, #tpu.memory_space<vmem>> -> memref<125x128xf32, #tpu.memory_space<vmem>>
      %swap3A_92 = arith.index_cast %scan3A_33 : i32 to index
      %swap3A_93 = arith.constant 96 : index
      %swap3A_94 = tpu.vector_load %swap3A_91[%swap3A_92, %swap3A_93] {strides = array<i32>} : memref<125x128xf32, #tpu.memory_space<vmem>>, vector<1x16xf32>,
      %swap3A_95 = vector.shape_cast %swap3A_94 : vector<1x16xf32> to vector<16xf32>
      %swap3A_96 = vector.shape_cast %broadcast_in_dim3A_1 : vector<16xf32> to vector<1x16xf32>
      tpu.vector_store %swap3A_91[%swap3A_92, %swap3A_93], %swap3A_96 {strides = array<i32>} : memref<125x128xf32, #tpu.memory_space<vmem>>, vector<1x16xf32>,
      %swap3A_97 = arith.constant 0 : i32
      %swap3A_98 = arith.constant 0 : i32
      %swap3A_99 = tpu.memref_slice %arg9[%scan3A, %swap3A_97, %swap3A_98] : memref<2x125x128xf32, #tpu.memory_space<vmem>> -> memref<1x125x128xf32, #tpu.memory_space<vmem>>
      %swap3A_100 = tpu.memref_squeeze %swap3A_99 : memref<1x125x128xf32, #tpu.memory_space<vmem>> -> memref<125x128xf32, #tpu.memory_space<vmem>>
      %swap3A_101 = arith.index_cast %scan3A_33 : i32 to index
      %swap3A_102 = arith.constant 112 : index
      %swap3A_103 = tpu.vector_load %swap3A_100[%swap3A_101, %swap3A_102] {strides = array<i32>} : memref<125x128xf32, #tpu.memory_space<vmem>>, vector<1x16xf32>,
      %swap3A_104 = vector.shape_cast %swap3A_103 : vector<1x16xf32> to vector<16xf32>
      %swap3A_105 = vector.shape_cast %broadcast_in_dim3A_1 : vector<16xf32> to vector<1x16xf32>
      tpu.vector_store %swap3A_100[%swap3A_101, %swap3A_102], %swap3A_105 {strides = array<i32>} : memref<125x128xf32, #tpu.memory_space<vmem>>, vector<1x16xf32>,
      %scan3A_106 = arith.constant 0 : i32
      scf.yield %scan3A_106 : i32
    }
    %scan3A_8 = arith.constant 125 : i32
    %add3A = arith.constant 0 : i32
    %add3A_9 = arith.addi %mul3A_0, %add3A : i32
    %run_scoped3A = arith.constant 0 : i32
    "tpu.region"() ({
      %run_scoped3A_33 = tpu.sem_alloc : memref<!tpu.dma_semaphore, #tpu.memory_space<semaphore_mem>>
      %dma_start3A = arith.constant 0 : i32
      %dma_start3A_34 = arith.constant 0 : i32
      %dma_start3A_35 = tpu.memref_slice %arg9[%run_scoped3A, %dma_start3A, %dma_start3A_34] : memref<2x125x128xf32, #tpu.memory_space<vmem>> -> memref<1x125x128xf32, #tpu.memory_space<vmem>>
      %dma_start3A_36 = tpu.memref_squeeze %dma_start3A_35 : memref<1x125x128xf32, #tpu.memory_space<vmem>> -> memref<125x128xf32, #tpu.memory_space<vmem>>
      %dma_start3A_37 = arith.constant 0 : i32
      %dma_start3A_38 = tpu.memref_slice %arg6[%add3A_9, %dma_start3A_37] : memref<10240x128xf32, #tpu.memory_space<vmem_shared>> -> memref<125x128xf32, #tpu.memory_space<vmem_shared>>
      %dma_start3A_39 = arith.constant 0 : i32
      %dma_start3A_40 = tpu.memref_slice %arg6[%add3A_9, %dma_start3A_39] : memref<10240x128xf32, #tpu.memory_space<vmem_shared>> -> memref<125x128xf32, #tpu.memory_space<vmem_shared>>
      %dma_start3A_41 = arith.constant 0 : i32
      %dma_start3A_42 = arith.constant 0 : i32
      %dma_start3A_43 = tpu.memref_slice %arg9[%run_scoped3A, %dma_start3A_41, %dma_start3A_42] : memref<2x125x128xf32, #tpu.memory_space<vmem>> -> memref<1x125x128xf32, #tpu.memory_space<vmem>>
      %dma_start3A_44 = tpu.memref_squeeze %dma_start3A_43 : memref<1x125x128xf32, #tpu.memory_space<vmem>> -> memref<125x128xf32, #tpu.memory_space<vmem>>
      tpu.enqueue_dma source(%dma_start3A_44 : memref<125x128xf32, #tpu.memory_space<vmem>>) target(%dma_start3A_40 : memref<125x128xf32, #tpu.memory_space<vmem_shared>>) target_semaphore(%run_scoped3A_33 : memref<!tpu.dma_semaphore, #tpu.memory_space<semaphore_mem>>)
      %dma_wait3A = arith.constant 0 : i32
      %dma_wait3A_45 = arith.constant 0 : i32
      %dma_wait3A_46 = tpu.memref_slice %arg9[%run_scoped3A, %dma_wait3A, %dma_wait3A_45] : memref<2x125x128xf32, #tpu.memory_space<vmem>> -> memref<1x125x128xf32, #tpu.memory_space<vmem>>
      %dma_wait3A_47 = tpu.memref_squeeze %dma_wait3A_46 : memref<1x125x128xf32, #tpu.memory_space<vmem>> -> memref<125x128xf32, #tpu.memory_space<vmem>>
      %dma_wait3A_48 = arith.constant 0 : i32
      %dma_wait3A_49 = tpu.memref_slice %arg6[%add3A_9, %dma_wait3A_48] : memref<10240x128xf32, #tpu.memory_space<vmem_shared>> -> memref<125x128xf32, #tpu.memory_space<vmem_shared>>
      %dma_wait3A_50 = arith.constant 0 : i32
      %dma_wait3A_51 = tpu.memref_slice %arg6[%add3A_9, %dma_wait3A_50] : memref<10240x128xf32, #tpu.memory_space<vmem_shared>> -> memref<125x128xf32, #tpu.memory_space<vmem_shared>>
      %dma_wait3A_52 = arith.constant 0 : i32
      %dma_wait3A_53 = arith.constant 0 : i32
      %dma_wait3A_54 = tpu.memref_slice %arg9[%run_scoped3A, %dma_wait3A_52, %dma_wait3A_53] : memref<2x125x128xf32, #tpu.memory_space<vmem>> -> memref<1x125x128xf32, #tpu.memory_space<vmem>>
      %dma_wait3A_55 = tpu.memref_squeeze %dma_wait3A_54 : memref<1x125x128xf32, #tpu.memory_space<vmem>> -> memref<125x128xf32, #tpu.memory_space<vmem>>
      tpu.wait_dma2 semaphore(%run_scoped3A_33 : memref<!tpu.dma_semaphore, #tpu.memory_space<semaphore_mem>>) src(%dma_wait3A_55 : memref<125x128xf32, #tpu.memory_space<vmem>>) dst(%dma_wait3A_51 : memref<125x128xf32, #tpu.memory_space<vmem_shared>>)
      tpu.yield
    }) : () -> ()
    %add3A_10 = arith.constant 125 : i32
    %add3A_11 = arith.addi %mul3A_0, %add3A_10 : i32
    %run_scoped3A_12 = arith.constant 0 : i32
    "tpu.region"() ({
      %run_scoped3A_33 = tpu.sem_alloc : memref<!tpu.dma_semaphore, #tpu.memory_space<semaphore_mem>>
      %dma_start3A = arith.constant 0 : i32
      %dma_start3A_34 = arith.constant 0 : i32
      %dma_start3A_35 = tpu.memref_slice %arg9[%run_scoped3A_12, %dma_start3A, %dma_start3A_34] : memref<2x125x128xf32, #tpu.memory_space<vmem>> -> memref<1x125x128xf32, #tpu.memory_space<vmem>>
      %dma_start3A_36 = tpu.memref_squeeze %dma_start3A_35 : memref<1x125x128xf32, #tpu.memory_space<vmem>> -> memref<125x128xf32, #tpu.memory_space<vmem>>
      %dma_start3A_37 = arith.constant 0 : i32
      %dma_start3A_38 = tpu.memref_slice %arg6[%add3A_11, %dma_start3A_37] : memref<10240x128xf32, #tpu.memory_space<vmem_shared>> -> memref<125x128xf32, #tpu.memory_space<vmem_shared>>
      %dma_start3A_39 = arith.constant 0 : i32
      %dma_start3A_40 = tpu.memref_slice %arg6[%add3A_11, %dma_start3A_39] : memref<10240x128xf32, #tpu.memory_space<vmem_shared>> -> memref<125x128xf32, #tpu.memory_space<vmem_shared>>
      %dma_start3A_41 = arith.constant 0 : i32
      %dma_start3A_42 = arith.constant 0 : i32
      %dma_start3A_43 = tpu.memref_slice %arg9[%run_scoped3A_12, %dma_start3A_41, %dma_start3A_42] : memref<2x125x128xf32, #tpu.memory_space<vmem>> -> memref<1x125x128xf32, #tpu.memory_space<vmem>>
      %dma_start3A_44 = tpu.memref_squeeze %dma_start3A_43 : memref<1x125x128xf32, #tpu.memory_space<vmem>> -> memref<125x128xf32, #tpu.memory_space<vmem>>
      tpu.enqueue_dma source(%dma_start3A_44 : memref<125x128xf32, #tpu.memory_space<vmem>>) target(%dma_start3A_40 : memref<125x128xf32, #tpu.memory_space<vmem_shared>>) target_semaphore(%run_scoped3A_33 : memref<!tpu.dma_semaphore, #tpu.memory_space<semaphore_mem>>)
      %dma_wait3A = arith.constant 0 : i32
      %dma_wait3A_45 = arith.constant 0 : i32
      %dma_wait3A_46 = tpu.memref_slice %arg9[%run_scoped3A_12, %dma_wait3A, %dma_wait3A_45] : memref<2x125x128xf32, #tpu.memory_space<vmem>> -> memref<1x125x128xf32, #tpu.memory_space<vmem>>
      %dma_wait3A_47 = tpu.memref_squeeze %dma_wait3A_46 : memref<1x125x128xf32, #tpu.memory_space<vmem>> -> memref<125x128xf32, #tpu.memory_space<vmem>>
      %dma_wait3A_48 = arith.constant 0 : i32
      %dma_wait3A_49 = tpu.memref_slice %arg6[%add3A_11, %dma_wait3A_48] : memref<10240x128xf32, #tpu.memory_space<vmem_shared>> -> memref<125x128xf32, #tpu.memory_space<vmem_shared>>
      %dma_wait3A_50 = arith.constant 0 : i32
      %dma_wait3A_51 = tpu.memref_slice %arg6[%add3A_11, %dma_wait3A_50] : memref<10240x128xf32, #tpu.memory_space<vmem_shared>> -> memref<125x128xf32, #tpu.memory_space<vmem_shared>>
      %dma_wait3A_52 = arith.constant 0 : i32
      %dma_wait3A_53 = arith.constant 0 : i32
      %dma_wait3A_54 = tpu.memref_slice %arg9[%run_scoped3A_12, %dma_wait3A_52, %dma_wait3A_53] : memref<2x125x128xf32, #tpu.memory_space<vmem>> -> memref<1x125x128xf32, #tpu.memory_space<vmem>>
      %dma_wait3A_55 = tpu.memref_squeeze %dma_wait3A_54 : memref<1x125x128xf32, #tpu.memory_space<vmem>> -> memref<125x128xf32, #tpu.memory_space<vmem>>
      tpu.wait_dma2 semaphore(%run_scoped3A_33 : memref<!tpu.dma_semaphore, #tpu.memory_space<semaphore_mem>>) src(%dma_wait3A_55 : memref<125x128xf32, #tpu.memory_space<vmem>>) dst(%dma_wait3A_51 : memref<125x128xf32, #tpu.memory_space<vmem_shared>>)
      tpu.yield
    }) : () -> ()
    %add3A_13 = arith.constant 250 : i32
    %add3A_14 = arith.addi %mul3A_0, %add3A_13 : i32
    %run_scoped3A_15 = arith.constant 0 : i32
    "tpu.region"() ({
      %run_scoped3A_33 = tpu.sem_alloc : memref<!tpu.dma_semaphore, #tpu.memory_space<semaphore_mem>>
      %dma_start3A = arith.constant 0 : i32
      %dma_start3A_34 = arith.constant 0 : i32
      %dma_start3A_35 = tpu.memref_slice %arg9[%run_scoped3A_15, %dma_start3A, %dma_start3A_34] : memref<2x125x128xf32, #tpu.memory_space<vmem>> -> memref<1x125x128xf32, #tpu.memory_space<vmem>>
      %dma_start3A_36 = tpu.memref_squeeze %dma_start3A_35 : memref<1x125x128xf32, #tpu.memory_space<vmem>> -> memref<125x128xf32, #tpu.memory_space<vmem>>
      %dma_start3A_37 = arith.constant 0 : i32
      %dma_start3A_38 = tpu.memref_slice %arg6[%add3A_14, %dma_start3A_37] : memref<10240x128xf32, #tpu.memory_space<vmem_shared>> -> memref<125x128xf32, #tpu.memory_space<vmem_shared>>
      %dma_start3A_39 = arith.constant 0 : i32
      %dma_start3A_40 = tpu.memref_slice %arg6[%add3A_14, %dma_start3A_39] : memref<10240x128xf32, #tpu.memory_space<vmem_shared>> -> memref<125x128xf32, #tpu.memory_space<vmem_shared>>
      %dma_start3A_41 = arith.constant 0 : i32
      %dma_start3A_42 = arith.constant 0 : i32
      %dma_start3A_43 = tpu.memref_slice %arg9[%run_scoped3A_15, %dma_start3A_41, %dma_start3A_42] : memref<2x125x128xf32, #tpu.memory_space<vmem>> -> memref<1x125x128xf32, #tpu.memory_space<vmem>>
      %dma_start3A_44 = tpu.memref_squeeze %dma_start3A_43 : memref<1x125x128xf32, #tpu.memory_space<vmem>> -> memref<125x128xf32, #tpu.memory_space<vmem>>
      tpu.enqueue_dma source(%dma_start3A_44 : memref<125x128xf32, #tpu.memory_space<vmem>>) target(%dma_start3A_40 : memref<125x128xf32, #tpu.memory_space<vmem_shared>>) target_semaphore(%run_scoped3A_33 : memref<!tpu.dma_semaphore, #tpu.memory_space<semaphore_mem>>)
      %dma_wait3A = arith.constant 0 : i32
      %dma_wait3A_45 = arith.constant 0 : i32
      %dma_wait3A_46 = tpu.memref_slice %arg9[%run_scoped3A_15, %dma_wait3A, %dma_wait3A_45] : memref<2x125x128xf32, #tpu.memory_space<vmem>> -> memref<1x125x128xf32, #tpu.memory_space<vmem>>
      %dma_wait3A_47 = tpu.memref_squeeze %dma_wait3A_46 : memref<1x125x128xf32, #tpu.memory_space<vmem>> -> memref<125x128xf32, #tpu.memory_space<vmem>>
      %dma_wait3A_48 = arith.constant 0 : i32
      %dma_wait3A_49 = tpu.memref_slice %arg6[%add3A_14, %dma_wait3A_48] : memref<10240x128xf32, #tpu.memory_space<vmem_shared>> -> memref<125x128xf32, #tpu.memory_space<vmem_shared>>
      %dma_wait3A_50 = arith.constant 0 : i32
      %dma_wait3A_51 = tpu.memref_slice %arg6[%add3A_14, %dma_wait3A_50] : memref<10240x128xf32, #tpu.memory_space<vmem_shared>> -> memref<125x128xf32, #tpu.memory_space<vmem_shared>>
      %dma_wait3A_52 = arith.constant 0 : i32
      %dma_wait3A_53 = arith.constant 0 : i32
      %dma_wait3A_54 = tpu.memref_slice %arg9[%run_scoped3A_15, %dma_wait3A_52, %dma_wait3A_53] : memref<2x125x128xf32, #tpu.memory_space<vmem>> -> memref<1x125x128xf32, #tpu.memory_space<vmem>>
      %dma_wait3A_55 = tpu.memref_squeeze %dma_wait3A_54 : memref<1x125x128xf32, #tpu.memory_space<vmem>> -> memref<125x128xf32, #tpu.memory_space<vmem>>
      tpu.wait_dma2 semaphore(%run_scoped3A_33 : memref<!tpu.dma_semaphore, #tpu.memory_space<semaphore_mem>>) src(%dma_wait3A_55 : memref<125x128xf32, #tpu.memory_space<vmem>>) dst(%dma_wait3A_51 : memref<125x128xf32, #tpu.memory_space<vmem_shared>>)
      tpu.yield
    }) : () -> ()
    %add3A_16 = arith.constant 375 : i32
    %add3A_17 = arith.addi %mul3A_0, %add3A_16 : i32
    %run_scoped3A_18 = arith.constant 0 : i32
    "tpu.region"() ({
      %run_scoped3A_33 = tpu.sem_alloc : memref<!tpu.dma_semaphore, #tpu.memory_space<semaphore_mem>>
      %dma_start3A = arith.constant 0 : i32
      %dma_start3A_34 = arith.constant 0 : i32
      %dma_start3A_35 = tpu.memref_slice %arg9[%run_scoped3A_18, %dma_start3A, %dma_start3A_34] : memref<2x125x128xf32, #tpu.memory_space<vmem>> -> memref<1x125x128xf32, #tpu.memory_space<vmem>>
      %dma_start3A_36 = tpu.memref_squeeze %dma_start3A_35 : memref<1x125x128xf32, #tpu.memory_space<vmem>> -> memref<125x128xf32, #tpu.memory_space<vmem>>
      %dma_start3A_37 = arith.constant 0 : i32
      %dma_start3A_38 = tpu.memref_slice %arg6[%add3A_17, %dma_start3A_37] : memref<10240x128xf32, #tpu.memory_space<vmem_shared>> -> memref<125x128xf32, #tpu.memory_space<vmem_shared>>
      %dma_start3A_39 = arith.constant 0 : i32
      %dma_start3A_40 = tpu.memref_slice %arg6[%add3A_17, %dma_start3A_39] : memref<10240x128xf32, #tpu.memory_space<vmem_shared>> -> memref<125x128xf32, #tpu.memory_space<vmem_shared>>
      %dma_start3A_41 = arith.constant 0 : i32
      %dma_start3A_42 = arith.constant 0 : i32
      %dma_start3A_43 = tpu.memref_slice %arg9[%run_scoped3A_18, %dma_start3A_41, %dma_start3A_42] : memref<2x125x128xf32, #tpu.memory_space<vmem>> -> memref<1x125x128xf32, #tpu.memory_space<vmem>>
      %dma_start3A_44 = tpu.memref_squeeze %dma_start3A_43 : memref<1x125x128xf32, #tpu.memory_space<vmem>> -> memref<125x128xf32, #tpu.memory_space<vmem>>
      tpu.enqueue_dma source(%dma_start3A_44 : memref<125x128xf32, #tpu.memory_space<vmem>>) target(%dma_start3A_40 : memref<125x128xf32, #tpu.memory_space<vmem_shared>>) target_semaphore(%run_scoped3A_33 : memref<!tpu.dma_semaphore, #tpu.memory_space<semaphore_mem>>)
      %dma_wait3A = arith.constant 0 : i32
      %dma_wait3A_45 = arith.constant 0 : i32
      %dma_wait3A_46 = tpu.memref_slice %arg9[%run_scoped3A_18, %dma_wait3A, %dma_wait3A_45] : memref<2x125x128xf32, #tpu.memory_space<vmem>> -> memref<1x125x128xf32, #tpu.memory_space<vmem>>
      %dma_wait3A_47 = tpu.memref_squeeze %dma_wait3A_46 : memref<1x125x128xf32, #tpu.memory_space<vmem>> -> memref<125x128xf32, #tpu.memory_space<vmem>>
      %dma_wait3A_48 = arith.constant 0 : i32
      %dma_wait3A_49 = tpu.memref_slice %arg6[%add3A_17, %dma_wait3A_48] : memref<10240x128xf32, #tpu.memory_space<vmem_shared>> -> memref<125x128xf32, #tpu.memory_space<vmem_shared>>
      %dma_wait3A_50 = arith.constant 0 : i32
      %dma_wait3A_51 = tpu.memref_slice %arg6[%add3A_17, %dma_wait3A_50] : memref<10240x128xf32, #tpu.memory_space<vmem_shared>> -> memref<125x128xf32, #tpu.memory_space<vmem_shared>>
      %dma_wait3A_52 = arith.constant 0 : i32
      %dma_wait3A_53 = arith.constant 0 : i32
      %dma_wait3A_54 = tpu.memref_slice %arg9[%run_scoped3A_18, %dma_wait3A_52, %dma_wait3A_53] : memref<2x125x128xf32, #tpu.memory_space<vmem>> -> memref<1x125x128xf32, #tpu.memory_space<vmem>>
      %dma_wait3A_55 = tpu.memref_squeeze %dma_wait3A_54 : memref<1x125x128xf32, #tpu.memory_space<vmem>> -> memref<125x128xf32, #tpu.memory_space<vmem>>
      tpu.wait_dma2 semaphore(%run_scoped3A_33 : memref<!tpu.dma_semaphore, #tpu.memory_space<semaphore_mem>>) src(%dma_wait3A_55 : memref<125x128xf32, #tpu.memory_space<vmem>>) dst(%dma_wait3A_51 : memref<125x128xf32, #tpu.memory_space<vmem_shared>>)
      tpu.yield
    }) : () -> ()
    %add3A_19 = arith.constant 500 : i32
    %add3A_20 = arith.addi %mul3A_0, %add3A_19 : i32
    %run_scoped3A_21 = arith.constant 0 : i32
    "tpu.region"() ({
      %run_scoped3A_33 = tpu.sem_alloc : memref<!tpu.dma_semaphore, #tpu.memory_space<semaphore_mem>>
      %dma_start3A = arith.constant 0 : i32
      %dma_start3A_34 = arith.constant 0 : i32
      %dma_start3A_35 = tpu.memref_slice %arg9[%run_scoped3A_21, %dma_start3A, %dma_start3A_34] : memref<2x125x128xf32, #tpu.memory_space<vmem>> -> memref<1x125x128xf32, #tpu.memory_space<vmem>>
      %dma_start3A_36 = tpu.memref_squeeze %dma_start3A_35 : memref<1x125x128xf32, #tpu.memory_space<vmem>> -> memref<125x128xf32, #tpu.memory_space<vmem>>
      %dma_start3A_37 = arith.constant 0 : i32
      %dma_start3A_38 = tpu.memref_slice %arg6[%add3A_20, %dma_start3A_37] : memref<10240x128xf32, #tpu.memory_space<vmem_shared>> -> memref<125x128xf32, #tpu.memory_space<vmem_shared>>
      %dma_start3A_39 = arith.constant 0 : i32
      %dma_start3A_40 = tpu.memref_slice %arg6[%add3A_20, %dma_start3A_39] : memref<10240x128xf32, #tpu.memory_space<vmem_shared>> -> memref<125x128xf32, #tpu.memory_space<vmem_shared>>
      %dma_start3A_41 = arith.constant 0 : i32
      %dma_start3A_42 = arith.constant 0 : i32
      %dma_start3A_43 = tpu.memref_slice %arg9[%run_scoped3A_21, %dma_start3A_41, %dma_start3A_42] : memref<2x125x128xf32, #tpu.memory_space<vmem>> -> memref<1x125x128xf32, #tpu.memory_space<vmem>>
      %dma_start3A_44 = tpu.memref_squeeze %dma_start3A_43 : memref<1x125x128xf32, #tpu.memory_space<vmem>> -> memref<125x128xf32, #tpu.memory_space<vmem>>
      tpu.enqueue_dma source(%dma_start3A_44 : memref<125x128xf32, #tpu.memory_space<vmem>>) target(%dma_start3A_40 : memref<125x128xf32, #tpu.memory_space<vmem_shared>>) target_semaphore(%run_scoped3A_33 : memref<!tpu.dma_semaphore, #tpu.memory_space<semaphore_mem>>)
      %dma_wait3A = arith.constant 0 : i32
      %dma_wait3A_45 = arith.constant 0 : i32
      %dma_wait3A_46 = tpu.memref_slice %arg9[%run_scoped3A_21, %dma_wait3A, %dma_wait3A_45] : memref<2x125x128xf32, #tpu.memory_space<vmem>> -> memref<1x125x128xf32, #tpu.memory_space<vmem>>
      %dma_wait3A_47 = tpu.memref_squeeze %dma_wait3A_46 : memref<1x125x128xf32, #tpu.memory_space<vmem>> -> memref<125x128xf32, #tpu.memory_space<vmem>>
      %dma_wait3A_48 = arith.constant 0 : i32
      %dma_wait3A_49 = tpu.memref_slice %arg6[%add3A_20, %dma_wait3A_48] : memref<10240x128xf32, #tpu.memory_space<vmem_shared>> -> memref<125x128xf32, #tpu.memory_space<vmem_shared>>
      %dma_wait3A_50 = arith.constant 0 : i32
      %dma_wait3A_51 = tpu.memref_slice %arg6[%add3A_20, %dma_wait3A_50] : memref<10240x128xf32, #tpu.memory_space<vmem_shared>> -> memref<125x128xf32, #tpu.memory_space<vmem_shared>>
      %dma_wait3A_52 = arith.constant 0 : i32
      %dma_wait3A_53 = arith.constant 0 : i32
      %dma_wait3A_54 = tpu.memref_slice %arg9[%run_scoped3A_21, %dma_wait3A_52, %dma_wait3A_53] : memref<2x125x128xf32, #tpu.memory_space<vmem>> -> memref<1x125x128xf32, #tpu.memory_space<vmem>>
      %dma_wait3A_55 = tpu.memref_squeeze %dma_wait3A_54 : memref<1x125x128xf32, #tpu.memory_space<vmem>> -> memref<125x128xf32, #tpu.memory_space<vmem>>
      tpu.wait_dma2 semaphore(%run_scoped3A_33 : memref<!tpu.dma_semaphore, #tpu.memory_space<semaphore_mem>>) src(%dma_wait3A_55 : memref<125x128xf32, #tpu.memory_space<vmem>>) dst(%dma_wait3A_51 : memref<125x128xf32, #tpu.memory_space<vmem_shared>>)
      tpu.yield
    }) : () -> ()
    %add3A_22 = arith.constant 625 : i32
    %add3A_23 = arith.addi %mul3A_0, %add3A_22 : i32
    %run_scoped3A_24 = arith.constant 0 : i32
    "tpu.region"() ({
      %run_scoped3A_33 = tpu.sem_alloc : memref<!tpu.dma_semaphore, #tpu.memory_space<semaphore_mem>>
      %dma_start3A = arith.constant 0 : i32
      %dma_start3A_34 = arith.constant 0 : i32
      %dma_start3A_35 = tpu.memref_slice %arg9[%run_scoped3A_24, %dma_start3A, %dma_start3A_34] : memref<2x125x128xf32, #tpu.memory_space<vmem>> -> memref<1x15x128xf32, #tpu.memory_space<vmem>>
      %dma_start3A_36 = tpu.memref_squeeze %dma_start3A_35 : memref<1x15x128xf32, #tpu.memory_space<vmem>> -> memref<15x128xf32, #tpu.memory_space<vmem>>
      %dma_start3A_37 = arith.constant 0 : i32
      %dma_start3A_38 = tpu.memref_slice %arg6[%add3A_23, %dma_start3A_37] : memref<10240x128xf32, #tpu.memory_space<vmem_shared>> -> memref<15x128xf32, #tpu.memory_space<vmem_shared>>
      %dma_start3A_39 = arith.constant 0 : i32
      %dma_start3A_40 = tpu.memref_slice %arg6[%add3A_23, %dma_start3A_39] : memref<10240x128xf32, #tpu.memory_space<vmem_shared>> -> memref<15x128xf32, #tpu.memory_space<vmem_shared>>
      %dma_start3A_41 = arith.constant 0 : i32
      %dma_start3A_42 = arith.constant 0 : i32
      %dma_start3A_43 = tpu.memref_slice %arg9[%run_scoped3A_24, %dma_start3A_41, %dma_start3A_42] : memref<2x125x128xf32, #tpu.memory_space<vmem>> -> memref<1x15x128xf32, #tpu.memory_space<vmem>>
      %dma_start3A_44 = tpu.memref_squeeze %dma_start3A_43 : memref<1x15x128xf32, #tpu.memory_space<vmem>> -> memref<15x128xf32, #tpu.memory_space<vmem>>
      tpu.enqueue_dma source(%dma_start3A_44 : memref<15x128xf32, #tpu.memory_space<vmem>>) target(%dma_start3A_40 : memref<15x128xf32, #tpu.memory_space<vmem_shared>>) target_semaphore(%run_scoped3A_33 : memref<!tpu.dma_semaphore, #tpu.memory_space<semaphore_mem>>)
      %dma_wait3A = arith.constant 0 : i32
      %dma_wait3A_45 = arith.constant 0 : i32
      %dma_wait3A_46 = tpu.memref_slice %arg9[%run_scoped3A_24, %dma_wait3A, %dma_wait3A_45] : memref<2x125x128xf32, #tpu.memory_space<vmem>> -> memref<1x15x128xf32, #tpu.memory_space<vmem>>
      %dma_wait3A_47 = tpu.memref_squeeze %dma_wait3A_46 : memref<1x15x128xf32, #tpu.memory_space<vmem>> -> memref<15x128xf32, #tpu.memory_space<vmem>>
      %dma_wait3A_48 = arith.constant 0 : i32
      %dma_wait3A_49 = tpu.memref_slice %arg6[%add3A_23, %dma_wait3A_48] : memref<10240x128xf32, #tpu.memory_space<vmem_shared>> -> memref<15x128xf32, #tpu.memory_space<vmem_shared>>
      %dma_wait3A_50 = arith.constant 0 : i32
      %dma_wait3A_51 = tpu.memref_slice %arg6[%add3A_23, %dma_wait3A_50] : memref<10240x128xf32, #tpu.memory_space<vmem_shared>> -> memref<15x128xf32, #tpu.memory_space<vmem_shared>>
      %dma_wait3A_52 = arith.constant 0 : i32
      %dma_wait3A_53 = arith.constant 0 : i32
      %dma_wait3A_54 = tpu.memref_slice %arg9[%run_scoped3A_24, %dma_wait3A_52, %dma_wait3A_53] : memref<2x125x128xf32, #tpu.memory_space<vmem>> -> memref<1x15x128xf32, #tpu.memory_space<vmem>>
      %dma_wait3A_55 = tpu.memref_squeeze %dma_wait3A_54 : memref<1x15x128xf32, #tpu.memory_space<vmem>> -> memref<15x128xf32, #tpu.memory_space<vmem>>
      tpu.wait_dma2 semaphore(%run_scoped3A_33 : memref<!tpu.dma_semaphore, #tpu.memory_space<semaphore_mem>>) src(%dma_wait3A_55 : memref<15x128xf32, #tpu.memory_space<vmem>>) dst(%dma_wait3A_51 : memref<15x128xf32, #tpu.memory_space<vmem_shared>>)
      tpu.yield
    }) : () -> ()
    %barrier3A = arith.constant 0 : index
    tpu.barrier barrier_id(%barrier3A)
    "tpu.region"() ({
      %run_scoped3A_33 = tpu.sem_alloc : memref<!tpu.dma_semaphore, #tpu.memory_space<semaphore_mem>>
      %dma_start3A = arith.constant 0 : i32
      %dma_start3A_34 = arith.constant 0 : i32
      %dma_start3A_35 = tpu.memref_slice %arg3[%arg0, %arg1, %dma_start3A, %dma_start3A_34] : memref<2x16x80x125xi32, #tpu.memory_space<hbm>> -> memref<1x1x80x125xi32, #tpu.memory_space<hbm>>
      %dma_start3A_36 = tpu.memref_squeeze %dma_start3A_35 : memref<1x1x80x125xi32, #tpu.memory_space<hbm>> -> memref<80x125xi32, #tpu.memory_space<hbm>>
      %dma_start3A_37 = arith.constant 0 : i32
      %dma_start3A_38 = arith.constant 0 : i32
      %dma_start3A_39 = tpu.memref_slice %arg3[%arg0, %arg1, %dma_start3A_37, %dma_start3A_38] : memref<2x16x80x125xi32, #tpu.memory_space<hbm>> -> memref<1x1x80x125xi32, #tpu.memory_space<hbm>>
      %dma_start3A_40 = tpu.memref_squeeze %dma_start3A_39 : memref<1x1x80x125xi32, #tpu.memory_space<hbm>> -> memref<80x125xi32, #tpu.memory_space<hbm>>
      tpu.enqueue_dma source(%dma_start3A_40 : memref<80x125xi32, #tpu.memory_space<hbm>>) target(%arg7 : memref<80x125xi32, #tpu.memory_space<vmem>>) target_semaphore(%run_scoped3A_33 : memref<!tpu.dma_semaphore, #tpu.memory_space<semaphore_mem>>)
      %dma_wait3A = arith.constant 0 : i32
      %dma_wait3A_41 = arith.constant 0 : i32
      %dma_wait3A_42 = tpu.memref_slice %arg3[%arg0, %arg1, %dma_wait3A, %dma_wait3A_41] : memref<2x16x80x125xi32, #tpu.memory_space<hbm>> -> memref<1x1x80x125xi32, #tpu.memory_space<hbm>>
      %dma_wait3A_43 = tpu.memref_squeeze %dma_wait3A_42 : memref<1x1x80x125xi32, #tpu.memory_space<hbm>> -> memref<80x125xi32, #tpu.memory_space<hbm>>
      %dma_wait3A_44 = arith.constant 0 : i32
      %dma_wait3A_45 = arith.constant 0 : i32
      %dma_wait3A_46 = tpu.memref_slice %arg3[%arg0, %arg1, %dma_wait3A_44, %dma_wait3A_45] : memref<2x16x80x125xi32, #tpu.memory_space<hbm>> -> memref<1x1x80x125xi32, #tpu.memory_space<hbm>>
      %dma_wait3A_47 = tpu.memref_squeeze %dma_wait3A_46 : memref<1x1x80x125xi32, #tpu.memory_space<hbm>> -> memref<80x125xi32, #tpu.memory_space<hbm>>
      tpu.wait_dma2 semaphore(%run_scoped3A_33 : memref<!tpu.dma_semaphore, #tpu.memory_space<semaphore_mem>>) src(%dma_wait3A_47 : memref<80x125xi32, #tpu.memory_space<hbm>>) dst(%arg7 : memref<80x125xi32, #tpu.memory_space<vmem>>)
      tpu.yield
    }) : () -> ()
    %scan3A_25 = arith.constant 0 : i32
    %scan3A_26 = arith.constant 0 : i32
    %scan3A_27 = arith.constant 2 : i32
    %scan3A_28 = arith.addi %scan3A_26, %scan3A_27 : i32
    %scan3A_29 = arith.constant 1 : i32
    %scan3A_30 = scf.for %scan3A_33 = %scan3A_26 to %scan3A_28 step %scan3A_29 iter_args(%scan3A_34 = %scan3A_25) -> (i32)  : i32 {
      "tpu.region"() ({
        %run_scoped3A_55 = tpu.sem_alloc : memref<!tpu.dma_semaphore, #tpu.memory_space<semaphore_mem>>
        %dma_start3A_56 = arith.constant 0 : i32
        %dma_start3A_57 = arith.constant 0 : i32
        %dma_start3A_58 = tpu.memref_slice %arg4[%arg0, %arg1, %scan3A_33, %dma_start3A_56, %dma_start3A_57] : memref<2x16x2x40x125xi32, #tpu.memory_space<hbm>> -> memref<1x1x1x40x125xi32, #tpu.memory_space<hbm>>
        %dma_start3A_59 = tpu.memref_squeeze %dma_start3A_58 : memref<1x1x1x40x125xi32, #tpu.memory_space<hbm>> -> memref<40x125xi32, #tpu.memory_space<hbm>>
        %dma_start3A_60 = arith.constant 0 : i32
        %dma_start3A_61 = arith.constant 0 : i32
        %dma_start3A_62 = tpu.memref_slice %arg4[%arg0, %arg1, %scan3A_33, %dma_start3A_60, %dma_start3A_61] : memref<2x16x2x40x125xi32, #tpu.memory_space<hbm>> -> memref<1x1x1x40x125xi32, #tpu.memory_space<hbm>>
        %dma_start3A_63 = tpu.memref_squeeze %dma_start3A_62 : memref<1x1x1x40x125xi32, #tpu.memory_space<hbm>> -> memref<40x125xi32, #tpu.memory_space<hbm>>
        tpu.enqueue_dma source(%dma_start3A_63 : memref<40x125xi32, #tpu.memory_space<hbm>>) target(%arg8 : memref<40x125xi32, #tpu.memory_space<vmem>>) target_semaphore(%run_scoped3A_55 : memref<!tpu.dma_semaphore, #tpu.memory_space<semaphore_mem>>)
        %dma_wait3A = arith.constant 0 : i32
        %dma_wait3A_64 = arith.constant 0 : i32
        %dma_wait3A_65 = tpu.memref_slice %arg4[%arg0, %arg1, %scan3A_33, %dma_wait3A, %dma_wait3A_64] : memref<2x16x2x40x125xi32, #tpu.memory_space<hbm>> -> memref<1x1x1x40x125xi32, #tpu.memory_space<hbm>>
        %dma_wait3A_66 = tpu.memref_squeeze %dma_wait3A_65 : memref<1x1x1x40x125xi32, #tpu.memory_space<hbm>> -> memref<40x125xi32, #tpu.memory_space<hbm>>
        %dma_wait3A_67 = arith.constant 0 : i32
        %dma_wait3A_68 = arith.constant 0 : i32
        %dma_wait3A_69 = tpu.memref_slice %arg4[%arg0, %arg1, %scan3A_33, %dma_wait3A_67, %dma_wait3A_68] : memref<2x16x2x40x125xi32, #tpu.memory_space<hbm>> -> memref<1x1x1x40x125xi32, #tpu.memory_space<hbm>>
        %dma_wait3A_70 = tpu.memref_squeeze %dma_wait3A_69 : memref<1x1x1x40x125xi32, #tpu.memory_space<hbm>> -> memref<40x125xi32, #tpu.memory_space<hbm>>
        tpu.wait_dma2 semaphore(%run_scoped3A_55 : memref<!tpu.dma_semaphore, #tpu.memory_space<semaphore_mem>>) src(%dma_wait3A_70 : memref<40x125xi32, #tpu.memory_space<hbm>>) dst(%arg8 : memref<40x125xi32, #tpu.memory_space<vmem>>)
        tpu.yield
      }) : () -> ()
      %mul3A_35 = arith.constant 40 : i32
      %mul3A_36 = arith.muli %scan3A_33, %mul3A_35 : i32
      %dma_start3A = arith.constant 0 : i32
      %dma_start3A_37 = arith.constant 0 : i32
      %dma_start3A_38 = arith.constant 0 : i32
      %dma_start3A_39 = tpu.memref_slice %arg9[%dma_start3A, %dma_start3A_37, %dma_start3A_38] : memref<2x125x128xf32, #tpu.memory_space<vmem>> -> memref<1x125x128xf32, #tpu.memory_space<vmem>>
      %dma_start3A_40 = tpu.memref_squeeze %dma_start3A_39 : memref<1x125x128xf32, #tpu.memory_space<vmem>> -> memref<125x128xf32, #tpu.memory_space<vmem>>
      %dma_start3A_41 = arith.constant 0 : i32
      %dma_start3A_42 = tpu.memref_slice %arg7[%mul3A_36, %dma_start3A_41] : memref<80x125xi32, #tpu.memory_space<vmem>> -> memref<1x125xi32, #tpu.memory_space<vmem>>
      %dma_start3A_43 = tpu.memref_squeeze %dma_start3A_42 : memref<1x125xi32, #tpu.memory_space<vmem>> -> memref<125xi32, #tpu.memory_space<vmem>>
      %dma_start3A_44 = arith.constant 0 : i32
      %dma_start3A_45 = arith.constant 0 : i32
      %dma_start3A_46 = tpu.memref_slice %arg2[%dma_start3A_44, %dma_start3A_45] : memref<10000x128xf32, #tpu.memory_space<hbm>> -> memref<10000x128xf32, #tpu.memory_space<hbm>>
      tpu.enqueue_indirect_dma source(%dma_start3A_46 : memref<10000x128xf32, #tpu.memory_space<hbm>>) target(%dma_start3A_40 : memref<125x128xf32, #tpu.memory_space<vmem>>) offsets(%dma_start3A_43 : memref<125xi32, #tpu.memory_space<vmem>>) semaphore(%arg10 : memref<!tpu.dma_semaphore, #tpu.memory_space<semaphore_mem>>)
      %scan3A_47 = arith.constant 0 : i32
      %scan3A_48 = arith.constant 0 : i32
      %scan3A_49 = arith.constant 20 : i32
      %scan3A_50 = arith.addi %scan3A_48, %scan3A_49 : i32
      %scan3A_51 = arith.constant 1 : i32
      %scan3A_52 = scf.for %scan3A_55 = %scan3A_48 to %scan3A_50 step %scan3A_51 iter_args(%scan3A_56 = %scan3A_47) -> (i32)  : i32 {
        %mul3A_57 = arith.constant 2 : i32
        %mul3A_58 = arith.muli %mul3A_57, %scan3A_55 : i32
        %add3A_59 = arith.addi %mul3A_36, %mul3A_58 : i32
        %add3A_60 = arith.constant 1 : i32
        %add3A_61 = arith.addi %add3A_59, %add3A_60 : i32
        %dma_start3A_62 = arith.constant 1 : i32
        %dma_start3A_63 = arith.constant 0 : i32
        %dma_start3A_64 = arith.constant 0 : i32
        %dma_start3A_65 = tpu.memref_slice %arg9[%dma_start3A_62, %dma_start3A_63, %dma_start3A_64] : memref<2x125x128xf32, #tpu.memory_space<vmem>> -> memref<1x125x128xf32, #tpu.memory_space<vmem>>
        %dma_start3A_66 = tpu.memref_squeeze %dma_start3A_65 : memref<1x125x128xf32, #tpu.memory_space<vmem>> -> memref<125x128xf32, #tpu.memory_space<vmem>>
        %dma_start3A_67 = arith.constant 0 : i32
        %dma_start3A_68 = tpu.memref_slice %arg7[%add3A_61, %dma_start3A_67] : memref<80x125xi32, #tpu.memory_space<vmem>> -> memref<1x125xi32, #tpu.memory_space<vmem>>
        %dma_start3A_69 = tpu.memref_squeeze %dma_start3A_68 : memref<1x125xi32, #tpu.memory_space<vmem>> -> memref<125xi32, #tpu.memory_space<vmem>>
        %dma_start3A_70 = arith.constant 0 : i32
        %dma_start3A_71 = arith.constant 0 : i32
        %dma_start3A_72 = tpu.memref_slice %arg2[%dma_start3A_70, %dma_start3A_71] : memref<10000x128xf32, #tpu.memory_space<hbm>> -> memref<10000x128xf32, #tpu.memory_space<hbm>>
        tpu.enqueue_indirect_dma source(%dma_start3A_72 : memref<10000x128xf32, #tpu.memory_space<hbm>>) target(%dma_start3A_66 : memref<125x128xf32, #tpu.memory_space<vmem>>) offsets(%dma_start3A_69 : memref<125xi32, #tpu.memory_space<vmem>>) semaphore(%arg11 : memref<!tpu.dma_semaphore, #tpu.memory_space<semaphore_mem>>)
        %dma_wait3A = arith.constant 0 : i32
        %dma_wait3A_73 = arith.constant 0 : i32
        %dma_wait3A_74 = arith.constant 0 : i32
        %dma_wait3A_75 = tpu.memref_slice %arg9[%dma_wait3A, %dma_wait3A_73, %dma_wait3A_74] : memref<2x125x128xf32, #tpu.memory_space<vmem>> -> memref<1x125x128xf32, #tpu.memory_space<vmem>>
        %dma_wait3A_76 = tpu.memref_squeeze %dma_wait3A_75 : memref<1x125x128xf32, #tpu.memory_space<vmem>> -> memref<125x128xf32, #tpu.memory_space<vmem>>
        %dma_wait3A_77 = arith.constant 0 : i32
        %dma_wait3A_78 = tpu.memref_slice %arg7[%add3A_59, %dma_wait3A_77] : memref<80x125xi32, #tpu.memory_space<vmem>> -> memref<1x125xi32, #tpu.memory_space<vmem>>
        %dma_wait3A_79 = tpu.memref_squeeze %dma_wait3A_78 : memref<1x125xi32, #tpu.memory_space<vmem>> -> memref<125xi32, #tpu.memory_space<vmem>>
        %dma_wait3A_80 = arith.constant 0 : i32
        %dma_wait3A_81 = arith.constant 0 : i32
        %dma_wait3A_82 = tpu.memref_slice %arg2[%dma_wait3A_80, %dma_wait3A_81] : memref<10000x128xf32, #tpu.memory_space<hbm>> -> memref<10000x128xf32, #tpu.memory_space<hbm>>
        tpu.wait_indirect_dma semaphore(%arg10 : memref<!tpu.dma_semaphore, #tpu.memory_space<semaphore_mem>>) src(%dma_wait3A_82 : memref<10000x128xf32, #tpu.memory_space<hbm>>) dst(%dma_wait3A_76 : memref<125x128xf32, #tpu.memory_space<vmem>>)
        %mul3A_83 = arith.constant 2 : i32
        %mul3A_84 = arith.muli %mul3A_83, %scan3A_55 : i32
        %run_scoped3A_85 = arith.constant 0 : i32
        "tpu.region"() ({
          %run_scoped3A_109 = tpu.sem_alloc : memref<!tpu.dma_semaphore, #tpu.memory_space<semaphore_mem>>
          %dma_start3A_110 = arith.constant 0 : i32
          %dma_start3A_111 = arith.constant 0 : i32
          %dma_start3A_112 = tpu.memref_slice %arg9[%run_scoped3A_85, %dma_start3A_110, %dma_start3A_111] : memref<2x125x128xf32, #tpu.memory_space<vmem>> -> memref<1x125x128xf32, #tpu.memory_space<vmem>>
          %dma_start3A_113 = tpu.memref_squeeze %dma_start3A_112 : memref<1x125x128xf32, #tpu.memory_space<vmem>> -> memref<125x128xf32, #tpu.memory_space<vmem>>
          %dma_start3A_114 = arith.constant 0 : i32
          %dma_start3A_115 = tpu.memref_slice %arg8[%mul3A_84, %dma_start3A_114] : memref<40x125xi32, #tpu.memory_space<vmem>> -> memref<1x125xi32, #tpu.memory_space<vmem>>
          %dma_start3A_116 = tpu.memref_squeeze %dma_start3A_115 : memref<1x125xi32, #tpu.memory_space<vmem>> -> memref<125xi32, #tpu.memory_space<vmem>>
          %dma_start3A_117 = arith.constant 0 : i32
          %dma_start3A_118 = arith.constant 0 : i32
          %dma_start3A_119 = tpu.memref_slice %arg6[%dma_start3A_117, %dma_start3A_118] : memref<10240x128xf32, #tpu.memory_space<vmem_shared>> -> memref<10240x128xf32, #tpu.memory_space<vmem_shared>>
          tpu.enqueue_indirect_dma source(%dma_start3A_113 : memref<125x128xf32, #tpu.memory_space<vmem>>) target(%dma_start3A_119 : memref<10240x128xf32, #tpu.memory_space<vmem_shared>>) offsets(%dma_start3A_116 : memref<125xi32, #tpu.memory_space<vmem>>) semaphore(%run_scoped3A_109 : memref<!tpu.dma_semaphore, #tpu.memory_space<semaphore_mem>>) {add = true}
          %dma_wait3A_120 = arith.constant 0 : i32
          %dma_wait3A_121 = arith.constant 0 : i32
          %dma_wait3A_122 = tpu.memref_slice %arg9[%run_scoped3A_85, %dma_wait3A_120, %dma_wait3A_121] : memref<2x125x128xf32, #tpu.memory_space<vmem>> -> memref<1x125x128xf32, #tpu.memory_space<vmem>>
          %dma_wait3A_123 = tpu.memref_squeeze %dma_wait3A_122 : memref<1x125x128xf32, #tpu.memory_space<vmem>> -> memref<125x128xf32, #tpu.memory_space<vmem>>
          %dma_wait3A_124 = arith.constant 0 : i32
          %dma_wait3A_125 = tpu.memref_slice %arg8[%mul3A_84, %dma_wait3A_124] : memref<40x125xi32, #tpu.memory_space<vmem>> -> memref<1x125xi32, #tpu.memory_space<vmem>>
          %dma_wait3A_126 = tpu.memref_squeeze %dma_wait3A_125 : memref<1x125xi32, #tpu.memory_space<vmem>> -> memref<125xi32, #tpu.memory_space<vmem>>
          %dma_wait3A_127 = arith.constant 0 : i32
          %dma_wait3A_128 = arith.constant 0 : i32
          %dma_wait3A_129 = tpu.memref_slice %arg6[%dma_wait3A_127, %dma_wait3A_128] : memref<10240x128xf32, #tpu.memory_space<vmem_shared>> -> memref<10240x128xf32, #tpu.memory_space<vmem_shared>>
          tpu.wait_indirect_dma semaphore(%run_scoped3A_109 : memref<!tpu.dma_semaphore, #tpu.memory_space<semaphore_mem>>) src(%dma_wait3A_123 : memref<125x128xf32, #tpu.memory_space<vmem>>) dst(%dma_wait3A_129 : memref<10240x128xf32, #tpu.memory_space<vmem_shared>>)
          tpu.yield
        }) : () -> ()
        %mul3A_86 = arith.constant 2 : i32
        %mul3A_87 = arith.muli %mul3A_86, %scan3A_55 : i32
        %add3A_88 = arith.constant 2 : i32
        %add3A_89 = arith.addi %mul3A_87, %add3A_88 : i32
        %lt3A = arith.constant 40 : i32
        %lt3A_90 = arith.cmpi slt, %add3A_89, %lt3A : i32
        %convert_element_type3A = arith.extui %lt3A_90 : i1 to i32
        %cond3A = arith.constant 0 : i32
        %cond3A_91 = arith.cmpi ne, %convert_element_type3A, %cond3A : i32
        scf.if %cond3A_91 {
          %add3A_109 = arith.constant 1 : i32
          %add3A_110 = arith.addi %add3A_61, %add3A_109 : i32
          %dma_start3A_111 = arith.constant 0 : i32
          %dma_start3A_112 = arith.constant 0 : i32
          %dma_start3A_113 = arith.constant 0 : i32
          %dma_start3A_114 = tpu.memref_slice %arg9[%dma_start3A_111, %dma_start3A_112, %dma_start3A_113] : memref<2x125x128xf32, #tpu.memory_space<vmem>> -> memref<1x125x128xf32, #tpu.memory_space<vmem>>
          %dma_start3A_115 = tpu.memref_squeeze %dma_start3A_114 : memref<1x125x128xf32, #tpu.memory_space<vmem>> -> memref<125x128xf32, #tpu.memory_space<vmem>>
          %dma_start3A_116 = arith.constant 0 : i32
          %dma_start3A_117 = tpu.memref_slice %arg7[%add3A_110, %dma_start3A_116] : memref<80x125xi32, #tpu.memory_space<vmem>> -> memref<1x125xi32, #tpu.memory_space<vmem>>
          %dma_start3A_118 = tpu.memref_squeeze %dma_start3A_117 : memref<1x125xi32, #tpu.memory_space<vmem>> -> memref<125xi32, #tpu.memory_space<vmem>>
          %dma_start3A_119 = arith.constant 0 : i32
          %dma_start3A_120 = arith.constant 0 : i32
          %dma_start3A_121 = tpu.memref_slice %arg2[%dma_start3A_119, %dma_start3A_120] : memref<10000x128xf32, #tpu.memory_space<hbm>> -> memref<10000x128xf32, #tpu.memory_space<hbm>>
          tpu.enqueue_indirect_dma source(%dma_start3A_121 : memref<10000x128xf32, #tpu.memory_space<hbm>>) target(%dma_start3A_115 : memref<125x128xf32, #tpu.memory_space<vmem>>) offsets(%dma_start3A_118 : memref<125xi32, #tpu.memory_space<vmem>>) semaphore(%arg10 : memref<!tpu.dma_semaphore, #tpu.memory_space<semaphore_mem>>)
        } else {
        }
        %dma_wait3A_92 = arith.constant 1 : i32
        %dma_wait3A_93 = arith.constant 0 : i32
        %dma_wait3A_94 = arith.constant 0 : i32
        %dma_wait3A_95 = tpu.memref_slice %arg9[%dma_wait3A_92, %dma_wait3A_93, %dma_wait3A_94] : memref<2x125x128xf32, #tpu.memory_space<vmem>> -> memref<1x125x128xf32, #tpu.memory_space<vmem>>
        %dma_wait3A_96 = tpu.memref_squeeze %dma_wait3A_95 : memref<1x125x128xf32, #tpu.memory_space<vmem>> -> memref<125x128xf32, #tpu.memory_space<vmem>>
        %dma_wait3A_97 = arith.constant 0 : i32
        %dma_wait3A_98 = tpu.memref_slice %arg7[%add3A_61, %dma_wait3A_97] : memref<80x125xi32, #tpu.memory_space<vmem>> -> memref<1x125xi32, #tpu.memory_space<vmem>>
        %dma_wait3A_99 = tpu.memref_squeeze %dma_wait3A_98 : memref<1x125xi32, #tpu.memory_space<vmem>> -> memref<125xi32, #tpu.memory_space<vmem>>
        %dma_wait3A_100 = arith.constant 0 : i32
        %dma_wait3A_101 = arith.constant 0 : i32
        %dma_wait3A_102 = tpu.memref_slice %arg2[%dma_wait3A_100, %dma_wait3A_101] : memref<10000x128xf32, #tpu.memory_space<hbm>> -> memref<10000x128xf32, #tpu.memory_space<hbm>>
        tpu.wait_indirect_dma semaphore(%arg11 : memref<!tpu.dma_semaphore, #tpu.memory_space<semaphore_mem>>) src(%dma_wait3A_102 : memref<10000x128xf32, #tpu.memory_space<hbm>>) dst(%dma_wait3A_96 : memref<125x128xf32, #tpu.memory_space<vmem>>)
        %mul3A_103 = arith.constant 2 : i32
        %mul3A_104 = arith.muli %mul3A_103, %scan3A_55 : i32
        %add3A_105 = arith.constant 1 : i32
        %add3A_106 = arith.addi %mul3A_104, %add3A_105 : i32
        %run_scoped3A_107 = arith.constant 1 : i32
        "tpu.region"() ({
          %run_scoped3A_109 = tpu.sem_alloc : memref<!tpu.dma_semaphore, #tpu.memory_space<semaphore_mem>>
          %dma_start3A_110 = arith.constant 0 : i32
          %dma_start3A_111 = arith.constant 0 : i32
          %dma_start3A_112 = tpu.memref_slice %arg9[%run_scoped3A_107, %dma_start3A_110, %dma_start3A_111] : memref<2x125x128xf32, #tpu.memory_space<vmem>> -> memref<1x125x128xf32, #tpu.memory_space<vmem>>
          %dma_start3A_113 = tpu.memref_squeeze %dma_start3A_112 : memref<1x125x128xf32, #tpu.memory_space<vmem>> -> memref<125x128xf32, #tpu.memory_space<vmem>>
          %dma_start3A_114 = arith.constant 0 : i32
          %dma_start3A_115 = tpu.memref_slice %arg8[%add3A_106, %dma_start3A_114] : memref<40x125xi32, #tpu.memory_space<vmem>> -> memref<1x125xi32, #tpu.memory_space<vmem>>
          %dma_start3A_116 = tpu.memref_squeeze %dma_start3A_115 : memref<1x125xi32, #tpu.memory_space<vmem>> -> memref<125xi32, #tpu.memory_space<vmem>>
          %dma_start3A_117 = arith.constant 0 : i32
          %dma_start3A_118 = arith.constant 0 : i32
          %dma_start3A_119 = tpu.memref_slice %arg6[%dma_start3A_117, %dma_start3A_118] : memref<10240x128xf32, #tpu.memory_space<vmem_shared>> -> memref<10240x128xf32, #tpu.memory_space<vmem_shared>>
          tpu.enqueue_indirect_dma source(%dma_start3A_113 : memref<125x128xf32, #tpu.memory_space<vmem>>) target(%dma_start3A_119 : memref<10240x128xf32, #tpu.memory_space<vmem_shared>>) offsets(%dma_start3A_116 : memref<125xi32, #tpu.memory_space<vmem>>) semaphore(%run_scoped3A_109 : memref<!tpu.dma_semaphore, #tpu.memory_space<semaphore_mem>>) {add = true}
          %dma_wait3A_120 = arith.constant 0 : i32
          %dma_wait3A_121 = arith.constant 0 : i32
          %dma_wait3A_122 = tpu.memref_slice %arg9[%run_scoped3A_107, %dma_wait3A_120, %dma_wait3A_121] : memref<2x125x128xf32, #tpu.memory_space<vmem>> -> memref<1x125x128xf32, #tpu.memory_space<vmem>>
          %dma_wait3A_123 = tpu.memref_squeeze %dma_wait3A_122 : memref<1x125x128xf32, #tpu.memory_space<vmem>> -> memref<125x128xf32, #tpu.memory_space<vmem>>
          %dma_wait3A_124 = arith.constant 0 : i32
          %dma_wait3A_125 = tpu.memref_slice %arg8[%add3A_106, %dma_wait3A_124] : memref<40x125xi32, #tpu.memory_space<vmem>> -> memref<1x125xi32, #tpu.memory_space<vmem>>
          %dma_wait3A_126 = tpu.memref_squeeze %dma_wait3A_125 : memref<1x125xi32, #tpu.memory_space<vmem>> -> memref<125xi32, #tpu.memory_space<vmem>>
          %dma_wait3A_127 = arith.constant 0 : i32
          %dma_wait3A_128 = arith.constant 0 : i32
          %dma_wait3A_129 = tpu.memref_slice %arg6[%dma_wait3A_127, %dma_wait3A_128] : memref<10240x128xf32, #tpu.memory_space<vmem_shared>> -> memref<10240x128xf32, #tpu.memory_space<vmem_shared>>
          tpu.wait_indirect_dma semaphore(%run_scoped3A_109 : memref<!tpu.dma_semaphore, #tpu.memory_space<semaphore_mem>>) src(%dma_wait3A_123 : memref<125x128xf32, #tpu.memory_space<vmem>>) dst(%dma_wait3A_129 : memref<10240x128xf32, #tpu.memory_space<vmem_shared>>)
          tpu.yield
        }) : () -> ()
        %scan3A_108 = arith.constant 0 : i32
        scf.yield %scan3A_108 : i32
      }
      %scan3A_53 = arith.constant 20 : i32
      %scan3A_54 = arith.constant 0 : i32
      scf.yield %scan3A_54 : i32
    }
    %scan3A_31 = arith.constant 2 : i32
    %barrier3A_32 = arith.constant 0 : index
    tpu.barrier barrier_id(%barrier3A_32)
    "tpu.region"() ({
      %run_scoped3A_33 = tpu.sem_alloc : memref<!tpu.dma_semaphore, #tpu.memory_space<semaphore_mem>>
      %dma_start3A = arith.constant 0 : i32
      %dma_start3A_34 = tpu.memref_slice %arg5[%arg0, %mul3A_0, %dma_start3A] : memref<2x10240x128xf32, #tpu.memory_space<hbm>> -> memref<1x640x128xf32, #tpu.memory_space<hbm>>
      %dma_start3A_35 = tpu.memref_squeeze %dma_start3A_34 : memref<1x640x128xf32, #tpu.memory_space<hbm>> -> memref<640x128xf32, #tpu.memory_space<hbm>>
      %dma_start3A_36 = arith.constant 0 : i32
      %dma_start3A_37 = tpu.memref_slice %arg6[%mul3A_0, %dma_start3A_36] : memref<10240x128xf32, #tpu.memory_space<vmem_shared>> -> memref<640x128xf32, #tpu.memory_space<vmem_shared>>
      tpu.enqueue_dma source(%dma_start3A_37 : memref<640x128xf32, #tpu.memory_space<vmem_shared>>) target(%dma_start3A_35 : memref<640x128xf32, #tpu.memory_space<hbm>>) target_semaphore(%run_scoped3A_33 : memref<!tpu.dma_semaphore, #tpu.memory_space<semaphore_mem>>)
      %dma_wait3A = arith.constant 0 : i32
      %dma_wait3A_38 = tpu.memref_slice %arg5[%arg0, %mul3A_0, %dma_wait3A] : memref<2x10240x128xf32, #tpu.memory_space<hbm>> -> memref<1x640x128xf32, #tpu.memory_space<hbm>>
      %dma_wait3A_39 = tpu.memref_squeeze %dma_wait3A_38 : memref<1x640x128xf32, #tpu.memory_space<hbm>> -> memref<640x128xf32, #tpu.memory_space<hbm>>
      %dma_wait3A_40 = arith.constant 0 : i32
      %dma_wait3A_41 = tpu.memref_slice %arg6[%mul3A_0, %dma_wait3A_40] : memref<10240x128xf32, #tpu.memory_space<vmem_shared>> -> memref<640x128xf32, #tpu.memory_space<vmem_shared>>
      tpu.wait_dma2 semaphore(%run_scoped3A_33 : memref<!tpu.dma_semaphore, #tpu.memory_space<semaphore_mem>>) src(%dma_wait3A_41 : memref<640x128xf32, #tpu.memory_space<vmem_shared>>) dst(%dma_wait3A_39 : memref<640x128xf32, #tpu.memory_space<hbm>>)
      tpu.yield
    }) : () -> ()
    return
  }
}

#map = affine_map<(d0, d1) -> (0, 0)>
#map1 = affine_map<(d0, d1) -> (0, 0, 0, 0)>
#map2 = affine_map<(d0, d1) -> (0, 0, 0, 0, 0)>
#map3 = affine_map<(d0, d1) -> (0, 0, 0)>
module attributes {stable_mosaic.version = 14 : i64} {
  func.func @_sc_agg_body(%arg0: i32, %arg1: i32, %arg2: memref<10000x128xf32, #tpu.memory_space<hbm>>, %arg3: memref<2x16x80x125xi32, #tpu.memory_space<hbm>>, %arg4: memref<2x16x2x40x125xi32, #tpu.memory_space<hbm>>, %arg5: memref<2x10240x128xf32, #tpu.memory_space<hbm>>, %arg6: memref<10240x128xf32, #tpu.memory_space<vmem_shared>>, %arg7: memref<80x125xi32, #tpu.memory_space<vmem>>, %arg8: memref<40x125xi32, #tpu.memory_space<vmem>>, %arg9: memref<2x125x128xf32, #tpu.memory_space<vmem>>, %arg10: memref<!tpu.dma_semaphore, #tpu.memory_space<semaphore_mem>>, %arg11: memref<!tpu.dma_semaphore, #tpu.memory_space<semaphore_mem>>) attributes {dimension_semantics = [#tpu.dimension_semantics<core_parallel>, #tpu.dimension_semantics<subcore_parallel>], iteration_bounds = array<i64: 2, 16>, scalar_prefetch = 0 : i64, scratch_operands = 6 : i64, tpu.core_type = #tpu.core_type<sc_vector_subcore>, window_params = [{transform_indices = #map}, {transform_indices = #map1}, {transform_indices = #map2}, {transform_indices = #map3}]} {
    %mul3A = arith.constant 640 : i32
    %mul3A_0 = arith.muli %arg1, %mul3A : i32
    %broadcast_in_dim3A = arith.constant 0.000000e+00 : f32
    %broadcast_in_dim3A_1 = vector.broadcast %broadcast_in_dim3A : f32 to vector<16xf32>
    %scan3A = arith.constant 0 : i32
    %scan3A_2 = arith.constant 0 : i32
    %scan3A_3 = arith.constant 0 : i32
    %scan3A_4 = arith.constant 125 : i32
    %scan3A_5 = arith.addi %scan3A_3, %scan3A_4 : i32
    %scan3A_6 = arith.constant 1 : i32
    %scan3A_7 = scf.for %scan3A_33 = %scan3A_3 to %scan3A_5 step %scan3A_6 iter_args(%scan3A_34 = %scan3A_2) -> (i32)  : i32 {
      %swap3A = arith.constant 0 : i32
      %swap3A_35 = arith.constant 0 : i32
      %swap3A_36 = tpu.memref_slice %arg9[%scan3A, %swap3A, %swap3A_35] : memref<2x125x128xf32, #tpu.memory_space<vmem>> -> memref<1x125x128xf32, #tpu.memory_space<vmem>>
      %swap3A_37 = tpu.memref_squeeze %swap3A_36 : memref<1x125x128xf32, #tpu.memory_space<vmem>> -> memref<125x128xf32, #tpu.memory_space<vmem>>
      %swap3A_38 = arith.index_cast %scan3A_33 : i32 to index
      %swap3A_39 = arith.constant 0 : index
      %swap3A_40 = tpu.vector_load %swap3A_37[%swap3A_38, %swap3A_39] {strides = array<i32>} : memref<125x128xf32, #tpu.memory_space<vmem>>, vector<1x16xf32>,
      %swap3A_41 = vector.shape_cast %swap3A_40 : vector<1x16xf32> to vector<16xf32>
      %swap3A_42 = vector.shape_cast %broadcast_in_dim3A_1 : vector<16xf32> to vector<1x16xf32>
      tpu.vector_store %swap3A_37[%swap3A_38, %swap3A_39], %swap3A_42 {strides = array<i32>} : memref<125x128xf32, #tpu.memory_space<vmem>>, vector<1x16xf32>,
      %swap3A_43 = arith.constant 0 : i32
      %swap3A_44 = arith.constant 0 : i32
      %swap3A_45 = tpu.memref_slice %arg9[%scan3A, %swap3A_43, %swap3A_44] : memref<2x125x128xf32, #tpu.memory_space<vmem>> -> memref<1x125x128xf32, #tpu.memory_space<vmem>>
      %swap3A_46 = tpu.memref_squeeze %swap3A_45 : memref<1x125x128xf32, #tpu.memory_space<vmem>> -> memref<125x128xf32, #tpu.memory_space<vmem>>
      %swap3A_47 = arith.index_cast %scan3A_33 : i32 to index
      %swap3A_48 = arith.constant 16 : index
      %swap3A_49 = tpu.vector_load %swap3A_46[%swap3A_47, %swap3A_48] {strides = array<i32>} : memref<125x128xf32, #tpu.memory_space<vmem>>, vector<1x16xf32>,
      %swap3A_50 = vector.shape_cast %swap3A_49 : vector<1x16xf32> to vector<16xf32>
      %swap3A_51 = vector.shape_cast %broadcast_in_dim3A_1 : vector<16xf32> to vector<1x16xf32>
      tpu.vector_store %swap3A_46[%swap3A_47, %swap3A_48], %swap3A_51 {strides = array<i32>} : memref<125x128xf32, #tpu.memory_space<vmem>>, vector<1x16xf32>,
      %swap3A_52 = arith.constant 0 : i32
      %swap3A_53 = arith.constant 0 : i32
      %swap3A_54 = tpu.memref_slice %arg9[%scan3A, %swap3A_52, %swap3A_53] : memref<2x125x128xf32, #tpu.memory_space<vmem>> -> memref<1x125x128xf32, #tpu.memory_space<vmem>>
      %swap3A_55 = tpu.memref_squeeze %swap3A_54 : memref<1x125x128xf32, #tpu.memory_space<vmem>> -> memref<125x128xf32, #tpu.memory_space<vmem>>
      %swap3A_56 = arith.index_cast %scan3A_33 : i32 to index
      %swap3A_57 = arith.constant 32 : index
      %swap3A_58 = tpu.vector_load %swap3A_55[%swap3A_56, %swap3A_57] {strides = array<i32>} : memref<125x128xf32, #tpu.memory_space<vmem>>, vector<1x16xf32>,
      %swap3A_59 = vector.shape_cast %swap3A_58 : vector<1x16xf32> to vector<16xf32>
      %swap3A_60 = vector.shape_cast %broadcast_in_dim3A_1 : vector<16xf32> to vector<1x16xf32>
      tpu.vector_store %swap3A_55[%swap3A_56, %swap3A_57], %swap3A_60 {strides = array<i32>} : memref<125x128xf32, #tpu.memory_space<vmem>>, vector<1x16xf32>,
      %swap3A_61 = arith.constant 0 : i32
      %swap3A_62 = arith.constant 0 : i32
      %swap3A_63 = tpu.memref_slice %arg9[%scan3A, %swap3A_61, %swap3A_62] : memref<2x125x128xf32, #tpu.memory_space<vmem>> -> memref<1x125x128xf32, #tpu.memory_space<vmem>>
      %swap3A_64 = tpu.memref_squeeze %swap3A_63 : memref<1x125x128xf32, #tpu.memory_space<vmem>> -> memref<125x128xf32, #tpu.memory_space<vmem>>
      %swap3A_65 = arith.index_cast %scan3A_33 : i32 to index
      %swap3A_66 = arith.constant 48 : index
      %swap3A_67 = tpu.vector_load %swap3A_64[%swap3A_65, %swap3A_66] {strides = array<i32>} : memref<125x128xf32, #tpu.memory_space<vmem>>, vector<1x16xf32>,
      %swap3A_68 = vector.shape_cast %swap3A_67 : vector<1x16xf32> to vector<16xf32>
      %swap3A_69 = vector.shape_cast %broadcast_in_dim3A_1 : vector<16xf32> to vector<1x16xf32>
      tpu.vector_store %swap3A_64[%swap3A_65, %swap3A_66], %swap3A_69 {strides = array<i32>} : memref<125x128xf32, #tpu.memory_space<vmem>>, vector<1x16xf32>,
      %swap3A_70 = arith.constant 0 : i32
      %swap3A_71 = arith.constant 0 : i32
      %swap3A_72 = tpu.memref_slice %arg9[%scan3A, %swap3A_70, %swap3A_71] : memref<2x125x128xf32, #tpu.memory_space<vmem>> -> memref<1x125x128xf32, #tpu.memory_space<vmem>>
      %swap3A_73 = tpu.memref_squeeze %swap3A_72 : memref<1x125x128xf32, #tpu.memory_space<vmem>> -> memref<125x128xf32, #tpu.memory_space<vmem>>
      %swap3A_74 = arith.index_cast %scan3A_33 : i32 to index
      %swap3A_75 = arith.constant 64 : index
      %swap3A_76 = tpu.vector_load %swap3A_73[%swap3A_74, %swap3A_75] {strides = array<i32>} : memref<125x128xf32, #tpu.memory_space<vmem>>, vector<1x16xf32>,
      %swap3A_77 = vector.shape_cast %swap3A_76 : vector<1x16xf32> to vector<16xf32>
      %swap3A_78 = vector.shape_cast %broadcast_in_dim3A_1 : vector<16xf32> to vector<1x16xf32>
      tpu.vector_store %swap3A_73[%swap3A_74, %swap3A_75], %swap3A_78 {strides = array<i32>} : memref<125x128xf32, #tpu.memory_space<vmem>>, vector<1x16xf32>,
      %swap3A_79 = arith.constant 0 : i32
      %swap3A_80 = arith.constant 0 : i32
      %swap3A_81 = tpu.memref_slice %arg9[%scan3A, %swap3A_79, %swap3A_80] : memref<2x125x128xf32, #tpu.memory_space<vmem>> -> memref<1x125x128xf32, #tpu.memory_space<vmem>>
      %swap3A_82 = tpu.memref_squeeze %swap3A_81 : memref<1x125x128xf32, #tpu.memory_space<vmem>> -> memref<125x128xf32, #tpu.memory_space<vmem>>
      %swap3A_83 = arith.index_cast %scan3A_33 : i32 to index
      %swap3A_84 = arith.constant 80 : index
      %swap3A_85 = tpu.vector_load %swap3A_82[%swap3A_83, %swap3A_84] {strides = array<i32>} : memref<125x128xf32, #tpu.memory_space<vmem>>, vector<1x16xf32>,
      %swap3A_86 = vector.shape_cast %swap3A_85 : vector<1x16xf32> to vector<16xf32>
      %swap3A_87 = vector.shape_cast %broadcast_in_dim3A_1 : vector<16xf32> to vector<1x16xf32>
      tpu.vector_store %swap3A_82[%swap3A_83, %swap3A_84], %swap3A_87 {strides = array<i32>} : memref<125x128xf32, #tpu.memory_space<vmem>>, vector<1x16xf32>,
      %swap3A_88 = arith.constant 0 : i32
      %swap3A_89 = arith.constant 0 : i32
      %swap3A_90 = tpu.memref_slice %arg9[%scan3A, %swap3A_88, %swap3A_89] : memref<2x125x128xf32, #tpu.memory_space<vmem>> -> memref<1x125x128xf32, #tpu.memory_space<vmem>>
      %swap3A_91 = tpu.memref_squeeze %swap3A_90 : memref<1x125x128xf32, #tpu.memory_space<vmem>> -> memref<125x128xf32, #tpu.memory_space<vmem>>
      %swap3A_92 = arith.index_cast %scan3A_33 : i32 to index
      %swap3A_93 = arith.constant 96 : index
      %swap3A_94 = tpu.vector_load %swap3A_91[%swap3A_92, %swap3A_93] {strides = array<i32>} : memref<125x128xf32, #tpu.memory_space<vmem>>, vector<1x16xf32>,
      %swap3A_95 = vector.shape_cast %swap3A_94 : vector<1x16xf32> to vector<16xf32>
      %swap3A_96 = vector.shape_cast %broadcast_in_dim3A_1 : vector<16xf32> to vector<1x16xf32>
      tpu.vector_store %swap3A_91[%swap3A_92, %swap3A_93], %swap3A_96 {strides = array<i32>} : memref<125x128xf32, #tpu.memory_space<vmem>>, vector<1x16xf32>,
      %swap3A_97 = arith.constant 0 : i32
      %swap3A_98 = arith.constant 0 : i32
      %swap3A_99 = tpu.memref_slice %arg9[%scan3A, %swap3A_97, %swap3A_98] : memref<2x125x128xf32, #tpu.memory_space<vmem>> -> memref<1x125x128xf32, #tpu.memory_space<vmem>>
      %swap3A_100 = tpu.memref_squeeze %swap3A_99 : memref<1x125x128xf32, #tpu.memory_space<vmem>> -> memref<125x128xf32, #tpu.memory_space<vmem>>
      %swap3A_101 = arith.index_cast %scan3A_33 : i32 to index
      %swap3A_102 = arith.constant 112 : index
      %swap3A_103 = tpu.vector_load %swap3A_100[%swap3A_101, %swap3A_102] {strides = array<i32>} : memref<125x128xf32, #tpu.memory_space<vmem>>, vector<1x16xf32>,
      %swap3A_104 = vector.shape_cast %swap3A_103 : vector<1x16xf32> to vector<16xf32>
      %swap3A_105 = vector.shape_cast %broadcast_in_dim3A_1 : vector<16xf32> to vector<1x16xf32>
      tpu.vector_store %swap3A_100[%swap3A_101, %swap3A_102], %swap3A_105 {strides = array<i32>} : memref<125x128xf32, #tpu.memory_space<vmem>>, vector<1x16xf32>,
      %scan3A_106 = arith.constant 0 : i32
      scf.yield %scan3A_106 : i32
    }
    %scan3A_8 = arith.constant 125 : i32
    %add3A = arith.constant 0 : i32
    %add3A_9 = arith.addi %mul3A_0, %add3A : i32
    %run_scoped3A = arith.constant 0 : i32
    "tpu.region"() ({
      %run_scoped3A_33 = tpu.sem_alloc : memref<!tpu.dma_semaphore, #tpu.memory_space<semaphore_mem>>
      %dma_start3A = arith.constant 0 : i32
      %dma_start3A_34 = arith.constant 0 : i32
      %dma_start3A_35 = tpu.memref_slice %arg9[%run_scoped3A, %dma_start3A, %dma_start3A_34] : memref<2x125x128xf32, #tpu.memory_space<vmem>> -> memref<1x125x128xf32, #tpu.memory_space<vmem>>
      %dma_start3A_36 = tpu.memref_squeeze %dma_start3A_35 : memref<1x125x128xf32, #tpu.memory_space<vmem>> -> memref<125x128xf32, #tpu.memory_space<vmem>>
      %dma_start3A_37 = arith.constant 0 : i32
      %dma_start3A_38 = tpu.memref_slice %arg6[%add3A_9, %dma_start3A_37] : memref<10240x128xf32, #tpu.memory_space<vmem_shared>> -> memref<125x128xf32, #tpu.memory_space<vmem_shared>>
      %dma_start3A_39 = arith.constant 0 : i32
      %dma_start3A_40 = tpu.memref_slice %arg6[%add3A_9, %dma_start3A_39] : memref<10240x128xf32, #tpu.memory_space<vmem_shared>> -> memref<125x128xf32, #tpu.memory_space<vmem_shared>>
      %dma_start3A_41 = arith.constant 0 : i32
      %dma_start3A_42 = arith.constant 0 : i32
      %dma_start3A_43 = tpu.memref_slice %arg9[%run_scoped3A, %dma_start3A_41, %dma_start3A_42] : memref<2x125x128xf32, #tpu.memory_space<vmem>> -> memref<1x125x128xf32, #tpu.memory_space<vmem>>
      %dma_start3A_44 = tpu.memref_squeeze %dma_start3A_43 : memref<1x125x128xf32, #tpu.memory_space<vmem>> -> memref<125x128xf32, #tpu.memory_space<vmem>>
      tpu.enqueue_dma source(%dma_start3A_44 : memref<125x128xf32, #tpu.memory_space<vmem>>) target(%dma_start3A_40 : memref<125x128xf32, #tpu.memory_space<vmem_shared>>) target_semaphore(%run_scoped3A_33 : memref<!tpu.dma_semaphore, #tpu.memory_space<semaphore_mem>>)
      %dma_wait3A = arith.constant 0 : i32
      %dma_wait3A_45 = arith.constant 0 : i32
      %dma_wait3A_46 = tpu.memref_slice %arg9[%run_scoped3A, %dma_wait3A, %dma_wait3A_45] : memref<2x125x128xf32, #tpu.memory_space<vmem>> -> memref<1x125x128xf32, #tpu.memory_space<vmem>>
      %dma_wait3A_47 = tpu.memref_squeeze %dma_wait3A_46 : memref<1x125x128xf32, #tpu.memory_space<vmem>> -> memref<125x128xf32, #tpu.memory_space<vmem>>
      %dma_wait3A_48 = arith.constant 0 : i32
      %dma_wait3A_49 = tpu.memref_slice %arg6[%add3A_9, %dma_wait3A_48] : memref<10240x128xf32, #tpu.memory_space<vmem_shared>> -> memref<125x128xf32, #tpu.memory_space<vmem_shared>>
      %dma_wait3A_50 = arith.constant 0 : i32
      %dma_wait3A_51 = tpu.memref_slice %arg6[%add3A_9, %dma_wait3A_50] : memref<10240x128xf32, #tpu.memory_space<vmem_shared>> -> memref<125x128xf32, #tpu.memory_space<vmem_shared>>
      %dma_wait3A_52 = arith.constant 0 : i32
      %dma_wait3A_53 = arith.constant 0 : i32
      %dma_wait3A_54 = tpu.memref_slice %arg9[%run_scoped3A, %dma_wait3A_52, %dma_wait3A_53] : memref<2x125x128xf32, #tpu.memory_space<vmem>> -> memref<1x125x128xf32, #tpu.memory_space<vmem>>
      %dma_wait3A_55 = tpu.memref_squeeze %dma_wait3A_54 : memref<1x125x128xf32, #tpu.memory_space<vmem>> -> memref<125x128xf32, #tpu.memory_space<vmem>>
      tpu.wait_dma2 semaphore(%run_scoped3A_33 : memref<!tpu.dma_semaphore, #tpu.memory_space<semaphore_mem>>) src(%dma_wait3A_55 : memref<125x128xf32, #tpu.memory_space<vmem>>) dst(%dma_wait3A_51 : memref<125x128xf32, #tpu.memory_space<vmem_shared>>)
      tpu.yield
    }) : () -> ()
    %add3A_10 = arith.constant 125 : i32
    %add3A_11 = arith.addi %mul3A_0, %add3A_10 : i32
    %run_scoped3A_12 = arith.constant 0 : i32
    "tpu.region"() ({
      %run_scoped3A_33 = tpu.sem_alloc : memref<!tpu.dma_semaphore, #tpu.memory_space<semaphore_mem>>
      %dma_start3A = arith.constant 0 : i32
      %dma_start3A_34 = arith.constant 0 : i32
      %dma_start3A_35 = tpu.memref_slice %arg9[%run_scoped3A_12, %dma_start3A, %dma_start3A_34] : memref<2x125x128xf32, #tpu.memory_space<vmem>> -> memref<1x125x128xf32, #tpu.memory_space<vmem>>
      %dma_start3A_36 = tpu.memref_squeeze %dma_start3A_35 : memref<1x125x128xf32, #tpu.memory_space<vmem>> -> memref<125x128xf32, #tpu.memory_space<vmem>>
      %dma_start3A_37 = arith.constant 0 : i32
      %dma_start3A_38 = tpu.memref_slice %arg6[%add3A_11, %dma_start3A_37] : memref<10240x128xf32, #tpu.memory_space<vmem_shared>> -> memref<125x128xf32, #tpu.memory_space<vmem_shared>>
      %dma_start3A_39 = arith.constant 0 : i32
      %dma_start3A_40 = tpu.memref_slice %arg6[%add3A_11, %dma_start3A_39] : memref<10240x128xf32, #tpu.memory_space<vmem_shared>> -> memref<125x128xf32, #tpu.memory_space<vmem_shared>>
      %dma_start3A_41 = arith.constant 0 : i32
      %dma_start3A_42 = arith.constant 0 : i32
      %dma_start3A_43 = tpu.memref_slice %arg9[%run_scoped3A_12, %dma_start3A_41, %dma_start3A_42] : memref<2x125x128xf32, #tpu.memory_space<vmem>> -> memref<1x125x128xf32, #tpu.memory_space<vmem>>
      %dma_start3A_44 = tpu.memref_squeeze %dma_start3A_43 : memref<1x125x128xf32, #tpu.memory_space<vmem>> -> memref<125x128xf32, #tpu.memory_space<vmem>>
      tpu.enqueue_dma source(%dma_start3A_44 : memref<125x128xf32, #tpu.memory_space<vmem>>) target(%dma_start3A_40 : memref<125x128xf32, #tpu.memory_space<vmem_shared>>) target_semaphore(%run_scoped3A_33 : memref<!tpu.dma_semaphore, #tpu.memory_space<semaphore_mem>>)
      %dma_wait3A = arith.constant 0 : i32
      %dma_wait3A_45 = arith.constant 0 : i32
      %dma_wait3A_46 = tpu.memref_slice %arg9[%run_scoped3A_12, %dma_wait3A, %dma_wait3A_45] : memref<2x125x128xf32, #tpu.memory_space<vmem>> -> memref<1x125x128xf32, #tpu.memory_space<vmem>>
      %dma_wait3A_47 = tpu.memref_squeeze %dma_wait3A_46 : memref<1x125x128xf32, #tpu.memory_space<vmem>> -> memref<125x128xf32, #tpu.memory_space<vmem>>
      %dma_wait3A_48 = arith.constant 0 : i32
      %dma_wait3A_49 = tpu.memref_slice %arg6[%add3A_11, %dma_wait3A_48] : memref<10240x128xf32, #tpu.memory_space<vmem_shared>> -> memref<125x128xf32, #tpu.memory_space<vmem_shared>>
      %dma_wait3A_50 = arith.constant 0 : i32
      %dma_wait3A_51 = tpu.memref_slice %arg6[%add3A_11, %dma_wait3A_50] : memref<10240x128xf32, #tpu.memory_space<vmem_shared>> -> memref<125x128xf32, #tpu.memory_space<vmem_shared>>
      %dma_wait3A_52 = arith.constant 0 : i32
      %dma_wait3A_53 = arith.constant 0 : i32
      %dma_wait3A_54 = tpu.memref_slice %arg9[%run_scoped3A_12, %dma_wait3A_52, %dma_wait3A_53] : memref<2x125x128xf32, #tpu.memory_space<vmem>> -> memref<1x125x128xf32, #tpu.memory_space<vmem>>
      %dma_wait3A_55 = tpu.memref_squeeze %dma_wait3A_54 : memref<1x125x128xf32, #tpu.memory_space<vmem>> -> memref<125x128xf32, #tpu.memory_space<vmem>>
      tpu.wait_dma2 semaphore(%run_scoped3A_33 : memref<!tpu.dma_semaphore, #tpu.memory_space<semaphore_mem>>) src(%dma_wait3A_55 : memref<125x128xf32, #tpu.memory_space<vmem>>) dst(%dma_wait3A_51 : memref<125x128xf32, #tpu.memory_space<vmem_shared>>)
      tpu.yield
    }) : () -> ()
    %add3A_13 = arith.constant 250 : i32
    %add3A_14 = arith.addi %mul3A_0, %add3A_13 : i32
    %run_scoped3A_15 = arith.constant 0 : i32
    "tpu.region"() ({
      %run_scoped3A_33 = tpu.sem_alloc : memref<!tpu.dma_semaphore, #tpu.memory_space<semaphore_mem>>
      %dma_start3A = arith.constant 0 : i32
      %dma_start3A_34 = arith.constant 0 : i32
      %dma_start3A_35 = tpu.memref_slice %arg9[%run_scoped3A_15, %dma_start3A, %dma_start3A_34] : memref<2x125x128xf32, #tpu.memory_space<vmem>> -> memref<1x125x128xf32, #tpu.memory_space<vmem>>
      %dma_start3A_36 = tpu.memref_squeeze %dma_start3A_35 : memref<1x125x128xf32, #tpu.memory_space<vmem>> -> memref<125x128xf32, #tpu.memory_space<vmem>>
      %dma_start3A_37 = arith.constant 0 : i32
      %dma_start3A_38 = tpu.memref_slice %arg6[%add3A_14, %dma_start3A_37] : memref<10240x128xf32, #tpu.memory_space<vmem_shared>> -> memref<125x128xf32, #tpu.memory_space<vmem_shared>>
      %dma_start3A_39 = arith.constant 0 : i32
      %dma_start3A_40 = tpu.memref_slice %arg6[%add3A_14, %dma_start3A_39] : memref<10240x128xf32, #tpu.memory_space<vmem_shared>> -> memref<125x128xf32, #tpu.memory_space<vmem_shared>>
      %dma_start3A_41 = arith.constant 0 : i32
      %dma_start3A_42 = arith.constant 0 : i32
      %dma_start3A_43 = tpu.memref_slice %arg9[%run_scoped3A_15, %dma_start3A_41, %dma_start3A_42] : memref<2x125x128xf32, #tpu.memory_space<vmem>> -> memref<1x125x128xf32, #tpu.memory_space<vmem>>
      %dma_start3A_44 = tpu.memref_squeeze %dma_start3A_43 : memref<1x125x128xf32, #tpu.memory_space<vmem>> -> memref<125x128xf32, #tpu.memory_space<vmem>>
      tpu.enqueue_dma source(%dma_start3A_44 : memref<125x128xf32, #tpu.memory_space<vmem>>) target(%dma_start3A_40 : memref<125x128xf32, #tpu.memory_space<vmem_shared>>) target_semaphore(%run_scoped3A_33 : memref<!tpu.dma_semaphore, #tpu.memory_space<semaphore_mem>>)
      %dma_wait3A = arith.constant 0 : i32
      %dma_wait3A_45 = arith.constant 0 : i32
      %dma_wait3A_46 = tpu.memref_slice %arg9[%run_scoped3A_15, %dma_wait3A, %dma_wait3A_45] : memref<2x125x128xf32, #tpu.memory_space<vmem>> -> memref<1x125x128xf32, #tpu.memory_space<vmem>>
      %dma_wait3A_47 = tpu.memref_squeeze %dma_wait3A_46 : memref<1x125x128xf32, #tpu.memory_space<vmem>> -> memref<125x128xf32, #tpu.memory_space<vmem>>
      %dma_wait3A_48 = arith.constant 0 : i32
      %dma_wait3A_49 = tpu.memref_slice %arg6[%add3A_14, %dma_wait3A_48] : memref<10240x128xf32, #tpu.memory_space<vmem_shared>> -> memref<125x128xf32, #tpu.memory_space<vmem_shared>>
      %dma_wait3A_50 = arith.constant 0 : i32
      %dma_wait3A_51 = tpu.memref_slice %arg6[%add3A_14, %dma_wait3A_50] : memref<10240x128xf32, #tpu.memory_space<vmem_shared>> -> memref<125x128xf32, #tpu.memory_space<vmem_shared>>
      %dma_wait3A_52 = arith.constant 0 : i32
      %dma_wait3A_53 = arith.constant 0 : i32
      %dma_wait3A_54 = tpu.memref_slice %arg9[%run_scoped3A_15, %dma_wait3A_52, %dma_wait3A_53] : memref<2x125x128xf32, #tpu.memory_space<vmem>> -> memref<1x125x128xf32, #tpu.memory_space<vmem>>
      %dma_wait3A_55 = tpu.memref_squeeze %dma_wait3A_54 : memref<1x125x128xf32, #tpu.memory_space<vmem>> -> memref<125x128xf32, #tpu.memory_space<vmem>>
      tpu.wait_dma2 semaphore(%run_scoped3A_33 : memref<!tpu.dma_semaphore, #tpu.memory_space<semaphore_mem>>) src(%dma_wait3A_55 : memref<125x128xf32, #tpu.memory_space<vmem>>) dst(%dma_wait3A_51 : memref<125x128xf32, #tpu.memory_space<vmem_shared>>)
      tpu.yield
    }) : () -> ()
    %add3A_16 = arith.constant 375 : i32
    %add3A_17 = arith.addi %mul3A_0, %add3A_16 : i32
    %run_scoped3A_18 = arith.constant 0 : i32
    "tpu.region"() ({
      %run_scoped3A_33 = tpu.sem_alloc : memref<!tpu.dma_semaphore, #tpu.memory_space<semaphore_mem>>
      %dma_start3A = arith.constant 0 : i32
      %dma_start3A_34 = arith.constant 0 : i32
      %dma_start3A_35 = tpu.memref_slice %arg9[%run_scoped3A_18, %dma_start3A, %dma_start3A_34] : memref<2x125x128xf32, #tpu.memory_space<vmem>> -> memref<1x125x128xf32, #tpu.memory_space<vmem>>
      %dma_start3A_36 = tpu.memref_squeeze %dma_start3A_35 : memref<1x125x128xf32, #tpu.memory_space<vmem>> -> memref<125x128xf32, #tpu.memory_space<vmem>>
      %dma_start3A_37 = arith.constant 0 : i32
      %dma_start3A_38 = tpu.memref_slice %arg6[%add3A_17, %dma_start3A_37] : memref<10240x128xf32, #tpu.memory_space<vmem_shared>> -> memref<125x128xf32, #tpu.memory_space<vmem_shared>>
      %dma_start3A_39 = arith.constant 0 : i32
      %dma_start3A_40 = tpu.memref_slice %arg6[%add3A_17, %dma_start3A_39] : memref<10240x128xf32, #tpu.memory_space<vmem_shared>> -> memref<125x128xf32, #tpu.memory_space<vmem_shared>>
      %dma_start3A_41 = arith.constant 0 : i32
      %dma_start3A_42 = arith.constant 0 : i32
      %dma_start3A_43 = tpu.memref_slice %arg9[%run_scoped3A_18, %dma_start3A_41, %dma_start3A_42] : memref<2x125x128xf32, #tpu.memory_space<vmem>> -> memref<1x125x128xf32, #tpu.memory_space<vmem>>
      %dma_start3A_44 = tpu.memref_squeeze %dma_start3A_43 : memref<1x125x128xf32, #tpu.memory_space<vmem>> -> memref<125x128xf32, #tpu.memory_space<vmem>>
      tpu.enqueue_dma source(%dma_start3A_44 : memref<125x128xf32, #tpu.memory_space<vmem>>) target(%dma_start3A_40 : memref<125x128xf32, #tpu.memory_space<vmem_shared>>) target_semaphore(%run_scoped3A_33 : memref<!tpu.dma_semaphore, #tpu.memory_space<semaphore_mem>>)
      %dma_wait3A = arith.constant 0 : i32
      %dma_wait3A_45 = arith.constant 0 : i32
      %dma_wait3A_46 = tpu.memref_slice %arg9[%run_scoped3A_18, %dma_wait3A, %dma_wait3A_45] : memref<2x125x128xf32, #tpu.memory_space<vmem>> -> memref<1x125x128xf32, #tpu.memory_space<vmem>>
      %dma_wait3A_47 = tpu.memref_squeeze %dma_wait3A_46 : memref<1x125x128xf32, #tpu.memory_space<vmem>> -> memref<125x128xf32, #tpu.memory_space<vmem>>
      %dma_wait3A_48 = arith.constant 0 : i32
      %dma_wait3A_49 = tpu.memref_slice %arg6[%add3A_17, %dma_wait3A_48] : memref<10240x128xf32, #tpu.memory_space<vmem_shared>> -> memref<125x128xf32, #tpu.memory_space<vmem_shared>>
      %dma_wait3A_50 = arith.constant 0 : i32
      %dma_wait3A_51 = tpu.memref_slice %arg6[%add3A_17, %dma_wait3A_50] : memref<10240x128xf32, #tpu.memory_space<vmem_shared>> -> memref<125x128xf32, #tpu.memory_space<vmem_shared>>
      %dma_wait3A_52 = arith.constant 0 : i32
      %dma_wait3A_53 = arith.constant 0 : i32
      %dma_wait3A_54 = tpu.memref_slice %arg9[%run_scoped3A_18, %dma_wait3A_52, %dma_wait3A_53] : memref<2x125x128xf32, #tpu.memory_space<vmem>> -> memref<1x125x128xf32, #tpu.memory_space<vmem>>
      %dma_wait3A_55 = tpu.memref_squeeze %dma_wait3A_54 : memref<1x125x128xf32, #tpu.memory_space<vmem>> -> memref<125x128xf32, #tpu.memory_space<vmem>>
      tpu.wait_dma2 semaphore(%run_scoped3A_33 : memref<!tpu.dma_semaphore, #tpu.memory_space<semaphore_mem>>) src(%dma_wait3A_55 : memref<125x128xf32, #tpu.memory_space<vmem>>) dst(%dma_wait3A_51 : memref<125x128xf32, #tpu.memory_space<vmem_shared>>)
      tpu.yield
    }) : () -> ()
    %add3A_19 = arith.constant 500 : i32
    %add3A_20 = arith.addi %mul3A_0, %add3A_19 : i32
    %run_scoped3A_21 = arith.constant 0 : i32
    "tpu.region"() ({
      %run_scoped3A_33 = tpu.sem_alloc : memref<!tpu.dma_semaphore, #tpu.memory_space<semaphore_mem>>
      %dma_start3A = arith.constant 0 : i32
      %dma_start3A_34 = arith.constant 0 : i32
      %dma_start3A_35 = tpu.memref_slice %arg9[%run_scoped3A_21, %dma_start3A, %dma_start3A_34] : memref<2x125x128xf32, #tpu.memory_space<vmem>> -> memref<1x125x128xf32, #tpu.memory_space<vmem>>
      %dma_start3A_36 = tpu.memref_squeeze %dma_start3A_35 : memref<1x125x128xf32, #tpu.memory_space<vmem>> -> memref<125x128xf32, #tpu.memory_space<vmem>>
      %dma_start3A_37 = arith.constant 0 : i32
      %dma_start3A_38 = tpu.memref_slice %arg6[%add3A_20, %dma_start3A_37] : memref<10240x128xf32, #tpu.memory_space<vmem_shared>> -> memref<125x128xf32, #tpu.memory_space<vmem_shared>>
      %dma_start3A_39 = arith.constant 0 : i32
      %dma_start3A_40 = tpu.memref_slice %arg6[%add3A_20, %dma_start3A_39] : memref<10240x128xf32, #tpu.memory_space<vmem_shared>> -> memref<125x128xf32, #tpu.memory_space<vmem_shared>>
      %dma_start3A_41 = arith.constant 0 : i32
      %dma_start3A_42 = arith.constant 0 : i32
      %dma_start3A_43 = tpu.memref_slice %arg9[%run_scoped3A_21, %dma_start3A_41, %dma_start3A_42] : memref<2x125x128xf32, #tpu.memory_space<vmem>> -> memref<1x125x128xf32, #tpu.memory_space<vmem>>
      %dma_start3A_44 = tpu.memref_squeeze %dma_start3A_43 : memref<1x125x128xf32, #tpu.memory_space<vmem>> -> memref<125x128xf32, #tpu.memory_space<vmem>>
      tpu.enqueue_dma source(%dma_start3A_44 : memref<125x128xf32, #tpu.memory_space<vmem>>) target(%dma_start3A_40 : memref<125x128xf32, #tpu.memory_space<vmem_shared>>) target_semaphore(%run_scoped3A_33 : memref<!tpu.dma_semaphore, #tpu.memory_space<semaphore_mem>>)
      %dma_wait3A = arith.constant 0 : i32
      %dma_wait3A_45 = arith.constant 0 : i32
      %dma_wait3A_46 = tpu.memref_slice %arg9[%run_scoped3A_21, %dma_wait3A, %dma_wait3A_45] : memref<2x125x128xf32, #tpu.memory_space<vmem>> -> memref<1x125x128xf32, #tpu.memory_space<vmem>>
      %dma_wait3A_47 = tpu.memref_squeeze %dma_wait3A_46 : memref<1x125x128xf32, #tpu.memory_space<vmem>> -> memref<125x128xf32, #tpu.memory_space<vmem>>
      %dma_wait3A_48 = arith.constant 0 : i32
      %dma_wait3A_49 = tpu.memref_slice %arg6[%add3A_20, %dma_wait3A_48] : memref<10240x128xf32, #tpu.memory_space<vmem_shared>> -> memref<125x128xf32, #tpu.memory_space<vmem_shared>>
      %dma_wait3A_50 = arith.constant 0 : i32
      %dma_wait3A_51 = tpu.memref_slice %arg6[%add3A_20, %dma_wait3A_50] : memref<10240x128xf32, #tpu.memory_space<vmem_shared>> -> memref<125x128xf32, #tpu.memory_space<vmem_shared>>
      %dma_wait3A_52 = arith.constant 0 : i32
      %dma_wait3A_53 = arith.constant 0 : i32
      %dma_wait3A_54 = tpu.memref_slice %arg9[%run_scoped3A_21, %dma_wait3A_52, %dma_wait3A_53] : memref<2x125x128xf32, #tpu.memory_space<vmem>> -> memref<1x125x128xf32, #tpu.memory_space<vmem>>
      %dma_wait3A_55 = tpu.memref_squeeze %dma_wait3A_54 : memref<1x125x128xf32, #tpu.memory_space<vmem>> -> memref<125x128xf32, #tpu.memory_space<vmem>>
      tpu.wait_dma2 semaphore(%run_scoped3A_33 : memref<!tpu.dma_semaphore, #tpu.memory_space<semaphore_mem>>) src(%dma_wait3A_55 : memref<125x128xf32, #tpu.memory_space<vmem>>) dst(%dma_wait3A_51 : memref<125x128xf32, #tpu.memory_space<vmem_shared>>)
      tpu.yield
    }) : () -> ()
    %add3A_22 = arith.constant 625 : i32
    %add3A_23 = arith.addi %mul3A_0, %add3A_22 : i32
    %run_scoped3A_24 = arith.constant 0 : i32
    "tpu.region"() ({
      %run_scoped3A_33 = tpu.sem_alloc : memref<!tpu.dma_semaphore, #tpu.memory_space<semaphore_mem>>
      %dma_start3A = arith.constant 0 : i32
      %dma_start3A_34 = arith.constant 0 : i32
      %dma_start3A_35 = tpu.memref_slice %arg9[%run_scoped3A_24, %dma_start3A, %dma_start3A_34] : memref<2x125x128xf32, #tpu.memory_space<vmem>> -> memref<1x15x128xf32, #tpu.memory_space<vmem>>
      %dma_start3A_36 = tpu.memref_squeeze %dma_start3A_35 : memref<1x15x128xf32, #tpu.memory_space<vmem>> -> memref<15x128xf32, #tpu.memory_space<vmem>>
      %dma_start3A_37 = arith.constant 0 : i32
      %dma_start3A_38 = tpu.memref_slice %arg6[%add3A_23, %dma_start3A_37] : memref<10240x128xf32, #tpu.memory_space<vmem_shared>> -> memref<15x128xf32, #tpu.memory_space<vmem_shared>>
      %dma_start3A_39 = arith.constant 0 : i32
      %dma_start3A_40 = tpu.memref_slice %arg6[%add3A_23, %dma_start3A_39] : memref<10240x128xf32, #tpu.memory_space<vmem_shared>> -> memref<15x128xf32, #tpu.memory_space<vmem_shared>>
      %dma_start3A_41 = arith.constant 0 : i32
      %dma_start3A_42 = arith.constant 0 : i32
      %dma_start3A_43 = tpu.memref_slice %arg9[%run_scoped3A_24, %dma_start3A_41, %dma_start3A_42] : memref<2x125x128xf32, #tpu.memory_space<vmem>> -> memref<1x15x128xf32, #tpu.memory_space<vmem>>
      %dma_start3A_44 = tpu.memref_squeeze %dma_start3A_43 : memref<1x15x128xf32, #tpu.memory_space<vmem>> -> memref<15x128xf32, #tpu.memory_space<vmem>>
      tpu.enqueue_dma source(%dma_start3A_44 : memref<15x128xf32, #tpu.memory_space<vmem>>) target(%dma_start3A_40 : memref<15x128xf32, #tpu.memory_space<vmem_shared>>) target_semaphore(%run_scoped3A_33 : memref<!tpu.dma_semaphore, #tpu.memory_space<semaphore_mem>>)
      %dma_wait3A = arith.constant 0 : i32
      %dma_wait3A_45 = arith.constant 0 : i32
      %dma_wait3A_46 = tpu.memref_slice %arg9[%run_scoped3A_24, %dma_wait3A, %dma_wait3A_45] : memref<2x125x128xf32, #tpu.memory_space<vmem>> -> memref<1x15x128xf32, #tpu.memory_space<vmem>>
      %dma_wait3A_47 = tpu.memref_squeeze %dma_wait3A_46 : memref<1x15x128xf32, #tpu.memory_space<vmem>> -> memref<15x128xf32, #tpu.memory_space<vmem>>
      %dma_wait3A_48 = arith.constant 0 : i32
      %dma_wait3A_49 = tpu.memref_slice %arg6[%add3A_23, %dma_wait3A_48] : memref<10240x128xf32, #tpu.memory_space<vmem_shared>> -> memref<15x128xf32, #tpu.memory_space<vmem_shared>>
      %dma_wait3A_50 = arith.constant 0 : i32
      %dma_wait3A_51 = tpu.memref_slice %arg6[%add3A_23, %dma_wait3A_50] : memref<10240x128xf32, #tpu.memory_space<vmem_shared>> -> memref<15x128xf32, #tpu.memory_space<vmem_shared>>
      %dma_wait3A_52 = arith.constant 0 : i32
      %dma_wait3A_53 = arith.constant 0 : i32
      %dma_wait3A_54 = tpu.memref_slice %arg9[%run_scoped3A_24, %dma_wait3A_52, %dma_wait3A_53] : memref<2x125x128xf32, #tpu.memory_space<vmem>> -> memref<1x15x128xf32, #tpu.memory_space<vmem>>
      %dma_wait3A_55 = tpu.memref_squeeze %dma_wait3A_54 : memref<1x15x128xf32, #tpu.memory_space<vmem>> -> memref<15x128xf32, #tpu.memory_space<vmem>>
      tpu.wait_dma2 semaphore(%run_scoped3A_33 : memref<!tpu.dma_semaphore, #tpu.memory_space<semaphore_mem>>) src(%dma_wait3A_55 : memref<15x128xf32, #tpu.memory_space<vmem>>) dst(%dma_wait3A_51 : memref<15x128xf32, #tpu.memory_space<vmem_shared>>)
      tpu.yield
    }) : () -> ()
    %barrier3A = arith.constant 0 : index
    tpu.barrier barrier_id(%barrier3A)
    "tpu.region"() ({
      %run_scoped3A_33 = tpu.sem_alloc : memref<!tpu.dma_semaphore, #tpu.memory_space<semaphore_mem>>
      %dma_start3A = arith.constant 0 : i32
      %dma_start3A_34 = arith.constant 0 : i32
      %dma_start3A_35 = tpu.memref_slice %arg3[%arg0, %arg1, %dma_start3A, %dma_start3A_34] : memref<2x16x80x125xi32, #tpu.memory_space<hbm>> -> memref<1x1x80x125xi32, #tpu.memory_space<hbm>>
      %dma_start3A_36 = tpu.memref_squeeze %dma_start3A_35 : memref<1x1x80x125xi32, #tpu.memory_space<hbm>> -> memref<80x125xi32, #tpu.memory_space<hbm>>
      %dma_start3A_37 = arith.constant 0 : i32
      %dma_start3A_38 = arith.constant 0 : i32
      %dma_start3A_39 = tpu.memref_slice %arg3[%arg0, %arg1, %dma_start3A_37, %dma_start3A_38] : memref<2x16x80x125xi32, #tpu.memory_space<hbm>> -> memref<1x1x80x125xi32, #tpu.memory_space<hbm>>
      %dma_start3A_40 = tpu.memref_squeeze %dma_start3A_39 : memref<1x1x80x125xi32, #tpu.memory_space<hbm>> -> memref<80x125xi32, #tpu.memory_space<hbm>>
      tpu.enqueue_dma source(%dma_start3A_40 : memref<80x125xi32, #tpu.memory_space<hbm>>) target(%arg7 : memref<80x125xi32, #tpu.memory_space<vmem>>) target_semaphore(%run_scoped3A_33 : memref<!tpu.dma_semaphore, #tpu.memory_space<semaphore_mem>>)
      %dma_wait3A = arith.constant 0 : i32
      %dma_wait3A_41 = arith.constant 0 : i32
      %dma_wait3A_42 = tpu.memref_slice %arg3[%arg0, %arg1, %dma_wait3A, %dma_wait3A_41] : memref<2x16x80x125xi32, #tpu.memory_space<hbm>> -> memref<1x1x80x125xi32, #tpu.memory_space<hbm>>
      %dma_wait3A_43 = tpu.memref_squeeze %dma_wait3A_42 : memref<1x1x80x125xi32, #tpu.memory_space<hbm>> -> memref<80x125xi32, #tpu.memory_space<hbm>>
      %dma_wait3A_44 = arith.constant 0 : i32
      %dma_wait3A_45 = arith.constant 0 : i32
      %dma_wait3A_46 = tpu.memref_slice %arg3[%arg0, %arg1, %dma_wait3A_44, %dma_wait3A_45] : memref<2x16x80x125xi32, #tpu.memory_space<hbm>> -> memref<1x1x80x125xi32, #tpu.memory_space<hbm>>
      %dma_wait3A_47 = tpu.memref_squeeze %dma_wait3A_46 : memref<1x1x80x125xi32, #tpu.memory_space<hbm>> -> memref<80x125xi32, #tpu.memory_space<hbm>>
      tpu.wait_dma2 semaphore(%run_scoped3A_33 : memref<!tpu.dma_semaphore, #tpu.memory_space<semaphore_mem>>) src(%dma_wait3A_47 : memref<80x125xi32, #tpu.memory_space<hbm>>) dst(%arg7 : memref<80x125xi32, #tpu.memory_space<vmem>>)
      tpu.yield
    }) : () -> ()
    %scan3A_25 = arith.constant 0 : i32
    %scan3A_26 = arith.constant 0 : i32
    %scan3A_27 = arith.constant 2 : i32
    %scan3A_28 = arith.addi %scan3A_26, %scan3A_27 : i32
    %scan3A_29 = arith.constant 1 : i32
    %scan3A_30 = scf.for %scan3A_33 = %scan3A_26 to %scan3A_28 step %scan3A_29 iter_args(%scan3A_34 = %scan3A_25) -> (i32)  : i32 {
      "tpu.region"() ({
        %run_scoped3A_55 = tpu.sem_alloc : memref<!tpu.dma_semaphore, #tpu.memory_space<semaphore_mem>>
        %dma_start3A_56 = arith.constant 0 : i32
        %dma_start3A_57 = arith.constant 0 : i32
        %dma_start3A_58 = tpu.memref_slice %arg4[%arg0, %arg1, %scan3A_33, %dma_start3A_56, %dma_start3A_57] : memref<2x16x2x40x125xi32, #tpu.memory_space<hbm>> -> memref<1x1x1x40x125xi32, #tpu.memory_space<hbm>>
        %dma_start3A_59 = tpu.memref_squeeze %dma_start3A_58 : memref<1x1x1x40x125xi32, #tpu.memory_space<hbm>> -> memref<40x125xi32, #tpu.memory_space<hbm>>
        %dma_start3A_60 = arith.constant 0 : i32
        %dma_start3A_61 = arith.constant 0 : i32
        %dma_start3A_62 = tpu.memref_slice %arg4[%arg0, %arg1, %scan3A_33, %dma_start3A_60, %dma_start3A_61] : memref<2x16x2x40x125xi32, #tpu.memory_space<hbm>> -> memref<1x1x1x40x125xi32, #tpu.memory_space<hbm>>
        %dma_start3A_63 = tpu.memref_squeeze %dma_start3A_62 : memref<1x1x1x40x125xi32, #tpu.memory_space<hbm>> -> memref<40x125xi32, #tpu.memory_space<hbm>>
        tpu.enqueue_dma source(%dma_start3A_63 : memref<40x125xi32, #tpu.memory_space<hbm>>) target(%arg8 : memref<40x125xi32, #tpu.memory_space<vmem>>) target_semaphore(%run_scoped3A_55 : memref<!tpu.dma_semaphore, #tpu.memory_space<semaphore_mem>>)
        %dma_wait3A = arith.constant 0 : i32
        %dma_wait3A_64 = arith.constant 0 : i32
        %dma_wait3A_65 = tpu.memref_slice %arg4[%arg0, %arg1, %scan3A_33, %dma_wait3A, %dma_wait3A_64] : memref<2x16x2x40x125xi32, #tpu.memory_space<hbm>> -> memref<1x1x1x40x125xi32, #tpu.memory_space<hbm>>
        %dma_wait3A_66 = tpu.memref_squeeze %dma_wait3A_65 : memref<1x1x1x40x125xi32, #tpu.memory_space<hbm>> -> memref<40x125xi32, #tpu.memory_space<hbm>>
        %dma_wait3A_67 = arith.constant 0 : i32
        %dma_wait3A_68 = arith.constant 0 : i32
        %dma_wait3A_69 = tpu.memref_slice %arg4[%arg0, %arg1, %scan3A_33, %dma_wait3A_67, %dma_wait3A_68] : memref<2x16x2x40x125xi32, #tpu.memory_space<hbm>> -> memref<1x1x1x40x125xi32, #tpu.memory_space<hbm>>
        %dma_wait3A_70 = tpu.memref_squeeze %dma_wait3A_69 : memref<1x1x1x40x125xi32, #tpu.memory_space<hbm>> -> memref<40x125xi32, #tpu.memory_space<hbm>>
        tpu.wait_dma2 semaphore(%run_scoped3A_55 : memref<!tpu.dma_semaphore, #tpu.memory_space<semaphore_mem>>) src(%dma_wait3A_70 : memref<40x125xi32, #tpu.memory_space<hbm>>) dst(%arg8 : memref<40x125xi32, #tpu.memory_space<vmem>>)
        tpu.yield
      }) : () -> ()
      %mul3A_35 = arith.constant 40 : i32
      %mul3A_36 = arith.muli %scan3A_33, %mul3A_35 : i32
      %dma_start3A = arith.constant 0 : i32
      %dma_start3A_37 = arith.constant 0 : i32
      %dma_start3A_38 = arith.constant 0 : i32
      %dma_start3A_39 = tpu.memref_slice %arg9[%dma_start3A, %dma_start3A_37, %dma_start3A_38] : memref<2x125x128xf32, #tpu.memory_space<vmem>> -> memref<1x125x128xf32, #tpu.memory_space<vmem>>
      %dma_start3A_40 = tpu.memref_squeeze %dma_start3A_39 : memref<1x125x128xf32, #tpu.memory_space<vmem>> -> memref<125x128xf32, #tpu.memory_space<vmem>>
      %dma_start3A_41 = arith.constant 0 : i32
      %dma_start3A_42 = tpu.memref_slice %arg7[%mul3A_36, %dma_start3A_41] : memref<80x125xi32, #tpu.memory_space<vmem>> -> memref<1x125xi32, #tpu.memory_space<vmem>>
      %dma_start3A_43 = tpu.memref_squeeze %dma_start3A_42 : memref<1x125xi32, #tpu.memory_space<vmem>> -> memref<125xi32, #tpu.memory_space<vmem>>
      %dma_start3A_44 = arith.constant 0 : i32
      %dma_start3A_45 = arith.constant 0 : i32
      %dma_start3A_46 = tpu.memref_slice %arg2[%dma_start3A_44, %dma_start3A_45] : memref<10000x128xf32, #tpu.memory_space<hbm>> -> memref<10000x128xf32, #tpu.memory_space<hbm>>
      tpu.enqueue_indirect_dma source(%dma_start3A_46 : memref<10000x128xf32, #tpu.memory_space<hbm>>) target(%dma_start3A_40 : memref<125x128xf32, #tpu.memory_space<vmem>>) offsets(%dma_start3A_43 : memref<125xi32, #tpu.memory_space<vmem>>) semaphore(%arg10 : memref<!tpu.dma_semaphore, #tpu.memory_space<semaphore_mem>>)
      %scan3A_47 = arith.constant 0 : i32
      %scan3A_48 = arith.constant 0 : i32
      %scan3A_49 = arith.constant 20 : i32
      %scan3A_50 = arith.addi %scan3A_48, %scan3A_49 : i32
      %scan3A_51 = arith.constant 1 : i32
      %scan3A_52 = scf.for %scan3A_55 = %scan3A_48 to %scan3A_50 step %scan3A_51 iter_args(%scan3A_56 = %scan3A_47) -> (i32)  : i32 {
        %mul3A_57 = arith.constant 2 : i32
        %mul3A_58 = arith.muli %mul3A_57, %scan3A_55 : i32
        %add3A_59 = arith.addi %mul3A_36, %mul3A_58 : i32
        %add3A_60 = arith.constant 1 : i32
        %add3A_61 = arith.addi %add3A_59, %add3A_60 : i32
        %dma_start3A_62 = arith.constant 1 : i32
        %dma_start3A_63 = arith.constant 0 : i32
        %dma_start3A_64 = arith.constant 0 : i32
        %dma_start3A_65 = tpu.memref_slice %arg9[%dma_start3A_62, %dma_start3A_63, %dma_start3A_64] : memref<2x125x128xf32, #tpu.memory_space<vmem>> -> memref<1x125x128xf32, #tpu.memory_space<vmem>>
        %dma_start3A_66 = tpu.memref_squeeze %dma_start3A_65 : memref<1x125x128xf32, #tpu.memory_space<vmem>> -> memref<125x128xf32, #tpu.memory_space<vmem>>
        %dma_start3A_67 = arith.constant 0 : i32
        %dma_start3A_68 = tpu.memref_slice %arg7[%add3A_61, %dma_start3A_67] : memref<80x125xi32, #tpu.memory_space<vmem>> -> memref<1x125xi32, #tpu.memory_space<vmem>>
        %dma_start3A_69 = tpu.memref_squeeze %dma_start3A_68 : memref<1x125xi32, #tpu.memory_space<vmem>> -> memref<125xi32, #tpu.memory_space<vmem>>
        %dma_start3A_70 = arith.constant 0 : i32
        %dma_start3A_71 = arith.constant 0 : i32
        %dma_start3A_72 = tpu.memref_slice %arg2[%dma_start3A_70, %dma_start3A_71] : memref<10000x128xf32, #tpu.memory_space<hbm>> -> memref<10000x128xf32, #tpu.memory_space<hbm>>
        tpu.enqueue_indirect_dma source(%dma_start3A_72 : memref<10000x128xf32, #tpu.memory_space<hbm>>) target(%dma_start3A_66 : memref<125x128xf32, #tpu.memory_space<vmem>>) offsets(%dma_start3A_69 : memref<125xi32, #tpu.memory_space<vmem>>) semaphore(%arg11 : memref<!tpu.dma_semaphore, #tpu.memory_space<semaphore_mem>>)
        %dma_wait3A = arith.constant 0 : i32
        %dma_wait3A_73 = arith.constant 0 : i32
        %dma_wait3A_74 = arith.constant 0 : i32
        %dma_wait3A_75 = tpu.memref_slice %arg9[%dma_wait3A, %dma_wait3A_73, %dma_wait3A_74] : memref<2x125x128xf32, #tpu.memory_space<vmem>> -> memref<1x125x128xf32, #tpu.memory_space<vmem>>
        %dma_wait3A_76 = tpu.memref_squeeze %dma_wait3A_75 : memref<1x125x128xf32, #tpu.memory_space<vmem>> -> memref<125x128xf32, #tpu.memory_space<vmem>>
        %dma_wait3A_77 = arith.constant 0 : i32
        %dma_wait3A_78 = tpu.memref_slice %arg7[%add3A_59, %dma_wait3A_77] : memref<80x125xi32, #tpu.memory_space<vmem>> -> memref<1x125xi32, #tpu.memory_space<vmem>>
        %dma_wait3A_79 = tpu.memref_squeeze %dma_wait3A_78 : memref<1x125xi32, #tpu.memory_space<vmem>> -> memref<125xi32, #tpu.memory_space<vmem>>
        %dma_wait3A_80 = arith.constant 0 : i32
        %dma_wait3A_81 = arith.constant 0 : i32
        %dma_wait3A_82 = tpu.memref_slice %arg2[%dma_wait3A_80, %dma_wait3A_81] : memref<10000x128xf32, #tpu.memory_space<hbm>> -> memref<10000x128xf32, #tpu.memory_space<hbm>>
        tpu.wait_indirect_dma semaphore(%arg10 : memref<!tpu.dma_semaphore, #tpu.memory_space<semaphore_mem>>) src(%dma_wait3A_82 : memref<10000x128xf32, #tpu.memory_space<hbm>>) dst(%dma_wait3A_76 : memref<125x128xf32, #tpu.memory_space<vmem>>)
        %mul3A_83 = arith.constant 2 : i32
        %mul3A_84 = arith.muli %mul3A_83, %scan3A_55 : i32
        %run_scoped3A_85 = arith.constant 0 : i32
        "tpu.region"() ({
          %run_scoped3A_109 = tpu.sem_alloc : memref<!tpu.dma_semaphore, #tpu.memory_space<semaphore_mem>>
          %dma_start3A_110 = arith.constant 0 : i32
          %dma_start3A_111 = arith.constant 0 : i32
          %dma_start3A_112 = tpu.memref_slice %arg9[%run_scoped3A_85, %dma_start3A_110, %dma_start3A_111] : memref<2x125x128xf32, #tpu.memory_space<vmem>> -> memref<1x125x128xf32, #tpu.memory_space<vmem>>
          %dma_start3A_113 = tpu.memref_squeeze %dma_start3A_112 : memref<1x125x128xf32, #tpu.memory_space<vmem>> -> memref<125x128xf32, #tpu.memory_space<vmem>>
          %dma_start3A_114 = arith.constant 0 : i32
          %dma_start3A_115 = tpu.memref_slice %arg8[%mul3A_84, %dma_start3A_114] : memref<40x125xi32, #tpu.memory_space<vmem>> -> memref<1x125xi32, #tpu.memory_space<vmem>>
          %dma_start3A_116 = tpu.memref_squeeze %dma_start3A_115 : memref<1x125xi32, #tpu.memory_space<vmem>> -> memref<125xi32, #tpu.memory_space<vmem>>
          %dma_start3A_117 = arith.constant 0 : i32
          %dma_start3A_118 = arith.constant 0 : i32
          %dma_start3A_119 = tpu.memref_slice %arg6[%dma_start3A_117, %dma_start3A_118] : memref<10240x128xf32, #tpu.memory_space<vmem_shared>> -> memref<10240x128xf32, #tpu.memory_space<vmem_shared>>
          tpu.enqueue_indirect_dma source(%dma_start3A_113 : memref<125x128xf32, #tpu.memory_space<vmem>>) target(%dma_start3A_119 : memref<10240x128xf32, #tpu.memory_space<vmem_shared>>) offsets(%dma_start3A_116 : memref<125xi32, #tpu.memory_space<vmem>>) semaphore(%run_scoped3A_109 : memref<!tpu.dma_semaphore, #tpu.memory_space<semaphore_mem>>) {add = true}
          %dma_wait3A_120 = arith.constant 0 : i32
          %dma_wait3A_121 = arith.constant 0 : i32
          %dma_wait3A_122 = tpu.memref_slice %arg9[%run_scoped3A_85, %dma_wait3A_120, %dma_wait3A_121] : memref<2x125x128xf32, #tpu.memory_space<vmem>> -> memref<1x125x128xf32, #tpu.memory_space<vmem>>
          %dma_wait3A_123 = tpu.memref_squeeze %dma_wait3A_122 : memref<1x125x128xf32, #tpu.memory_space<vmem>> -> memref<125x128xf32, #tpu.memory_space<vmem>>
          %dma_wait3A_124 = arith.constant 0 : i32
          %dma_wait3A_125 = tpu.memref_slice %arg8[%mul3A_84, %dma_wait3A_124] : memref<40x125xi32, #tpu.memory_space<vmem>> -> memref<1x125xi32, #tpu.memory_space<vmem>>
          %dma_wait3A_126 = tpu.memref_squeeze %dma_wait3A_125 : memref<1x125xi32, #tpu.memory_space<vmem>> -> memref<125xi32, #tpu.memory_space<vmem>>
          %dma_wait3A_127 = arith.constant 0 : i32
          %dma_wait3A_128 = arith.constant 0 : i32
          %dma_wait3A_129 = tpu.memref_slice %arg6[%dma_wait3A_127, %dma_wait3A_128] : memref<10240x128xf32, #tpu.memory_space<vmem_shared>> -> memref<10240x128xf32, #tpu.memory_space<vmem_shared>>
          tpu.wait_indirect_dma semaphore(%run_scoped3A_109 : memref<!tpu.dma_semaphore, #tpu.memory_space<semaphore_mem>>) src(%dma_wait3A_123 : memref<125x128xf32, #tpu.memory_space<vmem>>) dst(%dma_wait3A_129 : memref<10240x128xf32, #tpu.memory_space<vmem_shared>>)
          tpu.yield
        }) : () -> ()
        %mul3A_86 = arith.constant 2 : i32
        %mul3A_87 = arith.muli %mul3A_86, %scan3A_55 : i32
        %add3A_88 = arith.constant 2 : i32
        %add3A_89 = arith.addi %mul3A_87, %add3A_88 : i32
        %lt3A = arith.constant 40 : i32
        %lt3A_90 = arith.cmpi slt, %add3A_89, %lt3A : i32
        %convert_element_type3A = arith.extui %lt3A_90 : i1 to i32
        %cond3A = arith.constant 0 : i32
        %cond3A_91 = arith.cmpi ne, %convert_element_type3A, %cond3A : i32
        scf.if %cond3A_91 {
          %add3A_109 = arith.constant 1 : i32
          %add3A_110 = arith.addi %add3A_61, %add3A_109 : i32
          %dma_start3A_111 = arith.constant 0 : i32
          %dma_start3A_112 = arith.constant 0 : i32
          %dma_start3A_113 = arith.constant 0 : i32
          %dma_start3A_114 = tpu.memref_slice %arg9[%dma_start3A_111, %dma_start3A_112, %dma_start3A_113] : memref<2x125x128xf32, #tpu.memory_space<vmem>> -> memref<1x125x128xf32, #tpu.memory_space<vmem>>
          %dma_start3A_115 = tpu.memref_squeeze %dma_start3A_114 : memref<1x125x128xf32, #tpu.memory_space<vmem>> -> memref<125x128xf32, #tpu.memory_space<vmem>>
          %dma_start3A_116 = arith.constant 0 : i32
          %dma_start3A_117 = tpu.memref_slice %arg7[%add3A_110, %dma_start3A_116] : memref<80x125xi32, #tpu.memory_space<vmem>> -> memref<1x125xi32, #tpu.memory_space<vmem>>
          %dma_start3A_118 = tpu.memref_squeeze %dma_start3A_117 : memref<1x125xi32, #tpu.memory_space<vmem>> -> memref<125xi32, #tpu.memory_space<vmem>>
          %dma_start3A_119 = arith.constant 0 : i32
          %dma_start3A_120 = arith.constant 0 : i32
          %dma_start3A_121 = tpu.memref_slice %arg2[%dma_start3A_119, %dma_start3A_120] : memref<10000x128xf32, #tpu.memory_space<hbm>> -> memref<10000x128xf32, #tpu.memory_space<hbm>>
          tpu.enqueue_indirect_dma source(%dma_start3A_121 : memref<10000x128xf32, #tpu.memory_space<hbm>>) target(%dma_start3A_115 : memref<125x128xf32, #tpu.memory_space<vmem>>) offsets(%dma_start3A_118 : memref<125xi32, #tpu.memory_space<vmem>>) semaphore(%arg10 : memref<!tpu.dma_semaphore, #tpu.memory_space<semaphore_mem>>)
        } else {
        }
        %dma_wait3A_92 = arith.constant 1 : i32
        %dma_wait3A_93 = arith.constant 0 : i32
        %dma_wait3A_94 = arith.constant 0 : i32
        %dma_wait3A_95 = tpu.memref_slice %arg9[%dma_wait3A_92, %dma_wait3A_93, %dma_wait3A_94] : memref<2x125x128xf32, #tpu.memory_space<vmem>> -> memref<1x125x128xf32, #tpu.memory_space<vmem>>
        %dma_wait3A_96 = tpu.memref_squeeze %dma_wait3A_95 : memref<1x125x128xf32, #tpu.memory_space<vmem>> -> memref<125x128xf32, #tpu.memory_space<vmem>>
        %dma_wait3A_97 = arith.constant 0 : i32
        %dma_wait3A_98 = tpu.memref_slice %arg7[%add3A_61, %dma_wait3A_97] : memref<80x125xi32, #tpu.memory_space<vmem>> -> memref<1x125xi32, #tpu.memory_space<vmem>>
        %dma_wait3A_99 = tpu.memref_squeeze %dma_wait3A_98 : memref<1x125xi32, #tpu.memory_space<vmem>> -> memref<125xi32, #tpu.memory_space<vmem>>
        %dma_wait3A_100 = arith.constant 0 : i32
        %dma_wait3A_101 = arith.constant 0 : i32
        %dma_wait3A_102 = tpu.memref_slice %arg2[%dma_wait3A_100, %dma_wait3A_101] : memref<10000x128xf32, #tpu.memory_space<hbm>> -> memref<10000x128xf32, #tpu.memory_space<hbm>>
        tpu.wait_indirect_dma semaphore(%arg11 : memref<!tpu.dma_semaphore, #tpu.memory_space<semaphore_mem>>) src(%dma_wait3A_102 : memref<10000x128xf32, #tpu.memory_space<hbm>>) dst(%dma_wait3A_96 : memref<125x128xf32, #tpu.memory_space<vmem>>)
        %mul3A_103 = arith.constant 2 : i32
        %mul3A_104 = arith.muli %mul3A_103, %scan3A_55 : i32
        %add3A_105 = arith.constant 1 : i32
        %add3A_106 = arith.addi %mul3A_104, %add3A_105 : i32
        %run_scoped3A_107 = arith.constant 1 : i32
        "tpu.region"() ({
          %run_scoped3A_109 = tpu.sem_alloc : memref<!tpu.dma_semaphore, #tpu.memory_space<semaphore_mem>>
          %dma_start3A_110 = arith.constant 0 : i32
          %dma_start3A_111 = arith.constant 0 : i32
          %dma_start3A_112 = tpu.memref_slice %arg9[%run_scoped3A_107, %dma_start3A_110, %dma_start3A_111] : memref<2x125x128xf32, #tpu.memory_space<vmem>> -> memref<1x125x128xf32, #tpu.memory_space<vmem>>
          %dma_start3A_113 = tpu.memref_squeeze %dma_start3A_112 : memref<1x125x128xf32, #tpu.memory_space<vmem>> -> memref<125x128xf32, #tpu.memory_space<vmem>>
          %dma_start3A_114 = arith.constant 0 : i32
          %dma_start3A_115 = tpu.memref_slice %arg8[%add3A_106, %dma_start3A_114] : memref<40x125xi32, #tpu.memory_space<vmem>> -> memref<1x125xi32, #tpu.memory_space<vmem>>
          %dma_start3A_116 = tpu.memref_squeeze %dma_start3A_115 : memref<1x125xi32, #tpu.memory_space<vmem>> -> memref<125xi32, #tpu.memory_space<vmem>>
          %dma_start3A_117 = arith.constant 0 : i32
          %dma_start3A_118 = arith.constant 0 : i32
          %dma_start3A_119 = tpu.memref_slice %arg6[%dma_start3A_117, %dma_start3A_118] : memref<10240x128xf32, #tpu.memory_space<vmem_shared>> -> memref<10240x128xf32, #tpu.memory_space<vmem_shared>>
          tpu.enqueue_indirect_dma source(%dma_start3A_113 : memref<125x128xf32, #tpu.memory_space<vmem>>) target(%dma_start3A_119 : memref<10240x128xf32, #tpu.memory_space<vmem_shared>>) offsets(%dma_start3A_116 : memref<125xi32, #tpu.memory_space<vmem>>) semaphore(%run_scoped3A_109 : memref<!tpu.dma_semaphore, #tpu.memory_space<semaphore_mem>>) {add = true}
          %dma_wait3A_120 = arith.constant 0 : i32
          %dma_wait3A_121 = arith.constant 0 : i32
          %dma_wait3A_122 = tpu.memref_slice %arg9[%run_scoped3A_107, %dma_wait3A_120, %dma_wait3A_121] : memref<2x125x128xf32, #tpu.memory_space<vmem>> -> memref<1x125x128xf32, #tpu.memory_space<vmem>>
          %dma_wait3A_123 = tpu.memref_squeeze %dma_wait3A_122 : memref<1x125x128xf32, #tpu.memory_space<vmem>> -> memref<125x128xf32, #tpu.memory_space<vmem>>
          %dma_wait3A_124 = arith.constant 0 : i32
          %dma_wait3A_125 = tpu.memref_slice %arg8[%add3A_106, %dma_wait3A_124] : memref<40x125xi32, #tpu.memory_space<vmem>> -> memref<1x125xi32, #tpu.memory_space<vmem>>
          %dma_wait3A_126 = tpu.memref_squeeze %dma_wait3A_125 : memref<1x125xi32, #tpu.memory_space<vmem>> -> memref<125xi32, #tpu.memory_space<vmem>>
          %dma_wait3A_127 = arith.constant 0 : i32
          %dma_wait3A_128 = arith.constant 0 : i32
          %dma_wait3A_129 = tpu.memref_slice %arg6[%dma_wait3A_127, %dma_wait3A_128] : memref<10240x128xf32, #tpu.memory_space<vmem_shared>> -> memref<10240x128xf32, #tpu.memory_space<vmem_shared>>
          tpu.wait_indirect_dma semaphore(%run_scoped3A_109 : memref<!tpu.dma_semaphore, #tpu.memory_space<semaphore_mem>>) src(%dma_wait3A_123 : memref<125x128xf32, #tpu.memory_space<vmem>>) dst(%dma_wait3A_129 : memref<10240x128xf32, #tpu.memory_space<vmem_shared>>)
          tpu.yield
        }) : () -> ()
        %scan3A_108 = arith.constant 0 : i32
        scf.yield %scan3A_108 : i32
      }
      %scan3A_53 = arith.constant 20 : i32
      %scan3A_54 = arith.constant 0 : i32
      scf.yield %scan3A_54 : i32
    }
    %scan3A_31 = arith.constant 2 : i32
    %barrier3A_32 = arith.constant 0 : index
    tpu.barrier barrier_id(%barrier3A_32)
    "tpu.region"() ({
      %run_scoped3A_33 = tpu.sem_alloc : memref<!tpu.dma_semaphore, #tpu.memory_space<semaphore_mem>>
      %dma_start3A = arith.constant 0 : i32
      %dma_start3A_34 = tpu.memref_slice %arg5[%arg0, %mul3A_0, %dma_start3A] : memref<2x10240x128xf32, #tpu.memory_space<hbm>> -> memref<1x640x128xf32, #tpu.memory_space<hbm>>
      %dma_start3A_35 = tpu.memref_squeeze %dma_start3A_34 : memref<1x640x128xf32, #tpu.memory_space<hbm>> -> memref<640x128xf32, #tpu.memory_space<hbm>>
      %dma_start3A_36 = arith.constant 0 : i32
      %dma_start3A_37 = tpu.memref_slice %arg6[%mul3A_0, %dma_start3A_36] : memref<10240x128xf32, #tpu.memory_space<vmem_shared>> -> memref<640x128xf32, #tpu.memory_space<vmem_shared>>
      tpu.enqueue_dma source(%dma_start3A_37 : memref<640x128xf32, #tpu.memory_space<vmem_shared>>) target(%dma_start3A_35 : memref<640x128xf32, #tpu.memory_space<hbm>>) target_semaphore(%run_scoped3A_33 : memref<!tpu.dma_semaphore, #tpu.memory_space<semaphore_mem>>)
      %dma_wait3A = arith.constant 0 : i32
      %dma_wait3A_38 = tpu.memref_slice %arg5[%arg0, %mul3A_0, %dma_wait3A] : memref<2x10240x128xf32, #tpu.memory_space<hbm>> -> memref<1x640x128xf32, #tpu.memory_space<hbm>>
      %dma_wait3A_39 = tpu.memref_squeeze %dma_wait3A_38 : memref<1x640x128xf32, #tpu.memory_space<hbm>> -> memref<640x128xf32, #tpu.memory_space<hbm>>
      %dma_wait3A_40 = arith.constant 0 : i32
      %dma_wait3A_41 = tpu.memref_slice %arg6[%mul3A_0, %dma_wait3A_40] : memref<10240x128xf32, #tpu.memory_space<vmem_shared>> -> memref<640x128xf32, #tpu.memory_space<vmem_shared>>
      tpu.wait_dma2 semaphore(%run_scoped3A_33 : memref<!tpu.dma_semaphore, #tpu.memory_space<semaphore_mem>>) src(%dma_wait3A_41 : memref<640x128xf32, #tpu.memory_space<vmem_shared>>) dst(%dma_wait3A_39 : memref<640x128xf32, #tpu.memory_space<hbm>>)
      tpu.yield
    }) : () -> ()
    return
  }
}

module attributes {stable_mosaic.version = 14 : i64} {
  func.func @_tc_in_body(%arg0: i32, %arg1: memref<1000x128xf32, #tpu.memory_space<vmem>>, %arg2: memref<128x128xf32, #tpu.memory_space<vmem>>, %arg3: memref<128x128xf32, #tpu.memory_space<vmem>>, %arg4: memref<1x128xf32, #tpu.memory_space<vmem>>, %arg5: memref<1000x128xf32, #tpu.memory_space<vmem>>, %arg6: memref<1000x128xf32, #tpu.memory_space<vmem>>) attributes {dimension_semantics = [#tpu.dimension_semantics<arbitrary>], iteration_bounds = array<i64: 10>, scalar_prefetch = 0 : i64, scratch_operands = 0 : i64, tpu.core_type = #tpu.core_type<tc>, window_params = [{transform_indices = @transform_0, window_bounds = array<i64: 1000, 128>}, {pipeline_mode = #tpu.pipeline_mode<synchronous>, transform_indices = @transform_1, window_bounds = array<i64: 128, 128>}, {pipeline_mode = #tpu.pipeline_mode<synchronous>, transform_indices = @transform_2, window_bounds = array<i64: 128, 128>}, {pipeline_mode = #tpu.pipeline_mode<synchronous>, transform_indices = @transform_3, window_bounds = array<i64: 1, 128>}, {transform_indices = @transform_4, window_bounds = array<i64: 1000, 128>}, {transform_indices = @transform_5, window_bounds = array<i64: 1000, 128>}]} {
    %get3A = arith.constant 0 : index
    %get3A_0 = arith.constant 0 : index
    %get3A_1 = vector.load %arg1[%get3A, %get3A_0] : memref<1000x128xf32, #tpu.memory_space<vmem>>, vector<1000x128xf32>
    %get3A_2 = arith.constant 0 : index
    %get3A_3 = arith.constant 0 : index
    %get3A_4 = vector.load %arg2[%get3A_2, %get3A_3] : memref<128x128xf32, #tpu.memory_space<vmem>>, vector<128x128xf32>
    %dot_general3A = arith.constant dense<0.000000e+00> : vector<1000x128xf32>
    %dot_general3A_5 = tpu.matmul %get3A_1, %get3A_4, %dot_general3A {dimension_numbers = #tpu.dot_dimension_numbers<[1], [0], [0], [1], [0, 0, 1, 1], [], []>, transpose_lhs_hint = false} : vector<1000x128xf32>, vector<128x128xf32>, vector<1000x128xf32> -> vector<1000x128xf32>
    %swap3A = arith.constant 0 : index
    %swap3A_6 = arith.constant 0 : index
    %swap3A_7 = vector.load %arg5[%swap3A, %swap3A_6] : memref<1000x128xf32, #tpu.memory_space<vmem>>, vector<1000x128xf32>
    tpu.vector_store %arg5[%swap3A, %swap3A_6], %dot_general3A_5 {strides = array<i32>} : memref<1000x128xf32, #tpu.memory_space<vmem>>, vector<1000x128xf32>,
    %get3A_8 = arith.constant 0 : index
    %get3A_9 = arith.constant 0 : index
    %get3A_10 = vector.load %arg3[%get3A_8, %get3A_9] : memref<128x128xf32, #tpu.memory_space<vmem>>, vector<128x128xf32>
    %dot_general3A_11 = arith.constant dense<0.000000e+00> : vector<1000x128xf32>
    %dot_general3A_12 = tpu.matmul %get3A_1, %get3A_10, %dot_general3A_11 {dimension_numbers = #tpu.dot_dimension_numbers<[1], [0], [0], [1], [0, 0, 1, 1], [], []>, transpose_lhs_hint = false} : vector<1000x128xf32>, vector<128x128xf32>, vector<1000x128xf32> -> vector<1000x128xf32>
    %get3A_13 = arith.constant 0 : index
    %get3A_14 = arith.constant 0 : index
    %get3A_15 = vector.load %arg4[%get3A_13, %get3A_14] : memref<1x128xf32, #tpu.memory_space<vmem>>, vector<1x128xf32>
    %add3A = vector.broadcast %get3A_15 : vector<1x128xf32> to vector<1000x128xf32>
    %add3A_16 = arith.addf %dot_general3A_12, %add3A : vector<1000x128xf32>
    %swap3A_17 = arith.constant 0 : index
    %swap3A_18 = arith.constant 0 : index
    %swap3A_19 = vector.load %arg6[%swap3A_17, %swap3A_18] : memref<1000x128xf32, #tpu.memory_space<vmem>>, vector<1000x128xf32>
    tpu.vector_store %arg6[%swap3A_17, %swap3A_18], %add3A_16 {strides = array<i32>} : memref<1000x128xf32, #tpu.memory_space<vmem>>, vector<1000x128xf32>,
    return
  }
  func.func @transform_0(%arg0: i32) -> (i32, i32) {
    %c0_i32 = arith.constant 0 : i32
    %c0_i32_0 = arith.constant 0 : i32
    return %arg0, %c0_i32 : i32, i32
  }
  func.func @transform_1(%arg0: i32) -> (i32, i32) {
    %c0_i32 = arith.constant 0 : i32
    %c0_i32_0 = arith.constant 0 : i32
    %c0_i32_1 = arith.constant 0 : i32
    return %c0_i32, %c0_i32_0 : i32, i32
  }
  func.func @transform_2(%arg0: i32) -> (i32, i32) {
    %c0_i32 = arith.constant 0 : i32
    %c0_i32_0 = arith.constant 0 : i32
    %c0_i32_1 = arith.constant 0 : i32
    return %c0_i32, %c0_i32_0 : i32, i32
  }
  func.func @transform_3(%arg0: i32) -> (i32, i32) {
    %c0_i32 = arith.constant 0 : i32
    %c0_i32_0 = arith.constant 0 : i32
    %c0_i32_1 = arith.constant 0 : i32
    return %c0_i32, %c0_i32_0 : i32, i32
  }
  func.func @transform_4(%arg0: i32) -> (i32, i32) {
    %c0_i32 = arith.constant 0 : i32
    %c0_i32_0 = arith.constant 0 : i32
    return %arg0, %c0_i32 : i32, i32
  }
  func.func @transform_5(%arg0: i32) -> (i32, i32) {
    %c0_i32 = arith.constant 0 : i32
    %c0_i32_0 = arith.constant 0 : i32
    return %arg0, %c0_i32 : i32, i32
  }
}

module attributes {stable_mosaic.version = 14 : i64} {
  func.func @_tc_mid_body(%arg0: i32, %arg1: memref<2x1000x128xf32, #tpu.memory_space<vmem>>, %arg2: memref<2x1000x16xf32, #tpu.memory_space<vmem>>, %arg3: memref<1000x128xf32, #tpu.memory_space<vmem>>, %arg4: memref<1x128xf32, #tpu.memory_space<vmem>>, %arg5: memref<128x128xf32, #tpu.memory_space<vmem>>, %arg6: memref<128x128xf32, #tpu.memory_space<vmem>>, %arg7: memref<1x128xf32, #tpu.memory_space<vmem>>, %arg8: memref<1000x128xf32, #tpu.memory_space<vmem>>, %arg9: memref<1000x128xf32, #tpu.memory_space<vmem>>) attributes {dimension_semantics = [#tpu.dimension_semantics<arbitrary>], iteration_bounds = array<i64: 10>, scalar_prefetch = 0 : i64, scratch_operands = 0 : i64, tpu.core_type = #tpu.core_type<tc>, window_params = [{transform_indices = @transform_0, window_bounds = array<i64: 2, 1000, 128>}, {transform_indices = @transform_1, window_bounds = array<i64: 2, 1000, 16>}, {transform_indices = @transform_2, window_bounds = array<i64: 1000, 128>}, {pipeline_mode = #tpu.pipeline_mode<synchronous>, transform_indices = @transform_3, window_bounds = array<i64: 1, 128>}, {pipeline_mode = #tpu.pipeline_mode<synchronous>, transform_indices = @transform_4, window_bounds = array<i64: 128, 128>}, {pipeline_mode = #tpu.pipeline_mode<synchronous>, transform_indices = @transform_5, window_bounds = array<i64: 128, 128>}, {pipeline_mode = #tpu.pipeline_mode<synchronous>, transform_indices = @transform_6, window_bounds = array<i64: 1, 128>}, {transform_indices = @transform_7, window_bounds = array<i64: 1000, 128>}, {transform_indices = @transform_8, window_bounds = array<i64: 1000, 128>}]} {
    %get3A = arith.constant 0 : index
    %get3A_0 = arith.constant 0 : index
    %get3A_1 = arith.constant 0 : index
    %get3A_2 = vector.load %arg1[%get3A, %get3A_0, %get3A_1] : memref<2x1000x128xf32, #tpu.memory_space<vmem>>, vector<2x1000x128xf32>
    %get3A_3 = arith.constant 0 : index
    %get3A_4 = arith.constant 0 : index
    %get3A_5 = arith.constant 0 : index
    %get3A_6 = vector.load %arg2[%get3A_3, %get3A_4, %get3A_5] : memref<2x1000x16xf32, #tpu.memory_space<vmem>>, vector<2x1000x16xf32>
    %slice3A = vector.extract_strided_slice %get3A_6 {offsets = [0, 0, 0], sizes = [1, 1000, 1], strides = [1, 1, 1]} : vector<2x1000x16xf32> to vector<1x1000x1xf32>
    %squeeze3A = vector.shape_cast %slice3A : vector<1x1000x1xf32> to vector<1000x1xf32>
    %slice3A_7 = vector.extract_strided_slice %get3A_6 {offsets = [1, 0, 0], sizes = [1, 1000, 1], strides = [1, 1, 1]} : vector<2x1000x16xf32> to vector<1x1000x1xf32>
    %squeeze3A_8 = vector.shape_cast %slice3A_7 : vector<1x1000x1xf32> to vector<1000x1xf32>
    %add3A = arith.addf %squeeze3A, %squeeze3A_8 : vector<1000x1xf32>
    %slice3A_9 = vector.extract_strided_slice %get3A_2 {offsets = [0, 0, 0], sizes = [1, 1000, 128], strides = [1, 1, 1]} : vector<2x1000x128xf32> to vector<1x1000x128xf32>
    %squeeze3A_10 = vector.shape_cast %slice3A_9 : vector<1x1000x128xf32> to vector<1000x128xf32>
    %slice3A_11 = vector.extract_strided_slice %get3A_2 {offsets = [1, 0, 0], sizes = [1, 1000, 128], strides = [1, 1, 1]} : vector<2x1000x128xf32> to vector<1x1000x128xf32>
    %squeeze3A_12 = vector.shape_cast %slice3A_11 : vector<1x1000x128xf32> to vector<1000x128xf32>
    %add3A_13 = arith.addf %squeeze3A_10, %squeeze3A_12 : vector<1000x128xf32>
    %max3A = arith.constant 1.000000e+00 : f32
    %max3A_14 = vector.broadcast %max3A : f32 to vector<1000x1xf32>
    %max3A_15 = arith.maximumf %add3A, %max3A_14 : vector<1000x1xf32>
    %div3A = vector.broadcast %max3A_15 : vector<1000x1xf32> to vector<1000x128xf32>
    %div3A_16 = arith.divf %add3A_13, %div3A : vector<1000x128xf32>
    %get3A_17 = arith.constant 0 : index
    %get3A_18 = arith.constant 0 : index
    %get3A_19 = vector.load %arg3[%get3A_17, %get3A_18] : memref<1000x128xf32, #tpu.memory_space<vmem>>, vector<1000x128xf32>
    %add3A_20 = arith.addf %div3A_16, %get3A_19 : vector<1000x128xf32>
    %ge3A = arith.constant 0.000000e+00 : f32
    %ge3A_21 = vector.broadcast %ge3A : f32 to vector<1000x128xf32>
    %ge3A_22 = arith.cmpf oge, %add3A_20, %ge3A_21 : vector<1000x128xf32>
    %get3A_23 = arith.constant 0 : index
    %get3A_24 = arith.constant 0 : index
    %get3A_25 = vector.load %arg4[%get3A_23, %get3A_24] : memref<1x128xf32, #tpu.memory_space<vmem>>, vector<1x128xf32>
    %mul3A = vector.broadcast %get3A_25 : vector<1x128xf32> to vector<1000x128xf32>
    %mul3A_26 = arith.mulf %mul3A, %add3A_20 : vector<1000x128xf32>
    %select_n3A = arith.select %ge3A_22, %add3A_20, %mul3A_26 : vector<1000x128xi1>, vector<1000x128xf32>
    %get3A_27 = arith.constant 0 : index
    %get3A_28 = arith.constant 0 : index
    %get3A_29 = vector.load %arg5[%get3A_27, %get3A_28] : memref<128x128xf32, #tpu.memory_space<vmem>>, vector<128x128xf32>
    %dot_general3A = arith.constant dense<0.000000e+00> : vector<1000x128xf32>
    %dot_general3A_30 = tpu.matmul %select_n3A, %get3A_29, %dot_general3A {dimension_numbers = #tpu.dot_dimension_numbers<[1], [0], [0], [1], [0, 0, 1, 1], [], []>, transpose_lhs_hint = false} : vector<1000x128xf32>, vector<128x128xf32>, vector<1000x128xf32> -> vector<1000x128xf32>
    %swap3A = arith.constant 0 : index
    %swap3A_31 = arith.constant 0 : index
    %swap3A_32 = vector.load %arg8[%swap3A, %swap3A_31] : memref<1000x128xf32, #tpu.memory_space<vmem>>, vector<1000x128xf32>
    tpu.vector_store %arg8[%swap3A, %swap3A_31], %dot_general3A_30 {strides = array<i32>} : memref<1000x128xf32, #tpu.memory_space<vmem>>, vector<1000x128xf32>,
    %get3A_33 = arith.constant 0 : index
    %get3A_34 = arith.constant 0 : index
    %get3A_35 = vector.load %arg6[%get3A_33, %get3A_34] : memref<128x128xf32, #tpu.memory_space<vmem>>, vector<128x128xf32>
    %dot_general3A_36 = arith.constant dense<0.000000e+00> : vector<1000x128xf32>
    %dot_general3A_37 = tpu.matmul %select_n3A, %get3A_35, %dot_general3A_36 {dimension_numbers = #tpu.dot_dimension_numbers<[1], [0], [0], [1], [0, 0, 1, 1], [], []>, transpose_lhs_hint = false} : vector<1000x128xf32>, vector<128x128xf32>, vector<1000x128xf32> -> vector<1000x128xf32>
    %get3A_38 = arith.constant 0 : index
    %get3A_39 = arith.constant 0 : index
    %get3A_40 = vector.load %arg7[%get3A_38, %get3A_39] : memref<1x128xf32, #tpu.memory_space<vmem>>, vector<1x128xf32>
    %add3A_41 = vector.broadcast %get3A_40 : vector<1x128xf32> to vector<1000x128xf32>
    %add3A_42 = arith.addf %dot_general3A_37, %add3A_41 : vector<1000x128xf32>
    %swap3A_43 = arith.constant 0 : index
    %swap3A_44 = arith.constant 0 : index
    %swap3A_45 = vector.load %arg9[%swap3A_43, %swap3A_44] : memref<1000x128xf32, #tpu.memory_space<vmem>>, vector<1000x128xf32>
    tpu.vector_store %arg9[%swap3A_43, %swap3A_44], %add3A_42 {strides = array<i32>} : memref<1000x128xf32, #tpu.memory_space<vmem>>, vector<1000x128xf32>,
    return
  }
  func.func @transform_0(%arg0: i32) -> (i32, i32, i32) {
    %c0_i32 = arith.constant 0 : i32
    %c0_i32_0 = arith.constant 0 : i32
    %c0_i32_1 = arith.constant 0 : i32
    return %c0_i32, %arg0, %c0_i32_0 : i32, i32, i32
  }
  func.func @transform_1(%arg0: i32) -> (i32, i32, i32) {
    %c0_i32 = arith.constant 0 : i32
    %c0_i32_0 = arith.constant 0 : i32
    %c0_i32_1 = arith.constant 0 : i32
    return %c0_i32, %arg0, %c0_i32_0 : i32, i32, i32
  }
  func.func @transform_2(%arg0: i32) -> (i32, i32) {
    %c0_i32 = arith.constant 0 : i32
    %c0_i32_0 = arith.constant 0 : i32
    return %arg0, %c0_i32 : i32, i32
  }
  func.func @transform_3(%arg0: i32) -> (i32, i32) {
    %c0_i32 = arith.constant 0 : i32
    %c0_i32_0 = arith.constant 0 : i32
    %c0_i32_1 = arith.constant 0 : i32
    return %c0_i32, %c0_i32_0 : i32, i32
  }
  func.func @transform_4(%arg0: i32) -> (i32, i32) {
    %c0_i32 = arith.constant 0 : i32
    %c0_i32_0 = arith.constant 0 : i32
    %c0_i32_1 = arith.constant 0 : i32
    return %c0_i32, %c0_i32_0 : i32, i32
  }
  func.func @transform_5(%arg0: i32) -> (i32, i32) {
    %c0_i32 = arith.constant 0 : i32
    %c0_i32_0 = arith.constant 0 : i32
    %c0_i32_1 = arith.constant 0 : i32
    return %c0_i32, %c0_i32_0 : i32, i32
  }
  func.func @transform_6(%arg0: i32) -> (i32, i32) {
    %c0_i32 = arith.constant 0 : i32
    %c0_i32_0 = arith.constant 0 : i32
    %c0_i32_1 = arith.constant 0 : i32
    return %c0_i32, %c0_i32_0 : i32, i32
  }
  func.func @transform_7(%arg0: i32) -> (i32, i32) {
    %c0_i32 = arith.constant 0 : i32
    %c0_i32_0 = arith.constant 0 : i32
    return %arg0, %c0_i32 : i32, i32
  }
  func.func @transform_8(%arg0: i32) -> (i32, i32) {
    %c0_i32 = arith.constant 0 : i32
    %c0_i32_0 = arith.constant 0 : i32
    return %arg0, %c0_i32 : i32, i32
  }
}

module attributes {stable_mosaic.version = 14 : i64} {
  func.func @_tc_out_body(%arg0: i32, %arg1: memref<2x1000x128xf32, #tpu.memory_space<vmem>>, %arg2: memref<2x1000x16xf32, #tpu.memory_space<vmem>>, %arg3: memref<1000x128xf32, #tpu.memory_space<vmem>>, %arg4: memref<1x128xf32, #tpu.memory_space<vmem>>, %arg5: memref<1000x128xf32, #tpu.memory_space<vmem>>) attributes {dimension_semantics = [#tpu.dimension_semantics<arbitrary>], iteration_bounds = array<i64: 10>, scalar_prefetch = 0 : i64, scratch_operands = 0 : i64, tpu.core_type = #tpu.core_type<tc>, window_params = [{transform_indices = @transform_0, window_bounds = array<i64: 2, 1000, 128>}, {transform_indices = @transform_1, window_bounds = array<i64: 2, 1000, 16>}, {transform_indices = @transform_2, window_bounds = array<i64: 1000, 128>}, {pipeline_mode = #tpu.pipeline_mode<synchronous>, transform_indices = @transform_3, window_bounds = array<i64: 1, 128>}, {transform_indices = @transform_4, window_bounds = array<i64: 1000, 128>}]} {
    %get3A = arith.constant 0 : index
    %get3A_0 = arith.constant 0 : index
    %get3A_1 = arith.constant 0 : index
    %get3A_2 = vector.load %arg1[%get3A, %get3A_0, %get3A_1] : memref<2x1000x128xf32, #tpu.memory_space<vmem>>, vector<2x1000x128xf32>
    %get3A_3 = arith.constant 0 : index
    %get3A_4 = arith.constant 0 : index
    %get3A_5 = arith.constant 0 : index
    %get3A_6 = vector.load %arg2[%get3A_3, %get3A_4, %get3A_5] : memref<2x1000x16xf32, #tpu.memory_space<vmem>>, vector<2x1000x16xf32>
    %slice3A = vector.extract_strided_slice %get3A_6 {offsets = [0, 0, 0], sizes = [1, 1000, 1], strides = [1, 1, 1]} : vector<2x1000x16xf32> to vector<1x1000x1xf32>
    %squeeze3A = vector.shape_cast %slice3A : vector<1x1000x1xf32> to vector<1000x1xf32>
    %slice3A_7 = vector.extract_strided_slice %get3A_6 {offsets = [1, 0, 0], sizes = [1, 1000, 1], strides = [1, 1, 1]} : vector<2x1000x16xf32> to vector<1x1000x1xf32>
    %squeeze3A_8 = vector.shape_cast %slice3A_7 : vector<1x1000x1xf32> to vector<1000x1xf32>
    %add3A = arith.addf %squeeze3A, %squeeze3A_8 : vector<1000x1xf32>
    %slice3A_9 = vector.extract_strided_slice %get3A_2 {offsets = [0, 0, 0], sizes = [1, 1000, 128], strides = [1, 1, 1]} : vector<2x1000x128xf32> to vector<1x1000x128xf32>
    %squeeze3A_10 = vector.shape_cast %slice3A_9 : vector<1x1000x128xf32> to vector<1000x128xf32>
    %slice3A_11 = vector.extract_strided_slice %get3A_2 {offsets = [1, 0, 0], sizes = [1, 1000, 128], strides = [1, 1, 1]} : vector<2x1000x128xf32> to vector<1x1000x128xf32>
    %squeeze3A_12 = vector.shape_cast %slice3A_11 : vector<1x1000x128xf32> to vector<1000x128xf32>
    %add3A_13 = arith.addf %squeeze3A_10, %squeeze3A_12 : vector<1000x128xf32>
    %max3A = arith.constant 1.000000e+00 : f32
    %max3A_14 = vector.broadcast %max3A : f32 to vector<1000x1xf32>
    %max3A_15 = arith.maximumf %add3A, %max3A_14 : vector<1000x1xf32>
    %div3A = vector.broadcast %max3A_15 : vector<1000x1xf32> to vector<1000x128xf32>
    %div3A_16 = arith.divf %add3A_13, %div3A : vector<1000x128xf32>
    %get3A_17 = arith.constant 0 : index
    %get3A_18 = arith.constant 0 : index
    %get3A_19 = vector.load %arg3[%get3A_17, %get3A_18] : memref<1000x128xf32, #tpu.memory_space<vmem>>, vector<1000x128xf32>
    %add3A_20 = arith.addf %div3A_16, %get3A_19 : vector<1000x128xf32>
    %ge3A = arith.constant 0.000000e+00 : f32
    %ge3A_21 = vector.broadcast %ge3A : f32 to vector<1000x128xf32>
    %ge3A_22 = arith.cmpf oge, %add3A_20, %ge3A_21 : vector<1000x128xf32>
    %get3A_23 = arith.constant 0 : index
    %get3A_24 = arith.constant 0 : index
    %get3A_25 = vector.load %arg4[%get3A_23, %get3A_24] : memref<1x128xf32, #tpu.memory_space<vmem>>, vector<1x128xf32>
    %mul3A = vector.broadcast %get3A_25 : vector<1x128xf32> to vector<1000x128xf32>
    %mul3A_26 = arith.mulf %mul3A, %add3A_20 : vector<1000x128xf32>
    %select_n3A = arith.select %ge3A_22, %add3A_20, %mul3A_26 : vector<1000x128xi1>, vector<1000x128xf32>
    %swap3A = arith.constant 0 : index
    %swap3A_27 = arith.constant 0 : index
    %swap3A_28 = vector.load %arg5[%swap3A, %swap3A_27] : memref<1000x128xf32, #tpu.memory_space<vmem>>, vector<1000x128xf32>
    tpu.vector_store %arg5[%swap3A, %swap3A_27], %select_n3A {strides = array<i32>} : memref<1000x128xf32, #tpu.memory_space<vmem>>, vector<1000x128xf32>,
    return
  }
  func.func @transform_0(%arg0: i32) -> (i32, i32, i32) {
    %c0_i32 = arith.constant 0 : i32
    %c0_i32_0 = arith.constant 0 : i32
    %c0_i32_1 = arith.constant 0 : i32
    return %c0_i32, %arg0, %c0_i32_0 : i32, i32, i32
  }
  func.func @transform_1(%arg0: i32) -> (i32, i32, i32) {
    %c0_i32 = arith.constant 0 : i32
    %c0_i32_0 = arith.constant 0 : i32
    %c0_i32_1 = arith.constant 0 : i32
    return %c0_i32, %arg0, %c0_i32_0 : i32, i32, i32
  }
  func.func @transform_2(%arg0: i32) -> (i32, i32) {
    %c0_i32 = arith.constant 0 : i32
    %c0_i32_0 = arith.constant 0 : i32
    return %arg0, %c0_i32 : i32, i32
  }
  func.func @transform_3(%arg0: i32) -> (i32, i32) {
    %c0_i32 = arith.constant 0 : i32
    %c0_i32_0 = arith.constant 0 : i32
    %c0_i32_1 = arith.constant 0 : i32
    return %c0_i32, %c0_i32_0 : i32, i32
  }
  func.func @transform_4(%arg0: i32) -> (i32, i32) {
    %c0_i32 = arith.constant 0 : i32
    %c0_i32_0 = arith.constant 0 : i32
    return %arg0, %c0_i32 : i32, i32
  }
}

</mosaic_0001>

<sc_bundles>
// kernel: kernel.10.cloned.1.call-start
scs
__scs_entry_jumppad:
0x0: {  	(pc) =	sbr.rel $0x88, $3  }
0x1: {  	(tag) =	ssettag $0x0;
	lr =	simm.s32 $0x1  }
0x2: {  	[smem:$0x3F93] =	sst lr;
	_ =	strace $0xD0000000  }
0x3: {  	_ = 	snop  }
0x4: {  	_ = 	snop  }
0x5: {  	_ = 	snop  }
0x6: {  	_ = 	snop  }
0x7: {  	_ = 	snop  }
__scs_overlays_trampoline_lowered:
0x8: {  	[smem:$0x3FA2] =	sst s0  }
0x9: {  	[smem:$0x3FA3] =	sst s1  }
0xa: {  	[smem:$0x3FA4] =	sst s2  }
0xb: {  	[smem:$0x3FA5] =	sst s3  }
0xc: {  	[smem:$0x3FA6] =	sst s4  }
0xd: {  	[smem:$0x3FA7] =	sst s5  }
0xe: {  	[smem:$0x3FA8] =	sst s6  }
0xf: {  	[smem:$0x3FA9] =	sst s7  }
0x10: {  	[smem:$0x3FAA] =	sst s8  }
0x11: {  	[smem:$0x3FAB] =	sst s9;
	s0 =	simm.s32 @!p0 $0x0  }
0x12: {  	s1 =	sld [smem:$0x3F91];
	s0 =	simm.s32 @p0 $0x1  }
0x13: {  	[smem:$0x3FAC] =	sst s0;
	s0 =	simm.s32 @!p1 $0x0  }
0x14: {  	s2 =	sld [smem:$0x3F90];
	s0 =	simm.s32 @p1 $0x1  }
0x15: {  	[smem:$0x3FAD] =	sst s0;
	s0 =	simm.s32 @!p2 $0x0  }
0x16: {  	s3 =	sld [smem:$0x3FDB];
	s0 =	simm.s32 @p2 $0x1  }
0x17: {  	s4 =	simm.s32 $0x1BF5;
	[smem:$0x3FAF] =	sst s0  }
0x18: {  	s0 =	sld [smem:$0x3F92];
	_ =	swait.ge [sflag:s4], $0x0  }
0x19: {  	s7 =	sld [smem:$0x3F93]  }
0x1a: {  	s8 =	sadd.s32 $0xFFFFE003, lr  }
0x1b: {  	s9 =	sadd.s32 $0xFFFFFEF7, lr;
	s5 =	simm.s32 $0xFFFFFFFF;
	p2 =	slt.u32 s8, $0xFFFFF086  }
0x1c: {  	p1 =	slt.u32 s9, $0xF7A;
	s5 =	simm.s32 @!p2 $0x0  }
0x1d: {  	s5 =	simm.s32 @p1 $0x1;
	p0 =	seq.s32 s7, s2  }
0x1e: {  	s7 =	smul.u32 @!p0 $0xF7A, s2;
	p2 =	seq.s32 @!p0 s5, $0x0  }
0x1f: {  	s9 =	smul.u32 $0xF7A, s1;
	s8 =	simm.s32 @!p0 $0x1BF5;
	p2 =	por !p2, p0  }
0x20: {  	[sflag:s8] =	ssyncset.s32 @!p0 $0xFFFFF086;
	s6 =	sadd.s32 @!p0 s3, s7;
	s7 =	simm.s32 @!p0 $0x108  }
0x21: {  	s3 =	sadd.s32 s3, s9;
	s6 =	sadd.s32 @!p0 $0x88, s6;
	s7 =	simm.s32 @p2 $0x1082  }
0x22: {  	[simem:s7], [sflag:s8] =	dma.local @!p0 [hbm:s6], $0xF7A  }
0x23: {  	s9 =	sor.u32 $0xD0000000, s2;
	s6 =	simm.s32 $0x108;
	_ =	swait.ge @!p0 [sflag:s8], $0x0  }
0x24: {  	s3 =	sadd.s32 $0x88, s3;
	s6 =	simm.s32 @!p1 $0x1082;
	[sflag:s4] =	ssyncset.s32 $0xFFFFF086  }
0x25: {  	[simem:s6], [sflag:s4] =	dma.local [hbm:s3], $0xF7A  }
0x26: {  	[smem:$0x3F93] =	sst s1;
	(tag) =	ssettag s2;
	_ =	strace s9  }
0x27: {  	s1 =	sld [smem:$0x3FA3]  }
0x28: {  	s2 =	sld [smem:$0x3FA4]  }
0x29: {  	s4 =	sld [smem:$0x3FA6]  }
0x2a: {  	p0 =	seq.s32 s5, $0x0;
	s5 =	sld [smem:$0x3FA7]  }
0x2b: {  	s6 =	sld [smem:$0x3FA8]  }
0x2c: {  	s7 =	sld [smem:$0x3FA9]  }
0x2d: {  	s3 =	simm.s32 $0x108;
	s8 =	sld [smem:$0x3FAA]  }
0x2e: {  	s3 =	simm.s32 @!p0 $0x1082;
	s9 =	sld [smem:$0x3FAB]  }
0x2f: {  	lr =	sadd.s32 s0, s3;
	s0 =	sld [smem:$0x3FA2]  }
0x30: {  	s3 =	sld [smem:$0x3FA5]  }
0x31: {  	[smem:$0x3FAE] =	sst s10  }
0x32: {  	s10 =	sld [smem:$0x3FAC];
	_ =	sdelay $0x3  }
0x33: {  	p0 =	seq.s32 s10, $0x1;
	s10 =	sld [smem:$0x3FAE];
	_ =	sdelay $0x3  }
0x34: {  	[smem:$0x3FAE] =	sst s10  }
0x35: {  	s10 =	sld [smem:$0x3FAD];
	_ =	sdelay $0x3  }
0x36: {  	p1 =	seq.s32 s10, $0x1;
	s10 =	sld [smem:$0x3FAE];
	_ =	sdelay $0x3  }
0x37: {  	[smem:$0x3FAE] =	sst s10  }
0x38: {  	s10 =	sld [smem:$0x3FAF]  }
0x39: {  	_ = 	snop;
	(pc) =	sbr.ind lr, $3  }
0x3a: {  	_ = 	snop  }
0x3b: {  	_ = 	snop  }
0x3c: {  	p2 =	seq.s32 s10, $0x1;
	s10 =	sld [smem:$0x3FAE]  }
0x3d: {  	_ =	shalt  }
0x3e: {  	_ =	shalt  }
0x3f: {  	_ =	shalt  }
0x40: {  	_ =	shalt  }
0x41: {  	_ =	shalt  }
0x42: {  	_ =	shalt  }
0x43: {  	_ =	shalt  }
0x44: {  	_ =	shalt  }
0x45: {  	_ =	shalt  }
0x46: {  	_ =	shalt  }
0x47: {  	_ =	shalt  }
0x48: {  	_ =	shalt  }
0x49: {  	_ =	shalt  }
0x4a: {  	_ =	shalt  }
0x4b: {  	_ =	shalt  }
0x4c: {  	_ =	shalt  }
0x4d: {  	_ =	shalt  }
0x4e: {  	_ =	shalt  }
0x4f: {  	_ =	shalt  }
0x50: {  	_ =	shalt  }
0x51: {  	_ =	shalt  }
0x52: {  	_ =	shalt  }
0x53: {  	_ =	shalt  }
0x54: {  	_ =	shalt  }
0x55: {  	_ =	shalt  }
0x56: {  	_ =	shalt  }
0x57: {  	_ =	shalt  }
0x58: {  	_ =	shalt  }
0x59: {  	_ =	shalt  }
0x5a: {  	_ =	shalt  }
0x5b: {  	_ =	shalt  }
0x5c: {  	_ =	shalt  }
0x5d: {  	_ =	shalt  }
0x5e: {  	_ =	shalt  }
0x5f: {  	_ =	shalt  }
0x60: {  	_ =	shalt  }
0x61: {  	_ =	shalt  }
0x62: {  	_ =	shalt  }
0x63: {  	_ =	shalt  }
0x64: {  	_ =	shalt  }
0x65: {  	_ =	shalt  }
0x66: {  	_ =	shalt  }
0x67: {  	_ =	shalt  }
0x68: {  	_ =	shalt  }
0x69: {  	_ =	shalt  }
0x6a: {  	_ =	shalt  }
0x6b: {  	_ =	shalt  }
0x6c: {  	_ =	shalt  }
0x6d: {  	_ =	shalt  }
0x6e: {  	_ =	shalt  }
0x6f: {  	_ =	shalt  }
0x70: {  	_ =	shalt  }
0x71: {  	_ =	shalt  }
0x72: {  	_ =	shalt  }
0x73: {  	_ =	shalt  }
0x74: {  	_ =	shalt  }
0x75: {  	_ =	shalt  }
0x76: {  	_ =	shalt  }
0x77: {  	_ =	shalt  }
0x78: {  	_ =	shalt  }
0x79: {  	_ =	shalt  }
0x7a: {  	_ =	shalt  }
0x7b: {  	_ =	shalt  }
0x7c: {  	_ =	shalt  }
0x7d: {  	_ =	shalt  }
0x7e: {  	_ =	shalt  }
0x7f: {  	_ =	shalt  }
0x80: {  	_ =	shalt  }
0x81: {  	_ =	shalt  }
0x82: {  	_ =	shalt  }
0x83: {  	_ =	shalt  }
0x84: {  	_ =	shalt  }
0x85: {  	_ =	shalt  }
0x86: {  	_ =	shalt  }
0x87: {  	_ =	shalt  }
.Lfunc_end0:
.L_simem_size_0:
called_computation_lowered:
.L_overlay_start_0:
0x88: {  	s2 =	sld [smem:$0x3FD9]  }
0x89: {  	s3 =	sld [smem:$0x3FFE];
	_ =	sdelay $0x1  }
0x8a: {  	s1 =	srdreg.scid  }
0x8b: {  	s0 =	sand.u32 $0x1, s1  }
0x8c: {  	s17 =	sshll.u32 s0, $0xA;
	s2 =	sadd.s32 s3, s2  }
0x8d: {  	s2 =	sadd.s32 s2, s17  }
0x8e: {  	[smem:$0x3FBA] =	sst s2  }
0x8f: {  	_ = 	snop  }
0x90: {  	(tm) =	ssettm $0x1  }
0x91: {  	s18 =	sld [smem:$0x3FFB];
	_ =	sdelay $0x3  }
0x92: {  	_ =	strace s18  }
0x93: {  	s2 =	sld [smem:$0x3FFC];
	_ =	sdelay $0x3  }
0x94: {  	_ =	strace s2  }
0x95: {  	s2 =	sld [smem:$0x3FFD];
	_ =	sdelay $0x3  }
0x96: {  	_ =	strace s2  }
0x97: {  	_ =	strace $0x8FFFFFFF  }
0x98: {  	s19 =	sld [smem:$0x3FDB];
	_ =	sdelay $0x1  }
0x99: {  	s20 =	simm.s32 $_scs_section_size  }
0x9a: {  	s4 =	simm.s32 $_size__tile_overlayer_lowered;
	s5 =	simm.s32 $_tile_overlayer_lowered  }
0x9b: {  	s6 =	simm.s32 $0x1BFF;
	s21 =	sshll.u32 s5, $0x1;
	s3 =	sadd.s32 s20, s19  }
0x9c: {  	s22 =	simm.s32 $0x0;
	s4 =	sshll.u32 s4, $0x1;
	s5 =	sadd.s32 s21, s3  }
0x9d: {  	[timem:s22], [sflag:s6] =	dma.local [hbm:s5], s4  }
0x9e: {  	_ =	swait.ge [sflag:s6], s4  }
0x9f: {  	s4 =	ssub.s32 $0x0, s4;
	[sflag:s6] =	ssyncset.done $0x0  }
0xa0: {  	[sflag:s6] =	ssyncadd.s32 s4;
	_ =	sdelay $0x1  }
0xa1: {  	s23 =	simm.s32 $0x1B8B  }
0xa2: {  	_ =	swait.ge [sflag:s23], $0x1  }
0xa3: {  	[sflag:s23] =	ssyncset.done $0x0  }
0xa4: {  	[sflag:s23] =	ssyncadd.s32 $0xFFFFFFFF  }
0xa5: {  	s4 =	sld [smem:$0x0]  }
0xa6: {  	s5 =	sand.u32 $0xFFFFFFFE, s1  }
0xa7: {  	p0 =	sne.s32 s1, s5  }
0xa8: {  	s5 =	sshll.u32 @p0 s5, $0xE  }
0xa9: {  	s5 =	sadd.s32 @p0 $0x11B8D, s5;
	s6 =	sshll.u32 @p0 s4, $0x11  }
0xaa: {  	s5 =	sor.u32 @p0 s6, s5  }
0xab: {  	[sflag:s5] =	ssyncadd.remote.s32 @p0 $0x1;
	_ =	sdelay $0x1  }
0xac: {  	s5 =	simm.s32 @p0 $0x1B8D  }
0xad: {  	_ =	swait.eq @p0 [sflag:s5], $0x1  }
0xae: {  	[sflag:s5] =	ssyncadd.s32 @p0 $0xFFFFFFFF  }
0xaf: {  	s6 =	sshll.u32 @!p0 s1, $0xE  }
0xb0: {  	s6 =	sor.u32 @!p0 $0x4000, s6;
	s5 =	simm.s32 @!p0 $0x1B8D  }
0xb1: {  	s4 =	sshll.u32 @!p0 s4, $0x11;
	s6 =	sadd.s32 @!p0 $0x11B8D, s6;
	_ =	swait.eq @!p0 [sflag:s5], $0x1  }
0xb2: {  	s4 =	sor.u32 @!p0 s4, s6;
	[sflag:s5] =	ssyncadd.s32 @!p0 $0xFFFFFFFF  }
0xb3: {  	s25 =	simm.s32 $0x1B8E;
	s24 =	sld [smem:$0x3FFE];
	[sflag:s4] =	ssyncadd.remote.s32 @!p0 $0x1  }
0xb4: {  	s26 =	simm.s32 $execute0_lowered;
	[smem:$0x3FD2] =	sst s25  }
0xb5: {  	s5 =	sshll.u32 s26, $0x1;
	_ =	strace $0x80000049;
	[dreg:$0x1] =	wrdreg $0xFFFFFFFF  }
0xb6: {  	s28 =	simm.s32 $_size_execute0_lowered;
	s3 =	sadd.s32 s3, s5;
	[dreg:$0x0] =	wrdreg $0x0  }
0xb7: {  	s5 =	sshll.u32 s28, $0x1;
	[dreg:$0x2] =	wrdreg s3  }
0xb8: {  	[dreg:$0x3] =	wrdreg s5  }
0xb9: {  	[dreg:$0x4] =	wrdreg $0xC0  }
0xba: {  	_ =	task [dreg:s22], $0x5FFFF  }
0xbb: {  	[dreg:$0x1] =	wrdreg $0xFFFFFFFF  }
0xbc: {  	[dreg:$0x0] =	wrdreg $0x60  }
0xbd: {  	[dreg:$0x2] =	wrdreg s24  }
0xbe: {  	[dreg:$0x3] =	wrdreg $0x0  }
0xbf: {  	[dreg:$0x4] =	wrdreg $0x9  }
0xc0: {  	_ =	task.clear_ibuf [dreg:s22], $0x5FFFF;
	_ =	strace $0x90000049  }
0xc1: {  	s29 =	simm.s32 $0x9;
	_ =	strace $0x8000004B  }
0xc2: {  	_ =	swait.ge [sflag:s29], $0x1  }
0xc3: {  	[sflag:s29] =	ssyncadd.s32 $0xFFFFFFFF  }
0xc4: {  	_ =	strace $0x9000004B  }
0xc5: {  	_ =	sfence  }
0xc6: {  	s30 =	sld [smem:$0x0];
	_ =	sdelay $0x2  }
0xc7: {  	s31 =	sshll.u32 s1, $0xD;
	s1 =	sshrl.u32 s1, $0x2  }
0xc8: {  	s4 =	sand.u32 $0x4000, s31;
	s1 =	sadd.s32 s1, s30  }
0xc9: {  	s0 =	sor.u32 s4, s0;
	s1 =	sshll.u32 s1, $0x11  }
0xca: {  	s0 =	sor.u32 s1, s0  }
0xcb: {  	s0 =	sadd.s32 $0x8F2B, s0  }
0xcc: {  	[sflag:s0] =	ssyncadd.remote.s32 $0x1  }
0xcd: {  	_ =	sfence.sel $0xFFFF  }
0xce: {  	[dreg:$0x0] =	wrdreg $0xFFFFFFFF;
	(pc) =	sbr.abs _section_cstart, $3  }
0xcf: {  	[dreg:$0x1] =	wrdreg $0xFFFFFFFF  }
0xd0: {  	_ =	task.clear_ibuf [dreg:s22], $0x2FFFF;
	_ =	strace $0x9FFFFFFF  }
0xd1: {  	(tm) =	ssettm $0x7FFFFFFF  }
tec
execute0_lowered:
.L_overlay_start_1:
0x0: {  	(tag) =	ssettag $0x1  }
0x1: {  	s0 =	srdreg.scid;
	s5 =	rddreg [dreg:$0x0]  }
0x2: {  	s2 =	rddreg [dreg:$0x1];
	s4 =	sand.u32 $0x1, s0  }
0x3: {  	s0 =	stileid.u32;
	s6 =	smul.u32 $0x28000, s4  }
0x4: {  	s1 =	rddreg [dreg:$0x2];
	s7 =	smul.u32 $0x2800, s0  }
0x5: {  	s3 =	simm.s32 $0x0;
	s14 =	simm.s32 $0x15400;
	s8 =	smul.u32 $0x140000, s4  }
0x6: {  	s15 =	simm.s32 $0x1;
	s16 =	simm.s32 $0x14000;
	s26 =	smul.u32 $0x14000, s0  }
0x7: {  	s17 =	simm.s32 $0x7D;
	[smem:$0x7FF] =	sst s3;
	s9 =	smul.u32 $0x50000, s0  }
0x8: {  	_ =	strace $0x8000004A;
	s29 =	ssub.s32 $0x2, s4;
	s18 =	sshll.u32 s0, $0x6  }
0x9: {  	s31 =	sshrl.u32 s29, $0x1;
	s18 =	sor.u32 $0x1C01, s18;
	s6 =	sadd.s32 s7, s6  }
0xa: {  	s28 =	sadd.s32 s26, s8;
	s30 =	sshrl.u32 s9, $0x2;
	s11 =	ssub.s32 s29, s31  }
0xb: {  	s6 =	sshrl.u32 s6, $0x3;
	s4 =	sadd.s32 s30, s2;
	s11 =	smax.u32 s11, $0x1  }
0xc: {  	s13 =	sadd.s32 s6, s5;
	s6 =	sshrl.u32 s28, $0x3;
	s7 =	sadd.s32 $0xBB80, s4  }
0xd: {  	s8 =	sadd.s32 $0xFA00, s4;
	s9 =	sadd.s32 $0x13880, s4;
	s19 =	sshrl.u32 s4, $0x3  }
0xe: {  	s10 =	sadd.s32 s6, s5;
	s5 =	sadd.s32 $0x3E80, s4;
	s6 =	sadd.s32 $0x7D00, s4  }
0xf: {  	v0 =	vimm.f32 $0.0e+00;
	v1 =	vimm.f32 $1.000000000e+00;
	s12 =	sadd.s32 $0x3000, s13;
	s13 =	sadd.s32 $0x3280, s13;
	s10 =	sadd.s32 $0x67000, s10  }
.LBB2_1:
0x10: {  	s20 =	simm.s32 $0x0;
	s21 =	simm.s32 $0x200  }
.LBB2_2:
0x11: {  	p0 =	sne.s32 s21, $0xF800;
	[tilespmem:s20+$0x15470] =	vst v0  }
0x12: {  	[tilespmem:s20+$0x15400] =	vst v0  }
0x13: {  	[tilespmem:s20+$0x15410] =	vst v0  }
.Ltmp0:
0x14: {  	[tilespmem:s20+$0x15420] =	vst v0;
	(pc) =	sbr.rel @p0 .LBB2_2-.Ltmp0, $4  }
0x15: {  	[tilespmem:s20+$0x15430] =	vst v0  }
0x16: {  	[tilespmem:s20+$0x15440] =	vst v0  }
0x17: {  	[tilespmem:s20+$0x15450] =	vst v0  }
0x18: {  	[tilespmem:s20+$0x15460] =	vst v0;
	s20 =	sshra.s32 s21, $0x2;
	s21 =	sadd.s32 $0x200, s21  }
0x19: {  	[tilespmem:s20+$0x15470] =	vst v0  }
0x1a: {  	[tilespmem:s20+$0x15400] =	vst v0  }
0x1b: {  	[tilespmem:s20+$0x15410] =	vst v0  }
0x1c: {  	[tilespmem:s20+$0x15420] =	vst v0  }
0x1d: {  	[tilespmem:s20+$0x15430] =	vst v0  }
0x1e: {  	[tilespmem:s20+$0x15440] =	vst v0  }
0x1f: {  	[tilespmem:s20+$0x15450] =	vst v0  }
0x20: {  	[tilespmem:s20+$0x15460] =	vst v0  }
0x21: {  	[spmem:s4] =	stream.linear.scatter [tilespmem:s14], [sflag:$0x1], $0x3E80, $0x38;
	[tilespmem:$0x19400] =	vst v63  }
0x22: {  	_ =	swait.ge [sflag:s15], $0x3E80  }
0x23: {  	[sflag:s15] =	ssyncset.done $0x0  }
0x24: {  	[sflag:s15] =	ssyncadd.s32 $0xFFFFC180  }
0x25: {  	[spmem:s5] =	stream.linear.scatter [tilespmem:s14], [sflag:$0x1], $0x3E80, $0x38;
	[tilespmem:$0x19400] =	vst v63  }
0x26: {  	_ =	swait.ge [sflag:s15], $0x3E80  }
0x27: {  	[sflag:s15] =	ssyncset.done $0x0  }
0x28: {  	[sflag:s15] =	ssyncadd.s32 $0xFFFFC180  }
0x29: {  	[spmem:s6] =	stream.linear.scatter [tilespmem:s14], [sflag:$0x1], $0x3E80, $0x38;
	[tilespmem:$0x19400] =	vst v63  }
0x2a: {  	_ =	swait.ge [sflag:s15], $0x3E80  }
0x2b: {  	[sflag:s15] =	ssyncset.done $0x0  }
0x2c: {  	[sflag:s15] =	ssyncadd.s32 $0xFFFFC180  }
0x2d: {  	[spmem:s7] =	stream.linear.scatter [tilespmem:s14], [sflag:$0x1], $0x3E80, $0x38;
	[tilespmem:$0x19400] =	vst v63  }
0x2e: {  	_ =	swait.ge [sflag:s15], $0x3E80  }
0x2f: {  	[sflag:s15] =	ssyncset.done $0x0  }
0x30: {  	[sflag:s15] =	ssyncadd.s32 $0xFFFFC180  }
0x31: {  	[spmem:s8] =	stream.linear.scatter [tilespmem:s14], [sflag:$0x1], $0x3E80, $0x38;
	[tilespmem:$0x19400] =	vst v63  }
0x32: {  	_ =	swait.ge [sflag:s15], $0x3E80  }
0x33: {  	[sflag:s15] =	ssyncset.done $0x0  }
0x34: {  	[sflag:s15] =	ssyncadd.s32 $0xFFFFC180  }
0x35: {  	[spmem:s9] =	stream.linear.scatter [tilespmem:s14], [sflag:$0x1], $0x780, $0x38;
	[tilespmem:$0x19400] =	vst v63  }
0x36: {  	_ =	swait.ge [sflag:s15], $0x780  }
0x37: {  	[sflag:s15] =	ssyncset.done $0x0  }
0x38: {  	s20 =	simm.s32 $0x0;
	s21 =	simm.s32 $0x200;
	[sflag:s15] =	ssyncadd.s32 $0xFFFFF880  }
.LBB2_4:
0x39: {  	p0 =	sne.s32 s21, $0xF800;
	[tilespmem:s20+$0x15470] =	vst v1  }
0x3a: {  	[tilespmem:s20+$0x15400] =	vst v1  }
0x3b: {  	[tilespmem:s20+$0x15410] =	vst v1  }
.Ltmp1:
0x3c: {  	[tilespmem:s20+$0x15420] =	vst v1;
	(pc) =	sbr.rel @p0 .LBB2_4-.Ltmp1, $4  }
0x3d: {  	[tilespmem:s20+$0x15430] =	vst v1  }
0x3e: {  	[tilespmem:s20+$0x15440] =	vst v1  }
0x3f: {  	[tilespmem:s20+$0x15450] =	vst v1  }
0x40: {  	[tilespmem:s20+$0x15460] =	vst v1;
	s20 =	sshra.s32 s21, $0x2;
	s21 =	sadd.s32 $0x200, s21  }
0x41: {  	[tilespmem:s20+$0x15470] =	vst v1  }
0x42: {  	[tilespmem:s20+$0x15400] =	vst v1  }
0x43: {  	[tilespmem:s20+$0x15410] =	vst v1  }
0x44: {  	[tilespmem:s20+$0x15420] =	vst v1  }
0x45: {  	[tilespmem:s20+$0x15430] =	vst v1  }
0x46: {  	[tilespmem:s20+$0x15440] =	vst v1  }
0x47: {  	[tilespmem:s20+$0x15450] =	vst v1  }
0x48: {  	[tilespmem:s20+$0x15460] =	vst v1  }
0x49: {  	s30 =	simm.s32 $0x0;
	[bflag:$0x0] =	sbarrier.arrive $0xFFFF  }
0x4a: {  	[tilespmem:s16], [sflag:$0x1] =	stream.linear.gather [hbm4b:s12+s30], $0x1400, $0x38;
	[tilespmem:$0x19400] =	vst v63  }
0x4b: {  	_ =	swait.ge [sflag:s15], $0x1400  }
0x4c: {  	[sflag:s15] =	ssyncset.done $0x0  }
0x4d: {  	s31 =	simm.s32 $0x14000;
	[sflag:s15] =	ssyncadd.s32 $0xFFFFEC00  }
0x4e: {  	[spmem:s2] =	stream.indirect.scatter.add.f32 [tilespmem:s14], [sflag:$0x1], $0x80, s31, s17, $0xb8;
	[tilespmem:$0x19400] =	vst v63  }
0x4f: {  	s20 =	simm.s32 $0x200;
	_ =	swait.ge [sflag:s15], $0x3E80  }
.LBB2_6:
0x50: {  	s21 =	sshra.s32 s20, $0x2;
	[sflag:s15] =	ssyncset.done $0x0;
	p0 =	sne.s32 s20, $0x4E00  }
.Ltmp2:
0x51: {  	s21 =	sadd.s32 $0x14000, s21;
	[sflag:s15] =	ssyncadd.s32 $0xFFFFC180;
	(pc) =	sbr.rel @p0 .LBB2_6-.Ltmp2, $3  }
0x52: {  	[spmem:s2] =	stream.indirect.scatter.add.f32 [tilespmem:s14], [sflag:$0x1], $0x80, s21, s17, $0xb8;
	[tilespmem:$0x19400] =	vst v63  }
0x53: {  	s20 =	sadd.s32 $0x200, s20;
	_ =	sdelay $0x1  }
0x54: {  	_ =	swait.ge [sflag:s15], $0x3E80  }
0x55: {  	[sflag:s15] =	ssyncset.done $0x0  }
0x56: {  	s20 =	simm.s32 $0x0;
	[sflag:s15] =	ssyncadd.s32 $0xFFFFC180  }
0x57: {  	[tilespmem:s16], [sflag:$0x1] =	stream.linear.gather [hbm4b:s13+s20], $0x1400, $0x38;
	[tilespmem:$0x19400] =	vst v63  }
0x58: {  	_ =	swait.ge [sflag:s15], $0x1400  }
0x59: {  	[sflag:s15] =	ssyncset.done $0x0  }
0x5a: {  	s31 =	simm.s32 $0x14000;
	[sflag:s15] =	ssyncadd.s32 $0xFFFFEC00  }
0x5b: {  	[spmem:s2] =	stream.indirect.scatter.add.f32 [tilespmem:s14], [sflag:$0x1], $0x80, s31, s17, $0xb8;
	[tilespmem:$0x19400] =	vst v63  }
0x5c: {  	s20 =	simm.s32 $0x200;
	_ =	swait.ge [sflag:s15], $0x3E80  }
.LBB2_8:
0x5d: {  	s21 =	sshra.s32 s20, $0x2;
	[sflag:s15] =	ssyncset.done $0x0;
	p0 =	sne.s32 s20, $0x4E00  }
.Ltmp3:
0x5e: {  	s21 =	sadd.s32 $0x14000, s21;
	[sflag:s15] =	ssyncadd.s32 $0xFFFFC180;
	(pc) =	sbr.rel @p0 .LBB2_8-.Ltmp3, $3  }
0x5f: {  	[spmem:s2] =	stream.indirect.scatter.add.f32 [tilespmem:s14], [sflag:$0x1], $0x80, s21, s17, $0xb8;
	[tilespmem:$0x19400] =	vst v63  }
0x60: {  	s20 =	sadd.s32 $0x200, s20;
	_ =	sdelay $0x1  }
0x61: {  	_ =	swait.ge [sflag:s15], $0x3E80  }
0x62: {  	[sflag:s15] =	ssyncset.done $0x0;
	s3 =	sadd.s32 $0x1, s3  }
0x63: {  	[sflag:s15] =	ssyncadd.s32 $0xFFFFC180;
	p0 =	sne.s32 s3, s11  }
.Ltmp4:
0x64: {  	[bflag:$0x0] =	sbarrier.arrive $0xFFFF;
	(pc) =	sbr.rel @p0 .LBB2_1-.Ltmp4, $4  }
0x65: {  	[hbm:s10], [sflag:s18] =	dma.local [spmem:s19], $0x2800  }
0x66: {  	_ =	swait.ge [sflag:s15], $0x2800  }
0x67: {  	[sflag:s15] =	ssyncset.done $0x0  }
0x68: {  	[sflag:s15] =	ssyncadd.s32 $0xFFFFD800  }
0x69: {  	_ =	sfence.sel $0x180000  }
0x6a: {  	[bflag:$0x0] =	sbarrier.arrive $0xFFFF  }
0x6b: {  	p0 =	sne.s32 s0, $0x0;
	_ =	strace $0x9000004A  }
0x6c: {  	s0 =	sadd.s32 @!p0 $0x100000, s1;
	[bflag:$0x2] =	sbarrier.arrive $0xFFFF  }
0x6d: {  	[sflag:s0] =	ssyncadd.tile.s32 @!p0 $0x1;
	_ =	shalt  }
.Lfunc_end2:
_tile_overlayer_lowered:
.L_overlay_start_2:
0x6e: {  	(tag) =	ssettag $0x2  }
0x6f: {  	s0 =	rddreg [dreg:$0x0];
	s2 =	stileid.u32  }
0x70: {  	s1 =	rddreg [dreg:$0x1];
	p0 =	sne.s32 s2, $0x0  }
0x71: {  	s3 =	rddreg [dreg:$0x2];
	[bflag:$0x3] =	sbarrier.arrive $0xFFFF;
	s2 =	simm.s32 @!p0 $0x1C01  }
0x72: {  	[timem:s3], [sflag:s2] =	dma.local @!p0 [hbm:s0], s1  }
0x73: {  	s0 =	simm.s32 @!p0 $0x1  }
0x74: {  	_ =	swait.ge @!p0 [sflag:s0], s1  }
0x75: {  	s1 =	ssub.s32 @!p0 $0x0, s1;
	[sflag:s0] =	ssyncset.done @!p0 $0x0  }
0x76: {  	[sflag:s0] =	ssyncadd.s32 @!p0 s1  }
0x77: {  	[bflag:$0x3] =	sbarrier.arrive $0xFFFF  }
0x78: {  	_ =	shalt  }

// kernel: kernel.13.cloned.1.call-start
scs
__scs_entry_jumppad:
0x0: {  	(pc) =	sbr.rel $0x88, $3  }
0x1: {  	(tag) =	ssettag $0x0;
	lr =	simm.s32 $0x1  }
0x2: {  	[smem:$0x3F93] =	sst lr;
	_ =	strace $0xD0000000  }
0x3: {  	_ = 	snop  }
0x4: {  	_ = 	snop  }
0x5: {  	_ = 	snop  }
0x6: {  	_ = 	snop  }
0x7: {  	_ = 	snop  }
__scs_overlays_trampoline_lowered:
0x8: {  	[smem:$0x3FA2] =	sst s0  }
0x9: {  	[smem:$0x3FA3] =	sst s1  }
0xa: {  	[smem:$0x3FA4] =	sst s2  }
0xb: {  	[smem:$0x3FA5] =	sst s3  }
0xc: {  	[smem:$0x3FA6] =	sst s4  }
0xd: {  	[smem:$0x3FA7] =	sst s5  }
0xe: {  	[smem:$0x3FA8] =	sst s6  }
0xf: {  	[smem:$0x3FA9] =	sst s7  }
0x10: {  	[smem:$0x3FAA] =	sst s8  }
0x11: {  	[smem:$0x3FAB] =	sst s9;
	s0 =	simm.s32 @!p0 $0x0  }
0x12: {  	s1 =	sld [smem:$0x3F91];
	s0 =	simm.s32 @p0 $0x1  }
0x13: {  	[smem:$0x3FAC] =	sst s0;
	s0 =	simm.s32 @!p1 $0x0  }
0x14: {  	s2 =	sld [smem:$0x3F90];
	s0 =	simm.s32 @p1 $0x1  }
0x15: {  	[smem:$0x3FAD] =	sst s0;
	s0 =	simm.s32 @!p2 $0x0  }
0x16: {  	s3 =	sld [smem:$0x3FDB];
	s0 =	simm.s32 @p2 $0x1  }
0x17: {  	s4 =	simm.s32 $0x1BF5;
	[smem:$0x3FAF] =	sst s0  }
0x18: {  	s0 =	sld [smem:$0x3F92];
	_ =	swait.ge [sflag:s4], $0x0  }
0x19: {  	s7 =	sld [smem:$0x3F93]  }
0x1a: {  	s8 =	sadd.s32 $0xFFFFE003, lr  }
0x1b: {  	s9 =	sadd.s32 $0xFFFFFEF7, lr;
	s5 =	simm.s32 $0xFFFFFFFF;
	p2 =	slt.u32 s8, $0xFFFFF086  }
0x1c: {  	p1 =	slt.u32 s9, $0xF7A;
	s5 =	simm.s32 @!p2 $0x0  }
0x1d: {  	s5 =	simm.s32 @p1 $0x1;
	p0 =	seq.s32 s7, s2  }
0x1e: {  	s7 =	smul.u32 @!p0 $0xF7A, s2;
	p2 =	seq.s32 @!p0 s5, $0x0  }
0x1f: {  	s9 =	smul.u32 $0xF7A, s1;
	s8 =	simm.s32 @!p0 $0x1BF5;
	p2 =	por !p2, p0  }
0x20: {  	[sflag:s8] =	ssyncset.s32 @!p0 $0xFFFFF086;
	s6 =	sadd.s32 @!p0 s3, s7;
	s7 =	simm.s32 @!p0 $0x108  }
0x21: {  	s3 =	sadd.s32 s3, s9;
	s6 =	sadd.s32 @!p0 $0x88, s6;
	s7 =	simm.s32 @p2 $0x1082  }
0x22: {  	[simem:s7], [sflag:s8] =	dma.local @!p0 [hbm:s6], $0xF7A  }
0x23: {  	s9 =	sor.u32 $0xD0000000, s2;
	s6 =	simm.s32 $0x108;
	_ =	swait.ge @!p0 [sflag:s8], $0x0  }
0x24: {  	s3 =	sadd.s32 $0x88, s3;
	s6 =	simm.s32 @!p1 $0x1082;
	[sflag:s4] =	ssyncset.s32 $0xFFFFF086  }
0x25: {  	[simem:s6], [sflag:s4] =	dma.local [hbm:s3], $0xF7A  }
0x26: {  	[smem:$0x3F93] =	sst s1;
	(tag) =	ssettag s2;
	_ =	strace s9  }
0x27: {  	s1 =	sld [smem:$0x3FA3]  }
0x28: {  	s2 =	sld [smem:$0x3FA4]  }
0x29: {  	s4 =	sld [smem:$0x3FA6]  }
0x2a: {  	p0 =	seq.s32 s5, $0x0;
	s5 =	sld [smem:$0x3FA7]  }
0x2b: {  	s6 =	sld [smem:$0x3FA8]  }
0x2c: {  	s7 =	sld [smem:$0x3FA9]  }
0x2d: {  	s3 =	simm.s32 $0x108;
	s8 =	sld [smem:$0x3FAA]  }
0x2e: {  	s3 =	simm.s32 @!p0 $0x1082;
	s9 =	sld [smem:$0x3FAB]  }
0x2f: {  	lr =	sadd.s32 s0, s3;
	s0 =	sld [smem:$0x3FA2]  }
0x30: {  	s3 =	sld [smem:$0x3FA5]  }
0x31: {  	[smem:$0x3FAE] =	sst s10  }
0x32: {  	s10 =	sld [smem:$0x3FAC];
	_ =	sdelay $0x3  }
0x33: {  	p0 =	seq.s32 s10, $0x1;
	s10 =	sld [smem:$0x3FAE];
	_ =	sdelay $0x3  }
0x34: {  	[smem:$0x3FAE] =	sst s10  }
0x35: {  	s10 =	sld [smem:$0x3FAD];
	_ =	sdelay $0x3  }
0x36: {  	p1 =	seq.s32 s10, $0x1;
	s10 =	sld [smem:$0x3FAE];
	_ =	sdelay $0x3  }
0x37: {  	[smem:$0x3FAE] =	sst s10  }
0x38: {  	s10 =	sld [smem:$0x3FAF]  }
0x39: {  	_ = 	snop;
	(pc) =	sbr.ind lr, $3  }
0x3a: {  	_ = 	snop  }
0x3b: {  	_ = 	snop  }
0x3c: {  	p2 =	seq.s32 s10, $0x1;
	s10 =	sld [smem:$0x3FAE]  }
0x3d: {  	_ =	shalt  }
0x3e: {  	_ =	shalt  }
0x3f: {  	_ =	shalt  }
0x40: {  	_ =	shalt  }
0x41: {  	_ =	shalt  }
0x42: {  	_ =	shalt  }
0x43: {  	_ =	shalt  }
0x44: {  	_ =	shalt  }
0x45: {  	_ =	shalt  }
0x46: {  	_ =	shalt  }
0x47: {  	_ =	shalt  }
0x48: {  	_ =	shalt  }
0x49: {  	_ =	shalt  }
0x4a: {  	_ =	shalt  }
0x4b: {  	_ =	shalt  }
0x4c: {  	_ =	shalt  }
0x4d: {  	_ =	shalt  }
0x4e: {  	_ =	shalt  }
0x4f: {  	_ =	shalt  }
0x50: {  	_ =	shalt  }
0x51: {  	_ =	shalt  }
0x52: {  	_ =	shalt  }
0x53: {  	_ =	shalt  }
0x54: {  	_ =	shalt  }
0x55: {  	_ =	shalt  }
0x56: {  	_ =	shalt  }
0x57: {  	_ =	shalt  }
0x58: {  	_ =	shalt  }
0x59: {  	_ =	shalt  }
0x5a: {  	_ =	shalt  }
0x5b: {  	_ =	shalt  }
0x5c: {  	_ =	shalt  }
0x5d: {  	_ =	shalt  }
0x5e: {  	_ =	shalt  }
0x5f: {  	_ =	shalt  }
0x60: {  	_ =	shalt  }
0x61: {  	_ =	shalt  }
0x62: {  	_ =	shalt  }
0x63: {  	_ =	shalt  }
0x64: {  	_ =	shalt  }
0x65: {  	_ =	shalt  }
0x66: {  	_ =	shalt  }
0x67: {  	_ =	shalt  }
0x68: {  	_ =	shalt  }
0x69: {  	_ =	shalt  }
0x6a: {  	_ =	shalt  }
0x6b: {  	_ =	shalt  }
0x6c: {  	_ =	shalt  }
0x6d: {  	_ =	shalt  }
0x6e: {  	_ =	shalt  }
0x6f: {  	_ =	shalt  }
0x70: {  	_ =	shalt  }
0x71: {  	_ =	shalt  }
0x72: {  	_ =	shalt  }
0x73: {  	_ =	shalt  }
0x74: {  	_ =	shalt  }
0x75: {  	_ =	shalt  }
0x76: {  	_ =	shalt  }
0x77: {  	_ =	shalt  }
0x78: {  	_ =	shalt  }
0x79: {  	_ =	shalt  }
0x7a: {  	_ =	shalt  }
0x7b: {  	_ =	shalt  }
0x7c: {  	_ =	shalt  }
0x7d: {  	_ =	shalt  }
0x7e: {  	_ =	shalt  }
0x7f: {  	_ =	shalt  }
0x80: {  	_ =	shalt  }
0x81: {  	_ =	shalt  }
0x82: {  	_ =	shalt  }
0x83: {  	_ =	shalt  }
0x84: {  	_ =	shalt  }
0x85: {  	_ =	shalt  }
0x86: {  	_ =	shalt  }
0x87: {  	_ =	shalt  }
.Lfunc_end0:
.L_simem_size_0:
called_computation.1_lowered:
.L_overlay_start_0:
0x88: {  	s2 =	sld [smem:$0x3FD9]  }
0x89: {  	s3 =	sld [smem:$0x3FFE];
	_ =	sdelay $0x1  }
0x8a: {  	s1 =	srdreg.scid  }
0x8b: {  	s0 =	sand.u32 $0x1, s1  }
0x8c: {  	s17 =	sshll.u32 s0, $0xA;
	s2 =	sadd.s32 s3, s2  }
0x8d: {  	s2 =	sadd.s32 s2, s17  }
0x8e: {  	[smem:$0x3FBA] =	sst s2  }
0x8f: {  	_ = 	snop  }
0x90: {  	s2 =	sld [smem:$0x3FD0];
	(tm) =	ssettm $0x1  }
0x91: {  	s18 =	sld [smem:$0x3FFB];
	_ =	sdelay $0x3  }
0x92: {  	_ =	strace s18  }
0x93: {  	s3 =	sld [smem:$0x3FFC];
	_ =	sdelay $0x3  }
0x94: {  	_ =	strace s3  }
0x95: {  	s3 =	sld [smem:$0x3FFD];
	_ =	sdelay $0x3  }
0x96: {  	_ =	strace s3  }
0x97: {  	_ =	strace $0x8FFFFFFF  }
0x98: {  	s19 =	sld [smem:$0x3FDB];
	_ =	sdelay $0x1  }
0x99: {  	s4 =	simm.s32 $_scs_section_size  }
0x9a: {  	s5 =	simm.s32 $_size__tile_overlayer_lowered;
	s6 =	simm.s32 $_tile_overlayer_lowered  }
0x9b: {  	s22 =	simm.s32 $0x1BFF;
	s21 =	sshll.u32 s6, $0x1;
	s3 =	sadd.s32 s4, s19  }
0x9c: {  	s7 =	simm.s32 $0x0;
	s20 =	sshll.u32 s5, $0x1;
	s5 =	sadd.s32 s21, s3  }
0x9d: {  	[timem:s7], [sflag:s22] =	dma.local [hbm:s5], s20  }
0x9e: {  	_ =	swait.ge [sflag:s22], s20  }
0x9f: {  	s4 =	ssub.s32 $0x0, s20;
	[sflag:s22] =	ssyncset.done $0x0  }
0xa0: {  	[sflag:s22] =	ssyncadd.s32 s4;
	_ =	sdelay $0x1  }
0xa1: {  	s23 =	simm.s32 $0x1B8B  }
0xa2: {  	_ =	swait.ge [sflag:s23], $0x1  }
0xa3: {  	[sflag:s23] =	ssyncset.done $0x0  }
0xa4: {  	s25 =	simm.s32 $0x1B8E;
	s24 =	sld [smem:$0x3FFE];
	[sflag:s23] =	ssyncadd.s32 $0xFFFFFFFF  }
0xa5: {  	s26 =	simm.s32 $execute0_lowered;
	[smem:$0x3FD2] =	sst s25  }
0xa6: {  	s5 =	sshll.u32 s26, $0x1;
	_ =	strace $0x80000046;
	[dreg:$0x1] =	wrdreg $0xFFFFFFFF  }
0xa7: {  	s28 =	simm.s32 $_size_execute0_lowered;
	s3 =	sadd.s32 s3, s5;
	[dreg:$0x0] =	wrdreg $0x0  }
0xa8: {  	s5 =	sshll.u32 s28, $0x1;
	[dreg:$0x2] =	wrdreg s3  }
0xa9: {  	[dreg:$0x3] =	wrdreg s5  }
0xaa: {  	[dreg:$0x4] =	wrdreg $0xC0  }
0xab: {  	_ =	task [dreg:s7], $0x5FFFF  }
0xac: {  	[dreg:$0x1] =	wrdreg $0xFFFFFFFF  }
0xad: {  	[dreg:$0x0] =	wrdreg $0x60  }
0xae: {  	[dreg:$0x2] =	wrdreg s2  }
0xaf: {  	[dreg:$0x3] =	wrdreg s24  }
0xb0: {  	[dreg:$0x4] =	wrdreg $0x0  }
0xb1: {  	[dreg:$0x5] =	wrdreg $0xA  }
0xb2: {  	_ =	task.clear_ibuf [dreg:s7], $0x6FFFF;
	_ =	strace $0x90000046  }
0xb3: {  	s29 =	simm.s32 $0xA;
	_ =	strace $0x80000048  }
0xb4: {  	_ =	swait.ge [sflag:s29], $0x1  }
0xb5: {  	[sflag:s29] =	ssyncadd.s32 $0xFFFFFFFF  }
0xb6: {  	_ =	strace $0x90000048  }
0xb7: {  	_ =	sfence  }
0xb8: {  	s30 =	sld [smem:$0x0];
	_ =	sdelay $0x2  }
0xb9: {  	s31 =	sshll.u32 s1, $0xD;
	s1 =	sshrl.u32 s1, $0x2  }
0xba: {  	s3 =	sand.u32 $0x4000, s31;
	s1 =	sadd.s32 s1, s30  }
0xbb: {  	s0 =	sor.u32 s3, s0;
	s1 =	sshll.u32 s1, $0x11  }
0xbc: {  	s0 =	sor.u32 s1, s0  }
0xbd: {  	s0 =	sadd.s32 $0x8F2B, s0  }
0xbe: {  	[sflag:s0] =	ssyncadd.remote.s32 $0x1  }
0xbf: {  	_ =	sfence.sel $0xFFFF  }
0xc0: {  	[dreg:$0x0] =	wrdreg $0xFFFFFFFF;
	(pc) =	sbr.abs _section_cstart, $3  }
0xc1: {  	[dreg:$0x1] =	wrdreg $0xFFFFFFFF  }
0xc2: {  	_ =	task.clear_ibuf [dreg:s7], $0x2FFFF;
	_ =	strace $0x9FFFFFFF  }
0xc3: {  	(tm) =	ssettm $0x7FFFFFFF  }
tec
execute0_lowered:
.L_overlay_start_1:
0x0: {  	(tag) =	ssettag $0x1  }
0x1: {  	s1 =	rddreg [dreg:$0x0]  }
0x2: {  	s0 =	srdreg.scid;
	s5 =	rddreg [dreg:$0x1]  }
0x3: {  	s24 =	stileid.u32;
	s3 =	rddreg [dreg:$0x2]  }
0x4: {  	s4 =	simm.s32 $0x0;
	s16 =	simm.s32 $0x17C00;
	s17 =	simm.s32 $0x3  }
0x5: {  	s18 =	simm.s32 $0x14000;
	s19 =	simm.s32 $0x16800;
	s8 =	smul.u32 $0x2800, s24  }
0x6: {  	s20 =	simm.s32 $0x7D;
	s21 =	simm.s32 $0x1BC00;
	s25 =	smul.u32 $0x14000, s24  }
0x7: {  	s22 =	simm.s32 $0x1;
	s6 =	sand.u32 $0x1, s0;
	s10 =	smul.u32 $0x50000, s24  }
0x8: {  	s23 =	simm.s32 $0x2;
	s28 =	simm.s32 $0x15400;
	s7 =	smul.u32 $0x28000, s6  }
0x9: {  	s29 =	simm.s32 $0x16780;
	[smem:$0x7FF] =	sst s4;
	s9 =	smul.u32 $0x140000, s6  }
0xa: {  	_ =	strace $0x80000047;
	s6 =	ssub.s32 $0x2, s6;
	s30 =	sshrl.u32 s10, $0x2  }
0xb: {  	s31 =	sshrl.u32 s6, $0x1;
	s7 =	sadd.s32 s8, s7;
	s26 =	sadd.s32 s25, s9  }
0xc: {  	s13 =	ssub.s32 s6, s31;
	s25 =	simm.s32 $0x17B00;
	s7 =	sshrl.u32 s7, $0x3  }
0xd: {  	s13 =	smax.u32 s13, $0x1;
	s15 =	sadd.s32 s7, s5;
	s7 =	sshrl.u32 s26, $0x3  }
0xe: {  	s26 =	simm.s32 $0x17B80;
	s12 =	sadd.s32 s7, s5;
	s5 =	sadd.s32 s30, s3  }
0xf: {  	s11 =	sadd.s32 $0xD000, s15;
	s14 =	sadd.s32 $0x3000, s15;
	s15 =	sadd.s32 $0x3280, s15  }
0x10: {  	s6 =	sadd.s32 $0x3E80, s5;
	s7 =	sadd.s32 $0x7D00, s5;
	s8 =	sadd.s32 $0xBB80, s5  }
0x11: {  	v0 =	vimm.f32 $0.0e+00;
	s9 =	sadd.s32 $0xFA00, s5;
	s10 =	sadd.s32 $0x13880, s5;
	s12 =	sadd.s32 $0x17000, s12  }
.LBB2_1:
0x12: {  	s30 =	simm.s32 $0x0;
	s31 =	simm.s32 $0x200  }
.LBB2_2:
0x13: {  	p0 =	sne.s32 s31, $0xF800;
	[tilespmem:s30+$0x17C70] =	vst v0  }
0x14: {  	[tilespmem:s30+$0x17C00] =	vst v0  }
0x15: {  	[tilespmem:s30+$0x17C10] =	vst v0  }
.Ltmp0:
0x16: {  	[tilespmem:s30+$0x17C20] =	vst v0;
	(pc) =	sbr.rel @p0 .LBB2_2-.Ltmp0, $4  }
0x17: {  	[tilespmem:s30+$0x17C30] =	vst v0  }
0x18: {  	[tilespmem:s30+$0x17C40] =	vst v0  }
0x19: {  	[tilespmem:s30+$0x17C50] =	vst v0  }
0x1a: {  	[tilespmem:s30+$0x17C60] =	vst v0;
	s30 =	sshra.s32 s31, $0x2;
	s31 =	sadd.s32 $0x200, s31  }
0x1b: {  	[tilespmem:s30+$0x17C70] =	vst v0  }
0x1c: {  	[tilespmem:s30+$0x17C00] =	vst v0  }
0x1d: {  	[tilespmem:s30+$0x17C10] =	vst v0  }
0x1e: {  	[tilespmem:s30+$0x17C20] =	vst v0  }
0x1f: {  	[tilespmem:s30+$0x17C30] =	vst v0  }
0x20: {  	[tilespmem:s30+$0x17C40] =	vst v0  }
0x21: {  	[tilespmem:s30+$0x17C50] =	vst v0  }
0x22: {  	[tilespmem:s30+$0x17C60] =	vst v0  }
0x23: {  	[spmem:s5] =	stream.linear.scatter [tilespmem:s16], [sflag:$0x3], $0x3E80, $0x38;
	[tilespmem:$0x1FC00] =	vst v63  }
0x24: {  	_ =	swait.ge [sflag:s17], $0x3E80  }
0x25: {  	[sflag:s17] =	ssyncset.done $0x0  }
0x26: {  	[sflag:s17] =	ssyncadd.s32 $0xFFFFC180  }
0x27: {  	[spmem:s6] =	stream.linear.scatter [tilespmem:s16], [sflag:$0x3], $0x3E80, $0x38;
	[tilespmem:$0x1FC00] =	vst v63  }
0x28: {  	_ =	swait.ge [sflag:s17], $0x3E80  }
0x29: {  	[sflag:s17] =	ssyncset.done $0x0  }
0x2a: {  	[sflag:s17] =	ssyncadd.s32 $0xFFFFC180  }
0x2b: {  	[spmem:s7] =	stream.linear.scatter [tilespmem:s16], [sflag:$0x3], $0x3E80, $0x38;
	[tilespmem:$0x1FC00] =	vst v63  }
0x2c: {  	_ =	swait.ge [sflag:s17], $0x3E80  }
0x2d: {  	[sflag:s17] =	ssyncset.done $0x0  }
0x2e: {  	[sflag:s17] =	ssyncadd.s32 $0xFFFFC180  }
0x2f: {  	[spmem:s8] =	stream.linear.scatter [tilespmem:s16], [sflag:$0x3], $0x3E80, $0x38;
	[tilespmem:$0x1FC00] =	vst v63  }
0x30: {  	_ =	swait.ge [sflag:s17], $0x3E80  }
0x31: {  	[sflag:s17] =	ssyncset.done $0x0  }
0x32: {  	[sflag:s17] =	ssyncadd.s32 $0xFFFFC180  }
0x33: {  	[spmem:s9] =	stream.linear.scatter [tilespmem:s16], [sflag:$0x3], $0x3E80, $0x38;
	[tilespmem:$0x1FC00] =	vst v63  }
0x34: {  	_ =	swait.ge [sflag:s17], $0x3E80  }
0x35: {  	[sflag:s17] =	ssyncset.done $0x0  }
0x36: {  	[sflag:s17] =	ssyncadd.s32 $0xFFFFC180  }
0x37: {  	[spmem:s10] =	stream.linear.scatter [tilespmem:s16], [sflag:$0x3], $0x780, $0x38;
	[tilespmem:$0x1FC00] =	vst v63  }
0x38: {  	_ =	swait.ge [sflag:s17], $0x780  }
0x39: {  	[sflag:s17] =	ssyncset.done $0x0  }
0x3a: {  	[sflag:s17] =	ssyncadd.s32 $0xFFFFF880  }
0x3b: {  	s30 =	simm.s32 $0x0;
	[bflag:$0x0] =	sbarrier.arrive $0xFFFF  }
0x3c: {  	[tilespmem:s18], [sflag:$0x3] =	stream.linear.gather [hbm4b:s11+s30], $0x2800, $0x38;
	[tilespmem:$0x1FC00] =	vst v63  }
0x3d: {  	_ =	swait.ge [sflag:s17], $0x2800  }
0x3e: {  	[sflag:s17] =	ssyncset.done $0x0  }
0x3f: {  	[sflag:s17] =	ssyncadd.s32 $0xFFFFD800  }
0x40: {  	[tilespmem:s19], [sflag:$0x3] =	stream.linear.gather [hbm4b:s14+s30], $0x1400, $0x38;
	[tilespmem:$0x1FC00] =	vst v63  }
0x41: {  	_ =	swait.ge [sflag:s17], $0x1400  }
0x42: {  	[sflag:s17] =	ssyncset.done $0x0  }
0x43: {  	[sflag:s17] =	ssyncadd.s32 $0xFFFFEC00  }
0x44: {  	[tilespmem:s16], [sflag:$0x1] =	stream.indirect.gather [hbm4b:s1+s20], $0x80, s18, s20, $0xb8;
	[tilespmem:$0x1FC00] =	vst v63  }
0x45: {  	s30 =	simm.s32 $0x14080  }
0x46: {  	[tilespmem:s21], [sflag:$0x2] =	stream.indirect.gather [hbm4b:s1+s20], $0x80, s30, s20, $0xb8;
	[tilespmem:$0x1FC00] =	vst v63  }
0x47: {  	_ =	swait.ge [sflag:s22], $0x3E80  }
0x48: {  	[sflag:s22] =	ssyncset.done $0x0  }
0x49: {  	s30 =	simm.s32 $0x16800;
	[sflag:s22] =	ssyncadd.s32 $0xFFFFC180  }
0x4a: {  	[spmem:s3] =	stream.indirect.scatter.add.f32 [tilespmem:s16], [sflag:$0x3], $0x80, s30, s20, $0xb8;
	[tilespmem:$0x1FC00] =	vst v63  }
0x4b: {  	_ =	swait.ge [sflag:s17], $0x3E80  }
0x4c: {  	[sflag:s17] =	ssyncset.done $0x0  }
0x4d: {  	s30 =	simm.s32 $0x14100;
	[sflag:s17] =	ssyncadd.s32 $0xFFFFC180  }
0x4e: {  	[tilespmem:s16], [sflag:$0x1] =	stream.indirect.gather [hbm4b:s1+s20], $0x80, s30, s20, $0xb8;
	[tilespmem:$0x1FC00] =	vst v63  }
0x4f: {  	_ =	swait.ge [sflag:s23], $0x3E80  }
0x50: {  	[sflag:s23] =	ssyncset.done $0x0  }
0x51: {  	s30 =	simm.s32 $0x16880;
	[sflag:s23] =	ssyncadd.s32 $0xFFFFC180  }
0x52: {  	[spmem:s3] =	stream.indirect.scatter.add.f32 [tilespmem:s21], [sflag:$0x3], $0x80, s30, s20, $0xb8;
	[tilespmem:$0x1FC00] =	vst v63  }
0x53: {  	_ =	swait.ge [sflag:s17], $0x3E80  }
0x54: {  	s31 =	simm.s32 $0x800;
	s30 =	simm.s32 $0x100;
	[sflag:s17] =	ssyncset.done $0x0  }
.LBB2_4:
0x55: {  	s2 =	sadd.s32 $0x14080, s30  }
0x56: {  	[sflag:s17] =	ssyncadd.s32 $0xFFFFC180;
	s0 =	smov.u32 s31;
	s24 =	sadd.s32 $0x400, s31  }
0x57: {  	[tilespmem:s21], [sflag:$0x2] =	stream.indirect.gather [hbm4b:s1+s20], $0x80, s2, s20, $0xb8;
	[tilespmem:$0x1FC00] =	vst v63  }
0x58: {  	p0 =	sne.s32 s31, $0x4800;
	_ =	swait.ge [sflag:s22], $0x3E80  }
0x59: {  	[sflag:s22] =	ssyncset.done $0x0  }
0x5a: {  	s2 =	sadd.s32 $0x16800, s30;
	[sflag:s22] =	ssyncadd.s32 $0xFFFFC180  }
0x5b: {  	[spmem:s3] =	stream.indirect.scatter.add.f32 [tilespmem:s16], [sflag:$0x3], $0x80, s2, s20, $0xb8;
	[tilespmem:$0x1FC00] =	vst v63  }
0x5c: {  	_ =	swait.ge [sflag:s17], $0x3E80  }
0x5d: {  	[sflag:s17] =	ssyncset.done $0x0  }
0x5e: {  	s2 =	sadd.s32 $0x14100, s30;
	[sflag:s17] =	ssyncadd.s32 $0xFFFFC180  }
0x5f: {  	[tilespmem:s16], [sflag:$0x1] =	stream.indirect.gather [hbm4b:s1+s20], $0x80, s2, s20, $0xb8;
	[tilespmem:$0x1FC00] =	vst v63  }
0x60: {  	_ =	swait.ge [sflag:s23], $0x3E80  }
.Ltmp1:
0x61: {  	[sflag:s23] =	ssyncset.done $0x0;
	(pc) =	sbr.rel @p0 .LBB2_4-.Ltmp1, $4  }
0x62: {  	s2 =	sadd.s32 $0x16880, s30;
	[sflag:s23] =	ssyncadd.s32 $0xFFFFC180  }
0x63: {  	[spmem:s3] =	stream.indirect.scatter.add.f32 [tilespmem:s21], [sflag:$0x3], $0x80, s2, s20, $0xb8;
	[tilespmem:$0x1FC00] =	vst v63  }
0x64: {  	_ =	swait.ge [sflag:s17], $0x3E80  }
0x65: {  	s31 =	smov.u32 s24;
	s30 =	sshra.s32 s0, $0x2;
	[sflag:s17] =	ssyncset.done $0x0  }
0x66: {  	s0 =	sadd.s32 $0x14080, s30;
	[sflag:s17] =	ssyncadd.s32 $0xFFFFC180  }
0x67: {  	[tilespmem:s21], [sflag:$0x2] =	stream.indirect.gather [hbm4b:s1+s20], $0x80, s0, s20, $0xb8;
	[tilespmem:$0x1FC00] =	vst v63  }
0x68: {  	_ =	swait.ge [sflag:s22], $0x3E80  }
0x69: {  	[sflag:s22] =	ssyncset.done $0x0  }
0x6a: {  	s24 =	sadd.s32 $0x16800, s30;
	[sflag:s22] =	ssyncadd.s32 $0xFFFFC180  }
0x6b: {  	[spmem:s3] =	stream.indirect.scatter.add.f32 [tilespmem:s16], [sflag:$0x3], $0x80, s24, s20, $0xb8;
	[tilespmem:$0x1FC00] =	vst v63  }
0x6c: {  	_ =	swait.ge [sflag:s17], $0x3E80  }
0x6d: {  	[sflag:s17] =	ssyncset.done $0x0  }
0x6e: {  	s2 =	sadd.s32 $0x14100, s30;
	[sflag:s17] =	ssyncadd.s32 $0xFFFFC180  }
0x6f: {  	[tilespmem:s16], [sflag:$0x1] =	stream.indirect.gather [hbm4b:s1+s20], $0x80, s2, s20, $0xb8;
	[tilespmem:$0x1FC00] =	vst v63  }
0x70: {  	_ =	swait.ge [sflag:s23], $0x3E80  }
0x71: {  	[sflag:s23] =	ssyncset.done $0x0  }
0x72: {  	s24 =	sadd.s32 $0x16880, s30;
	[sflag:s23] =	ssyncadd.s32 $0xFFFFC180  }
0x73: {  	[spmem:s3] =	stream.indirect.scatter.add.f32 [tilespmem:s21], [sflag:$0x3], $0x80, s24, s20, $0xb8;
	[tilespmem:$0x1FC00] =	vst v63  }
0x74: {  	_ =	swait.ge [sflag:s17], $0x3E80  }
0x75: {  	[sflag:s17] =	ssyncset.done $0x0  }
0x76: {  	s2 =	simm.s32 $0x15380;
	[sflag:s17] =	ssyncadd.s32 $0xFFFFC180  }
0x77: {  	[tilespmem:s21], [sflag:$0x2] =	stream.indirect.gather [hbm4b:s1+s20], $0x80, s2, s20, $0xb8;
	[tilespmem:$0x1FC00] =	vst v63  }
0x78: {  	_ =	swait.ge [sflag:s22], $0x3E80  }
0x79: {  	[sflag:s22] =	ssyncset.done $0x0  }
0x7a: {  	[sflag:s22] =	ssyncadd.s32 $0xFFFFC180  }
0x7b: {  	[spmem:s3] =	stream.indirect.scatter.add.f32 [tilespmem:s16], [sflag:$0x3], $0x80, s25, s20, $0xb8;
	[tilespmem:$0x1FC00] =	vst v63  }
0x7c: {  	_ =	swait.ge [sflag:s17], $0x3E80  }
0x7d: {  	[sflag:s17] =	ssyncset.done $0x0  }
0x7e: {  	[sflag:s17] =	ssyncadd.s32 $0xFFFFC180  }
0x7f: {  	_ =	swait.ge [sflag:s23], $0x3E80  }
0x80: {  	[sflag:s23] =	ssyncset.done $0x0  }
0x81: {  	[sflag:s23] =	ssyncadd.s32 $0xFFFFC180  }
0x82: {  	[spmem:s3] =	stream.indirect.scatter.add.f32 [tilespmem:s21], [sflag:$0x3], $0x80, s26, s20, $0xb8;
	[tilespmem:$0x1FC00] =	vst v63  }
0x83: {  	_ =	swait.ge [sflag:s17], $0x3E80  }
0x84: {  	[sflag:s17] =	ssyncset.done $0x0  }
0x85: {  	s24 =	simm.s32 $0x0;
	[sflag:s17] =	ssyncadd.s32 $0xFFFFC180  }
0x86: {  	[tilespmem:s19], [sflag:$0x3] =	stream.linear.gather [hbm4b:s15+s24], $0x1400, $0x38;
	[tilespmem:$0x1FC00] =	vst v63  }
0x87: {  	_ =	swait.ge [sflag:s17], $0x1400  }
0x88: {  	[sflag:s17] =	ssyncset.done $0x0  }
0x89: {  	[sflag:s17] =	ssyncadd.s32 $0xFFFFEC00  }
0x8a: {  	[tilespmem:s16], [sflag:$0x1] =	stream.indirect.gather [hbm4b:s1+s20], $0x80, s28, s20, $0xb8;
	[tilespmem:$0x1FC00] =	vst v63  }
0x8b: {  	s2 =	simm.s32 $0x15480  }
0x8c: {  	[tilespmem:s21], [sflag:$0x2] =	stream.indirect.gather [hbm4b:s1+s20], $0x80, s2, s20, $0xb8;
	[tilespmem:$0x1FC00] =	vst v63  }
0x8d: {  	_ =	swait.ge [sflag:s22], $0x3E80  }
0x8e: {  	[sflag:s22] =	ssyncset.done $0x0  }
0x8f: {  	s24 =	simm.s32 $0x16800;
	[sflag:s22] =	ssyncadd.s32 $0xFFFFC180  }
0x90: {  	[spmem:s3] =	stream.indirect.scatter.add.f32 [tilespmem:s16], [sflag:$0x3], $0x80, s24, s20, $0xb8;
	[tilespmem:$0x1FC00] =	vst v63  }
0x91: {  	_ =	swait.ge [sflag:s17], $0x3E80  }
0x92: {  	[sflag:s17] =	ssyncset.done $0x0  }
0x93: {  	s2 =	simm.s32 $0x15500;
	[sflag:s17] =	ssyncadd.s32 $0xFFFFC180  }
0x94: {  	[tilespmem:s16], [sflag:$0x1] =	stream.indirect.gather [hbm4b:s1+s20], $0x80, s2, s20, $0xb8;
	[tilespmem:$0x1FC00] =	vst v63  }
0x95: {  	_ =	swait.ge [sflag:s23], $0x3E80  }
0x96: {  	[sflag:s23] =	ssyncset.done $0x0  }
0x97: {  	s24 =	simm.s32 $0x16880;
	[sflag:s23] =	ssyncadd.s32 $0xFFFFC180  }
0x98: {  	[spmem:s3] =	stream.indirect.scatter.add.f32 [tilespmem:s21], [sflag:$0x3], $0x80, s24, s20, $0xb8;
	[tilespmem:$0x1FC00] =	vst v63  }
0x99: {  	_ =	swait.ge [sflag:s17], $0x3E80  }
0x9a: {  	s31 =	simm.s32 $0x800;
	s30 =	simm.s32 $0x100;
	[sflag:s17] =	ssyncset.done $0x0  }
.LBB2_6:
0x9b: {  	s0 =	sadd.s32 $0x15480, s30  }
0x9c: {  	[sflag:s17] =	ssyncadd.s32 $0xFFFFC180;
	s2 =	smov.u32 s31;
	s24 =	sadd.s32 $0x400, s31  }
0x9d: {  	[tilespmem:s21], [sflag:$0x2] =	stream.indirect.gather [hbm4b:s1+s20], $0x80, s0, s20, $0xb8;
	[tilespmem:$0x1FC00] =	vst v63  }
0x9e: {  	p0 =	sne.s32 s31, $0x4800;
	_ =	swait.ge [sflag:s22], $0x3E80  }
0x9f: {  	[sflag:s22] =	ssyncset.done $0x0  }
0xa0: {  	s0 =	sadd.s32 $0x16800, s30;
	[sflag:s22] =	ssyncadd.s32 $0xFFFFC180  }
0xa1: {  	[spmem:s3] =	stream.indirect.scatter.add.f32 [tilespmem:s16], [sflag:$0x3], $0x80, s0, s20, $0xb8;
	[tilespmem:$0x1FC00] =	vst v63  }
0xa2: {  	_ =	swait.ge [sflag:s17], $0x3E80  }
0xa3: {  	[sflag:s17] =	ssyncset.done $0x0  }
0xa4: {  	s0 =	sadd.s32 $0x15500, s30;
	[sflag:s17] =	ssyncadd.s32 $0xFFFFC180  }
0xa5: {  	[tilespmem:s16], [sflag:$0x1] =	stream.indirect.gather [hbm4b:s1+s20], $0x80, s0, s20, $0xb8;
	[tilespmem:$0x1FC00] =	vst v63  }
0xa6: {  	_ =	swait.ge [sflag:s23], $0x3E80  }
.Ltmp2:
0xa7: {  	[sflag:s23] =	ssyncset.done $0x0;
	(pc) =	sbr.rel @p0 .LBB2_6-.Ltmp2, $4  }
0xa8: {  	s0 =	sadd.s32 $0x16880, s30;
	[sflag:s23] =	ssyncadd.s32 $0xFFFFC180  }
0xa9: {  	[spmem:s3] =	stream.indirect.scatter.add.f32 [tilespmem:s21], [sflag:$0x3], $0x80, s0, s20, $0xb8;
	[tilespmem:$0x1FC00] =	vst v63  }
0xaa: {  	_ =	swait.ge [sflag:s17], $0x3E80  }
0xab: {  	s31 =	smov.u32 s24;
	s30 =	sshra.s32 s2, $0x2;
	[sflag:s17] =	ssyncset.done $0x0  }
0xac: {  	s0 =	sadd.s32 $0x15480, s30;
	[sflag:s17] =	ssyncadd.s32 $0xFFFFC180  }
0xad: {  	[tilespmem:s21], [sflag:$0x2] =	stream.indirect.gather [hbm4b:s1+s20], $0x80, s0, s20, $0xb8;
	[tilespmem:$0x1FC00] =	vst v63  }
0xae: {  	_ =	swait.ge [sflag:s22], $0x3E80  }
0xaf: {  	[sflag:s22] =	ssyncset.done $0x0  }
0xb0: {  	s2 =	sadd.s32 $0x16800, s30;
	[sflag:s22] =	ssyncadd.s32 $0xFFFFC180  }
0xb1: {  	[spmem:s3] =	stream.indirect.scatter.add.f32 [tilespmem:s16], [sflag:$0x3], $0x80, s2, s20, $0xb8;
	[tilespmem:$0x1FC00] =	vst v63  }
0xb2: {  	_ =	swait.ge [sflag:s17], $0x3E80  }
0xb3: {  	[sflag:s17] =	ssyncset.done $0x0  }
0xb4: {  	s24 =	sadd.s32 $0x15500, s30;
	[sflag:s17] =	ssyncadd.s32 $0xFFFFC180  }
0xb5: {  	[tilespmem:s16], [sflag:$0x1] =	stream.indirect.gather [hbm4b:s1+s20], $0x80, s24, s20, $0xb8;
	[tilespmem:$0x1FC00] =	vst v63  }
0xb6: {  	_ =	swait.ge [sflag:s23], $0x3E80  }
0xb7: {  	[sflag:s23] =	ssyncset.done $0x0  }
0xb8: {  	s30 =	sadd.s32 $0x16880, s30;
	[sflag:s23] =	ssyncadd.s32 $0xFFFFC180  }
0xb9: {  	[spmem:s3] =	stream.indirect.scatter.add.f32 [tilespmem:s21], [sflag:$0x3], $0x80, s30, s20, $0xb8;
	[tilespmem:$0x1FC00] =	vst v63  }
0xba: {  	_ =	swait.ge [sflag:s17], $0x3E80  }
0xbb: {  	[sflag:s17] =	ssyncset.done $0x0  }
0xbc: {  	[sflag:s17] =	ssyncadd.s32 $0xFFFFC180  }
0xbd: {  	[tilespmem:s21], [sflag:$0x2] =	stream.indirect.gather [hbm4b:s1+s20], $0x80, s29, s20, $0xb8;
	[tilespmem:$0x1FC00] =	vst v63  }
0xbe: {  	_ =	swait.ge [sflag:s22], $0x3E80  }
0xbf: {  	[sflag:s22] =	ssyncset.done $0x0  }
0xc0: {  	[sflag:s22] =	ssyncadd.s32 $0xFFFFC180  }
0xc1: {  	[spmem:s3] =	stream.indirect.scatter.add.f32 [tilespmem:s16], [sflag:$0x3], $0x80, s25, s20, $0xb8;
	[tilespmem:$0x1FC00] =	vst v63  }
0xc2: {  	_ =	swait.ge [sflag:s17], $0x3E80  }
0xc3: {  	[sflag:s17] =	ssyncset.done $0x0  }
0xc4: {  	[sflag:s17] =	ssyncadd.s32 $0xFFFFC180  }
0xc5: {  	_ =	swait.ge [sflag:s23], $0x3E80  }
0xc6: {  	[sflag:s23] =	ssyncset.done $0x0  }
0xc7: {  	[sflag:s23] =	ssyncadd.s32 $0xFFFFC180  }
0xc8: {  	[spmem:s3] =	stream.indirect.scatter.add.f32 [tilespmem:s21], [sflag:$0x3], $0x80, s26, s20, $0xb8;
	[tilespmem:$0x1FC00] =	vst v63  }
0xc9: {  	s31 =	stileid.u32;
	_ =	swait.ge [sflag:s17], $0x3E80  }
0xca: {  	s4 =	sadd.s32 $0x1, s4;
	s0 =	sshll.u32 s31, $0x6;
	[sflag:s17] =	ssyncset.done $0x0  }
0xcb: {  	p0 =	sne.s32 s4, s13;
	s0 =	sor.u32 $0x1C03, s0;
	[sflag:s17] =	ssyncadd.s32 $0xFFFFC180  }
.Ltmp3:
0xcc: {  	s2 =	sshrl.u32 s5, $0x3;
	[bflag:$0x0] =	sbarrier.arrive $0xFFFF;
	(pc) =	sbr.rel @p0 .LBB2_1-.Ltmp3, $4  }
0xcd: {  	[hbm:s12], [sflag:s0] =	dma.local [spmem:s2], $0x2800  }
0xce: {  	_ =	swait.ge [sflag:s17], $0x2800  }
0xcf: {  	[sflag:s17] =	ssyncset.done $0x0  }
0xd0: {  	[sflag:s17] =	ssyncadd.s32 $0xFFFFD800  }
0xd1: {  	_ =	sfence.sel $0x180000  }
0xd2: {  	[bflag:$0x0] =	sbarrier.arrive $0xFFFF  }
0xd3: {  	_ =	strace $0x90000047  }
0xd4: {  	s0 =	stileid.u32;
	[bflag:$0x2] =	sbarrier.arrive $0xFFFF  }
0xd5: {  	p0 =	sne.s32 s0, $0x0;
	s0 =	rddreg [dreg:$0x3]  }
0xd6: {  	s0 =	sadd.s32 @!p0 $0x100000, s0  }
0xd7: {  	[sflag:s0] =	ssyncadd.tile.s32 @!p0 $0x1;
	_ =	shalt  }
.Lfunc_end2:
_tile_overlayer_lowered:
.L_overlay_start_2:
0xd8: {  	(tag) =	ssettag $0x2  }
0xd9: {  	s0 =	rddreg [dreg:$0x0];
	s2 =	stileid.u32  }
0xda: {  	s1 =	rddreg [dreg:$0x1];
	p0 =	sne.s32 s2, $0x0  }
0xdb: {  	s3 =	rddreg [dreg:$0x2];
	[bflag:$0x3] =	sbarrier.arrive $0xFFFF;
	s2 =	simm.s32 @!p0 $0x1C03  }
0xdc: {  	[timem:s3], [sflag:s2] =	dma.local @!p0 [hbm:s0], s1  }
0xdd: {  	s0 =	simm.s32 @!p0 $0x3  }
0xde: {  	_ =	swait.ge @!p0 [sflag:s0], s1  }
0xdf: {  	s1 =	ssub.s32 @!p0 $0x0, s1;
	[sflag:s0] =	ssyncset.done @!p0 $0x0  }
0xe0: {  	[sflag:s0] =	ssyncadd.s32 @!p0 s1  }
0xe1: {  	[bflag:$0x3] =	sbarrier.arrive $0xFFFF  }
0xe2: {  	_ =	shalt  }

// kernel: kernel.16.cloned.1.call-start
scs
__scs_entry_jumppad:
0x0: {  	(pc) =	sbr.rel $0x88, $3  }
0x1: {  	(tag) =	ssettag $0x0;
	lr =	simm.s32 $0x1  }
0x2: {  	[smem:$0x3F93] =	sst lr;
	_ =	strace $0xD0000000  }
0x3: {  	_ = 	snop  }
0x4: {  	_ = 	snop  }
0x5: {  	_ = 	snop  }
0x6: {  	_ = 	snop  }
0x7: {  	_ = 	snop  }
__scs_overlays_trampoline_lowered:
0x8: {  	[smem:$0x3FA2] =	sst s0  }
0x9: {  	[smem:$0x3FA3] =	sst s1  }
0xa: {  	[smem:$0x3FA4] =	sst s2  }
0xb: {  	[smem:$0x3FA5] =	sst s3  }
0xc: {  	[smem:$0x3FA6] =	sst s4  }
0xd: {  	[smem:$0x3FA7] =	sst s5  }
0xe: {  	[smem:$0x3FA8] =	sst s6  }
0xf: {  	[smem:$0x3FA9] =	sst s7  }
0x10: {  	[smem:$0x3FAA] =	sst s8  }
0x11: {  	[smem:$0x3FAB] =	sst s9;
	s0 =	simm.s32 @!p0 $0x0  }
0x12: {  	s1 =	sld [smem:$0x3F91];
	s0 =	simm.s32 @p0 $0x1  }
0x13: {  	[smem:$0x3FAC] =	sst s0;
	s0 =	simm.s32 @!p1 $0x0  }
0x14: {  	s2 =	sld [smem:$0x3F90];
	s0 =	simm.s32 @p1 $0x1  }
0x15: {  	[smem:$0x3FAD] =	sst s0;
	s0 =	simm.s32 @!p2 $0x0  }
0x16: {  	s3 =	sld [smem:$0x3FDB];
	s0 =	simm.s32 @p2 $0x1  }
0x17: {  	s4 =	simm.s32 $0x1BF5;
	[smem:$0x3FAF] =	sst s0  }
0x18: {  	s0 =	sld [smem:$0x3F92];
	_ =	swait.ge [sflag:s4], $0x0  }
0x19: {  	s7 =	sld [smem:$0x3F93]  }
0x1a: {  	s8 =	sadd.s32 $0xFFFFE003, lr  }
0x1b: {  	s9 =	sadd.s32 $0xFFFFFEF7, lr;
	s5 =	simm.s32 $0xFFFFFFFF;
	p2 =	slt.u32 s8, $0xFFFFF086  }
0x1c: {  	p1 =	slt.u32 s9, $0xF7A;
	s5 =	simm.s32 @!p2 $0x0  }
0x1d: {  	s5 =	simm.s32 @p1 $0x1;
	p0 =	seq.s32 s7, s2  }
0x1e: {  	s7 =	smul.u32 @!p0 $0xF7A, s2;
	p2 =	seq.s32 @!p0 s5, $0x0  }
0x1f: {  	s9 =	smul.u32 $0xF7A, s1;
	s8 =	simm.s32 @!p0 $0x1BF5;
	p2 =	por !p2, p0  }
0x20: {  	[sflag:s8] =	ssyncset.s32 @!p0 $0xFFFFF086;
	s6 =	sadd.s32 @!p0 s3, s7;
	s7 =	simm.s32 @!p0 $0x108  }
0x21: {  	s3 =	sadd.s32 s3, s9;
	s6 =	sadd.s32 @!p0 $0x88, s6;
	s7 =	simm.s32 @p2 $0x1082  }
0x22: {  	[simem:s7], [sflag:s8] =	dma.local @!p0 [hbm:s6], $0xF7A  }
0x23: {  	s9 =	sor.u32 $0xD0000000, s2;
	s6 =	simm.s32 $0x108;
	_ =	swait.ge @!p0 [sflag:s8], $0x0  }
0x24: {  	s3 =	sadd.s32 $0x88, s3;
	s6 =	simm.s32 @!p1 $0x1082;
	[sflag:s4] =	ssyncset.s32 $0xFFFFF086  }
0x25: {  	[simem:s6], [sflag:s4] =	dma.local [hbm:s3], $0xF7A  }
0x26: {  	[smem:$0x3F93] =	sst s1;
	(tag) =	ssettag s2;
	_ =	strace s9  }
0x27: {  	s1 =	sld [smem:$0x3FA3]  }
0x28: {  	s2 =	sld [smem:$0x3FA4]  }
0x29: {  	s4 =	sld [smem:$0x3FA6]  }
0x2a: {  	p0 =	seq.s32 s5, $0x0;
	s5 =	sld [smem:$0x3FA7]  }
0x2b: {  	s6 =	sld [smem:$0x3FA8]  }
0x2c: {  	s7 =	sld [smem:$0x3FA9]  }
0x2d: {  	s3 =	simm.s32 $0x108;
	s8 =	sld [smem:$0x3FAA]  }
0x2e: {  	s3 =	simm.s32 @!p0 $0x1082;
	s9 =	sld [smem:$0x3FAB]  }
0x2f: {  	lr =	sadd.s32 s0, s3;
	s0 =	sld [smem:$0x3FA2]  }
0x30: {  	s3 =	sld [smem:$0x3FA5]  }
0x31: {  	[smem:$0x3FAE] =	sst s10  }
0x32: {  	s10 =	sld [smem:$0x3FAC];
	_ =	sdelay $0x3  }
0x33: {  	p0 =	seq.s32 s10, $0x1;
	s10 =	sld [smem:$0x3FAE];
	_ =	sdelay $0x3  }
0x34: {  	[smem:$0x3FAE] =	sst s10  }
0x35: {  	s10 =	sld [smem:$0x3FAD];
	_ =	sdelay $0x3  }
0x36: {  	p1 =	seq.s32 s10, $0x1;
	s10 =	sld [smem:$0x3FAE];
	_ =	sdelay $0x3  }
0x37: {  	[smem:$0x3FAE] =	sst s10  }
0x38: {  	s10 =	sld [smem:$0x3FAF]  }
0x39: {  	_ = 	snop;
	(pc) =	sbr.ind lr, $3  }
0x3a: {  	_ = 	snop  }
0x3b: {  	_ = 	snop  }
0x3c: {  	p2 =	seq.s32 s10, $0x1;
	s10 =	sld [smem:$0x3FAE]  }
0x3d: {  	_ =	shalt  }
0x3e: {  	_ =	shalt  }
0x3f: {  	_ =	shalt  }
0x40: {  	_ =	shalt  }
0x41: {  	_ =	shalt  }
0x42: {  	_ =	shalt  }
0x43: {  	_ =	shalt  }
0x44: {  	_ =	shalt  }
0x45: {  	_ =	shalt  }
0x46: {  	_ =	shalt  }
0x47: {  	_ =	shalt  }
0x48: {  	_ =	shalt  }
0x49: {  	_ =	shalt  }
0x4a: {  	_ =	shalt  }
0x4b: {  	_ =	shalt  }
0x4c: {  	_ =	shalt  }
0x4d: {  	_ =	shalt  }
0x4e: {  	_ =	shalt  }
0x4f: {  	_ =	shalt  }
0x50: {  	_ =	shalt  }
0x51: {  	_ =	shalt  }
0x52: {  	_ =	shalt  }
0x53: {  	_ =	shalt  }
0x54: {  	_ =	shalt  }
0x55: {  	_ =	shalt  }
0x56: {  	_ =	shalt  }
0x57: {  	_ =	shalt  }
0x58: {  	_ =	shalt  }
0x59: {  	_ =	shalt  }
0x5a: {  	_ =	shalt  }
0x5b: {  	_ =	shalt  }
0x5c: {  	_ =	shalt  }
0x5d: {  	_ =	shalt  }
0x5e: {  	_ =	shalt  }
0x5f: {  	_ =	shalt  }
0x60: {  	_ =	shalt  }
0x61: {  	_ =	shalt  }
0x62: {  	_ =	shalt  }
0x63: {  	_ =	shalt  }
0x64: {  	_ =	shalt  }
0x65: {  	_ =	shalt  }
0x66: {  	_ =	shalt  }
0x67: {  	_ =	shalt  }
0x68: {  	_ =	shalt  }
0x69: {  	_ =	shalt  }
0x6a: {  	_ =	shalt  }
0x6b: {  	_ =	shalt  }
0x6c: {  	_ =	shalt  }
0x6d: {  	_ =	shalt  }
0x6e: {  	_ =	shalt  }
0x6f: {  	_ =	shalt  }
0x70: {  	_ =	shalt  }
0x71: {  	_ =	shalt  }
0x72: {  	_ =	shalt  }
0x73: {  	_ =	shalt  }
0x74: {  	_ =	shalt  }
0x75: {  	_ =	shalt  }
0x76: {  	_ =	shalt  }
0x77: {  	_ =	shalt  }
0x78: {  	_ =	shalt  }
0x79: {  	_ =	shalt  }
0x7a: {  	_ =	shalt  }
0x7b: {  	_ =	shalt  }
0x7c: {  	_ =	shalt  }
0x7d: {  	_ =	shalt  }
0x7e: {  	_ =	shalt  }
0x7f: {  	_ =	shalt  }
0x80: {  	_ =	shalt  }
0x81: {  	_ =	shalt  }
0x82: {  	_ =	shalt  }
0x83: {  	_ =	shalt  }
0x84: {  	_ =	shalt  }
0x85: {  	_ =	shalt  }
0x86: {  	_ =	shalt  }
0x87: {  	_ =	shalt  }
.Lfunc_end0:
.L_simem_size_0:
called_computation.2_lowered:
.L_overlay_start_0:
0x88: {  	s2 =	sld [smem:$0x3FD9]  }
0x89: {  	s3 =	sld [smem:$0x3FFE];
	_ =	sdelay $0x1  }
0x8a: {  	s1 =	srdreg.scid  }
0x8b: {  	s0 =	sand.u32 $0x1, s1  }
0x8c: {  	s17 =	sshll.u32 s0, $0xA;
	s2 =	sadd.s32 s3, s2  }
0x8d: {  	s2 =	sadd.s32 s2, s17  }
0x8e: {  	[smem:$0x3FBA] =	sst s2  }
0x8f: {  	_ = 	snop  }
0x90: {  	s2 =	sld [smem:$0x3FD0];
	(tm) =	ssettm $0x1  }
0x91: {  	s18 =	sld [smem:$0x3FFB];
	_ =	sdelay $0x3  }
0x92: {  	_ =	strace s18  }
0x93: {  	s3 =	sld [smem:$0x3FFC];
	_ =	sdelay $0x3  }
0x94: {  	_ =	strace s3  }
0x95: {  	s3 =	sld [smem:$0x3FFD];
	_ =	sdelay $0x3  }
0x96: {  	_ =	strace s3  }
0x97: {  	_ =	strace $0x8FFFFFFF  }
0x98: {  	s19 =	sld [smem:$0x3FDB];
	_ =	sdelay $0x1  }
0x99: {  	s4 =	simm.s32 $_scs_section_size  }
0x9a: {  	s5 =	simm.s32 $_size__tile_overlayer_lowered;
	s6 =	simm.s32 $_tile_overlayer_lowered  }
0x9b: {  	s22 =	simm.s32 $0x1BFF;
	s21 =	sshll.u32 s6, $0x1;
	s3 =	sadd.s32 s4, s19  }
0x9c: {  	s7 =	simm.s32 $0x0;
	s20 =	sshll.u32 s5, $0x1;
	s5 =	sadd.s32 s21, s3  }
0x9d: {  	[timem:s7], [sflag:s22] =	dma.local [hbm:s5], s20  }
0x9e: {  	_ =	swait.ge [sflag:s22], s20  }
0x9f: {  	s4 =	ssub.s32 $0x0, s20;
	[sflag:s22] =	ssyncset.done $0x0  }
0xa0: {  	[sflag:s22] =	ssyncadd.s32 s4;
	_ =	sdelay $0x1  }
0xa1: {  	s23 =	simm.s32 $0x1B8B  }
0xa2: {  	_ =	swait.ge [sflag:s23], $0x1  }
0xa3: {  	[sflag:s23] =	ssyncset.done $0x0  }
0xa4: {  	s25 =	simm.s32 $0x1B8E;
	s24 =	sld [smem:$0x3FFE];
	[sflag:s23] =	ssyncadd.s32 $0xFFFFFFFF  }
0xa5: {  	s26 =	simm.s32 $execute0_lowered;
	[smem:$0x3FD2] =	sst s25  }
0xa6: {  	s5 =	sshll.u32 s26, $0x1;
	_ =	strace $0x8000004C;
	[dreg:$0x1] =	wrdreg $0xFFFFFFFF  }
0xa7: {  	s28 =	simm.s32 $_size_execute0_lowered;
	s3 =	sadd.s32 s3, s5;
	[dreg:$0x0] =	wrdreg $0x0  }
0xa8: {  	s5 =	sshll.u32 s28, $0x1;
	[dreg:$0x2] =	wrdreg s3  }
0xa9: {  	[dreg:$0x3] =	wrdreg s5  }
0xaa: {  	[dreg:$0x4] =	wrdreg $0xC0  }
0xab: {  	_ =	task [dreg:s7], $0x5FFFF  }
0xac: {  	[dreg:$0x1] =	wrdreg $0xFFFFFFFF  }
0xad: {  	[dreg:$0x0] =	wrdreg $0x60  }
0xae: {  	[dreg:$0x2] =	wrdreg s2  }
0xaf: {  	[dreg:$0x3] =	wrdreg s24  }
0xb0: {  	[dreg:$0x4] =	wrdreg $0x0  }
0xb1: {  	[dreg:$0x5] =	wrdreg $0x9  }
0xb2: {  	_ =	task.clear_ibuf [dreg:s7], $0x6FFFF;
	_ =	strace $0x9000004C  }
0xb3: {  	s29 =	simm.s32 $0x9;
	_ =	strace $0x8000004E  }
0xb4: {  	_ =	swait.ge [sflag:s29], $0x1  }
0xb5: {  	[sflag:s29] =	ssyncadd.s32 $0xFFFFFFFF  }
0xb6: {  	_ =	strace $0x9000004E  }
0xb7: {  	_ =	sfence  }
0xb8: {  	s30 =	sld [smem:$0x0];
	_ =	sdelay $0x2  }
0xb9: {  	s31 =	sshll.u32 s1, $0xD;
	s1 =	sshrl.u32 s1, $0x2  }
0xba: {  	s3 =	sand.u32 $0x4000, s31;
	s1 =	sadd.s32 s1, s30  }
0xbb: {  	s0 =	sor.u32 s3, s0;
	s1 =	sshll.u32 s1, $0x11  }
0xbc: {  	s0 =	sor.u32 s1, s0  }
0xbd: {  	s0 =	sadd.s32 $0x8F2B, s0  }
0xbe: {  	[sflag:s0] =	ssyncadd.remote.s32 $0x1  }
0xbf: {  	_ =	sfence.sel $0xFFFF  }
0xc0: {  	[dreg:$0x0] =	wrdreg $0xFFFFFFFF;
	(pc) =	sbr.abs _section_cstart, $3  }
0xc1: {  	[dreg:$0x1] =	wrdreg $0xFFFFFFFF  }
0xc2: {  	_ =	task.clear_ibuf [dreg:s7], $0x2FFFF;
	_ =	strace $0x9FFFFFFF  }
0xc3: {  	(tm) =	ssettm $0x7FFFFFFF  }
tec
execute0_lowered:
.L_overlay_start_1:
0x0: {  	(tag) =	ssettag $0x1  }
0x1: {  	s1 =	rddreg [dreg:$0x0]  }
0x2: {  	s0 =	srdreg.scid;
	s5 =	rddreg [dreg:$0x1]  }
0x3: {  	s24 =	stileid.u32;
	s3 =	rddreg [dreg:$0x2]  }
0x4: {  	s4 =	simm.s32 $0x0;
	s16 =	simm.s32 $0x17C00;
	s17 =	simm.s32 $0x3  }
0x5: {  	s18 =	simm.s32 $0x14000;
	s19 =	simm.s32 $0x16800;
	s8 =	smul.u32 $0x2800, s24  }
0x6: {  	s20 =	simm.s32 $0x7D;
	s21 =	simm.s32 $0x1BC00;
	s25 =	smul.u32 $0x14000, s24  }
0x7: {  	s22 =	simm.s32 $0x1;
	s6 =	sand.u32 $0x1, s0;
	s10 =	smul.u32 $0x50000, s24  }
0x8: {  	s23 =	simm.s32 $0x2;
	s28 =	simm.s32 $0x15400;
	s7 =	smul.u32 $0x28000, s6  }
0x9: {  	s29 =	simm.s32 $0x16780;
	[smem:$0x7FF] =	sst s4;
	s9 =	smul.u32 $0x140000, s6  }
0xa: {  	_ =	strace $0x8000004D;
	s6 =	ssub.s32 $0x2, s6;
	s30 =	sshrl.u32 s10, $0x2  }
0xb: {  	s31 =	sshrl.u32 s6, $0x1;
	s7 =	sadd.s32 s8, s7;
	s26 =	sadd.s32 s25, s9  }
0xc: {  	s13 =	ssub.s32 s6, s31;
	s25 =	simm.s32 $0x17B00;
	s7 =	sshrl.u32 s7, $0x3  }
0xd: {  	s13 =	smax.u32 s13, $0x1;
	s15 =	sadd.s32 s7, s5;
	s7 =	sshrl.u32 s26, $0x3  }
0xe: {  	s26 =	simm.s32 $0x17B80;
	s12 =	sadd.s32 s7, s5;
	s5 =	sadd.s32 s30, s3  }
0xf: {  	s11 =	sadd.s32 $0xD000, s15;
	s14 =	sadd.s32 $0x3000, s15;
	s15 =	sadd.s32 $0x3280, s15  }
0x10: {  	s6 =	sadd.s32 $0x3E80, s5;
	s7 =	sadd.s32 $0x7D00, s5;
	s8 =	sadd.s32 $0xBB80, s5  }
0x11: {  	v0 =	vimm.f32 $0.0e+00;
	s9 =	sadd.s32 $0xFA00, s5;
	s10 =	sadd.s32 $0x13880, s5;
	s12 =	sadd.s32 $0x17000, s12  }
.LBB2_1:
0x12: {  	s30 =	simm.s32 $0x0;
	s31 =	simm.s32 $0x200  }
.LBB2_2:
0x13: {  	p0 =	sne.s32 s31, $0xF800;
	[tilespmem:s30+$0x17C70] =	vst v0  }
0x14: {  	[tilespmem:s30+$0x17C00] =	vst v0  }
0x15: {  	[tilespmem:s30+$0x17C10] =	vst v0  }
.Ltmp0:
0x16: {  	[tilespmem:s30+$0x17C20] =	vst v0;
	(pc) =	sbr.rel @p0 .LBB2_2-.Ltmp0, $4  }
0x17: {  	[tilespmem:s30+$0x17C30] =	vst v0  }
0x18: {  	[tilespmem:s30+$0x17C40] =	vst v0  }
0x19: {  	[tilespmem:s30+$0x17C50] =	vst v0  }
0x1a: {  	[tilespmem:s30+$0x17C60] =	vst v0;
	s30 =	sshra.s32 s31, $0x2;
	s31 =	sadd.s32 $0x200, s31  }
0x1b: {  	[tilespmem:s30+$0x17C70] =	vst v0  }
0x1c: {  	[tilespmem:s30+$0x17C00] =	vst v0  }
0x1d: {  	[tilespmem:s30+$0x17C10] =	vst v0  }
0x1e: {  	[tilespmem:s30+$0x17C20] =	vst v0  }
0x1f: {  	[tilespmem:s30+$0x17C30] =	vst v0  }
0x20: {  	[tilespmem:s30+$0x17C40] =	vst v0  }
0x21: {  	[tilespmem:s30+$0x17C50] =	vst v0  }
0x22: {  	[tilespmem:s30+$0x17C60] =	vst v0  }
0x23: {  	[spmem:s5] =	stream.linear.scatter [tilespmem:s16], [sflag:$0x3], $0x3E80, $0x38;
	[tilespmem:$0x1FC00] =	vst v63  }
0x24: {  	_ =	swait.ge [sflag:s17], $0x3E80  }
0x25: {  	[sflag:s17] =	ssyncset.done $0x0  }
0x26: {  	[sflag:s17] =	ssyncadd.s32 $0xFFFFC180  }
0x27: {  	[spmem:s6] =	stream.linear.scatter [tilespmem:s16], [sflag:$0x3], $0x3E80, $0x38;
	[tilespmem:$0x1FC00] =	vst v63  }
0x28: {  	_ =	swait.ge [sflag:s17], $0x3E80  }
0x29: {  	[sflag:s17] =	ssyncset.done $0x0  }
0x2a: {  	[sflag:s17] =	ssyncadd.s32 $0xFFFFC180  }
0x2b: {  	[spmem:s7] =	stream.linear.scatter [tilespmem:s16], [sflag:$0x3], $0x3E80, $0x38;
	[tilespmem:$0x1FC00] =	vst v63  }
0x2c: {  	_ =	swait.ge [sflag:s17], $0x3E80  }
0x2d: {  	[sflag:s17] =	ssyncset.done $0x0  }
0x2e: {  	[sflag:s17] =	ssyncadd.s32 $0xFFFFC180  }
0x2f: {  	[spmem:s8] =	stream.linear.scatter [tilespmem:s16], [sflag:$0x3], $0x3E80, $0x38;
	[tilespmem:$0x1FC00] =	vst v63  }
0x30: {  	_ =	swait.ge [sflag:s17], $0x3E80  }
0x31: {  	[sflag:s17] =	ssyncset.done $0x0  }
0x32: {  	[sflag:s17] =	ssyncadd.s32 $0xFFFFC180  }
0x33: {  	[spmem:s9] =	stream.linear.scatter [tilespmem:s16], [sflag:$0x3], $0x3E80, $0x38;
	[tilespmem:$0x1FC00] =	vst v63  }
0x34: {  	_ =	swait.ge [sflag:s17], $0x3E80  }
0x35: {  	[sflag:s17] =	ssyncset.done $0x0  }
0x36: {  	[sflag:s17] =	ssyncadd.s32 $0xFFFFC180  }
0x37: {  	[spmem:s10] =	stream.linear.scatter [tilespmem:s16], [sflag:$0x3], $0x780, $0x38;
	[tilespmem:$0x1FC00] =	vst v63  }
0x38: {  	_ =	swait.ge [sflag:s17], $0x780  }
0x39: {  	[sflag:s17] =	ssyncset.done $0x0  }
0x3a: {  	[sflag:s17] =	ssyncadd.s32 $0xFFFFF880  }
0x3b: {  	s30 =	simm.s32 $0x0;
	[bflag:$0x0] =	sbarrier.arrive $0xFFFF  }
0x3c: {  	[tilespmem:s18], [sflag:$0x3] =	stream.linear.gather [hbm4b:s11+s30], $0x2800, $0x38;
	[tilespmem:$0x1FC00] =	vst v63  }
0x3d: {  	_ =	swait.ge [sflag:s17], $0x2800  }
0x3e: {  	[sflag:s17] =	ssyncset.done $0x0  }
0x3f: {  	[sflag:s17] =	ssyncadd.s32 $0xFFFFD800  }
0x40: {  	[tilespmem:s19], [sflag:$0x3] =	stream.linear.gather [hbm4b:s14+s30], $0x1400, $0x38;
	[tilespmem:$0x1FC00] =	vst v63  }
0x41: {  	_ =	swait.ge [sflag:s17], $0x1400  }
0x42: {  	[sflag:s17] =	ssyncset.done $0x0  }
0x43: {  	[sflag:s17] =	ssyncadd.s32 $0xFFFFEC00  }
0x44: {  	[tilespmem:s16], [sflag:$0x1] =	stream.indirect.gather [hbm4b:s1+s20], $0x80, s18, s20, $0xb8;
	[tilespmem:$0x1FC00] =	vst v63  }
0x45: {  	s30 =	simm.s32 $0x14080  }
0x46: {  	[tilespmem:s21], [sflag:$0x2] =	stream.indirect.gather [hbm4b:s1+s20], $0x80, s30, s20, $0xb8;
	[tilespmem:$0x1FC00] =	vst v63  }
0x47: {  	_ =	swait.ge [sflag:s22], $0x3E80  }
0x48: {  	[sflag:s22] =	ssyncset.done $0x0  }
0x49: {  	s30 =	simm.s32 $0x16800;
	[sflag:s22] =	ssyncadd.s32 $0xFFFFC180  }
0x4a: {  	[spmem:s3] =	stream.indirect.scatter.add.f32 [tilespmem:s16], [sflag:$0x3], $0x80, s30, s20, $0xb8;
	[tilespmem:$0x1FC00] =	vst v63  }
0x4b: {  	_ =	swait.ge [sflag:s17], $0x3E80  }
0x4c: {  	[sflag:s17] =	ssyncset.done $0x0  }
0x4d: {  	s30 =	simm.s32 $0x14100;
	[sflag:s17] =	ssyncadd.s32 $0xFFFFC180  }
0x4e: {  	[tilespmem:s16], [sflag:$0x1] =	stream.indirect.gather [hbm4b:s1+s20], $0x80, s30, s20, $0xb8;
	[tilespmem:$0x1FC00] =	vst v63  }
0x4f: {  	_ =	swait.ge [sflag:s23], $0x3E80  }
0x50: {  	[sflag:s23] =	ssyncset.done $0x0  }
0x51: {  	s30 =	simm.s32 $0x16880;
	[sflag:s23] =	ssyncadd.s32 $0xFFFFC180  }
0x52: {  	[spmem:s3] =	stream.indirect.scatter.add.f32 [tilespmem:s21], [sflag:$0x3], $0x80, s30, s20, $0xb8;
	[tilespmem:$0x1FC00] =	vst v63  }
0x53: {  	_ =	swait.ge [sflag:s17], $0x3E80  }
0x54: {  	s31 =	simm.s32 $0x800;
	s30 =	simm.s32 $0x100;
	[sflag:s17] =	ssyncset.done $0x0  }
.LBB2_4:
0x55: {  	s2 =	sadd.s32 $0x14080, s30  }
0x56: {  	[sflag:s17] =	ssyncadd.s32 $0xFFFFC180;
	s0 =	smov.u32 s31;
	s24 =	sadd.s32 $0x400, s31  }
0x57: {  	[tilespmem:s21], [sflag:$0x2] =	stream.indirect.gather [hbm4b:s1+s20], $0x80, s2, s20, $0xb8;
	[tilespmem:$0x1FC00] =	vst v63  }
0x58: {  	p0 =	sne.s32 s31, $0x4800;
	_ =	swait.ge [sflag:s22], $0x3E80  }
0x59: {  	[sflag:s22] =	ssyncset.done $0x0  }
0x5a: {  	s2 =	sadd.s32 $0x16800, s30;
	[sflag:s22] =	ssyncadd.s32 $0xFFFFC180  }
0x5b: {  	[spmem:s3] =	stream.indirect.scatter.add.f32 [tilespmem:s16], [sflag:$0x3], $0x80, s2, s20, $0xb8;
	[tilespmem:$0x1FC00] =	vst v63  }
0x5c: {  	_ =	swait.ge [sflag:s17], $0x3E80  }
0x5d: {  	[sflag:s17] =	ssyncset.done $0x0  }
0x5e: {  	s2 =	sadd.s32 $0x14100, s30;
	[sflag:s17] =	ssyncadd.s32 $0xFFFFC180  }
0x5f: {  	[tilespmem:s16], [sflag:$0x1] =	stream.indirect.gather [hbm4b:s1+s20], $0x80, s2, s20, $0xb8;
	[tilespmem:$0x1FC00] =	vst v63  }
0x60: {  	_ =	swait.ge [sflag:s23], $0x3E80  }
.Ltmp1:
0x61: {  	[sflag:s23] =	ssyncset.done $0x0;
	(pc) =	sbr.rel @p0 .LBB2_4-.Ltmp1, $4  }
0x62: {  	s2 =	sadd.s32 $0x16880, s30;
	[sflag:s23] =	ssyncadd.s32 $0xFFFFC180  }
0x63: {  	[spmem:s3] =	stream.indirect.scatter.add.f32 [tilespmem:s21], [sflag:$0x3], $0x80, s2, s20, $0xb8;
	[tilespmem:$0x1FC00] =	vst v63  }
0x64: {  	_ =	swait.ge [sflag:s17], $0x3E80  }
0x65: {  	s31 =	smov.u32 s24;
	s30 =	sshra.s32 s0, $0x2;
	[sflag:s17] =	ssyncset.done $0x0  }
0x66: {  	s0 =	sadd.s32 $0x14080, s30;
	[sflag:s17] =	ssyncadd.s32 $0xFFFFC180  }
0x67: {  	[tilespmem:s21], [sflag:$0x2] =	stream.indirect.gather [hbm4b:s1+s20], $0x80, s0, s20, $0xb8;
	[tilespmem:$0x1FC00] =	vst v63  }
0x68: {  	_ =	swait.ge [sflag:s22], $0x3E80  }
0x69: {  	[sflag:s22] =	ssyncset.done $0x0  }
0x6a: {  	s24 =	sadd.s32 $0x16800, s30;
	[sflag:s22] =	ssyncadd.s32 $0xFFFFC180  }
0x6b: {  	[spmem:s3] =	stream.indirect.scatter.add.f32 [tilespmem:s16], [sflag:$0x3], $0x80, s24, s20, $0xb8;
	[tilespmem:$0x1FC00] =	vst v63  }
0x6c: {  	_ =	swait.ge [sflag:s17], $0x3E80  }
0x6d: {  	[sflag:s17] =	ssyncset.done $0x0  }
0x6e: {  	s2 =	sadd.s32 $0x14100, s30;
	[sflag:s17] =	ssyncadd.s32 $0xFFFFC180  }
0x6f: {  	[tilespmem:s16], [sflag:$0x1] =	stream.indirect.gather [hbm4b:s1+s20], $0x80, s2, s20, $0xb8;
	[tilespmem:$0x1FC00] =	vst v63  }
0x70: {  	_ =	swait.ge [sflag:s23], $0x3E80  }
0x71: {  	[sflag:s23] =	ssyncset.done $0x0  }
0x72: {  	s24 =	sadd.s32 $0x16880, s30;
	[sflag:s23] =	ssyncadd.s32 $0xFFFFC180  }
0x73: {  	[spmem:s3] =	stream.indirect.scatter.add.f32 [tilespmem:s21], [sflag:$0x3], $0x80, s24, s20, $0xb8;
	[tilespmem:$0x1FC00] =	vst v63  }
0x74: {  	_ =	swait.ge [sflag:s17], $0x3E80  }
0x75: {  	[sflag:s17] =	ssyncset.done $0x0  }
0x76: {  	s2 =	simm.s32 $0x15380;
	[sflag:s17] =	ssyncadd.s32 $0xFFFFC180  }
0x77: {  	[tilespmem:s21], [sflag:$0x2] =	stream.indirect.gather [hbm4b:s1+s20], $0x80, s2, s20, $0xb8;
	[tilespmem:$0x1FC00] =	vst v63  }
0x78: {  	_ =	swait.ge [sflag:s22], $0x3E80  }
0x79: {  	[sflag:s22] =	ssyncset.done $0x0  }
0x7a: {  	[sflag:s22] =	ssyncadd.s32 $0xFFFFC180  }
0x7b: {  	[spmem:s3] =	stream.indirect.scatter.add.f32 [tilespmem:s16], [sflag:$0x3], $0x80, s25, s20, $0xb8;
	[tilespmem:$0x1FC00] =	vst v63  }
0x7c: {  	_ =	swait.ge [sflag:s17], $0x3E80  }
0x7d: {  	[sflag:s17] =	ssyncset.done $0x0  }
0x7e: {  	[sflag:s17] =	ssyncadd.s32 $0xFFFFC180  }
0x7f: {  	_ =	swait.ge [sflag:s23], $0x3E80  }
0x80: {  	[sflag:s23] =	ssyncset.done $0x0  }
0x81: {  	[sflag:s23] =	ssyncadd.s32 $0xFFFFC180  }
0x82: {  	[spmem:s3] =	stream.indirect.scatter.add.f32 [tilespmem:s21], [sflag:$0x3], $0x80, s26, s20, $0xb8;
	[tilespmem:$0x1FC00] =	vst v63  }
0x83: {  	_ =	swait.ge [sflag:s17], $0x3E80  }
0x84: {  	[sflag:s17] =	ssyncset.done $0x0  }
0x85: {  	s24 =	simm.s32 $0x0;
	[sflag:s17] =	ssyncadd.s32 $0xFFFFC180  }
0x86: {  	[tilespmem:s19], [sflag:$0x3] =	stream.linear.gather [hbm4b:s15+s24], $0x1400, $0x38;
	[tilespmem:$0x1FC00] =	vst v63  }
0x87: {  	_ =	swait.ge [sflag:s17], $0x1400  }
0x88: {  	[sflag:s17] =	ssyncset.done $0x0  }
0x89: {  	[sflag:s17] =	ssyncadd.s32 $0xFFFFEC00  }
0x8a: {  	[tilespmem:s16], [sflag:$0x1] =	stream.indirect.gather [hbm4b:s1+s20], $0x80, s28, s20, $0xb8;
	[tilespmem:$0x1FC00] =	vst v63  }
0x8b: {  	s2 =	simm.s32 $0x15480  }
0x8c: {  	[tilespmem:s21], [sflag:$0x2] =	stream.indirect.gather [hbm4b:s1+s20], $0x80, s2, s20, $0xb8;
	[tilespmem:$0x1FC00] =	vst v63  }
0x8d: {  	_ =	swait.ge [sflag:s22], $0x3E80  }
0x8e: {  	[sflag:s22] =	ssyncset.done $0x0  }
0x8f: {  	s24 =	simm.s32 $0x16800;
	[sflag:s22] =	ssyncadd.s32 $0xFFFFC180  }
0x90: {  	[spmem:s3] =	stream.indirect.scatter.add.f32 [tilespmem:s16], [sflag:$0x3], $0x80, s24, s20, $0xb8;
	[tilespmem:$0x1FC00] =	vst v63  }
0x91: {  	_ =	swait.ge [sflag:s17], $0x3E80  }
0x92: {  	[sflag:s17] =	ssyncset.done $0x0  }
0x93: {  	s2 =	simm.s32 $0x15500;
	[sflag:s17] =	ssyncadd.s32 $0xFFFFC180  }
0x94: {  	[tilespmem:s16], [sflag:$0x1] =	stream.indirect.gather [hbm4b:s1+s20], $0x80, s2, s20, $0xb8;
	[tilespmem:$0x1FC00] =	vst v63  }
0x95: {  	_ =	swait.ge [sflag:s23], $0x3E80  }
0x96: {  	[sflag:s23] =	ssyncset.done $0x0  }
0x97: {  	s24 =	simm.s32 $0x16880;
	[sflag:s23] =	ssyncadd.s32 $0xFFFFC180  }
0x98: {  	[spmem:s3] =	stream.indirect.scatter.add.f32 [tilespmem:s21], [sflag:$0x3], $0x80, s24, s20, $0xb8;
	[tilespmem:$0x1FC00] =	vst v63  }
0x99: {  	_ =	swait.ge [sflag:s17], $0x3E80  }
0x9a: {  	s31 =	simm.s32 $0x800;
	s30 =	simm.s32 $0x100;
	[sflag:s17] =	ssyncset.done $0x0  }
.LBB2_6:
0x9b: {  	s0 =	sadd.s32 $0x15480, s30  }
0x9c: {  	[sflag:s17] =	ssyncadd.s32 $0xFFFFC180;
	s2 =	smov.u32 s31;
	s24 =	sadd.s32 $0x400, s31  }
0x9d: {  	[tilespmem:s21], [sflag:$0x2] =	stream.indirect.gather [hbm4b:s1+s20], $0x80, s0, s20, $0xb8;
	[tilespmem:$0x1FC00] =	vst v63  }
0x9e: {  	p0 =	sne.s32 s31, $0x4800;
	_ =	swait.ge [sflag:s22], $0x3E80  }
0x9f: {  	[sflag:s22] =	ssyncset.done $0x0  }
0xa0: {  	s0 =	sadd.s32 $0x16800, s30;
	[sflag:s22] =	ssyncadd.s32 $0xFFFFC180  }
0xa1: {  	[spmem:s3] =	stream.indirect.scatter.add.f32 [tilespmem:s16], [sflag:$0x3], $0x80, s0, s20, $0xb8;
	[tilespmem:$0x1FC00] =	vst v63  }
0xa2: {  	_ =	swait.ge [sflag:s17], $0x3E80  }
0xa3: {  	[sflag:s17] =	ssyncset.done $0x0  }
0xa4: {  	s0 =	sadd.s32 $0x15500, s30;
	[sflag:s17] =	ssyncadd.s32 $0xFFFFC180  }
0xa5: {  	[tilespmem:s16], [sflag:$0x1] =	stream.indirect.gather [hbm4b:s1+s20], $0x80, s0, s20, $0xb8;
	[tilespmem:$0x1FC00] =	vst v63  }
0xa6: {  	_ =	swait.ge [sflag:s23], $0x3E80  }
.Ltmp2:
0xa7: {  	[sflag:s23] =	ssyncset.done $0x0;
	(pc) =	sbr.rel @p0 .LBB2_6-.Ltmp2, $4  }
0xa8: {  	s0 =	sadd.s32 $0x16880, s30;
	[sflag:s23] =	ssyncadd.s32 $0xFFFFC180  }
0xa9: {  	[spmem:s3] =	stream.indirect.scatter.add.f32 [tilespmem:s21], [sflag:$0x3], $0x80, s0, s20, $0xb8;
	[tilespmem:$0x1FC00] =	vst v63  }
0xaa: {  	_ =	swait.ge [sflag:s17], $0x3E80  }
0xab: {  	s31 =	smov.u32 s24;
	s30 =	sshra.s32 s2, $0x2;
	[sflag:s17] =	ssyncset.done $0x0  }
0xac: {  	s0 =	sadd.s32 $0x15480, s30;
	[sflag:s17] =	ssyncadd.s32 $0xFFFFC180  }
0xad: {  	[tilespmem:s21], [sflag:$0x2] =	stream.indirect.gather [hbm4b:s1+s20], $0x80, s0, s20, $0xb8;
	[tilespmem:$0x1FC00] =	vst v63  }
0xae: {  	_ =	swait.ge [sflag:s22], $0x3E80  }
0xaf: {  	[sflag:s22] =	ssyncset.done $0x0  }
0xb0: {  	s2 =	sadd.s32 $0x16800, s30;
	[sflag:s22] =	ssyncadd.s32 $0xFFFFC180  }
0xb1: {  	[spmem:s3] =	stream.indirect.scatter.add.f32 [tilespmem:s16], [sflag:$0x3], $0x80, s2, s20, $0xb8;
	[tilespmem:$0x1FC00] =	vst v63  }
0xb2: {  	_ =	swait.ge [sflag:s17], $0x3E80  }
0xb3: {  	[sflag:s17] =	ssyncset.done $0x0  }
0xb4: {  	s24 =	sadd.s32 $0x15500, s30;
	[sflag:s17] =	ssyncadd.s32 $0xFFFFC180  }
0xb5: {  	[tilespmem:s16], [sflag:$0x1] =	stream.indirect.gather [hbm4b:s1+s20], $0x80, s24, s20, $0xb8;
	[tilespmem:$0x1FC00] =	vst v63  }
0xb6: {  	_ =	swait.ge [sflag:s23], $0x3E80  }
0xb7: {  	[sflag:s23] =	ssyncset.done $0x0  }
0xb8: {  	s30 =	sadd.s32 $0x16880, s30;
	[sflag:s23] =	ssyncadd.s32 $0xFFFFC180  }
0xb9: {  	[spmem:s3] =	stream.indirect.scatter.add.f32 [tilespmem:s21], [sflag:$0x3], $0x80, s30, s20, $0xb8;
	[tilespmem:$0x1FC00] =	vst v63  }
0xba: {  	_ =	swait.ge [sflag:s17], $0x3E80  }
0xbb: {  	[sflag:s17] =	ssyncset.done $0x0  }
0xbc: {  	[sflag:s17] =	ssyncadd.s32 $0xFFFFC180  }
0xbd: {  	[tilespmem:s21], [sflag:$0x2] =	stream.indirect.gather [hbm4b:s1+s20], $0x80, s29, s20, $0xb8;
	[tilespmem:$0x1FC00] =	vst v63  }
0xbe: {  	_ =	swait.ge [sflag:s22], $0x3E80  }
0xbf: {  	[sflag:s22] =	ssyncset.done $0x0  }
0xc0: {  	[sflag:s22] =	ssyncadd.s32 $0xFFFFC180  }
0xc1: {  	[spmem:s3] =	stream.indirect.scatter.add.f32 [tilespmem:s16], [sflag:$0x3], $0x80, s25, s20, $0xb8;
	[tilespmem:$0x1FC00] =	vst v63  }
0xc2: {  	_ =	swait.ge [sflag:s17], $0x3E80  }
0xc3: {  	[sflag:s17] =	ssyncset.done $0x0  }
0xc4: {  	[sflag:s17] =	ssyncadd.s32 $0xFFFFC180  }
0xc5: {  	_ =	swait.ge [sflag:s23], $0x3E80  }
0xc6: {  	[sflag:s23] =	ssyncset.done $0x0  }
0xc7: {  	[sflag:s23] =	ssyncadd.s32 $0xFFFFC180  }
0xc8: {  	[spmem:s3] =	stream.indirect.scatter.add.f32 [tilespmem:s21], [sflag:$0x3], $0x80, s26, s20, $0xb8;
	[tilespmem:$0x1FC00] =	vst v63  }
0xc9: {  	s31 =	stileid.u32;
	_ =	swait.ge [sflag:s17], $0x3E80  }
0xca: {  	s4 =	sadd.s32 $0x1, s4;
	s0 =	sshll.u32 s31, $0x6;
	[sflag:s17] =	ssyncset.done $0x0  }
0xcb: {  	p0 =	sne.s32 s4, s13;
	s0 =	sor.u32 $0x1C03, s0;
	[sflag:s17] =	ssyncadd.s32 $0xFFFFC180  }
.Ltmp3:
0xcc: {  	s2 =	sshrl.u32 s5, $0x3;
	[bflag:$0x0] =	sbarrier.arrive $0xFFFF;
	(pc) =	sbr.rel @p0 .LBB2_1-.Ltmp3, $4  }
0xcd: {  	[hbm:s12], [sflag:s0] =	dma.local [spmem:s2], $0x2800  }
0xce: {  	_ =	swait.ge [sflag:s17], $0x2800  }
0xcf: {  	[sflag:s17] =	ssyncset.done $0x0  }
0xd0: {  	[sflag:s17] =	ssyncadd.s32 $0xFFFFD800  }
0xd1: {  	_ =	sfence.sel $0x180000  }
0xd2: {  	[bflag:$0x0] =	sbarrier.arrive $0xFFFF  }
0xd3: {  	_ =	strace $0x9000004D  }
0xd4: {  	s0 =	stileid.u32;
	[bflag:$0x2] =	sbarrier.arrive $0xFFFF  }
0xd5: {  	p0 =	sne.s32 s0, $0x0;
	s0 =	rddreg [dreg:$0x3]  }
0xd6: {  	s0 =	sadd.s32 @!p0 $0x100000, s0  }
0xd7: {  	[sflag:s0] =	ssyncadd.tile.s32 @!p0 $0x1;
	_ =	shalt  }
.Lfunc_end2:
_tile_overlayer_lowered:
.L_overlay_start_2:
0xd8: {  	(tag) =	ssettag $0x2  }
0xd9: {  	s0 =	rddreg [dreg:$0x0];
	s2 =	stileid.u32  }
0xda: {  	s1 =	rddreg [dreg:$0x1];
	p0 =	sne.s32 s2, $0x0  }
0xdb: {  	s3 =	rddreg [dreg:$0x2];
	[bflag:$0x3] =	sbarrier.arrive $0xFFFF;
	s2 =	simm.s32 @!p0 $0x1C03  }
0xdc: {  	[timem:s3], [sflag:s2] =	dma.local @!p0 [hbm:s0], s1  }
0xdd: {  	s0 =	simm.s32 @!p0 $0x3  }
0xde: {  	_ =	swait.ge @!p0 [sflag:s0], s1  }
0xdf: {  	s1 =	ssub.s32 @!p0 $0x0, s1;
	[sflag:s0] =	ssyncset.done @!p0 $0x0  }
0xe0: {  	[sflag:s0] =	ssyncadd.s32 @!p0 s1  }
0xe1: {  	[bflag:$0x3] =	sbarrier.arrive $0xFFFF  }
0xe2: {  	_ =	shalt  }

// kernel: kernel.19.cloned.1.call-start
scs
__scs_entry_jumppad:
0x0: {  	(pc) =	sbr.rel $0x88, $3  }
0x1: {  	(tag) =	ssettag $0x0;
	lr =	simm.s32 $0x1  }
0x2: {  	[smem:$0x3F93] =	sst lr;
	_ =	strace $0xD0000000  }
0x3: {  	_ = 	snop  }
0x4: {  	_ = 	snop  }
0x5: {  	_ = 	snop  }
0x6: {  	_ = 	snop  }
0x7: {  	_ = 	snop  }
__scs_overlays_trampoline_lowered:
0x8: {  	[smem:$0x3FA2] =	sst s0  }
0x9: {  	[smem:$0x3FA3] =	sst s1  }
0xa: {  	[smem:$0x3FA4] =	sst s2  }
0xb: {  	[smem:$0x3FA5] =	sst s3  }
0xc: {  	[smem:$0x3FA6] =	sst s4  }
0xd: {  	[smem:$0x3FA7] =	sst s5  }
0xe: {  	[smem:$0x3FA8] =	sst s6  }
0xf: {  	[smem:$0x3FA9] =	sst s7  }
0x10: {  	[smem:$0x3FAA] =	sst s8  }
0x11: {  	[smem:$0x3FAB] =	sst s9;
	s0 =	simm.s32 @!p0 $0x0  }
0x12: {  	s1 =	sld [smem:$0x3F91];
	s0 =	simm.s32 @p0 $0x1  }
0x13: {  	[smem:$0x3FAC] =	sst s0;
	s0 =	simm.s32 @!p1 $0x0  }
0x14: {  	s2 =	sld [smem:$0x3F90];
	s0 =	simm.s32 @p1 $0x1  }
0x15: {  	[smem:$0x3FAD] =	sst s0;
	s0 =	simm.s32 @!p2 $0x0  }
0x16: {  	s3 =	sld [smem:$0x3FDB];
	s0 =	simm.s32 @p2 $0x1  }
0x17: {  	s4 =	simm.s32 $0x1BF5;
	[smem:$0x3FAF] =	sst s0  }
0x18: {  	s0 =	sld [smem:$0x3F92];
	_ =	swait.ge [sflag:s4], $0x0  }
0x19: {  	s7 =	sld [smem:$0x3F93]  }
0x1a: {  	s8 =	sadd.s32 $0xFFFFE003, lr  }
0x1b: {  	s9 =	sadd.s32 $0xFFFFFEF7, lr;
	s5 =	simm.s32 $0xFFFFFFFF;
	p2 =	slt.u32 s8, $0xFFFFF086  }
0x1c: {  	p1 =	slt.u32 s9, $0xF7A;
	s5 =	simm.s32 @!p2 $0x0  }
0x1d: {  	s5 =	simm.s32 @p1 $0x1;
	p0 =	seq.s32 s7, s2  }
0x1e: {  	s7 =	smul.u32 @!p0 $0xF7A, s2;
	p2 =	seq.s32 @!p0 s5, $0x0  }
0x1f: {  	s9 =	smul.u32 $0xF7A, s1;
	s8 =	simm.s32 @!p0 $0x1BF5;
	p2 =	por !p2, p0  }
0x20: {  	[sflag:s8] =	ssyncset.s32 @!p0 $0xFFFFF086;
	s6 =	sadd.s32 @!p0 s3, s7;
	s7 =	simm.s32 @!p0 $0x108  }
0x21: {  	s3 =	sadd.s32 s3, s9;
	s6 =	sadd.s32 @!p0 $0x88, s6;
	s7 =	simm.s32 @p2 $0x1082  }
0x22: {  	[simem:s7], [sflag:s8] =	dma.local @!p0 [hbm:s6], $0xF7A  }
0x23: {  	s9 =	sor.u32 $0xD0000000, s2;
	s6 =	simm.s32 $0x108;
	_ =	swait.ge @!p0 [sflag:s8], $0x0  }
0x24: {  	s3 =	sadd.s32 $0x88, s3;
	s6 =	simm.s32 @!p1 $0x1082;
	[sflag:s4] =	ssyncset.s32 $0xFFFFF086  }
0x25: {  	[simem:s6], [sflag:s4] =	dma.local [hbm:s3], $0xF7A  }
0x26: {  	[smem:$0x3F93] =	sst s1;
	(tag) =	ssettag s2;
	_ =	strace s9  }
0x27: {  	s1 =	sld [smem:$0x3FA3]  }
0x28: {  	s2 =	sld [smem:$0x3FA4]  }
0x29: {  	s4 =	sld [smem:$0x3FA6]  }
0x2a: {  	p0 =	seq.s32 s5, $0x0;
	s5 =	sld [smem:$0x3FA7]  }
0x2b: {  	s6 =	sld [smem:$0x3FA8]  }
0x2c: {  	s7 =	sld [smem:$0x3FA9]  }
0x2d: {  	s3 =	simm.s32 $0x108;
	s8 =	sld [smem:$0x3FAA]  }
0x2e: {  	s3 =	simm.s32 @!p0 $0x1082;
	s9 =	sld [smem:$0x3FAB]  }
0x2f: {  	lr =	sadd.s32 s0, s3;
	s0 =	sld [smem:$0x3FA2]  }
0x30: {  	s3 =	sld [smem:$0x3FA5]  }
0x31: {  	[smem:$0x3FAE] =	sst s10  }
0x32: {  	s10 =	sld [smem:$0x3FAC];
	_ =	sdelay $0x3  }
0x33: {  	p0 =	seq.s32 s10, $0x1;
	s10 =	sld [smem:$0x3FAE];
	_ =	sdelay $0x3  }
0x34: {  	[smem:$0x3FAE] =	sst s10  }
0x35: {  	s10 =	sld [smem:$0x3FAD];
	_ =	sdelay $0x3  }
0x36: {  	p1 =	seq.s32 s10, $0x1;
	s10 =	sld [smem:$0x3FAE];
	_ =	sdelay $0x3  }
0x37: {  	[smem:$0x3FAE] =	sst s10  }
0x38: {  	s10 =	sld [smem:$0x3FAF]  }
0x39: {  	_ = 	snop;
	(pc) =	sbr.ind lr, $3  }
0x3a: {  	_ = 	snop  }
0x3b: {  	_ = 	snop  }
0x3c: {  	p2 =	seq.s32 s10, $0x1;
	s10 =	sld [smem:$0x3FAE]  }
0x3d: {  	_ =	shalt  }
0x3e: {  	_ =	shalt  }
0x3f: {  	_ =	shalt  }
0x40: {  	_ =	shalt  }
0x41: {  	_ =	shalt  }
0x42: {  	_ =	shalt  }
0x43: {  	_ =	shalt  }
0x44: {  	_ =	shalt  }
0x45: {  	_ =	shalt  }
0x46: {  	_ =	shalt  }
0x47: {  	_ =	shalt  }
0x48: {  	_ =	shalt  }
0x49: {  	_ =	shalt  }
0x4a: {  	_ =	shalt  }
0x4b: {  	_ =	shalt  }
0x4c: {  	_ =	shalt  }
0x4d: {  	_ =	shalt  }
0x4e: {  	_ =	shalt  }
0x4f: {  	_ =	shalt  }
0x50: {  	_ =	shalt  }
0x51: {  	_ =	shalt  }
0x52: {  	_ =	shalt  }
0x53: {  	_ =	shalt  }
0x54: {  	_ =	shalt  }
0x55: {  	_ =	shalt  }
0x56: {  	_ =	shalt  }
0x57: {  	_ =	shalt  }
0x58: {  	_ =	shalt  }
0x59: {  	_ =	shalt  }
0x5a: {  	_ =	shalt  }
0x5b: {  	_ =	shalt  }
0x5c: {  	_ =	shalt  }
0x5d: {  	_ =	shalt  }
0x5e: {  	_ =	shalt  }
0x5f: {  	_ =	shalt  }
0x60: {  	_ =	shalt  }
0x61: {  	_ =	shalt  }
0x62: {  	_ =	shalt  }
0x63: {  	_ =	shalt  }
0x64: {  	_ =	shalt  }
0x65: {  	_ =	shalt  }
0x66: {  	_ =	shalt  }
0x67: {  	_ =	shalt  }
0x68: {  	_ =	shalt  }
0x69: {  	_ =	shalt  }
0x6a: {  	_ =	shalt  }
0x6b: {  	_ =	shalt  }
0x6c: {  	_ =	shalt  }
0x6d: {  	_ =	shalt  }
0x6e: {  	_ =	shalt  }
0x6f: {  	_ =	shalt  }
0x70: {  	_ =	shalt  }
0x71: {  	_ =	shalt  }
0x72: {  	_ =	shalt  }
0x73: {  	_ =	shalt  }
0x74: {  	_ =	shalt  }
0x75: {  	_ =	shalt  }
0x76: {  	_ =	shalt  }
0x77: {  	_ =	shalt  }
0x78: {  	_ =	shalt  }
0x79: {  	_ =	shalt  }
0x7a: {  	_ =	shalt  }
0x7b: {  	_ =	shalt  }
0x7c: {  	_ =	shalt  }
0x7d: {  	_ =	shalt  }
0x7e: {  	_ =	shalt  }
0x7f: {  	_ =	shalt  }
0x80: {  	_ =	shalt  }
0x81: {  	_ =	shalt  }
0x82: {  	_ =	shalt  }
0x83: {  	_ =	shalt  }
0x84: {  	_ =	shalt  }
0x85: {  	_ =	shalt  }
0x86: {  	_ =	shalt  }
0x87: {  	_ =	shalt  }
.Lfunc_end0:
.L_simem_size_0:
called_computation.3_lowered:
.L_overlay_start_0:
0x88: {  	s2 =	sld [smem:$0x3FD9]  }
0x89: {  	s3 =	sld [smem:$0x3FFE];
	_ =	sdelay $0x1  }
0x8a: {  	s1 =	srdreg.scid  }
0x8b: {  	s0 =	sand.u32 $0x1, s1  }
0x8c: {  	s17 =	sshll.u32 s0, $0xA;
	s2 =	sadd.s32 s3, s2  }
0x8d: {  	s2 =	sadd.s32 s2, s17  }
0x8e: {  	[smem:$0x3FBA] =	sst s2  }
0x8f: {  	_ = 	snop  }
0x90: {  	s2 =	sld [smem:$0x3FD0];
	(tm) =	ssettm $0x1  }
0x91: {  	s18 =	sld [smem:$0x3FFB];
	_ =	sdelay $0x3  }
0x92: {  	_ =	strace s18  }
0x93: {  	s3 =	sld [smem:$0x3FFC];
	_ =	sdelay $0x3  }
0x94: {  	_ =	strace s3  }
0x95: {  	s3 =	sld [smem:$0x3FFD];
	_ =	sdelay $0x3  }
0x96: {  	_ =	strace s3  }
0x97: {  	_ =	strace $0x8FFFFFFF  }
0x98: {  	s19 =	sld [smem:$0x3FDB];
	_ =	sdelay $0x1  }
0x99: {  	s4 =	simm.s32 $_scs_section_size  }
0x9a: {  	s5 =	simm.s32 $_size__tile_overlayer_lowered;
	s6 =	simm.s32 $_tile_overlayer_lowered  }
0x9b: {  	s22 =	simm.s32 $0x1BFF;
	s21 =	sshll.u32 s6, $0x1;
	s3 =	sadd.s32 s4, s19  }
0x9c: {  	s7 =	simm.s32 $0x0;
	s20 =	sshll.u32 s5, $0x1;
	s5 =	sadd.s32 s21, s3  }
0x9d: {  	[timem:s7], [sflag:s22] =	dma.local [hbm:s5], s20  }
0x9e: {  	_ =	swait.ge [sflag:s22], s20  }
0x9f: {  	s4 =	ssub.s32 $0x0, s20;
	[sflag:s22] =	ssyncset.done $0x0  }
0xa0: {  	[sflag:s22] =	ssyncadd.s32 s4;
	_ =	sdelay $0x1  }
0xa1: {  	s23 =	simm.s32 $0x1B8B  }
0xa2: {  	_ =	swait.ge [sflag:s23], $0x1  }
0xa3: {  	[sflag:s23] =	ssyncset.done $0x0  }
0xa4: {  	s25 =	simm.s32 $0x1B8E;
	s24 =	sld [smem:$0x3FFE];
	[sflag:s23] =	ssyncadd.s32 $0xFFFFFFFF  }
0xa5: {  	s26 =	simm.s32 $execute0_lowered;
	[smem:$0x3FD2] =	sst s25  }
0xa6: {  	s5 =	sshll.u32 s26, $0x1;
	_ =	strace $0x8000004F;
	[dreg:$0x1] =	wrdreg $0xFFFFFFFF  }
0xa7: {  	s28 =	simm.s32 $_size_execute0_lowered;
	s3 =	sadd.s32 s3, s5;
	[dreg:$0x0] =	wrdreg $0x0  }
0xa8: {  	s5 =	sshll.u32 s28, $0x1;
	[dreg:$0x2] =	wrdreg s3  }
0xa9: {  	[dreg:$0x3] =	wrdreg s5  }
0xaa: {  	[dreg:$0x4] =	wrdreg $0xC0  }
0xab: {  	_ =	task [dreg:s7], $0x5FFFF  }
0xac: {  	[dreg:$0x1] =	wrdreg $0xFFFFFFFF  }
0xad: {  	[dreg:$0x0] =	wrdreg $0x60  }
0xae: {  	[dreg:$0x2] =	wrdreg s2  }
0xaf: {  	[dreg:$0x3] =	wrdreg s24  }
0xb0: {  	[dreg:$0x4] =	wrdreg $0x0  }
0xb1: {  	[dreg:$0x5] =	wrdreg $0x9  }
0xb2: {  	_ =	task.clear_ibuf [dreg:s7], $0x6FFFF;
	_ =	strace $0x9000004F  }
0xb3: {  	s29 =	simm.s32 $0x9;
	_ =	strace $0x80000051  }
0xb4: {  	_ =	swait.ge [sflag:s29], $0x1  }
0xb5: {  	[sflag:s29] =	ssyncadd.s32 $0xFFFFFFFF  }
0xb6: {  	_ =	strace $0x90000051  }
0xb7: {  	_ =	sfence  }
0xb8: {  	s30 =	sld [smem:$0x0];
	_ =	sdelay $0x2  }
0xb9: {  	s31 =	sshll.u32 s1, $0xD;
	s1 =	sshrl.u32 s1, $0x2  }
0xba: {  	s3 =	sand.u32 $0x4000, s31;
	s1 =	sadd.s32 s1, s30  }
0xbb: {  	s0 =	sor.u32 s3, s0;
	s1 =	sshll.u32 s1, $0x11  }
0xbc: {  	s0 =	sor.u32 s1, s0  }
0xbd: {  	s0 =	sadd.s32 $0x8F2B, s0  }
0xbe: {  	[sflag:s0] =	ssyncadd.remote.s32 $0x1  }
0xbf: {  	_ =	sfence.sel $0xFFFF  }
0xc0: {  	[dreg:$0x0] =	wrdreg $0xFFFFFFFF;
	(pc) =	sbr.abs _section_cstart, $3  }
0xc1: {  	[dreg:$0x1] =	wrdreg $0xFFFFFFFF  }
0xc2: {  	_ =	task.clear_ibuf [dreg:s7], $0x2FFFF;
	_ =	strace $0x9FFFFFFF  }
0xc3: {  	(tm) =	ssettm $0x7FFFFFFF  }
tec
execute0_lowered:
.L_overlay_start_1:
0x0: {  	(tag) =	ssettag $0x1  }
0x1: {  	s1 =	rddreg [dreg:$0x0]  }
0x2: {  	s0 =	srdreg.scid;
	s5 =	rddreg [dreg:$0x1]  }
0x3: {  	s24 =	stileid.u32;
	s3 =	rddreg [dreg:$0x2]  }
0x4: {  	s4 =	simm.s32 $0x0;
	s16 =	simm.s32 $0x17C00;
	s17 =	simm.s32 $0x3  }
0x5: {  	s18 =	simm.s32 $0x14000;
	s19 =	simm.s32 $0x16800;
	s8 =	smul.u32 $0x2800, s24  }
0x6: {  	s20 =	simm.s32 $0x7D;
	s21 =	simm.s32 $0x1BC00;
	s25 =	smul.u32 $0x14000, s24  }
0x7: {  	s22 =	simm.s32 $0x1;
	s6 =	sand.u32 $0x1, s0;
	s10 =	smul.u32 $0x50000, s24  }
0x8: {  	s23 =	simm.s32 $0x2;
	s28 =	simm.s32 $0x15400;
	s7 =	smul.u32 $0x28000, s6  }
0x9: {  	s29 =	simm.s32 $0x16780;
	[smem:$0x7FF] =	sst s4;
	s9 =	smul.u32 $0x140000, s6  }
0xa: {  	_ =	strace $0x80000050;
	s6 =	ssub.s32 $0x2, s6;
	s30 =	sshrl.u32 s10, $0x2  }
0xb: {  	s31 =	sshrl.u32 s6, $0x1;
	s7 =	sadd.s32 s8, s7;
	s26 =	sadd.s32 s25, s9  }
0xc: {  	s13 =	ssub.s32 s6, s31;
	s25 =	simm.s32 $0x17B00;
	s7 =	sshrl.u32 s7, $0x3  }
0xd: {  	s13 =	smax.u32 s13, $0x1;
	s15 =	sadd.s32 s7, s5;
	s7 =	sshrl.u32 s26, $0x3  }
0xe: {  	s26 =	simm.s32 $0x17B80;
	s12 =	sadd.s32 s7, s5;
	s5 =	sadd.s32 s30, s3  }
0xf: {  	s11 =	sadd.s32 $0xD000, s15;
	s14 =	sadd.s32 $0x3000, s15;
	s15 =	sadd.s32 $0x3280, s15  }
0x10: {  	s6 =	sadd.s32 $0x3E80, s5;
	s7 =	sadd.s32 $0x7D00, s5;
	s8 =	sadd.s32 $0xBB80, s5  }
0x11: {  	v0 =	vimm.f32 $0.0e+00;
	s9 =	sadd.s32 $0xFA00, s5;
	s10 =	sadd.s32 $0x13880, s5;
	s12 =	sadd.s32 $0x17000, s12  }
.LBB2_1:
0x12: {  	s30 =	simm.s32 $0x0;
	s31 =	simm.s32 $0x200  }
.LBB2_2:
0x13: {  	p0 =	sne.s32 s31, $0xF800;
	[tilespmem:s30+$0x17C70] =	vst v0  }
0x14: {  	[tilespmem:s30+$0x17C00] =	vst v0  }
0x15: {  	[tilespmem:s30+$0x17C10] =	vst v0  }
.Ltmp0:
0x16: {  	[tilespmem:s30+$0x17C20] =	vst v0;
	(pc) =	sbr.rel @p0 .LBB2_2-.Ltmp0, $4  }
0x17: {  	[tilespmem:s30+$0x17C30] =	vst v0  }
0x18: {  	[tilespmem:s30+$0x17C40] =	vst v0  }
0x19: {  	[tilespmem:s30+$0x17C50] =	vst v0  }
0x1a: {  	[tilespmem:s30+$0x17C60] =	vst v0;
	s30 =	sshra.s32 s31, $0x2;
	s31 =	sadd.s32 $0x200, s31  }
0x1b: {  	[tilespmem:s30+$0x17C70] =	vst v0  }
0x1c: {  	[tilespmem:s30+$0x17C00] =	vst v0  }
0x1d: {  	[tilespmem:s30+$0x17C10] =	vst v0  }
0x1e: {  	[tilespmem:s30+$0x17C20] =	vst v0  }
0x1f: {  	[tilespmem:s30+$0x17C30] =	vst v0  }
0x20: {  	[tilespmem:s30+$0x17C40] =	vst v0  }
0x21: {  	[tilespmem:s30+$0x17C50] =	vst v0  }
0x22: {  	[tilespmem:s30+$0x17C60] =	vst v0  }
0x23: {  	[spmem:s5] =	stream.linear.scatter [tilespmem:s16], [sflag:$0x3], $0x3E80, $0x38;
	[tilespmem:$0x1FC00] =	vst v63  }
0x24: {  	_ =	swait.ge [sflag:s17], $0x3E80  }
0x25: {  	[sflag:s17] =	ssyncset.done $0x0  }
0x26: {  	[sflag:s17] =	ssyncadd.s32 $0xFFFFC180  }
0x27: {  	[spmem:s6] =	stream.linear.scatter [tilespmem:s16], [sflag:$0x3], $0x3E80, $0x38;
	[tilespmem:$0x1FC00] =	vst v63  }
0x28: {  	_ =	swait.ge [sflag:s17], $0x3E80  }
0x29: {  	[sflag:s17] =	ssyncset.done $0x0  }
0x2a: {  	[sflag:s17] =	ssyncadd.s32 $0xFFFFC180  }
0x2b: {  	[spmem:s7] =	stream.linear.scatter [tilespmem:s16], [sflag:$0x3], $0x3E80, $0x38;
	[tilespmem:$0x1FC00] =	vst v63  }
0x2c: {  	_ =	swait.ge [sflag:s17], $0x3E80  }
0x2d: {  	[sflag:s17] =	ssyncset.done $0x0  }
0x2e: {  	[sflag:s17] =	ssyncadd.s32 $0xFFFFC180  }
0x2f: {  	[spmem:s8] =	stream.linear.scatter [tilespmem:s16], [sflag:$0x3], $0x3E80, $0x38;
	[tilespmem:$0x1FC00] =	vst v63  }
0x30: {  	_ =	swait.ge [sflag:s17], $0x3E80  }
0x31: {  	[sflag:s17] =	ssyncset.done $0x0  }
0x32: {  	[sflag:s17] =	ssyncadd.s32 $0xFFFFC180  }
0x33: {  	[spmem:s9] =	stream.linear.scatter [tilespmem:s16], [sflag:$0x3], $0x3E80, $0x38;
	[tilespmem:$0x1FC00] =	vst v63  }
0x34: {  	_ =	swait.ge [sflag:s17], $0x3E80  }
0x35: {  	[sflag:s17] =	ssyncset.done $0x0  }
0x36: {  	[sflag:s17] =	ssyncadd.s32 $0xFFFFC180  }
0x37: {  	[spmem:s10] =	stream.linear.scatter [tilespmem:s16], [sflag:$0x3], $0x780, $0x38;
	[tilespmem:$0x1FC00] =	vst v63  }
0x38: {  	_ =	swait.ge [sflag:s17], $0x780  }
0x39: {  	[sflag:s17] =	ssyncset.done $0x0  }
0x3a: {  	[sflag:s17] =	ssyncadd.s32 $0xFFFFF880  }
0x3b: {  	s30 =	simm.s32 $0x0;
	[bflag:$0x0] =	sbarrier.arrive $0xFFFF  }
0x3c: {  	[tilespmem:s18], [sflag:$0x3] =	stream.linear.gather [hbm4b:s11+s30], $0x2800, $0x38;
	[tilespmem:$0x1FC00] =	vst v63  }
0x3d: {  	_ =	swait.ge [sflag:s17], $0x2800  }
0x3e: {  	[sflag:s17] =	ssyncset.done $0x0  }
0x3f: {  	[sflag:s17] =	ssyncadd.s32 $0xFFFFD800  }
0x40: {  	[tilespmem:s19], [sflag:$0x3] =	stream.linear.gather [hbm4b:s14+s30], $0x1400, $0x38;
	[tilespmem:$0x1FC00] =	vst v63  }
0x41: {  	_ =	swait.ge [sflag:s17], $0x1400  }
0x42: {  	[sflag:s17] =	ssyncset.done $0x0  }
0x43: {  	[sflag:s17] =	ssyncadd.s32 $0xFFFFEC00  }
0x44: {  	[tilespmem:s16], [sflag:$0x1] =	stream.indirect.gather [hbm4b:s1+s20], $0x80, s18, s20, $0xb8;
	[tilespmem:$0x1FC00] =	vst v63  }
0x45: {  	s30 =	simm.s32 $0x14080  }
0x46: {  	[tilespmem:s21], [sflag:$0x2] =	stream.indirect.gather [hbm4b:s1+s20], $0x80, s30, s20, $0xb8;
	[tilespmem:$0x1FC00] =	vst v63  }
0x47: {  	_ =	swait.ge [sflag:s22], $0x3E80  }
0x48: {  	[sflag:s22] =	ssyncset.done $0x0  }
0x49: {  	s30 =	simm.s32 $0x16800;
	[sflag:s22] =	ssyncadd.s32 $0xFFFFC180  }
0x4a: {  	[spmem:s3] =	stream.indirect.scatter.add.f32 [tilespmem:s16], [sflag:$0x3], $0x80, s30, s20, $0xb8;
	[tilespmem:$0x1FC00] =	vst v63  }
0x4b: {  	_ =	swait.ge [sflag:s17], $0x3E80  }
0x4c: {  	[sflag:s17] =	ssyncset.done $0x0  }
0x4d: {  	s30 =	simm.s32 $0x14100;
	[sflag:s17] =	ssyncadd.s32 $0xFFFFC180  }
0x4e: {  	[tilespmem:s16], [sflag:$0x1] =	stream.indirect.gather [hbm4b:s1+s20], $0x80, s30, s20, $0xb8;
	[tilespmem:$0x1FC00] =	vst v63  }
0x4f: {  	_ =	swait.ge [sflag:s23], $0x3E80  }
0x50: {  	[sflag:s23] =	ssyncset.done $0x0  }
0x51: {  	s30 =	simm.s32 $0x16880;
	[sflag:s23] =	ssyncadd.s32 $0xFFFFC180  }
0x52: {  	[spmem:s3] =	stream.indirect.scatter.add.f32 [tilespmem:s21], [sflag:$0x3], $0x80, s30, s20, $0xb8;
	[tilespmem:$0x1FC00] =	vst v63  }
0x53: {  	_ =	swait.ge [sflag:s17], $0x3E80  }
0x54: {  	s31 =	simm.s32 $0x800;
	s30 =	simm.s32 $0x100;
	[sflag:s17] =	ssyncset.done $0x0  }
.LBB2_4:
0x55: {  	s2 =	sadd.s32 $0x14080, s30  }
0x56: {  	[sflag:s17] =	ssyncadd.s32 $0xFFFFC180;
	s0 =	smov.u32 s31;
	s24 =	sadd.s32 $0x400, s31  }
0x57: {  	[tilespmem:s21], [sflag:$0x2] =	stream.indirect.gather [hbm4b:s1+s20], $0x80, s2, s20, $0xb8;
	[tilespmem:$0x1FC00] =	vst v63  }
0x58: {  	p0 =	sne.s32 s31, $0x4800;
	_ =	swait.ge [sflag:s22], $0x3E80  }
0x59: {  	[sflag:s22] =	ssyncset.done $0x0  }
0x5a: {  	s2 =	sadd.s32 $0x16800, s30;
	[sflag:s22] =	ssyncadd.s32 $0xFFFFC180  }
0x5b: {  	[spmem:s3] =	stream.indirect.scatter.add.f32 [tilespmem:s16], [sflag:$0x3], $0x80, s2, s20, $0xb8;
	[tilespmem:$0x1FC00] =	vst v63  }
0x5c: {  	_ =	swait.ge [sflag:s17], $0x3E80  }
0x5d: {  	[sflag:s17] =	ssyncset.done $0x0  }
0x5e: {  	s2 =	sadd.s32 $0x14100, s30;
	[sflag:s17] =	ssyncadd.s32 $0xFFFFC180  }
0x5f: {  	[tilespmem:s16], [sflag:$0x1] =	stream.indirect.gather [hbm4b:s1+s20], $0x80, s2, s20, $0xb8;
	[tilespmem:$0x1FC00] =	vst v63  }
0x60: {  	_ =	swait.ge [sflag:s23], $0x3E80  }
.Ltmp1:
0x61: {  	[sflag:s23] =	ssyncset.done $0x0;
	(pc) =	sbr.rel @p0 .LBB2_4-.Ltmp1, $4  }
0x62: {  	s2 =	sadd.s32 $0x16880, s30;
	[sflag:s23] =	ssyncadd.s32 $0xFFFFC180  }
0x63: {  	[spmem:s3] =	stream.indirect.scatter.add.f32 [tilespmem:s21], [sflag:$0x3], $0x80, s2, s20, $0xb8;
	[tilespmem:$0x1FC00] =	vst v63  }
0x64: {  	_ =	swait.ge [sflag:s17], $0x3E80  }
0x65: {  	s31 =	smov.u32 s24;
	s30 =	sshra.s32 s0, $0x2;
	[sflag:s17] =	ssyncset.done $0x0  }
0x66: {  	s0 =	sadd.s32 $0x14080, s30;
	[sflag:s17] =	ssyncadd.s32 $0xFFFFC180  }
0x67: {  	[tilespmem:s21], [sflag:$0x2] =	stream.indirect.gather [hbm4b:s1+s20], $0x80, s0, s20, $0xb8;
	[tilespmem:$0x1FC00] =	vst v63  }
0x68: {  	_ =	swait.ge [sflag:s22], $0x3E80  }
0x69: {  	[sflag:s22] =	ssyncset.done $0x0  }
0x6a: {  	s24 =	sadd.s32 $0x16800, s30;
	[sflag:s22] =	ssyncadd.s32 $0xFFFFC180  }
0x6b: {  	[spmem:s3] =	stream.indirect.scatter.add.f32 [tilespmem:s16], [sflag:$0x3], $0x80, s24, s20, $0xb8;
	[tilespmem:$0x1FC00] =	vst v63  }
0x6c: {  	_ =	swait.ge [sflag:s17], $0x3E80  }
0x6d: {  	[sflag:s17] =	ssyncset.done $0x0  }
0x6e: {  	s2 =	sadd.s32 $0x14100, s30;
	[sflag:s17] =	ssyncadd.s32 $0xFFFFC180  }
0x6f: {  	[tilespmem:s16], [sflag:$0x1] =	stream.indirect.gather [hbm4b:s1+s20], $0x80, s2, s20, $0xb8;
	[tilespmem:$0x1FC00] =	vst v63  }
0x70: {  	_ =	swait.ge [sflag:s23], $0x3E80  }
0x71: {  	[sflag:s23] =	ssyncset.done $0x0  }
0x72: {  	s24 =	sadd.s32 $0x16880, s30;
	[sflag:s23] =	ssyncadd.s32 $0xFFFFC180  }
0x73: {  	[spmem:s3] =	stream.indirect.scatter.add.f32 [tilespmem:s21], [sflag:$0x3], $0x80, s24, s20, $0xb8;
	[tilespmem:$0x1FC00] =	vst v63  }
0x74: {  	_ =	swait.ge [sflag:s17], $0x3E80  }
0x75: {  	[sflag:s17] =	ssyncset.done $0x0  }
0x76: {  	s2 =	simm.s32 $0x15380;
	[sflag:s17] =	ssyncadd.s32 $0xFFFFC180  }
0x77: {  	[tilespmem:s21], [sflag:$0x2] =	stream.indirect.gather [hbm4b:s1+s20], $0x80, s2, s20, $0xb8;
	[tilespmem:$0x1FC00] =	vst v63  }
0x78: {  	_ =	swait.ge [sflag:s22], $0x3E80  }
0x79: {  	[sflag:s22] =	ssyncset.done $0x0  }
0x7a: {  	[sflag:s22] =	ssyncadd.s32 $0xFFFFC180  }
0x7b: {  	[spmem:s3] =	stream.indirect.scatter.add.f32 [tilespmem:s16], [sflag:$0x3], $0x80, s25, s20, $0xb8;
	[tilespmem:$0x1FC00] =	vst v63  }
0x7c: {  	_ =	swait.ge [sflag:s17], $0x3E80  }
0x7d: {  	[sflag:s17] =	ssyncset.done $0x0  }
0x7e: {  	[sflag:s17] =	ssyncadd.s32 $0xFFFFC180  }
0x7f: {  	_ =	swait.ge [sflag:s23], $0x3E80  }
0x80: {  	[sflag:s23] =	ssyncset.done $0x0  }
0x81: {  	[sflag:s23] =	ssyncadd.s32 $0xFFFFC180  }
0x82: {  	[spmem:s3] =	stream.indirect.scatter.add.f32 [tilespmem:s21], [sflag:$0x3], $0x80, s26, s20, $0xb8;
	[tilespmem:$0x1FC00] =	vst v63  }
0x83: {  	_ =	swait.ge [sflag:s17], $0x3E80  }
0x84: {  	[sflag:s17] =	ssyncset.done $0x0  }
0x85: {  	s24 =	simm.s32 $0x0;
	[sflag:s17] =	ssyncadd.s32 $0xFFFFC180  }
0x86: {  	[tilespmem:s19], [sflag:$0x3] =	stream.linear.gather [hbm4b:s15+s24], $0x1400, $0x38;
	[tilespmem:$0x1FC00] =	vst v63  }
0x87: {  	_ =	swait.ge [sflag:s17], $0x1400  }
0x88: {  	[sflag:s17] =	ssyncset.done $0x0  }
0x89: {  	[sflag:s17] =	ssyncadd.s32 $0xFFFFEC00  }
0x8a: {  	[tilespmem:s16], [sflag:$0x1] =	stream.indirect.gather [hbm4b:s1+s20], $0x80, s28, s20, $0xb8;
	[tilespmem:$0x1FC00] =	vst v63  }
0x8b: {  	s2 =	simm.s32 $0x15480  }
0x8c: {  	[tilespmem:s21], [sflag:$0x2] =	stream.indirect.gather [hbm4b:s1+s20], $0x80, s2, s20, $0xb8;
	[tilespmem:$0x1FC00] =	vst v63  }
0x8d: {  	_ =	swait.ge [sflag:s22], $0x3E80  }
0x8e: {  	[sflag:s22] =	ssyncset.done $0x0  }
0x8f: {  	s24 =	simm.s32 $0x16800;
	[sflag:s22] =	ssyncadd.s32 $0xFFFFC180  }
0x90: {  	[spmem:s3] =	stream.indirect.scatter.add.f32 [tilespmem:s16], [sflag:$0x3], $0x80, s24, s20, $0xb8;
	[tilespmem:$0x1FC00] =	vst v63  }
0x91: {  	_ =	swait.ge [sflag:s17], $0x3E80  }
0x92: {  	[sflag:s17] =	ssyncset.done $0x0  }
0x93: {  	s2 =	simm.s32 $0x15500;
	[sflag:s17] =	ssyncadd.s32 $0xFFFFC180  }
0x94: {  	[tilespmem:s16], [sflag:$0x1] =	stream.indirect.gather [hbm4b:s1+s20], $0x80, s2, s20, $0xb8;
	[tilespmem:$0x1FC00] =	vst v63  }
0x95: {  	_ =	swait.ge [sflag:s23], $0x3E80  }
0x96: {  	[sflag:s23] =	ssyncset.done $0x0  }
0x97: {  	s24 =	simm.s32 $0x16880;
	[sflag:s23] =	ssyncadd.s32 $0xFFFFC180  }
0x98: {  	[spmem:s3] =	stream.indirect.scatter.add.f32 [tilespmem:s21], [sflag:$0x3], $0x80, s24, s20, $0xb8;
	[tilespmem:$0x1FC00] =	vst v63  }
0x99: {  	_ =	swait.ge [sflag:s17], $0x3E80  }
0x9a: {  	s31 =	simm.s32 $0x800;
	s30 =	simm.s32 $0x100;
	[sflag:s17] =	ssyncset.done $0x0  }
.LBB2_6:
0x9b: {  	s0 =	sadd.s32 $0x15480, s30  }
0x9c: {  	[sflag:s17] =	ssyncadd.s32 $0xFFFFC180;
	s2 =	smov.u32 s31;
	s24 =	sadd.s32 $0x400, s31  }
0x9d: {  	[tilespmem:s21], [sflag:$0x2] =	stream.indirect.gather [hbm4b:s1+s20], $0x80, s0, s20, $0xb8;
	[tilespmem:$0x1FC00] =	vst v63  }
0x9e: {  	p0 =	sne.s32 s31, $0x4800;
	_ =	swait.ge [sflag:s22], $0x3E80  }
0x9f: {  	[sflag:s22] =	ssyncset.done $0x0  }
0xa0: {  	s0 =	sadd.s32 $0x16800, s30;
	[sflag:s22] =	ssyncadd.s32 $0xFFFFC180  }
0xa1: {  	[spmem:s3] =	stream.indirect.scatter.add.f32 [tilespmem:s16], [sflag:$0x3], $0x80, s0, s20, $0xb8;
	[tilespmem:$0x1FC00] =	vst v63  }
0xa2: {  	_ =	swait.ge [sflag:s17], $0x3E80  }
0xa3: {  	[sflag:s17] =	ssyncset.done $0x0  }
0xa4: {  	s0 =	sadd.s32 $0x15500, s30;
	[sflag:s17] =	ssyncadd.s32 $0xFFFFC180  }
0xa5: {  	[tilespmem:s16], [sflag:$0x1] =	stream.indirect.gather [hbm4b:s1+s20], $0x80, s0, s20, $0xb8;
	[tilespmem:$0x1FC00] =	vst v63  }
0xa6: {  	_ =	swait.ge [sflag:s23], $0x3E80  }
.Ltmp2:
0xa7: {  	[sflag:s23] =	ssyncset.done $0x0;
	(pc) =	sbr.rel @p0 .LBB2_6-.Ltmp2, $4  }
0xa8: {  	s0 =	sadd.s32 $0x16880, s30;
	[sflag:s23] =	ssyncadd.s32 $0xFFFFC180  }
0xa9: {  	[spmem:s3] =	stream.indirect.scatter.add.f32 [tilespmem:s21], [sflag:$0x3], $0x80, s0, s20, $0xb8;
	[tilespmem:$0x1FC00] =	vst v63  }
0xaa: {  	_ =	swait.ge [sflag:s17], $0x3E80  }
0xab: {  	s31 =	smov.u32 s24;
	s30 =	sshra.s32 s2, $0x2;
	[sflag:s17] =	ssyncset.done $0x0  }
0xac: {  	s0 =	sadd.s32 $0x15480, s30;
	[sflag:s17] =	ssyncadd.s32 $0xFFFFC180  }
0xad: {  	[tilespmem:s21], [sflag:$0x2] =	stream.indirect.gather [hbm4b:s1+s20], $0x80, s0, s20, $0xb8;
	[tilespmem:$0x1FC00] =	vst v63  }
0xae: {  	_ =	swait.ge [sflag:s22], $0x3E80  }
0xaf: {  	[sflag:s22] =	ssyncset.done $0x0  }
0xb0: {  	s2 =	sadd.s32 $0x16800, s30;
	[sflag:s22] =	ssyncadd.s32 $0xFFFFC180  }
0xb1: {  	[spmem:s3] =	stream.indirect.scatter.add.f32 [tilespmem:s16], [sflag:$0x3], $0x80, s2, s20, $0xb8;
	[tilespmem:$0x1FC00] =	vst v63  }
0xb2: {  	_ =	swait.ge [sflag:s17], $0x3E80  }
0xb3: {  	[sflag:s17] =	ssyncset.done $0x0  }
0xb4: {  	s24 =	sadd.s32 $0x15500, s30;
	[sflag:s17] =	ssyncadd.s32 $0xFFFFC180  }
0xb5: {  	[tilespmem:s16], [sflag:$0x1] =	stream.indirect.gather [hbm4b:s1+s20], $0x80, s24, s20, $0xb8;
	[tilespmem:$0x1FC00] =	vst v63  }
0xb6: {  	_ =	swait.ge [sflag:s23], $0x3E80  }
0xb7: {  	[sflag:s23] =	ssyncset.done $0x0  }
0xb8: {  	s30 =	sadd.s32 $0x16880, s30;
	[sflag:s23] =	ssyncadd.s32 $0xFFFFC180  }
0xb9: {  	[spmem:s3] =	stream.indirect.scatter.add.f32 [tilespmem:s21], [sflag:$0x3], $0x80, s30, s20, $0xb8;
	[tilespmem:$0x1FC00] =	vst v63  }
0xba: {  	_ =	swait.ge [sflag:s17], $0x3E80  }
0xbb: {  	[sflag:s17] =	ssyncset.done $0x0  }
0xbc: {  	[sflag:s17] =	ssyncadd.s32 $0xFFFFC180  }
0xbd: {  	[tilespmem:s21], [sflag:$0x2] =	stream.indirect.gather [hbm4b:s1+s20], $0x80, s29, s20, $0xb8;
	[tilespmem:$0x1FC00] =	vst v63  }
0xbe: {  	_ =	swait.ge [sflag:s22], $0x3E80  }
0xbf: {  	[sflag:s22] =	ssyncset.done $0x0  }
0xc0: {  	[sflag:s22] =	ssyncadd.s32 $0xFFFFC180  }
0xc1: {  	[spmem:s3] =	stream.indirect.scatter.add.f32 [tilespmem:s16], [sflag:$0x3], $0x80, s25, s20, $0xb8;
	[tilespmem:$0x1FC00] =	vst v63  }
0xc2: {  	_ =	swait.ge [sflag:s17], $0x3E80  }
0xc3: {  	[sflag:s17] =	ssyncset.done $0x0  }
0xc4: {  	[sflag:s17] =	ssyncadd.s32 $0xFFFFC180  }
0xc5: {  	_ =	swait.ge [sflag:s23], $0x3E80  }
0xc6: {  	[sflag:s23] =	ssyncset.done $0x0  }
0xc7: {  	[sflag:s23] =	ssyncadd.s32 $0xFFFFC180  }
0xc8: {  	[spmem:s3] =	stream.indirect.scatter.add.f32 [tilespmem:s21], [sflag:$0x3], $0x80, s26, s20, $0xb8;
	[tilespmem:$0x1FC00] =	vst v63  }
0xc9: {  	s31 =	stileid.u32;
	_ =	swait.ge [sflag:s17], $0x3E80  }
0xca: {  	s4 =	sadd.s32 $0x1, s4;
	s0 =	sshll.u32 s31, $0x6;
	[sflag:s17] =	ssyncset.done $0x0  }
0xcb: {  	p0 =	sne.s32 s4, s13;
	s0 =	sor.u32 $0x1C03, s0;
	[sflag:s17] =	ssyncadd.s32 $0xFFFFC180  }
.Ltmp3:
0xcc: {  	s2 =	sshrl.u32 s5, $0x3;
	[bflag:$0x0] =	sbarrier.arrive $0xFFFF;
	(pc) =	sbr.rel @p0 .LBB2_1-.Ltmp3, $4  }
0xcd: {  	[hbm:s12], [sflag:s0] =	dma.local [spmem:s2], $0x2800  }
0xce: {  	_ =	swait.ge [sflag:s17], $0x2800  }
0xcf: {  	[sflag:s17] =	ssyncset.done $0x0  }
0xd0: {  	[sflag:s17] =	ssyncadd.s32 $0xFFFFD800  }
0xd1: {  	_ =	sfence.sel $0x180000  }
0xd2: {  	[bflag:$0x0] =	sbarrier.arrive $0xFFFF  }
0xd3: {  	_ =	strace $0x90000050  }
0xd4: {  	s0 =	stileid.u32;
	[bflag:$0x2] =	sbarrier.arrive $0xFFFF  }
0xd5: {  	p0 =	sne.s32 s0, $0x0;
	s0 =	rddreg [dreg:$0x3]  }
0xd6: {  	s0 =	sadd.s32 @!p0 $0x100000, s0  }
0xd7: {  	[sflag:s0] =	ssyncadd.tile.s32 @!p0 $0x1;
	_ =	shalt  }
.Lfunc_end2:
_tile_overlayer_lowered:
.L_overlay_start_2:
0xd8: {  	(tag) =	ssettag $0x2  }
0xd9: {  	s0 =	rddreg [dreg:$0x0];
	s2 =	stileid.u32  }
0xda: {  	s1 =	rddreg [dreg:$0x1];
	p0 =	sne.s32 s2, $0x0  }
0xdb: {  	s3 =	rddreg [dreg:$0x2];
	[bflag:$0x3] =	sbarrier.arrive $0xFFFF;
	s2 =	simm.s32 @!p0 $0x1C03  }
0xdc: {  	[timem:s3], [sflag:s2] =	dma.local @!p0 [hbm:s0], s1  }
0xdd: {  	s0 =	simm.s32 @!p0 $0x3  }
0xde: {  	_ =	swait.ge @!p0 [sflag:s0], s1  }
0xdf: {  	s1 =	ssub.s32 @!p0 $0x0, s1;
	[sflag:s0] =	ssyncset.done @!p0 $0x0  }
0xe0: {  	[sflag:s0] =	ssyncadd.s32 @!p0 s1  }
0xe1: {  	[bflag:$0x3] =	sbarrier.arrive $0xFFFF  }
0xe2: {  	_ =	shalt  }

</sc_bundles>
